<compile_context>
chip_gen: v7x
topology: tpu7x:2x2x1
jax: 0.10.2.dev20260603
libtpu: 0.0.44.dev20260713+nightly
codegen_flags: <defaults>
</compile_context>

<pallas_src>
import jax
import jax.numpy as jnp
import numpy as np
from jax import lax
from jax.experimental import pallas as pl
from jax.experimental.pallas import tpu as pltpu
from jax.experimental.pallas import tpu_sc as plsc

_LS = [0, 0, 1, 2]
_NORB = 10
_N_ATOMS = 256
_N_EDGES = 4096
_N_KPTS = 4
_FEAT = 68
_ROWW = 32
_BLK = _NORB * _ROWW
_TBW = 384
_OUTW = 2 * _NORB * _N_ATOMS
_BUFW = 5136
_BUFSZ = _NORB * _BUFW + 16
_CH = 32
_SC_CORES = 2
_SC_SUBCORES = 16
_ATOMS_PER_TILE = 8
_EDGE_BITS = 12
_LISTN = _N_EDGES + 256
_EB = 8
_EBS = _N_EDGES // _EB
_NSTART = 272


def _placement_mats():
    off_l = np.cumsum([0] + [2 * l + 1 for l in _LS])[:-1]
    m = np.zeros((_FEAT, 100), np.float32)
    mt = np.zeros((_FEAT, 100), np.float32)
    off = 0
    for i, li in enumerate(_LS):
        for j, lj in enumerate(_LS):
            if i > j:
                continue
            ni, nj = 2 * li + 1, 2 * lj + 1
            fac = 0.5 if i == j else 1.0
            for a in range(ni):
                for b in range(nj):
                    r, c = off_l[i] + a, off_l[j] + b
                    m[off + a * nj + b, r * 10 + c] = fac
                    mt[off + a * nj + b, c * 10 + r] = fac
            off += ni * nj
    def dup(x):
        d = np.zeros((_FEAT, _BLK), np.float32)
        for r in range(10):
            for c in range(10):
                d[:, r * _ROWW + 2 * c] = x[:, r * 10 + c]
                d[:, r * _ROWW + 2 * c + 1] = x[:, r * 10 + c]
        return d

    def dup_re_only(x):
        d = np.zeros((_FEAT, _BLK), np.float32)
        for r in range(10):
            for c in range(10):
                d[:, r * _ROWW + 2 * c] = x[:, r * 10 + c]
        return d

    return dup(m), dup(mt), dup_re_only(m + mt)


_MD, _MDT, _MO = _placement_mats()


def _sorted_list(own_row, own_col, partner_col, ones_row, ones_col):
    e_row = lax.broadcasted_iota(jnp.int32, (1, _N_EDGES), 1).astype(jnp.float32)
    e_col = lax.broadcasted_iota(jnp.int32, (_N_EDGES, 1), 0).astype(jnp.float32)
    keys_row = own_row * _N_EDGES + e_row
    keys_col = own_col * _N_EDGES + e_col
    e_hi = jnp.floor(e_col * (1.0 / 64.0))
    e_lo = e_col - e_hi * 64.0
    vals3 = jnp.concatenate([partner_col, e_hi, e_lo], axis=1)
    gpos_parts = []
    for b in range(_EB):
        krb = keys_row[:, b * _EBS:(b + 1) * _EBS]
        lt = (keys_col < krb).astype(jnp.float32)
        gpos_parts.append(
            jnp.dot(ones_row, lt, preferred_element_type=jnp.float32))
    gpos_row = jnp.concatenate(gpos_parts, axis=1)
    out_parts = []
    for b in range(_EB):
        p_iota = b * _EBS + lax.broadcasted_iota(jnp.int32, (_EBS, 1), 0).astype(jnp.float32)
        oh = (gpos_row == p_iota).astype(jnp.float32)
        v3 = jnp.dot(oh, vals3, preferred_element_type=jnp.float32)
        out_parts.append(v3[:, 0:1] * _N_EDGES + v3[:, 1:2] * 64.0 + v3[:, 2:3])
    lst = jnp.concatenate(
        out_parts + [jnp.zeros((_LISTN - _N_EDGES, 1), jnp.float32)], axis=0)
    a_iota = lax.broadcasted_iota(jnp.int32, (_NSTART, 1), 0).astype(jnp.float32)
    cmp = (own_row < a_iota).astype(jnp.float32)
    starts = jnp.dot(cmp, ones_col, preferred_element_type=jnp.float32)
    return lst, starts


def _tc_prep(hop_ref, ons_ref, shift_ref, k64_ref, src_ref, dst_ref,
             srcc_ref, dstc_ref,
             md_ref, mdt_ref, mo_ref,
             d_ref, dt_ref, onsb_ref, listf_ref, startf_ref,
             listr_ref, startr_ref):
    hop = hop_ref[...]
    onsb_ref[...] = jnp.dot(ons_ref[...], mo_ref[...],
                            preferred_element_type=jnp.float32,
                precision=lax.Precision.HIGHEST)
    t64 = (2.0 * jnp.pi) * jnp.dot(shift_ref[...], k64_ref[...],
                                   preferred_element_type=jnp.float32)
    par = lax.broadcasted_iota(jnp.int32, t64.shape, 1) % 2
    ph = jnp.where(par == 0, jnp.cos(t64), -jnp.sin(t64))

    d_ref[...] = jnp.concatenate(
        [jnp.dot(hop, md_ref[...], preferred_element_type=jnp.float32,
                precision=lax.Precision.HIGHEST), ph],
        axis=1)
    dt_ref[...] = jnp.concatenate(
        [jnp.dot(hop, mdt_ref[...], preferred_element_type=jnp.float32,
                precision=lax.Precision.HIGHEST), ph],
        axis=1)
    ones_row = jnp.ones((1, _N_EDGES), jnp.float32)
    ones_col = jnp.ones((_N_EDGES, 1), jnp.float32)
    src_f = src_ref[...].astype(jnp.float32)
    dst_f = dst_ref[...].astype(jnp.float32)
    srcc_f = srcc_ref[...].astype(jnp.float32)
    dstc_f = dstc_ref[...].astype(jnp.float32)
    lf, sf = _sorted_list(src_f, srcc_f, dstc_f, ones_row, ones_col)
    lr, sr = _sorted_list(dst_f, dstc_f, srcc_f, ones_row, ones_col)
    listf_ref[...] = lf.astype(jnp.int32)
    startf_ref[...] = sf.astype(jnp.int32)
    listr_ref[...] = lr.astype(jnp.int32)
    startr_ref[...] = sr.astype(jnp.int32)


def _sc_body(d_hbm, dt_hbm, onsb_hbm, listf_hbm, startf_hbm,
             listr_hbm, startr_hbm, out_hbm,
             listf, listr, startf, startr, idxbuf, buf, dchunk,
             onsc, sem1):
    wid = lax.axis_index("s") * _SC_CORES + lax.axis_index("c")

    lanes = lax.iota(jnp.int32, 16)
    odd = (lanes % 2) == 1
    altsign = jnp.where(odd, jnp.float32(-1.0), jnp.float32(1.0))

    pltpu.sync_copy(listf_hbm, listf)
    pltpu.sync_copy(listr_hbm, listr)
    pltpu.sync_copy(startf_hbm, startf)
    pltpu.sync_copy(startr_hbm, startr)

    def per_atom(a_local, _):
        a_g = wid * _ATOMS_PER_TILE + a_local
        s0f = startf[pl.ds(a_g, 16)][0]
        s1f = startf[pl.ds(a_g + 1, 16)][0]
        s0r = startr[pl.ds(a_g, 16)][0]
        s1r = startr[pl.ds(a_g + 1, 16)][0]
        nf = s1f - s0f
        nr = s1r - s0r

        pltpu.sync_copy(onsb_hbm.at[a_g], onsc)

        acol0 = a_g * 20

        def edge_adds(tab_hbm, lst, base, n, k, flip):
            nchunks = (n + (_CH - 1)) // _CH

            def chunk_body(c, _c):
                for j in range(_CH // 16):
                    ent = lst[pl.ds(base + c * _CH + j * 16, 16)]
                    idxbuf[pl.ds(j * 16, 16)] = ent & (_N_EDGES - 1)
                pltpu.async_copy(tab_hbm.at[idxbuf], dchunk, sem1).wait()
                cnt = jnp.minimum(n - c * _CH, _CH)

                def one_edge(e, _e):
                    pcol = lax.shift_right_logical(
                        lst[pl.ds(base + c * _CH + e, 16)][0], _EDGE_BITS)
                    acol = pcol * 20
                    pv = dchunk[e, pl.ds(_BLK + 16 * k, 16)]
                    if flip:
                        pv = pv * altsign
                    for i in range(_NORB):
                        woff = i * _BUFW + acol
                        v1 = dchunk[e, pl.ds(i * _ROWW, 16)] * pv
                        plsc.addupdate(buf.at[pl.ds(woff, 16)], v1)
                        v2 = dchunk[e, pl.ds(i * _ROWW + 16, 16)] * pv
                        plsc.addupdate(buf.at[pl.ds(woff + 16, 16)], v2)
                    return _e

                return lax.fori_loop(0, cnt, one_edge, _c)

            lax.fori_loop(0, nchunks, chunk_body, 0)

        def per_k(k, _k):
            def zbody(z, _z):
                buf[pl.ds(z * 16, 16)] = jnp.zeros((16,), jnp.float32)
                return _z
            lax.fori_loop(0, _BUFSZ // 16, zbody, 0)

            for i in range(_NORB):
                woff = i * _BUFW + acol0
                plsc.addupdate(buf.at[pl.ds(woff, 16)],
                               onsc[pl.ds(i * _ROWW, 16)])
                plsc.addupdate(buf.at[pl.ds(woff + 16, 16)],
                               onsc[pl.ds(i * _ROWW + 16, 16)])

            edge_adds(d_hbm, listf, s0f, nf, k, False)
            edge_adds(dt_hbm, listr, s0r, nr, k, True)

            rowbase = (k * (_N_ATOMS * _NORB) + a_g * _NORB) * _OUTW
            for i in range(_NORB):
                pltpu.sync_copy(buf.at[pl.ds(i * _BUFW, _OUTW)],
                                out_hbm.at[pl.ds(rowbase + i * _OUTW, _OUTW)])
            return _k

        lax.fori_loop(0, _N_KPTS, per_k, 0)
        return _

    lax.fori_loop(0, _ATOMS_PER_TILE, per_atom, 0)


@jax.jit
def kernel(orbpair_hopping, orbpair_onsite, edge_index, edge_cell_shift,
           kpoints, atom_type):
    del atom_type
    f32 = jnp.float32
    k64 = jnp.repeat(kpoints.T.astype(f32), 16, axis=1)
    src = edge_index[0].astype(jnp.int32).reshape(1, _N_EDGES)
    dst = edge_index[1].astype(jnp.int32).reshape(1, _N_EDGES)
    srcc = edge_index[0].astype(jnp.int32).reshape(_N_EDGES, 1)
    dstc = edge_index[1].astype(jnp.int32).reshape(_N_EDGES, 1)
    d, dt, onsb, listf, startf, listr, startr = pl.pallas_call(
        _tc_prep,
        out_shape=[
            jax.ShapeDtypeStruct((_N_EDGES, _TBW), f32),
            jax.ShapeDtypeStruct((_N_EDGES, _TBW), f32),
            jax.ShapeDtypeStruct((_N_ATOMS, _BLK), f32),
            jax.ShapeDtypeStruct((_LISTN, 1), jnp.int32),
            jax.ShapeDtypeStruct((_NSTART, 1), jnp.int32),
            jax.ShapeDtypeStruct((_LISTN, 1), jnp.int32),
            jax.ShapeDtypeStruct((_NSTART, 1), jnp.int32),
        ],
    )(orbpair_hopping.astype(f32), orbpair_onsite.astype(f32),
      edge_cell_shift.astype(f32), k64, src, dst, srcc, dstc,
      jnp.asarray(_MD), jnp.asarray(_MDT), jnp.asarray(_MO))

    mesh = plsc.VectorSubcoreMesh(core_axis_name="c", subcore_axis_name="s",
                                  num_cores=_SC_CORES, num_subcores=_SC_SUBCORES)
    all_rows = _N_KPTS * _N_ATOMS * _NORB
    sc = pl.kernel(
        _sc_body,
        out_type=jax.ShapeDtypeStruct((all_rows * _OUTW,), f32),
        mesh=mesh,
        scratch_types=[
            pltpu.VMEM((_LISTN,), jnp.int32),
            pltpu.VMEM((_LISTN,), jnp.int32),
            pltpu.VMEM((_NSTART,), jnp.int32),
            pltpu.VMEM((_NSTART,), jnp.int32),
            pltpu.VMEM((_CH,), jnp.int32),
            pltpu.VMEM((_BUFSZ,), f32),
            pltpu.VMEM((_CH, _TBW), f32),
            pltpu.VMEM((_BLK,), f32),
            pltpu.SemaphoreType.DMA,
        ],
    )
    flat = sc(d, dt, onsb,
              listf.reshape(_LISTN), startf.reshape(_NSTART),
              listr.reshape(_LISTN), startr.reshape(_NSTART))
    out = flat.reshape(_N_KPTS, _N_ATOMS * _NORB, _OUTW).view(jnp.complex64)
    return out

# --- scband reference (transcript-rebuilt; emitter-appended) ---
"""Pipeline reference for scband-hr2-hk-30906584662161 (READ-ONLY COPY).

The authoritative reference and input builder live on the scoring server;
editing this copy changes nothing except your own understanding.
"""

import jax, jax.numpy as jnp
import numpy as np

# Simplified e3tb basis: full_basis = ["1s","2s","1p","1d"] -> angular momenta
LS = [0, 0, 1, 2]
NORB = sum(2 * l + 1 for l in LS)  # 10 orbitals per atom


def _orbpair_slices():
    # feature-vector layout for orbital pairs with i <= j (matches idp.orbpair_maps)
    slices = {}
    off = 0
    for i, li in enumerate(LS):
        for j, lj in enumerate(LS):
            if i <= j:
                ni, nj = 2 * li + 1, 2 * lj + 1
                slices[(i, j)] = (off, ni, nj)
                off += ni * nj
    return slices, off

ORBPAIR_SLICES, FEAT_DIM = _orbpair_slices()  # FEAT_DIM == 68
ORB_OFF = np.cumsum([0] + [2 * l + 1 for l in LS])[:-1]

N_ATOMS = 256
N_EDGES = 4096
N_KPTS = 4


def _build_blocks(feats):
    # feats: [M, FEAT_DIM] -> upper-triangle-filled per-item [M, NORB, NORB] blocks
    M = feats.shape[0]
    out = jnp.zeros((M, NORB, NORB), dtype=feats.dtype)
    for (i, j), (off, ni, nj) in ORBPAIR_SLICES.items():
        factor = 0.5 if i == j else 1.0
        blk = factor * feats[:, off:off + ni * nj].reshape(M, ni, nj)
        out = out.at[:, ORB_OFF[i]:ORB_OFF[i] + ni, ORB_OFF[j]:ORB_OFF[j] + nj].set(blk)
    return out


def setup_inputs(seed: int = 0):
    key = jax.random.key(seed)
    k1, k2, k3, k4, k5 = jax.random.split(key, 5)
    orbpair_hopping = jax.random.normal(k1, (N_EDGES, FEAT_DIM), dtype=jnp.float32)
    orbpair_onsite = jax.random.normal(k2, (N_ATOMS, FEAT_DIM), dtype=jnp.float32)
    edge_index = jax.random.randint(k3, (2, N_EDGES), 0, N_ATOMS, dtype=jnp.int32)
    edge_cell_shift = jax.random.randint(k4, (N_EDGES, 3), -2, 3).astype(jnp.float32)
    kpoints = jax.random.uniform(k5, (N_KPTS, 3), dtype=jnp.float32)
    atom_type = jnp.zeros((N_ATOMS,), dtype=jnp.int32)
    return {
        "orbpair_hopping": orbpair_hopping,
        "orbpair_onsite": orbpair_onsite,
        "edge_index": edge_index,
        "edge_cell_shift": edge_cell_shift,
        "kpoints": kpoints,
        "atom_type": atom_type,
    }


def reference(orbpair_hopping, orbpair_onsite, edge_index, edge_cell_shift, kpoints, atom_type):
    ctype = jnp.complex64
    # 1) unpack flat orbital-pair features into per-atom / per-edge NORBxNORB blocks
    onsite_block = _build_blocks(orbpair_onsite)      # [N, NORB, NORB]
    bondwise_hopping = _build_blocks(orbpair_hopping)  # [E, NORB, NORB]

    all_norb = N_ATOMS * NORB
    nk = kpoints.shape[0]
    block = jnp.zeros((nk, all_norb, all_norb), dtype=ctype)

    # 2) scatter onsite blocks onto the diagonal (single atom type -> full mask)
    rows = (jnp.arange(N_ATOMS) * NORB)[:, None] + jnp.arange(NORB)  # [N, NORB]
    block = block.at[:, rows[:, :, None], rows[:, None, :]].set(
        onsite_block.astype(ctype)[None, :, :, :])

    # 3) scatter-add hopping blocks with Bloch phase exp(-i 2pi k . R)
    phase = jnp.exp(-1j * 2.0 * jnp.pi * (kpoints @ edge_cell_shift.T)).astype(ctype)  # [nk, E]
    src = edge_index[0]
    dst = edge_index[1]
    r_idx = (src * NORB)[:, None] + jnp.arange(NORB)  # [E, NORB]
    c_idx = (dst * NORB)[:, None] + jnp.arange(NORB)  # [E, NORB]
    contrib = bondwise_hopping.astype(ctype)[None, :, :, :] * phase[:, :, None, None]  # [nk,E,NORB,NORB]
    block = block.at[:, r_idx[:, :, None], c_idx[:, None, :]].add(contrib)

    # 4) hermitize: H(k) = B + B^dagger
    block = block + jnp.conjugate(jnp.swapaxes(block, 1, 2))
    return block

if __name__ == "__main__":
    import jax
    _d = setup_inputs()
    print(jax.jit(kernel)(*tuple(_d.values())))

</pallas_src>

<mosaic_0001>
#map = affine_map<(d0, d1) -> (0, 0)>
#map1 = affine_map<(d0, d1) -> (0)>
module attributes {stable_mosaic.version = 14 : i64} {
  func.func @_sc_body(%arg0: i32, %arg1: i32, %arg2: memref<4096x384xf32, #tpu.memory_space<hbm>>, %arg3: memref<4096x384xf32, #tpu.memory_space<hbm>>, %arg4: memref<256x320xf32, #tpu.memory_space<hbm>>, %arg5: memref<4352xi32, #tpu.memory_space<hbm>>, %arg6: memref<272xi32, #tpu.memory_space<hbm>>, %arg7: memref<4352xi32, #tpu.memory_space<hbm>>, %arg8: memref<272xi32, #tpu.memory_space<hbm>>, %arg9: memref<52428800xf32, #tpu.memory_space<hbm>>, %arg10: memref<4352xi32, #tpu.memory_space<vmem>>, %arg11: memref<4352xi32, #tpu.memory_space<vmem>>, %arg12: memref<272xi32, #tpu.memory_space<vmem>>, %arg13: memref<272xi32, #tpu.memory_space<vmem>>, %arg14: memref<32xi32, #tpu.memory_space<vmem>>, %arg15: memref<51376xf32, #tpu.memory_space<vmem>>, %arg16: memref<32x384xf32, #tpu.memory_space<vmem>>, %arg17: memref<320xf32, #tpu.memory_space<vmem>>, %arg18: memref<!tpu.dma_semaphore, #tpu.memory_space<semaphore_mem>>) attributes {dimension_semantics = [#tpu.dimension_semantics<core_parallel>, #tpu.dimension_semantics<subcore_parallel>], iteration_bounds = array<i64: 2, 16>, scalar_prefetch = 0 : i64, scratch_operands = 9 : i64, tpu.core_type = #tpu.core_type<sc_vector_subcore>, window_params = [{transform_indices = #map}, {transform_indices = #map}, {transform_indices = #map}, {transform_indices = #map1}, {transform_indices = #map1}, {transform_indices = #map1}, {transform_indices = #map1}, {transform_indices = #map1}]} {
    %mul3A = arith.constant 2 : i32
    %mul3A_0 = arith.muli %arg1, %mul3A : i32
    %add3A = arith.addi %mul3A_0, %arg0 : i32
    %iota3A = tpu.iota {dimensions = array<i32: 0>} : vector<16xi32>
    %jit3A = arith.constant 2 : i32
    %eq3A = arith.constant 0 : i32
    %eq3A_1 = arith.cmpi eq, %jit3A, %eq3A : i32
    %jit3A_2 = arith.constant 1 : i32
    %select_n3A = arith.select %eq3A_1, %jit3A_2, %jit3A : i32
    %rem3A = vector.broadcast %select_n3A : i32 to vector<16xi32>
    %rem3A_3 = arith.remsi %iota3A, %rem3A : vector<16xi32>
    %ne3A = arith.constant 0 : i32
    %ne3A_4 = vector.broadcast %ne3A : i32 to vector<16xi32>
    %ne3A_5 = arith.cmpi ne, %rem3A_3, %ne3A_4 : vector<16xi32>
    %lt3A = arith.constant 0 : i32
    %lt3A_6 = vector.broadcast %lt3A : i32 to vector<16xi32>
    %lt3A_7 = arith.cmpi slt, %rem3A_3, %lt3A_6 : vector<16xi32>
    %lt3A_8 = arith.constant 0 : i32
    %lt3A_9 = arith.cmpi slt, %select_n3A, %lt3A_8 : i32
    %ne3A_10 = vector.broadcast %lt3A_9 : i1 to vector<16xi1>
    %ne3A_11 = vector.broadcast %ne3A_10 : vector<16xi1> to vector<16xi1>
    %ne3A_12 = arith.xori %lt3A_7, %ne3A_11 : vector<16xi1>
    %and3A = arith.andi %ne3A_12, %ne3A_5 : vector<16xi1>
    %add3A_13 = vector.broadcast %select_n3A : i32 to vector<16xi32>
    %add3A_14 = arith.addi %rem3A_3, %add3A_13 : vector<16xi32>
    %select_n3A_15 = arith.select %and3A, %add3A_14, %rem3A_3 : vector<16xi1>, vector<16xi32>
    %eq3A_16 = arith.constant 1 : i32
    %eq3A_17 = vector.broadcast %eq3A_16 : i32 to vector<16xi32>
    %eq3A_18 = arith.cmpi eq, %select_n3A_15, %eq3A_17 : vector<16xi32>
    %jit3A_19 = arith.constant -1.000000e+00 : f32
    %jit3A_20 = arith.constant 1.000000e+00 : f32
    %broadcast_in_dim3A = vector.broadcast %jit3A_19 : f32 to vector<16xf32>
    %broadcast_in_dim3A_21 = vector.broadcast %jit3A_20 : f32 to vector<16xf32>
    %select_n3A_22 = arith.select %eq3A_18, %broadcast_in_dim3A, %broadcast_in_dim3A_21 : vector<16xi1>, vector<16xf32>
    "tpu.region"() ({
      %run_scoped3A = tpu.sem_alloc : memref<!tpu.dma_semaphore, #tpu.memory_space<semaphore_mem>>
      tpu.enqueue_dma source(%arg5 : memref<4352xi32, #tpu.memory_space<hbm>>) target(%arg10 : memref<4352xi32, #tpu.memory_space<vmem>>) target_semaphore(%run_scoped3A : memref<!tpu.dma_semaphore, #tpu.memory_space<semaphore_mem>>)
      tpu.wait_dma2 semaphore(%run_scoped3A : memref<!tpu.dma_semaphore, #tpu.memory_space<semaphore_mem>>) src(%arg5 : memref<4352xi32, #tpu.memory_space<hbm>>) dst(%arg10 : memref<4352xi32, #tpu.memory_space<vmem>>)
      tpu.yield
    }) : () -> ()
    "tpu.region"() ({
      %run_scoped3A = tpu.sem_alloc : memref<!tpu.dma_semaphore, #tpu.memory_space<semaphore_mem>>
      tpu.enqueue_dma source(%arg7 : memref<4352xi32, #tpu.memory_space<hbm>>) target(%arg11 : memref<4352xi32, #tpu.memory_space<vmem>>) target_semaphore(%run_scoped3A : memref<!tpu.dma_semaphore, #tpu.memory_space<semaphore_mem>>)
      tpu.wait_dma2 semaphore(%run_scoped3A : memref<!tpu.dma_semaphore, #tpu.memory_space<semaphore_mem>>) src(%arg7 : memref<4352xi32, #tpu.memory_space<hbm>>) dst(%arg11 : memref<4352xi32, #tpu.memory_space<vmem>>)
      tpu.yield
    }) : () -> ()
    "tpu.region"() ({
      %run_scoped3A = tpu.sem_alloc : memref<!tpu.dma_semaphore, #tpu.memory_space<semaphore_mem>>
      tpu.enqueue_dma source(%arg6 : memref<272xi32, #tpu.memory_space<hbm>>) target(%arg12 : memref<272xi32, #tpu.memory_space<vmem>>) target_semaphore(%run_scoped3A : memref<!tpu.dma_semaphore, #tpu.memory_space<semaphore_mem>>)
      tpu.wait_dma2 semaphore(%run_scoped3A : memref<!tpu.dma_semaphore, #tpu.memory_space<semaphore_mem>>) src(%arg6 : memref<272xi32, #tpu.memory_space<hbm>>) dst(%arg12 : memref<272xi32, #tpu.memory_space<vmem>>)
      tpu.yield
    }) : () -> ()
    "tpu.region"() ({
      %run_scoped3A = tpu.sem_alloc : memref<!tpu.dma_semaphore, #tpu.memory_space<semaphore_mem>>
      tpu.enqueue_dma source(%arg8 : memref<272xi32, #tpu.memory_space<hbm>>) target(%arg13 : memref<272xi32, #tpu.memory_space<vmem>>) target_semaphore(%run_scoped3A : memref<!tpu.dma_semaphore, #tpu.memory_space<semaphore_mem>>)
      tpu.wait_dma2 semaphore(%run_scoped3A : memref<!tpu.dma_semaphore, #tpu.memory_space<semaphore_mem>>) src(%arg8 : memref<272xi32, #tpu.memory_space<hbm>>) dst(%arg13 : memref<272xi32, #tpu.memory_space<vmem>>)
      tpu.yield
    }) : () -> ()
    %scan3A = arith.constant 0 : i32
    %scan3A_23 = arith.constant 0 : i32
    %scan3A_24 = arith.constant 8 : i32
    %scan3A_25 = arith.addi %scan3A_23, %scan3A_24 : i32
    %scan3A_26 = arith.constant 1 : i32
    scf.for %scan3A_28 = %scan3A_23 to %scan3A_25 step %scan3A_26  : i32 {
      %mul3A_29 = arith.constant 8 : i32
      %mul3A_30 = arith.muli %add3A, %mul3A_29 : i32
      %add3A_31 = arith.addi %mul3A_30, %scan3A_28 : i32
      %get3A = arith.index_cast %add3A_31 : i32 to index
      %get3A_32 = tpu.vector_load %arg12[%get3A] {strides = array<i32>} : memref<272xi32, #tpu.memory_space<vmem>>, vector<16xi32>,
      %get3A_33 = vector.shape_cast %get3A_32 : vector<16xi32> to vector<16xi32>
      %slice3A = vector.extract_strided_slice %get3A_33 {offsets = [0], sizes = [1], strides = [1]} : vector<16xi32> to vector<1xi32>
      %squeeze3A = vector.extract %slice3A[0] : i32 from vector<1xi32>
      %add3A_34 = arith.constant 1 : i32
      %add3A_35 = arith.addi %add3A_31, %add3A_34 : i32
      %get3A_36 = arith.index_cast %add3A_35 : i32 to index
      %get3A_37 = tpu.vector_load %arg12[%get3A_36] {strides = array<i32>} : memref<272xi32, #tpu.memory_space<vmem>>, vector<16xi32>,
      %get3A_38 = vector.shape_cast %get3A_37 : vector<16xi32> to vector<16xi32>
      %slice3A_39 = vector.extract_strided_slice %get3A_38 {offsets = [0], sizes = [1], strides = [1]} : vector<16xi32> to vector<1xi32>
      %squeeze3A_40 = vector.extract %slice3A_39[0] : i32 from vector<1xi32>
      %get3A_41 = arith.index_cast %add3A_31 : i32 to index
      %get3A_42 = tpu.vector_load %arg13[%get3A_41] {strides = array<i32>} : memref<272xi32, #tpu.memory_space<vmem>>, vector<16xi32>,
      %get3A_43 = vector.shape_cast %get3A_42 : vector<16xi32> to vector<16xi32>
      %slice3A_44 = vector.extract_strided_slice %get3A_43 {offsets = [0], sizes = [1], strides = [1]} : vector<16xi32> to vector<1xi32>
      %squeeze3A_45 = vector.extract %slice3A_44[0] : i32 from vector<1xi32>
      %add3A_46 = arith.constant 1 : i32
      %add3A_47 = arith.addi %add3A_31, %add3A_46 : i32
      %get3A_48 = arith.index_cast %add3A_47 : i32 to index
      %get3A_49 = tpu.vector_load %arg13[%get3A_48] {strides = array<i32>} : memref<272xi32, #tpu.memory_space<vmem>>, vector<16xi32>,
      %get3A_50 = vector.shape_cast %get3A_49 : vector<16xi32> to vector<16xi32>
      %slice3A_51 = vector.extract_strided_slice %get3A_50 {offsets = [0], sizes = [1], strides = [1]} : vector<16xi32> to vector<1xi32>
      %squeeze3A_52 = vector.extract %slice3A_51[0] : i32 from vector<1xi32>
      %sub3A = arith.subi %squeeze3A_40, %squeeze3A : i32
      %sub3A_53 = arith.subi %squeeze3A_52, %squeeze3A_45 : i32
      "tpu.region"() ({
        %run_scoped3A = tpu.sem_alloc : memref<!tpu.dma_semaphore, #tpu.memory_space<semaphore_mem>>
        %dma_start3A = arith.constant 0 : i32
        %dma_start3A_62 = tpu.memref_slice %arg4[%add3A_31, %dma_start3A] : memref<256x320xf32, #tpu.memory_space<hbm>> -> memref<1x320xf32, #tpu.memory_space<hbm>>
        %dma_start3A_63 = tpu.memref_squeeze %dma_start3A_62 : memref<1x320xf32, #tpu.memory_space<hbm>> -> memref<320xf32, #tpu.memory_space<hbm>>
        %dma_start3A_64 = arith.constant 0 : i32
        %dma_start3A_65 = tpu.memref_slice %arg4[%add3A_31, %dma_start3A_64] : memref<256x320xf32, #tpu.memory_space<hbm>> -> memref<1x320xf32, #tpu.memory_space<hbm>>
        %dma_start3A_66 = tpu.memref_squeeze %dma_start3A_65 : memref<1x320xf32, #tpu.memory_space<hbm>> -> memref<320xf32, #tpu.memory_space<hbm>>
        tpu.enqueue_dma source(%dma_start3A_66 : memref<320xf32, #tpu.memory_space<hbm>>) target(%arg17 : memref<320xf32, #tpu.memory_space<vmem>>) target_semaphore(%run_scoped3A : memref<!tpu.dma_semaphore, #tpu.memory_space<semaphore_mem>>)
        %dma_wait3A = arith.constant 0 : i32
        %dma_wait3A_67 = tpu.memref_slice %arg4[%add3A_31, %dma_wait3A] : memref<256x320xf32, #tpu.memory_space<hbm>> -> memref<1x320xf32, #tpu.memory_space<hbm>>
        %dma_wait3A_68 = tpu.memref_squeeze %dma_wait3A_67 : memref<1x320xf32, #tpu.memory_space<hbm>> -> memref<320xf32, #tpu.memory_space<hbm>>
        %dma_wait3A_69 = arith.constant 0 : i32
        %dma_wait3A_70 = tpu.memref_slice %arg4[%add3A_31, %dma_wait3A_69] : memref<256x320xf32, #tpu.memory_space<hbm>> -> memref<1x320xf32, #tpu.memory_space<hbm>>
        %dma_wait3A_71 = tpu.memref_squeeze %dma_wait3A_70 : memref<1x320xf32, #tpu.memory_space<hbm>> -> memref<320xf32, #tpu.memory_space<hbm>>
        tpu.wait_dma2 semaphore(%run_scoped3A : memref<!tpu.dma_semaphore, #tpu.memory_space<semaphore_mem>>) src(%dma_wait3A_71 : memref<320xf32, #tpu.memory_space<hbm>>) dst(%arg17 : memref<320xf32, #tpu.memory_space<vmem>>)
        tpu.yield
      }) : () -> ()
      %mul3A_54 = arith.constant 20 : i32
      %mul3A_55 = arith.muli %add3A_31, %mul3A_54 : i32
      %scan3A_56 = arith.constant 0 : i32
      %scan3A_57 = arith.constant 0 : i32
      %scan3A_58 = arith.constant 4 : i32
      %scan3A_59 = arith.addi %scan3A_57, %scan3A_58 : i32
      %scan3A_60 = arith.constant 1 : i32
      scf.for %scan3A_62 = %scan3A_57 to %scan3A_59 step %scan3A_60  : i32 {
        %scan3A_63 = arith.constant 0 : i32
        %scan3A_64 = arith.constant 0 : i32
        %scan3A_65 = arith.constant 3211 : i32
        %scan3A_66 = arith.addi %scan3A_64, %scan3A_65 : i32
        %scan3A_67 = arith.constant 1 : i32
        scf.for %scan3A_344 = %scan3A_64 to %scan3A_66 step %scan3A_67  : i32 {
          %broadcast_in_dim3A_345 = arith.constant 0.000000e+00 : f32
          %broadcast_in_dim3A_346 = vector.broadcast %broadcast_in_dim3A_345 : f32 to vector<16xf32>
          %mul3A_347 = arith.constant 16 : i32
          %mul3A_348 = arith.muli %scan3A_344, %mul3A_347 : i32
          %swap3A_349 = arith.index_cast %mul3A_348 : i32 to index
          %swap3A_350 = tpu.vector_load %arg15[%swap3A_349] {strides = array<i32>} : memref<51376xf32, #tpu.memory_space<vmem>>, vector<16xf32>,
          %swap3A_351 = vector.shape_cast %swap3A_350 : vector<16xf32> to vector<16xf32>
          %swap3A_352 = vector.shape_cast %broadcast_in_dim3A_346 : vector<16xf32> to vector<16xf32>
          tpu.vector_store %arg15[%swap3A_349], %swap3A_352 {strides = array<i32>} : memref<51376xf32, #tpu.memory_space<vmem>>, vector<16xf32>,
        }
        %scan3A_68 = arith.constant 3211 : i32
        %add3A_69 = arith.constant 0 : i32
        %add3A_70 = arith.addi %add3A_69, %mul3A_55 : i32
        %get3A_71 = arith.constant 0 : index
        %get3A_72 = tpu.vector_load %arg17[%get3A_71] {strides = array<i32>} : memref<320xf32, #tpu.memory_space<vmem>>, vector<16xf32>,
        %get3A_73 = vector.shape_cast %get3A_72 : vector<16xf32> to vector<16xf32>
        %swap3A = arith.index_cast %add3A_70 : i32 to index
        %swap3A_74 = tpu.vector_load %arg15[%swap3A] {strides = array<i32>} : memref<51376xf32, #tpu.memory_space<vmem>>, vector<16xf32>,
        %swap3A_75 = vector.shape_cast %swap3A_74 : vector<16xf32> to vector<16xf32>
        %swap3A_76 = vector.shape_cast %get3A_73 : vector<16xf32> to vector<16xf32>
        tpu.vector_store %arg15[%swap3A], %swap3A_76 {add = true, strides = array<i32>} : memref<51376xf32, #tpu.memory_space<vmem>>, vector<16xf32>,
        %add3A_77 = arith.constant 16 : i32
        %add3A_78 = arith.addi %add3A_70, %add3A_77 : i32
        %get3A_79 = arith.constant 16 : index
        %get3A_80 = tpu.vector_load %arg17[%get3A_79] {strides = array<i32>} : memref<320xf32, #tpu.memory_space<vmem>>, vector<16xf32>,
        %get3A_81 = vector.shape_cast %get3A_80 : vector<16xf32> to vector<16xf32>
        %swap3A_82 = arith.index_cast %add3A_78 : i32 to index
        %swap3A_83 = tpu.vector_load %arg15[%swap3A_82] {strides = array<i32>} : memref<51376xf32, #tpu.memory_space<vmem>>, vector<16xf32>,
        %swap3A_84 = vector.shape_cast %swap3A_83 : vector<16xf32> to vector<16xf32>
        %swap3A_85 = vector.shape_cast %get3A_81 : vector<16xf32> to vector<16xf32>
        tpu.vector_store %arg15[%swap3A_82], %swap3A_85 {add = true, strides = array<i32>} : memref<51376xf32, #tpu.memory_space<vmem>>, vector<16xf32>,
        %add3A_86 = arith.constant 5136 : i32
        %add3A_87 = arith.addi %add3A_86, %mul3A_55 : i32
        %get3A_88 = arith.constant 32 : index
        %get3A_89 = tpu.vector_load %arg17[%get3A_88] {strides = array<i32>} : memref<320xf32, #tpu.memory_space<vmem>>, vector<16xf32>,
        %get3A_90 = vector.shape_cast %get3A_89 : vector<16xf32> to vector<16xf32>
        %swap3A_91 = arith.index_cast %add3A_87 : i32 to index
        %swap3A_92 = tpu.vector_load %arg15[%swap3A_91] {strides = array<i32>} : memref<51376xf32, #tpu.memory_space<vmem>>, vector<16xf32>,
        %swap3A_93 = vector.shape_cast %swap3A_92 : vector<16xf32> to vector<16xf32>
        %swap3A_94 = vector.shape_cast %get3A_90 : vector<16xf32> to vector<16xf32>
        tpu.vector_store %arg15[%swap3A_91], %swap3A_94 {add = true, strides = array<i32>} : memref<51376xf32, #tpu.memory_space<vmem>>, vector<16xf32>,
        %add3A_95 = arith.constant 16 : i32
        %add3A_96 = arith.addi %add3A_87, %add3A_95 : i32
        %get3A_97 = arith.constant 48 : index
        %get3A_98 = tpu.vector_load %arg17[%get3A_97] {strides = array<i32>} : memref<320xf32, #tpu.memory_space<vmem>>, vector<16xf32>,
        %get3A_99 = vector.shape_cast %get3A_98 : vector<16xf32> to vector<16xf32>
        %swap3A_100 = arith.index_cast %add3A_96 : i32 to index
        %swap3A_101 = tpu.vector_load %arg15[%swap3A_100] {strides = array<i32>} : memref<51376xf32, #tpu.memory_space<vmem>>, vector<16xf32>,
        %swap3A_102 = vector.shape_cast %swap3A_101 : vector<16xf32> to vector<16xf32>
        %swap3A_103 = vector.shape_cast %get3A_99 : vector<16xf32> to vector<16xf32>
        tpu.vector_store %arg15[%swap3A_100], %swap3A_103 {add = true, strides = array<i32>} : memref<51376xf32, #tpu.memory_space<vmem>>, vector<16xf32>,
        %add3A_104 = arith.constant 10272 : i32
        %add3A_105 = arith.addi %add3A_104, %mul3A_55 : i32
        %get3A_106 = arith.constant 64 : index
        %get3A_107 = tpu.vector_load %arg17[%get3A_106] {strides = array<i32>} : memref<320xf32, #tpu.memory_space<vmem>>, vector<16xf32>,
        %get3A_108 = vector.shape_cast %get3A_107 : vector<16xf32> to vector<16xf32>
        %swap3A_109 = arith.index_cast %add3A_105 : i32 to index
        %swap3A_110 = tpu.vector_load %arg15[%swap3A_109] {strides = array<i32>} : memref<51376xf32, #tpu.memory_space<vmem>>, vector<16xf32>,
        %swap3A_111 = vector.shape_cast %swap3A_110 : vector<16xf32> to vector<16xf32>
        %swap3A_112 = vector.shape_cast %get3A_108 : vector<16xf32> to vector<16xf32>
        tpu.vector_store %arg15[%swap3A_109], %swap3A_112 {add = true, strides = array<i32>} : memref<51376xf32, #tpu.memory_space<vmem>>, vector<16xf32>,
        %add3A_113 = arith.constant 16 : i32
        %add3A_114 = arith.addi %add3A_105, %add3A_113 : i32
        %get3A_115 = arith.constant 80 : index
        %get3A_116 = tpu.vector_load %arg17[%get3A_115] {strides = array<i32>} : memref<320xf32, #tpu.memory_space<vmem>>, vector<16xf32>,
        %get3A_117 = vector.shape_cast %get3A_116 : vector<16xf32> to vector<16xf32>
        %swap3A_118 = arith.index_cast %add3A_114 : i32 to index
        %swap3A_119 = tpu.vector_load %arg15[%swap3A_118] {strides = array<i32>} : memref<51376xf32, #tpu.memory_space<vmem>>, vector<16xf32>,
        %swap3A_120 = vector.shape_cast %swap3A_119 : vector<16xf32> to vector<16xf32>
        %swap3A_121 = vector.shape_cast %get3A_117 : vector<16xf32> to vector<16xf32>
        tpu.vector_store %arg15[%swap3A_118], %swap3A_121 {add = true, strides = array<i32>} : memref<51376xf32, #tpu.memory_space<vmem>>, vector<16xf32>,
        %add3A_122 = arith.constant 15408 : i32
        %add3A_123 = arith.addi %add3A_122, %mul3A_55 : i32
        %get3A_124 = arith.constant 96 : index
        %get3A_125 = tpu.vector_load %arg17[%get3A_124] {strides = array<i32>} : memref<320xf32, #tpu.memory_space<vmem>>, vector<16xf32>,
        %get3A_126 = vector.shape_cast %get3A_125 : vector<16xf32> to vector<16xf32>
        %swap3A_127 = arith.index_cast %add3A_123 : i32 to index
        %swap3A_128 = tpu.vector_load %arg15[%swap3A_127] {strides = array<i32>} : memref<51376xf32, #tpu.memory_space<vmem>>, vector<16xf32>,
        %swap3A_129 = vector.shape_cast %swap3A_128 : vector<16xf32> to vector<16xf32>
        %swap3A_130 = vector.shape_cast %get3A_126 : vector<16xf32> to vector<16xf32>
        tpu.vector_store %arg15[%swap3A_127], %swap3A_130 {add = true, strides = array<i32>} : memref<51376xf32, #tpu.memory_space<vmem>>, vector<16xf32>,
        %add3A_131 = arith.constant 16 : i32
        %add3A_132 = arith.addi %add3A_123, %add3A_131 : i32
        %get3A_133 = arith.constant 112 : index
        %get3A_134 = tpu.vector_load %arg17[%get3A_133] {strides = array<i32>} : memref<320xf32, #tpu.memory_space<vmem>>, vector<16xf32>,
        %get3A_135 = vector.shape_cast %get3A_134 : vector<16xf32> to vector<16xf32>
        %swap3A_136 = arith.index_cast %add3A_132 : i32 to index
        %swap3A_137 = tpu.vector_load %arg15[%swap3A_136] {strides = array<i32>} : memref<51376xf32, #tpu.memory_space<vmem>>, vector<16xf32>,
        %swap3A_138 = vector.shape_cast %swap3A_137 : vector<16xf32> to vector<16xf32>
        %swap3A_139 = vector.shape_cast %get3A_135 : vector<16xf32> to vector<16xf32>
        tpu.vector_store %arg15[%swap3A_136], %swap3A_139 {add = true, strides = array<i32>} : memref<51376xf32, #tpu.memory_space<vmem>>, vector<16xf32>,
        %add3A_140 = arith.constant 20544 : i32
        %add3A_141 = arith.addi %add3A_140, %mul3A_55 : i32
        %get3A_142 = arith.constant 128 : index
        %get3A_143 = tpu.vector_load %arg17[%get3A_142] {strides = array<i32>} : memref<320xf32, #tpu.memory_space<vmem>>, vector<16xf32>,
        %get3A_144 = vector.shape_cast %get3A_143 : vector<16xf32> to vector<16xf32>
        %swap3A_145 = arith.index_cast %add3A_141 : i32 to index
        %swap3A_146 = tpu.vector_load %arg15[%swap3A_145] {strides = array<i32>} : memref<51376xf32, #tpu.memory_space<vmem>>, vector<16xf32>,
        %swap3A_147 = vector.shape_cast %swap3A_146 : vector<16xf32> to vector<16xf32>
        %swap3A_148 = vector.shape_cast %get3A_144 : vector<16xf32> to vector<16xf32>
        tpu.vector_store %arg15[%swap3A_145], %swap3A_148 {add = true, strides = array<i32>} : memref<51376xf32, #tpu.memory_space<vmem>>, vector<16xf32>,
        %add3A_149 = arith.constant 16 : i32
        %add3A_150 = arith.addi %add3A_141, %add3A_149 : i32
        %get3A_151 = arith.constant 144 : index
        %get3A_152 = tpu.vector_load %arg17[%get3A_151] {strides = array<i32>} : memref<320xf32, #tpu.memory_space<vmem>>, vector<16xf32>,
        %get3A_153 = vector.shape_cast %get3A_152 : vector<16xf32> to vector<16xf32>
        %swap3A_154 = arith.index_cast %add3A_150 : i32 to index
        %swap3A_155 = tpu.vector_load %arg15[%swap3A_154] {strides = array<i32>} : memref<51376xf32, #tpu.memory_space<vmem>>, vector<16xf32>,
        %swap3A_156 = vector.shape_cast %swap3A_155 : vector<16xf32> to vector<16xf32>
        %swap3A_157 = vector.shape_cast %get3A_153 : vector<16xf32> to vector<16xf32>
        tpu.vector_store %arg15[%swap3A_154], %swap3A_157 {add = true, strides = array<i32>} : memref<51376xf32, #tpu.memory_space<vmem>>, vector<16xf32>,
        %add3A_158 = arith.constant 25680 : i32
        %add3A_159 = arith.addi %add3A_158, %mul3A_55 : i32
        %get3A_160 = arith.constant 160 : index
        %get3A_161 = tpu.vector_load %arg17[%get3A_160] {strides = array<i32>} : memref<320xf32, #tpu.memory_space<vmem>>, vector<16xf32>,
        %get3A_162 = vector.shape_cast %get3A_161 : vector<16xf32> to vector<16xf32>
        %swap3A_163 = arith.index_cast %add3A_159 : i32 to index
        %swap3A_164 = tpu.vector_load %arg15[%swap3A_163] {strides = array<i32>} : memref<51376xf32, #tpu.memory_space<vmem>>, vector<16xf32>,
        %swap3A_165 = vector.shape_cast %swap3A_164 : vector<16xf32> to vector<16xf32>
        %swap3A_166 = vector.shape_cast %get3A_162 : vector<16xf32> to vector<16xf32>
        tpu.vector_store %arg15[%swap3A_163], %swap3A_166 {add = true, strides = array<i32>} : memref<51376xf32, #tpu.memory_space<vmem>>, vector<16xf32>,
        %add3A_167 = arith.constant 16 : i32
        %add3A_168 = arith.addi %add3A_159, %add3A_167 : i32
        %get3A_169 = arith.constant 176 : index
        %get3A_170 = tpu.vector_load %arg17[%get3A_169] {strides = array<i32>} : memref<320xf32, #tpu.memory_space<vmem>>, vector<16xf32>,
        %get3A_171 = vector.shape_cast %get3A_170 : vector<16xf32> to vector<16xf32>
        %swap3A_172 = arith.index_cast %add3A_168 : i32 to index
        %swap3A_173 = tpu.vector_load %arg15[%swap3A_172] {strides = array<i32>} : memref<51376xf32, #tpu.memory_space<vmem>>, vector<16xf32>,
        %swap3A_174 = vector.shape_cast %swap3A_173 : vector<16xf32> to vector<16xf32>
        %swap3A_175 = vector.shape_cast %get3A_171 : vector<16xf32> to vector<16xf32>
        tpu.vector_store %arg15[%swap3A_172], %swap3A_175 {add = true, strides = array<i32>} : memref<51376xf32, #tpu.memory_space<vmem>>, vector<16xf32>,
        %add3A_176 = arith.constant 30816 : i32
        %add3A_177 = arith.addi %add3A_176, %mul3A_55 : i32
        %get3A_178 = arith.constant 192 : index
        %get3A_179 = tpu.vector_load %arg17[%get3A_178] {strides = array<i32>} : memref<320xf32, #tpu.memory_space<vmem>>, vector<16xf32>,
        %get3A_180 = vector.shape_cast %get3A_179 : vector<16xf32> to vector<16xf32>
        %swap3A_181 = arith.index_cast %add3A_177 : i32 to index
        %swap3A_182 = tpu.vector_load %arg15[%swap3A_181] {strides = array<i32>} : memref<51376xf32, #tpu.memory_space<vmem>>, vector<16xf32>,
        %swap3A_183 = vector.shape_cast %swap3A_182 : vector<16xf32> to vector<16xf32>
        %swap3A_184 = vector.shape_cast %get3A_180 : vector<16xf32> to vector<16xf32>
        tpu.vector_store %arg15[%swap3A_181], %swap3A_184 {add = true, strides = array<i32>} : memref<51376xf32, #tpu.memory_space<vmem>>, vector<16xf32>,
        %add3A_185 = arith.constant 16 : i32
        %add3A_186 = arith.addi %add3A_177, %add3A_185 : i32
        %get3A_187 = arith.constant 208 : index
        %get3A_188 = tpu.vector_load %arg17[%get3A_187] {strides = array<i32>} : memref<320xf32, #tpu.memory_space<vmem>>, vector<16xf32>,
        %get3A_189 = vector.shape_cast %get3A_188 : vector<16xf32> to vector<16xf32>
        %swap3A_190 = arith.index_cast %add3A_186 : i32 to index
        %swap3A_191 = tpu.vector_load %arg15[%swap3A_190] {strides = array<i32>} : memref<51376xf32, #tpu.memory_space<vmem>>, vector<16xf32>,
        %swap3A_192 = vector.shape_cast %swap3A_191 : vector<16xf32> to vector<16xf32>
        %swap3A_193 = vector.shape_cast %get3A_189 : vector<16xf32> to vector<16xf32>
        tpu.vector_store %arg15[%swap3A_190], %swap3A_193 {add = true, strides = array<i32>} : memref<51376xf32, #tpu.memory_space<vmem>>, vector<16xf32>,
        %add3A_194 = arith.constant 35952 : i32
        %add3A_195 = arith.addi %add3A_194, %mul3A_55 : i32
        %get3A_196 = arith.constant 224 : index
        %get3A_197 = tpu.vector_load %arg17[%get3A_196] {strides = array<i32>} : memref<320xf32, #tpu.memory_space<vmem>>, vector<16xf32>,
        %get3A_198 = vector.shape_cast %get3A_197 : vector<16xf32> to vector<16xf32>
        %swap3A_199 = arith.index_cast %add3A_195 : i32 to index
        %swap3A_200 = tpu.vector_load %arg15[%swap3A_199] {strides = array<i32>} : memref<51376xf32, #tpu.memory_space<vmem>>, vector<16xf32>,
        %swap3A_201 = vector.shape_cast %swap3A_200 : vector<16xf32> to vector<16xf32>
        %swap3A_202 = vector.shape_cast %get3A_198 : vector<16xf32> to vector<16xf32>
        tpu.vector_store %arg15[%swap3A_199], %swap3A_202 {add = true, strides = array<i32>} : memref<51376xf32, #tpu.memory_space<vmem>>, vector<16xf32>,
        %add3A_203 = arith.constant 16 : i32
        %add3A_204 = arith.addi %add3A_195, %add3A_203 : i32
        %get3A_205 = arith.constant 240 : index
        %get3A_206 = tpu.vector_load %arg17[%get3A_205] {strides = array<i32>} : memref<320xf32, #tpu.memory_space<vmem>>, vector<16xf32>,
        %get3A_207 = vector.shape_cast %get3A_206 : vector<16xf32> to vector<16xf32>
        %swap3A_208 = arith.index_cast %add3A_204 : i32 to index
        %swap3A_209 = tpu.vector_load %arg15[%swap3A_208] {strides = array<i32>} : memref<51376xf32, #tpu.memory_space<vmem>>, vector<16xf32>,
        %swap3A_210 = vector.shape_cast %swap3A_209 : vector<16xf32> to vector<16xf32>
        %swap3A_211 = vector.shape_cast %get3A_207 : vector<16xf32> to vector<16xf32>
        tpu.vector_store %arg15[%swap3A_208], %swap3A_211 {add = true, strides = array<i32>} : memref<51376xf32, #tpu.memory_space<vmem>>, vector<16xf32>,
        %add3A_212 = arith.constant 41088 : i32
        %add3A_213 = arith.addi %add3A_212, %mul3A_55 : i32
        %get3A_214 = arith.constant 256 : index
        %get3A_215 = tpu.vector_load %arg17[%get3A_214] {strides = array<i32>} : memref<320xf32, #tpu.memory_space<vmem>>, vector<16xf32>,
        %get3A_216 = vector.shape_cast %get3A_215 : vector<16xf32> to vector<16xf32>
        %swap3A_217 = arith.index_cast %add3A_213 : i32 to index
        %swap3A_218 = tpu.vector_load %arg15[%swap3A_217] {strides = array<i32>} : memref<51376xf32, #tpu.memory_space<vmem>>, vector<16xf32>,
        %swap3A_219 = vector.shape_cast %swap3A_218 : vector<16xf32> to vector<16xf32>
        %swap3A_220 = vector.shape_cast %get3A_216 : vector<16xf32> to vector<16xf32>
        tpu.vector_store %arg15[%swap3A_217], %swap3A_220 {add = true, strides = array<i32>} : memref<51376xf32, #tpu.memory_space<vmem>>, vector<16xf32>,
        %add3A_221 = arith.constant 16 : i32
        %add3A_222 = arith.addi %add3A_213, %add3A_221 : i32
        %get3A_223 = arith.constant 272 : index
        %get3A_224 = tpu.vector_load %arg17[%get3A_223] {strides = array<i32>} : memref<320xf32, #tpu.memory_space<vmem>>, vector<16xf32>,
        %get3A_225 = vector.shape_cast %get3A_224 : vector<16xf32> to vector<16xf32>
        %swap3A_226 = arith.index_cast %add3A_222 : i32 to index
        %swap3A_227 = tpu.vector_load %arg15[%swap3A_226] {strides = array<i32>} : memref<51376xf32, #tpu.memory_space<vmem>>, vector<16xf32>,
        %swap3A_228 = vector.shape_cast %swap3A_227 : vector<16xf32> to vector<16xf32>
        %swap3A_229 = vector.shape_cast %get3A_225 : vector<16xf32> to vector<16xf32>
        tpu.vector_store %arg15[%swap3A_226], %swap3A_229 {add = true, strides = array<i32>} : memref<51376xf32, #tpu.memory_space<vmem>>, vector<16xf32>,
        %add3A_230 = arith.constant 46224 : i32
        %add3A_231 = arith.addi %add3A_230, %mul3A_55 : i32
        %get3A_232 = arith.constant 288 : index
        %get3A_233 = tpu.vector_load %arg17[%get3A_232] {strides = array<i32>} : memref<320xf32, #tpu.memory_space<vmem>>, vector<16xf32>,
        %get3A_234 = vector.shape_cast %get3A_233 : vector<16xf32> to vector<16xf32>
        %swap3A_235 = arith.index_cast %add3A_231 : i32 to index
        %swap3A_236 = tpu.vector_load %arg15[%swap3A_235] {strides = array<i32>} : memref<51376xf32, #tpu.memory_space<vmem>>, vector<16xf32>,
        %swap3A_237 = vector.shape_cast %swap3A_236 : vector<16xf32> to vector<16xf32>
        %swap3A_238 = vector.shape_cast %get3A_234 : vector<16xf32> to vector<16xf32>
        tpu.vector_store %arg15[%swap3A_235], %swap3A_238 {add = true, strides = array<i32>} : memref<51376xf32, #tpu.memory_space<vmem>>, vector<16xf32>,
        %add3A_239 = arith.constant 16 : i32
        %add3A_240 = arith.addi %add3A_231, %add3A_239 : i32
        %get3A_241 = arith.constant 304 : index
        %get3A_242 = tpu.vector_load %arg17[%get3A_241] {strides = array<i32>} : memref<320xf32, #tpu.memory_space<vmem>>, vector<16xf32>,
        %get3A_243 = vector.shape_cast %get3A_242 : vector<16xf32> to vector<16xf32>
        %swap3A_244 = arith.index_cast %add3A_240 : i32 to index
        %swap3A_245 = tpu.vector_load %arg15[%swap3A_244] {strides = array<i32>} : memref<51376xf32, #tpu.memory_space<vmem>>, vector<16xf32>,
        %swap3A_246 = vector.shape_cast %swap3A_245 : vector<16xf32> to vector<16xf32>
        %swap3A_247 = vector.shape_cast %get3A_243 : vector<16xf32> to vector<16xf32>
        tpu.vector_store %arg15[%swap3A_244], %swap3A_247 {add = true, strides = array<i32>} : memref<51376xf32, #tpu.memory_space<vmem>>, vector<16xf32>,
        %add3A_248 = arith.constant 31 : i32
        %add3A_249 = arith.addi %sub3A, %add3A_248 : i32
        %jit3A_250 = arith.constant 32 : i32
        %div3A = arith.divsi %add3A_249, %jit3A_250 : i32
        %sign3A = arith.constant 0 : i32
        %sign3A_251 = arith.cmpi sgt, %add3A_249, %sign3A : i32
        %sign3A_252 = arith.extui %sign3A_251 : i1 to i32
        %sign3A_253 = arith.constant 0 : i32
        %sign3A_254 = arith.cmpi slt, %add3A_249, %sign3A_253 : i32
        %sign3A_255 = arith.extui %sign3A_254 : i1 to i32
        %sign3A_256 = arith.subi %sign3A_252, %sign3A_255 : i32
        %sign3A_257 = arith.constant 0 : i32
        %sign3A_258 = arith.cmpi sgt, %jit3A_250, %sign3A_257 : i32
        %sign3A_259 = arith.extui %sign3A_258 : i1 to i32
        %sign3A_260 = arith.constant 0 : i32
        %sign3A_261 = arith.cmpi slt, %jit3A_250, %sign3A_260 : i32
        %sign3A_262 = arith.extui %sign3A_261 : i1 to i32
        %sign3A_263 = arith.subi %sign3A_259, %sign3A_262 : i32
        %ne3A_264 = arith.cmpi ne, %sign3A_256, %sign3A_263 : i32
        %rem3A_265 = arith.remsi %add3A_249, %jit3A_250 : i32
        %ne3A_266 = arith.constant 0 : i32
        %ne3A_267 = arith.cmpi ne, %rem3A_265, %ne3A_266 : i32
        %and3A_268 = arith.andi %ne3A_264, %ne3A_267 : i1
        %sub3A_269 = arith.constant 1 : i32
        %sub3A_270 = arith.subi %div3A, %sub3A_269 : i32
        %select_n3A_271 = arith.select %and3A_268, %sub3A_270, %div3A : i32
        %while3A = arith.constant 0 : i32
        %while3A_272 = arith.constant 0 : i32
        %while3A_273 = arith.subi %select_n3A_271, %while3A_272 : i32
        %while3A_274 = arith.addi %while3A_272, %while3A_273 : i32
        %while3A_275 = arith.constant 1 : i32
        %while3A_276 = arith.divsi %while3A_273, %while3A_275 : i32
        %while3A_277 = arith.muli %while3A_276, %while3A_275 : i32
        %while3A_278 = arith.addi %while3A_272, %while3A_277 : i32
        %while3A_279 = arith.constant 1 : i32
        scf.for %while3A_344 = %while3A_272 to %while3A_278 step %while3A_279  : i32 {
          %mul3A_345 = arith.constant 32 : i32
          %mul3A_346 = arith.muli %while3A_344, %mul3A_345 : i32
          %add3A_347 = arith.addi %squeeze3A, %mul3A_346 : i32
          %add3A_348 = arith.constant 0 : i32
          %add3A_349 = arith.addi %add3A_347, %add3A_348 : i32
          %get3A_350 = arith.index_cast %add3A_349 : i32 to index
          %get3A_351 = tpu.vector_load %arg10[%get3A_350] {strides = array<i32>} : memref<4352xi32, #tpu.memory_space<vmem>>, vector<16xi32>,
          %get3A_352 = vector.shape_cast %get3A_351 : vector<16xi32> to vector<16xi32>
          %and3A_353 = arith.constant 4095 : i32
          %and3A_354 = vector.broadcast %and3A_353 : i32 to vector<16xi32>
          %and3A_355 = arith.andi %get3A_352, %and3A_354 : vector<16xi32>
          %swap3A_356 = arith.constant 0 : index
          %swap3A_357 = tpu.vector_load %arg14[%swap3A_356] {strides = array<i32>} : memref<32xi32, #tpu.memory_space<vmem>>, vector<16xi32>,
          %swap3A_358 = vector.shape_cast %swap3A_357 : vector<16xi32> to vector<16xi32>
          %swap3A_359 = vector.shape_cast %and3A_355 : vector<16xi32> to vector<16xi32>
          tpu.vector_store %arg14[%swap3A_356], %swap3A_359 {strides = array<i32>} : memref<32xi32, #tpu.memory_space<vmem>>, vector<16xi32>,
          %mul3A_360 = arith.constant 32 : i32
          %mul3A_361 = arith.muli %while3A_344, %mul3A_360 : i32
          %add3A_362 = arith.addi %squeeze3A, %mul3A_361 : i32
          %add3A_363 = arith.constant 16 : i32
          %add3A_364 = arith.addi %add3A_362, %add3A_363 : i32
          %get3A_365 = arith.index_cast %add3A_364 : i32 to index
          %get3A_366 = tpu.vector_load %arg10[%get3A_365] {strides = array<i32>} : memref<4352xi32, #tpu.memory_space<vmem>>, vector<16xi32>,
          %get3A_367 = vector.shape_cast %get3A_366 : vector<16xi32> to vector<16xi32>
          %and3A_368 = arith.constant 4095 : i32
          %and3A_369 = vector.broadcast %and3A_368 : i32 to vector<16xi32>
          %and3A_370 = arith.andi %get3A_367, %and3A_369 : vector<16xi32>
          %swap3A_371 = arith.constant 16 : index
          %swap3A_372 = tpu.vector_load %arg14[%swap3A_371] {strides = array<i32>} : memref<32xi32, #tpu.memory_space<vmem>>, vector<16xi32>,
          %swap3A_373 = vector.shape_cast %swap3A_372 : vector<16xi32> to vector<16xi32>
          %swap3A_374 = vector.shape_cast %and3A_370 : vector<16xi32> to vector<16xi32>
          tpu.vector_store %arg14[%swap3A_371], %swap3A_374 {strides = array<i32>} : memref<32xi32, #tpu.memory_space<vmem>>, vector<16xi32>,
          %dma_start3A = arith.constant 0 : i32
          %dma_start3A_375 = arith.constant 0 : i32
          %dma_start3A_376 = tpu.memref_slice %arg2[%dma_start3A, %dma_start3A_375] : memref<4096x384xf32, #tpu.memory_space<hbm>> -> memref<4096x384xf32, #tpu.memory_space<hbm>>
          tpu.enqueue_indirect_dma source(%dma_start3A_376 : memref<4096x384xf32, #tpu.memory_space<hbm>>) target(%arg16 : memref<32x384xf32, #tpu.memory_space<vmem>>) offsets(%arg14 : memref<32xi32, #tpu.memory_space<vmem>>) semaphore(%arg18 : memref<!tpu.dma_semaphore, #tpu.memory_space<semaphore_mem>>)
          %dma_wait3A = arith.constant 0 : i32
          %dma_wait3A_377 = arith.constant 0 : i32
          %dma_wait3A_378 = tpu.memref_slice %arg2[%dma_wait3A, %dma_wait3A_377] : memref<4096x384xf32, #tpu.memory_space<hbm>> -> memref<4096x384xf32, #tpu.memory_space<hbm>>
          tpu.wait_indirect_dma semaphore(%arg18 : memref<!tpu.dma_semaphore, #tpu.memory_space<semaphore_mem>>) src(%dma_wait3A_378 : memref<4096x384xf32, #tpu.memory_space<hbm>>) dst(%arg16 : memref<32x384xf32, #tpu.memory_space<vmem>>)
          %mul3A_379 = arith.constant 32 : i32
          %mul3A_380 = arith.muli %while3A_344, %mul3A_379 : i32
          %sub3A_381 = arith.subi %sub3A, %mul3A_380 : i32
          %min3A = arith.constant 32 : i32
          %min3A_382 = arith.minsi %sub3A_381, %min3A : i32
          %while3A_383 = arith.constant 0 : i32
          %while3A_384 = arith.subi %min3A_382, %while3A_383 : i32
          %while3A_385 = arith.addi %while3A_383, %while3A_384 : i32
          %while3A_386 = arith.constant 1 : i32
          %while3A_387 = arith.divsi %while3A_384, %while3A_386 : i32
          %while3A_388 = arith.muli %while3A_387, %while3A_386 : i32
          %while3A_389 = arith.addi %while3A_383, %while3A_388 : i32
          %while3A_390 = arith.constant 1 : i32
          scf.for %while3A_392 = %while3A_383 to %while3A_389 step %while3A_390  : i32 {
            %mul3A_393 = arith.constant 32 : i32
            %mul3A_394 = arith.muli %while3A_344, %mul3A_393 : i32
            %add3A_395 = arith.addi %squeeze3A, %mul3A_394 : i32
            %add3A_396 = arith.addi %add3A_395, %while3A_392 : i32
            %get3A_397 = arith.index_cast %add3A_396 : i32 to index
            %get3A_398 = tpu.vector_load %arg10[%get3A_397] {strides = array<i32>} : memref<4352xi32, #tpu.memory_space<vmem>>, vector<16xi32>,
            %get3A_399 = vector.shape_cast %get3A_398 : vector<16xi32> to vector<16xi32>
            %slice3A_400 = vector.extract_strided_slice %get3A_399 {offsets = [0], sizes = [1], strides = [1]} : vector<16xi32> to vector<1xi32>
            %squeeze3A_401 = vector.extract %slice3A_400[0] : i32 from vector<1xi32>
            %shift_right_logical3A = arith.constant 12 : i32
            %shift_right_logical3A_402 = arith.shrui %squeeze3A_401, %shift_right_logical3A : i32
            %mul3A_403 = arith.constant 20 : i32
            %mul3A_404 = arith.muli %shift_right_logical3A_402, %mul3A_403 : i32
            %mul3A_405 = arith.constant 16 : i32
            %mul3A_406 = arith.muli %mul3A_405, %scan3A_62 : i32
            %add3A_407 = arith.constant 320 : i32
            %add3A_408 = arith.addi %add3A_407, %mul3A_406 : i32
            %get3A_409 = arith.index_cast %while3A_392 : i32 to index
            %get3A_410 = arith.index_cast %add3A_408 : i32 to index
            %get3A_411 = tpu.vector_load %arg16[%get3A_409, %get3A_410] {strides = array<i32>} : memref<32x384xf32, #tpu.memory_space<vmem>>, vector<1x16xf32>,
            %get3A_412 = vector.shape_cast %get3A_411 : vector<1x16xf32> to vector<16xf32>
            %add3A_413 = arith.constant 0 : i32
            %add3A_414 = arith.addi %add3A_413, %mul3A_404 : i32
            %get3A_415 = arith.index_cast %while3A_392 : i32 to index
            %get3A_416 = arith.constant 0 : index
            %get3A_417 = tpu.vector_load %arg16[%get3A_415, %get3A_416] {strides = array<i32>} : memref<32x384xf32, #tpu.memory_space<vmem>>, vector<1x16xf32>,
            %get3A_418 = vector.shape_cast %get3A_417 : vector<1x16xf32> to vector<16xf32>
            %mul3A_419 = arith.mulf %get3A_418, %get3A_412 : vector<16xf32>
            %swap3A_420 = arith.index_cast %add3A_414 : i32 to index
            %swap3A_421 = tpu.vector_load %arg15[%swap3A_420] {strides = array<i32>} : memref<51376xf32, #tpu.memory_space<vmem>>, vector<16xf32>,
            %swap3A_422 = vector.shape_cast %swap3A_421 : vector<16xf32> to vector<16xf32>
            %swap3A_423 = vector.shape_cast %mul3A_419 : vector<16xf32> to vector<16xf32>
            tpu.vector_store %arg15[%swap3A_420], %swap3A_423 {add = true, strides = array<i32>} : memref<51376xf32, #tpu.memory_space<vmem>>, vector<16xf32>,
            %get3A_424 = arith.index_cast %while3A_392 : i32 to index
            %get3A_425 = arith.constant 16 : index
            %get3A_426 = tpu.vector_load %arg16[%get3A_424, %get3A_425] {strides = array<i32>} : memref<32x384xf32, #tpu.memory_space<vmem>>, vector<1x16xf32>,
            %get3A_427 = vector.shape_cast %get3A_426 : vector<1x16xf32> to vector<16xf32>
            %mul3A_428 = arith.mulf %get3A_427, %get3A_412 : vector<16xf32>
            %add3A_429 = arith.constant 16 : i32
            %add3A_430 = arith.addi %add3A_414, %add3A_429 : i32
            %swap3A_431 = arith.index_cast %add3A_430 : i32 to index
            %swap3A_432 = tpu.vector_load %arg15[%swap3A_431] {strides = array<i32>} : memref<51376xf32, #tpu.memory_space<vmem>>, vector<16xf32>,
            %swap3A_433 = vector.shape_cast %swap3A_432 : vector<16xf32> to vector<16xf32>
            %swap3A_434 = vector.shape_cast %mul3A_428 : vector<16xf32> to vector<16xf32>
            tpu.vector_store %arg15[%swap3A_431], %swap3A_434 {add = true, strides = array<i32>} : memref<51376xf32, #tpu.memory_space<vmem>>, vector<16xf32>,
            %add3A_435 = arith.constant 5136 : i32
            %add3A_436 = arith.addi %add3A_435, %mul3A_404 : i32
            %get3A_437 = arith.index_cast %while3A_392 : i32 to index
            %get3A_438 = arith.constant 32 : index
            %get3A_439 = tpu.vector_load %arg16[%get3A_437, %get3A_438] {strides = array<i32>} : memref<32x384xf32, #tpu.memory_space<vmem>>, vector<1x16xf32>,
            %get3A_440 = vector.shape_cast %get3A_439 : vector<1x16xf32> to vector<16xf32>
            %mul3A_441 = arith.mulf %get3A_440, %get3A_412 : vector<16xf32>
            %swap3A_442 = arith.index_cast %add3A_436 : i32 to index
            %swap3A_443 = tpu.vector_load %arg15[%swap3A_442] {strides = array<i32>} : memref<51376xf32, #tpu.memory_space<vmem>>, vector<16xf32>,
            %swap3A_444 = vector.shape_cast %swap3A_443 : vector<16xf32> to vector<16xf32>
            %swap3A_445 = vector.shape_cast %mul3A_441 : vector<16xf32> to vector<16xf32>
            tpu.vector_store %arg15[%swap3A_442], %swap3A_445 {add = true, strides = array<i32>} : memref<51376xf32, #tpu.memory_space<vmem>>, vector<16xf32>,
            %get3A_446 = arith.index_cast %while3A_392 : i32 to index
            %get3A_447 = arith.constant 48 : index
            %get3A_448 = tpu.vector_load %arg16[%get3A_446, %get3A_447] {strides = array<i32>} : memref<32x384xf32, #tpu.memory_space<vmem>>, vector<1x16xf32>,
            %get3A_449 = vector.shape_cast %get3A_448 : vector<1x16xf32> to vector<16xf32>
            %mul3A_450 = arith.mulf %get3A_449, %get3A_412 : vector<16xf32>
            %add3A_451 = arith.constant 16 : i32
            %add3A_452 = arith.addi %add3A_436, %add3A_451 : i32
            %swap3A_453 = arith.index_cast %add3A_452 : i32 to index
            %swap3A_454 = tpu.vector_load %arg15[%swap3A_453] {strides = array<i32>} : memref<51376xf32, #tpu.memory_space<vmem>>, vector<16xf32>,
            %swap3A_455 = vector.shape_cast %swap3A_454 : vector<16xf32> to vector<16xf32>
            %swap3A_456 = vector.shape_cast %mul3A_450 : vector<16xf32> to vector<16xf32>
            tpu.vector_store %arg15[%swap3A_453], %swap3A_456 {add = true, strides = array<i32>} : memref<51376xf32, #tpu.memory_space<vmem>>, vector<16xf32>,
            %add3A_457 = arith.constant 10272 : i32
            %add3A_458 = arith.addi %add3A_457, %mul3A_404 : i32
            %get3A_459 = arith.index_cast %while3A_392 : i32 to index
            %get3A_460 = arith.constant 64 : index
            %get3A_461 = tpu.vector_load %arg16[%get3A_459, %get3A_460] {strides = array<i32>} : memref<32x384xf32, #tpu.memory_space<vmem>>, vector<1x16xf32>,
            %get3A_462 = vector.shape_cast %get3A_461 : vector<1x16xf32> to vector<16xf32>
            %mul3A_463 = arith.mulf %get3A_462, %get3A_412 : vector<16xf32>
            %swap3A_464 = arith.index_cast %add3A_458 : i32 to index
            %swap3A_465 = tpu.vector_load %arg15[%swap3A_464] {strides = array<i32>} : memref<51376xf32, #tpu.memory_space<vmem>>, vector<16xf32>,
            %swap3A_466 = vector.shape_cast %swap3A_465 : vector<16xf32> to vector<16xf32>
            %swap3A_467 = vector.shape_cast %mul3A_463 : vector<16xf32> to vector<16xf32>
            tpu.vector_store %arg15[%swap3A_464], %swap3A_467 {add = true, strides = array<i32>} : memref<51376xf32, #tpu.memory_space<vmem>>, vector<16xf32>,
            %get3A_468 = arith.index_cast %while3A_392 : i32 to index
            %get3A_469 = arith.constant 80 : index
            %get3A_470 = tpu.vector_load %arg16[%get3A_468, %get3A_469] {strides = array<i32>} : memref<32x384xf32, #tpu.memory_space<vmem>>, vector<1x16xf32>,
            %get3A_471 = vector.shape_cast %get3A_470 : vector<1x16xf32> to vector<16xf32>
            %mul3A_472 = arith.mulf %get3A_471, %get3A_412 : vector<16xf32>
            %add3A_473 = arith.constant 16 : i32
            %add3A_474 = arith.addi %add3A_458, %add3A_473 : i32
            %swap3A_475 = arith.index_cast %add3A_474 : i32 to index
            %swap3A_476 = tpu.vector_load %arg15[%swap3A_475] {strides = array<i32>} : memref<51376xf32, #tpu.memory_space<vmem>>, vector<16xf32>,
            %swap3A_477 = vector.shape_cast %swap3A_476 : vector<16xf32> to vector<16xf32>
            %swap3A_478 = vector.shape_cast %mul3A_472 : vector<16xf32> to vector<16xf32>
            tpu.vector_store %arg15[%swap3A_475], %swap3A_478 {add = true, strides = array<i32>} : memref<51376xf32, #tpu.memory_space<vmem>>, vector<16xf32>,
            %add3A_479 = arith.constant 15408 : i32
            %add3A_480 = arith.addi %add3A_479, %mul3A_404 : i32
            %get3A_481 = arith.index_cast %while3A_392 : i32 to index
            %get3A_482 = arith.constant 96 : index
            %get3A_483 = tpu.vector_load %arg16[%get3A_481, %get3A_482] {strides = array<i32>} : memref<32x384xf32, #tpu.memory_space<vmem>>, vector<1x16xf32>,
            %get3A_484 = vector.shape_cast %get3A_483 : vector<1x16xf32> to vector<16xf32>
            %mul3A_485 = arith.mulf %get3A_484, %get3A_412 : vector<16xf32>
            %swap3A_486 = arith.index_cast %add3A_480 : i32 to index
            %swap3A_487 = tpu.vector_load %arg15[%swap3A_486] {strides = array<i32>} : memref<51376xf32, #tpu.memory_space<vmem>>, vector<16xf32>,
            %swap3A_488 = vector.shape_cast %swap3A_487 : vector<16xf32> to vector<16xf32>
            %swap3A_489 = vector.shape_cast %mul3A_485 : vector<16xf32> to vector<16xf32>
            tpu.vector_store %arg15[%swap3A_486], %swap3A_489 {add = true, strides = array<i32>} : memref<51376xf32, #tpu.memory_space<vmem>>, vector<16xf32>,
            %get3A_490 = arith.index_cast %while3A_392 : i32 to index
            %get3A_491 = arith.constant 112 : index
            %get3A_492 = tpu.vector_load %arg16[%get3A_490, %get3A_491] {strides = array<i32>} : memref<32x384xf32, #tpu.memory_space<vmem>>, vector<1x16xf32>,
            %get3A_493 = vector.shape_cast %get3A_492 : vector<1x16xf32> to vector<16xf32>
            %mul3A_494 = arith.mulf %get3A_493, %get3A_412 : vector<16xf32>
            %add3A_495 = arith.constant 16 : i32
            %add3A_496 = arith.addi %add3A_480, %add3A_495 : i32
            %swap3A_497 = arith.index_cast %add3A_496 : i32 to index
            %swap3A_498 = tpu.vector_load %arg15[%swap3A_497] {strides = array<i32>} : memref<51376xf32, #tpu.memory_space<vmem>>, vector<16xf32>,
            %swap3A_499 = vector.shape_cast %swap3A_498 : vector<16xf32> to vector<16xf32>
            %swap3A_500 = vector.shape_cast %mul3A_494 : vector<16xf32> to vector<16xf32>
            tpu.vector_store %arg15[%swap3A_497], %swap3A_500 {add = true, strides = array<i32>} : memref<51376xf32, #tpu.memory_space<vmem>>, vector<16xf32>,
            %add3A_501 = arith.constant 20544 : i32
            %add3A_502 = arith.addi %add3A_501, %mul3A_404 : i32
            %get3A_503 = arith.index_cast %while3A_392 : i32 to index
            %get3A_504 = arith.constant 128 : index
            %get3A_505 = tpu.vector_load %arg16[%get3A_503, %get3A_504] {strides = array<i32>} : memref<32x384xf32, #tpu.memory_space<vmem>>, vector<1x16xf32>,
            %get3A_506 = vector.shape_cast %get3A_505 : vector<1x16xf32> to vector<16xf32>
            %mul3A_507 = arith.mulf %get3A_506, %get3A_412 : vector<16xf32>
            %swap3A_508 = arith.index_cast %add3A_502 : i32 to index
            %swap3A_509 = tpu.vector_load %arg15[%swap3A_508] {strides = array<i32>} : memref<51376xf32, #tpu.memory_space<vmem>>, vector<16xf32>,
            %swap3A_510 = vector.shape_cast %swap3A_509 : vector<16xf32> to vector<16xf32>
            %swap3A_511 = vector.shape_cast %mul3A_507 : vector<16xf32> to vector<16xf32>
            tpu.vector_store %arg15[%swap3A_508], %swap3A_511 {add = true, strides = array<i32>} : memref<51376xf32, #tpu.memory_space<vmem>>, vector<16xf32>,
            %get3A_512 = arith.index_cast %while3A_392 : i32 to index
            %get3A_513 = arith.constant 144 : index
            %get3A_514 = tpu.vector_load %arg16[%get3A_512, %get3A_513] {strides = array<i32>} : memref<32x384xf32, #tpu.memory_space<vmem>>, vector<1x16xf32>,
            %get3A_515 = vector.shape_cast %get3A_514 : vector<1x16xf32> to vector<16xf32>
            %mul3A_516 = arith.mulf %get3A_515, %get3A_412 : vector<16xf32>
            %add3A_517 = arith.constant 16 : i32
            %add3A_518 = arith.addi %add3A_502, %add3A_517 : i32
            %swap3A_519 = arith.index_cast %add3A_518 : i32 to index
            %swap3A_520 = tpu.vector_load %arg15[%swap3A_519] {strides = array<i32>} : memref<51376xf32, #tpu.memory_space<vmem>>, vector<16xf32>,
            %swap3A_521 = vector.shape_cast %swap3A_520 : vector<16xf32> to vector<16xf32>
            %swap3A_522 = vector.shape_cast %mul3A_516 : vector<16xf32> to vector<16xf32>
            tpu.vector_store %arg15[%swap3A_519], %swap3A_522 {add = true, strides = array<i32>} : memref<51376xf32, #tpu.memory_space<vmem>>, vector<16xf32>,
            %add3A_523 = arith.constant 25680 : i32
            %add3A_524 = arith.addi %add3A_523, %mul3A_404 : i32
            %get3A_525 = arith.index_cast %while3A_392 : i32 to index
            %get3A_526 = arith.constant 160 : index
            %get3A_527 = tpu.vector_load %arg16[%get3A_525, %get3A_526] {strides = array<i32>} : memref<32x384xf32, #tpu.memory_space<vmem>>, vector<1x16xf32>,
            %get3A_528 = vector.shape_cast %get3A_527 : vector<1x16xf32> to vector<16xf32>
            %mul3A_529 = arith.mulf %get3A_528, %get3A_412 : vector<16xf32>
            %swap3A_530 = arith.index_cast %add3A_524 : i32 to index
            %swap3A_531 = tpu.vector_load %arg15[%swap3A_530] {strides = array<i32>} : memref<51376xf32, #tpu.memory_space<vmem>>, vector<16xf32>,
            %swap3A_532 = vector.shape_cast %swap3A_531 : vector<16xf32> to vector<16xf32>
            %swap3A_533 = vector.shape_cast %mul3A_529 : vector<16xf32> to vector<16xf32>
            tpu.vector_store %arg15[%swap3A_530], %swap3A_533 {add = true, strides = array<i32>} : memref<51376xf32, #tpu.memory_space<vmem>>, vector<16xf32>,
            %get3A_534 = arith.index_cast %while3A_392 : i32 to index
            %get3A_535 = arith.constant 176 : index
            %get3A_536 = tpu.vector_load %arg16[%get3A_534, %get3A_535] {strides = array<i32>} : memref<32x384xf32, #tpu.memory_space<vmem>>, vector<1x16xf32>,
            %get3A_537 = vector.shape_cast %get3A_536 : vector<1x16xf32> to vector<16xf32>
            %mul3A_538 = arith.mulf %get3A_537, %get3A_412 : vector<16xf32>
            %add3A_539 = arith.constant 16 : i32
            %add3A_540 = arith.addi %add3A_524, %add3A_539 : i32
            %swap3A_541 = arith.index_cast %add3A_540 : i32 to index
            %swap3A_542 = tpu.vector_load %arg15[%swap3A_541] {strides = array<i32>} : memref<51376xf32, #tpu.memory_space<vmem>>, vector<16xf32>,
            %swap3A_543 = vector.shape_cast %swap3A_542 : vector<16xf32> to vector<16xf32>
            %swap3A_544 = vector.shape_cast %mul3A_538 : vector<16xf32> to vector<16xf32>
            tpu.vector_store %arg15[%swap3A_541], %swap3A_544 {add = true, strides = array<i32>} : memref<51376xf32, #tpu.memory_space<vmem>>, vector<16xf32>,
            %add3A_545 = arith.constant 30816 : i32
            %add3A_546 = arith.addi %add3A_545, %mul3A_404 : i32
            %get3A_547 = arith.index_cast %while3A_392 : i32 to index
            %get3A_548 = arith.constant 192 : index
            %get3A_549 = tpu.vector_load %arg16[%get3A_547, %get3A_548] {strides = array<i32>} : memref<32x384xf32, #tpu.memory_space<vmem>>, vector<1x16xf32>,
            %get3A_550 = vector.shape_cast %get3A_549 : vector<1x16xf32> to vector<16xf32>
            %mul3A_551 = arith.mulf %get3A_550, %get3A_412 : vector<16xf32>
            %swap3A_552 = arith.index_cast %add3A_546 : i32 to index
            %swap3A_553 = tpu.vector_load %arg15[%swap3A_552] {strides = array<i32>} : memref<51376xf32, #tpu.memory_space<vmem>>, vector<16xf32>,
            %swap3A_554 = vector.shape_cast %swap3A_553 : vector<16xf32> to vector<16xf32>
            %swap3A_555 = vector.shape_cast %mul3A_551 : vector<16xf32> to vector<16xf32>
            tpu.vector_store %arg15[%swap3A_552], %swap3A_555 {add = true, strides = array<i32>} : memref<51376xf32, #tpu.memory_space<vmem>>, vector<16xf32>,
            %get3A_556 = arith.index_cast %while3A_392 : i32 to index
            %get3A_557 = arith.constant 208 : index
            %get3A_558 = tpu.vector_load %arg16[%get3A_556, %get3A_557] {strides = array<i32>} : memref<32x384xf32, #tpu.memory_space<vmem>>, vector<1x16xf32>,
            %get3A_559 = vector.shape_cast %get3A_558 : vector<1x16xf32> to vector<16xf32>
            %mul3A_560 = arith.mulf %get3A_559, %get3A_412 : vector<16xf32>
            %add3A_561 = arith.constant 16 : i32
            %add3A_562 = arith.addi %add3A_546, %add3A_561 : i32
            %swap3A_563 = arith.index_cast %add3A_562 : i32 to index
            %swap3A_564 = tpu.vector_load %arg15[%swap3A_563] {strides = array<i32>} : memref<51376xf32, #tpu.memory_space<vmem>>, vector<16xf32>,
            %swap3A_565 = vector.shape_cast %swap3A_564 : vector<16xf32> to vector<16xf32>
            %swap3A_566 = vector.shape_cast %mul3A_560 : vector<16xf32> to vector<16xf32>
            tpu.vector_store %arg15[%swap3A_563], %swap3A_566 {add = true, strides = array<i32>} : memref<51376xf32, #tpu.memory_space<vmem>>, vector<16xf32>,
            %add3A_567 = arith.constant 35952 : i32
            %add3A_568 = arith.addi %add3A_567, %mul3A_404 : i32
            %get3A_569 = arith.index_cast %while3A_392 : i32 to index
            %get3A_570 = arith.constant 224 : index
            %get3A_571 = tpu.vector_load %arg16[%get3A_569, %get3A_570] {strides = array<i32>} : memref<32x384xf32, #tpu.memory_space<vmem>>, vector<1x16xf32>,
            %get3A_572 = vector.shape_cast %get3A_571 : vector<1x16xf32> to vector<16xf32>
            %mul3A_573 = arith.mulf %get3A_572, %get3A_412 : vector<16xf32>
            %swap3A_574 = arith.index_cast %add3A_568 : i32 to index
            %swap3A_575 = tpu.vector_load %arg15[%swap3A_574] {strides = array<i32>} : memref<51376xf32, #tpu.memory_space<vmem>>, vector<16xf32>,
            %swap3A_576 = vector.shape_cast %swap3A_575 : vector<16xf32> to vector<16xf32>
            %swap3A_577 = vector.shape_cast %mul3A_573 : vector<16xf32> to vector<16xf32>
            tpu.vector_store %arg15[%swap3A_574], %swap3A_577 {add = true, strides = array<i32>} : memref<51376xf32, #tpu.memory_space<vmem>>, vector<16xf32>,
            %get3A_578 = arith.index_cast %while3A_392 : i32 to index
            %get3A_579 = arith.constant 240 : index
            %get3A_580 = tpu.vector_load %arg16[%get3A_578, %get3A_579] {strides = array<i32>} : memref<32x384xf32, #tpu.memory_space<vmem>>, vector<1x16xf32>,
            %get3A_581 = vector.shape_cast %get3A_580 : vector<1x16xf32> to vector<16xf32>
            %mul3A_582 = arith.mulf %get3A_581, %get3A_412 : vector<16xf32>
            %add3A_583 = arith.constant 16 : i32
            %add3A_584 = arith.addi %add3A_568, %add3A_583 : i32
            %swap3A_585 = arith.index_cast %add3A_584 : i32 to index
            %swap3A_586 = tpu.vector_load %arg15[%swap3A_585] {strides = array<i32>} : memref<51376xf32, #tpu.memory_space<vmem>>, vector<16xf32>,
            %swap3A_587 = vector.shape_cast %swap3A_586 : vector<16xf32> to vector<16xf32>
            %swap3A_588 = vector.shape_cast %mul3A_582 : vector<16xf32> to vector<16xf32>
            tpu.vector_store %arg15[%swap3A_585], %swap3A_588 {add = true, strides = array<i32>} : memref<51376xf32, #tpu.memory_space<vmem>>, vector<16xf32>,
            %add3A_589 = arith.constant 41088 : i32
            %add3A_590 = arith.addi %add3A_589, %mul3A_404 : i32
            %get3A_591 = arith.index_cast %while3A_392 : i32 to index
            %get3A_592 = arith.constant 256 : index
            %get3A_593 = tpu.vector_load %arg16[%get3A_591, %get3A_592] {strides = array<i32>} : memref<32x384xf32, #tpu.memory_space<vmem>>, vector<1x16xf32>,
            %get3A_594 = vector.shape_cast %get3A_593 : vector<1x16xf32> to vector<16xf32>
            %mul3A_595 = arith.mulf %get3A_594, %get3A_412 : vector<16xf32>
            %swap3A_596 = arith.index_cast %add3A_590 : i32 to index
            %swap3A_597 = tpu.vector_load %arg15[%swap3A_596] {strides = array<i32>} : memref<51376xf32, #tpu.memory_space<vmem>>, vector<16xf32>,
            %swap3A_598 = vector.shape_cast %swap3A_597 : vector<16xf32> to vector<16xf32>
            %swap3A_599 = vector.shape_cast %mul3A_595 : vector<16xf32> to vector<16xf32>
            tpu.vector_store %arg15[%swap3A_596], %swap3A_599 {add = true, strides = array<i32>} : memref<51376xf32, #tpu.memory_space<vmem>>, vector<16xf32>,
            %get3A_600 = arith.index_cast %while3A_392 : i32 to index
            %get3A_601 = arith.constant 272 : index
            %get3A_602 = tpu.vector_load %arg16[%get3A_600, %get3A_601] {strides = array<i32>} : memref<32x384xf32, #tpu.memory_space<vmem>>, vector<1x16xf32>,
            %get3A_603 = vector.shape_cast %get3A_602 : vector<1x16xf32> to vector<16xf32>
            %mul3A_604 = arith.mulf %get3A_603, %get3A_412 : vector<16xf32>
            %add3A_605 = arith.constant 16 : i32
            %add3A_606 = arith.addi %add3A_590, %add3A_605 : i32
            %swap3A_607 = arith.index_cast %add3A_606 : i32 to index
            %swap3A_608 = tpu.vector_load %arg15[%swap3A_607] {strides = array<i32>} : memref<51376xf32, #tpu.memory_space<vmem>>, vector<16xf32>,
            %swap3A_609 = vector.shape_cast %swap3A_608 : vector<16xf32> to vector<16xf32>
            %swap3A_610 = vector.shape_cast %mul3A_604 : vector<16xf32> to vector<16xf32>
            tpu.vector_store %arg15[%swap3A_607], %swap3A_610 {add = true, strides = array<i32>} : memref<51376xf32, #tpu.memory_space<vmem>>, vector<16xf32>,
            %add3A_611 = arith.constant 46224 : i32
            %add3A_612 = arith.addi %add3A_611, %mul3A_404 : i32
            %get3A_613 = arith.index_cast %while3A_392 : i32 to index
            %get3A_614 = arith.constant 288 : index
            %get3A_615 = tpu.vector_load %arg16[%get3A_613, %get3A_614] {strides = array<i32>} : memref<32x384xf32, #tpu.memory_space<vmem>>, vector<1x16xf32>,
            %get3A_616 = vector.shape_cast %get3A_615 : vector<1x16xf32> to vector<16xf32>
            %mul3A_617 = arith.mulf %get3A_616, %get3A_412 : vector<16xf32>
            %swap3A_618 = arith.index_cast %add3A_612 : i32 to index
            %swap3A_619 = tpu.vector_load %arg15[%swap3A_618] {strides = array<i32>} : memref<51376xf32, #tpu.memory_space<vmem>>, vector<16xf32>,
            %swap3A_620 = vector.shape_cast %swap3A_619 : vector<16xf32> to vector<16xf32>
            %swap3A_621 = vector.shape_cast %mul3A_617 : vector<16xf32> to vector<16xf32>
            tpu.vector_store %arg15[%swap3A_618], %swap3A_621 {add = true, strides = array<i32>} : memref<51376xf32, #tpu.memory_space<vmem>>, vector<16xf32>,
            %get3A_622 = arith.index_cast %while3A_392 : i32 to index
            %get3A_623 = arith.constant 304 : index
            %get3A_624 = tpu.vector_load %arg16[%get3A_622, %get3A_623] {strides = array<i32>} : memref<32x384xf32, #tpu.memory_space<vmem>>, vector<1x16xf32>,
            %get3A_625 = vector.shape_cast %get3A_624 : vector<1x16xf32> to vector<16xf32>
            %mul3A_626 = arith.mulf %get3A_625, %get3A_412 : vector<16xf32>
            %add3A_627 = arith.constant 16 : i32
            %add3A_628 = arith.addi %add3A_612, %add3A_627 : i32
            %swap3A_629 = arith.index_cast %add3A_628 : i32 to index
            %swap3A_630 = tpu.vector_load %arg15[%swap3A_629] {strides = array<i32>} : memref<51376xf32, #tpu.memory_space<vmem>>, vector<16xf32>,
            %swap3A_631 = vector.shape_cast %swap3A_630 : vector<16xf32> to vector<16xf32>
            %swap3A_632 = vector.shape_cast %mul3A_626 : vector<16xf32> to vector<16xf32>
            tpu.vector_store %arg15[%swap3A_629], %swap3A_632 {add = true, strides = array<i32>} : memref<51376xf32, #tpu.memory_space<vmem>>, vector<16xf32>,
          }
          %while3A_391 = arith.constant 1 : i32
          scf.for %while3A_392 = %while3A_389 to %while3A_385 step %while3A_391  : i32 {
            %mul3A_393 = arith.constant 32 : i32
            %mul3A_394 = arith.muli %while3A_344, %mul3A_393 : i32
            %add3A_395 = arith.addi %squeeze3A, %mul3A_394 : i32
            %add3A_396 = arith.addi %add3A_395, %while3A_392 : i32
            %get3A_397 = arith.index_cast %add3A_396 : i32 to index
            %get3A_398 = tpu.vector_load %arg10[%get3A_397] {strides = array<i32>} : memref<4352xi32, #tpu.memory_space<vmem>>, vector<16xi32>,
            %get3A_399 = vector.shape_cast %get3A_398 : vector<16xi32> to vector<16xi32>
            %slice3A_400 = vector.extract_strided_slice %get3A_399 {offsets = [0], sizes = [1], strides = [1]} : vector<16xi32> to vector<1xi32>
            %squeeze3A_401 = vector.extract %slice3A_400[0] : i32 from vector<1xi32>
            %shift_right_logical3A = arith.constant 12 : i32
            %shift_right_logical3A_402 = arith.shrui %squeeze3A_401, %shift_right_logical3A : i32
            %mul3A_403 = arith.constant 20 : i32
            %mul3A_404 = arith.muli %shift_right_logical3A_402, %mul3A_403 : i32
            %mul3A_405 = arith.constant 16 : i32
            %mul3A_406 = arith.muli %mul3A_405, %scan3A_62 : i32
            %add3A_407 = arith.constant 320 : i32
            %add3A_408 = arith.addi %add3A_407, %mul3A_406 : i32
            %get3A_409 = arith.index_cast %while3A_392 : i32 to index
            %get3A_410 = arith.index_cast %add3A_408 : i32 to index
            %get3A_411 = tpu.vector_load %arg16[%get3A_409, %get3A_410] {strides = array<i32>} : memref<32x384xf32, #tpu.memory_space<vmem>>, vector<1x16xf32>,
            %get3A_412 = vector.shape_cast %get3A_411 : vector<1x16xf32> to vector<16xf32>
            %add3A_413 = arith.constant 0 : i32
            %add3A_414 = arith.addi %add3A_413, %mul3A_404 : i32
            %get3A_415 = arith.index_cast %while3A_392 : i32 to index
            %get3A_416 = arith.constant 0 : index
            %get3A_417 = tpu.vector_load %arg16[%get3A_415, %get3A_416] {strides = array<i32>} : memref<32x384xf32, #tpu.memory_space<vmem>>, vector<1x16xf32>,
            %get3A_418 = vector.shape_cast %get3A_417 : vector<1x16xf32> to vector<16xf32>
            %mul3A_419 = arith.mulf %get3A_418, %get3A_412 : vector<16xf32>
            %swap3A_420 = arith.index_cast %add3A_414 : i32 to index
            %swap3A_421 = tpu.vector_load %arg15[%swap3A_420] {strides = array<i32>} : memref<51376xf32, #tpu.memory_space<vmem>>, vector<16xf32>,
            %swap3A_422 = vector.shape_cast %swap3A_421 : vector<16xf32> to vector<16xf32>
            %swap3A_423 = vector.shape_cast %mul3A_419 : vector<16xf32> to vector<16xf32>
            tpu.vector_store %arg15[%swap3A_420], %swap3A_423 {add = true, strides = array<i32>} : memref<51376xf32, #tpu.memory_space<vmem>>, vector<16xf32>,
            %get3A_424 = arith.index_cast %while3A_392 : i32 to index
            %get3A_425 = arith.constant 16 : index
            %get3A_426 = tpu.vector_load %arg16[%get3A_424, %get3A_425] {strides = array<i32>} : memref<32x384xf32, #tpu.memory_space<vmem>>, vector<1x16xf32>,
            %get3A_427 = vector.shape_cast %get3A_426 : vector<1x16xf32> to vector<16xf32>
            %mul3A_428 = arith.mulf %get3A_427, %get3A_412 : vector<16xf32>
            %add3A_429 = arith.constant 16 : i32
            %add3A_430 = arith.addi %add3A_414, %add3A_429 : i32
            %swap3A_431 = arith.index_cast %add3A_430 : i32 to index
            %swap3A_432 = tpu.vector_load %arg15[%swap3A_431] {strides = array<i32>} : memref<51376xf32, #tpu.memory_space<vmem>>, vector<16xf32>,
            %swap3A_433 = vector.shape_cast %swap3A_432 : vector<16xf32> to vector<16xf32>
            %swap3A_434 = vector.shape_cast %mul3A_428 : vector<16xf32> to vector<16xf32>
            tpu.vector_store %arg15[%swap3A_431], %swap3A_434 {add = true, strides = array<i32>} : memref<51376xf32, #tpu.memory_space<vmem>>, vector<16xf32>,
            %add3A_435 = arith.constant 5136 : i32
            %add3A_436 = arith.addi %add3A_435, %mul3A_404 : i32
            %get3A_437 = arith.index_cast %while3A_392 : i32 to index
            %get3A_438 = arith.constant 32 : index
            %get3A_439 = tpu.vector_load %arg16[%get3A_437, %get3A_438] {strides = array<i32>} : memref<32x384xf32, #tpu.memory_space<vmem>>, vector<1x16xf32>,
            %get3A_440 = vector.shape_cast %get3A_439 : vector<1x16xf32> to vector<16xf32>
            %mul3A_441 = arith.mulf %get3A_440, %get3A_412 : vector<16xf32>
            %swap3A_442 = arith.index_cast %add3A_436 : i32 to index
            %swap3A_443 = tpu.vector_load %arg15[%swap3A_442] {strides = array<i32>} : memref<51376xf32, #tpu.memory_space<vmem>>, vector<16xf32>,
            %swap3A_444 = vector.shape_cast %swap3A_443 : vector<16xf32> to vector<16xf32>
            %swap3A_445 = vector.shape_cast %mul3A_441 : vector<16xf32> to vector<16xf32>
            tpu.vector_store %arg15[%swap3A_442], %swap3A_445 {add = true, strides = array<i32>} : memref<51376xf32, #tpu.memory_space<vmem>>, vector<16xf32>,
            %get3A_446 = arith.index_cast %while3A_392 : i32 to index
            %get3A_447 = arith.constant 48 : index
            %get3A_448 = tpu.vector_load %arg16[%get3A_446, %get3A_447] {strides = array<i32>} : memref<32x384xf32, #tpu.memory_space<vmem>>, vector<1x16xf32>,
            %get3A_449 = vector.shape_cast %get3A_448 : vector<1x16xf32> to vector<16xf32>
            %mul3A_450 = arith.mulf %get3A_449, %get3A_412 : vector<16xf32>
            %add3A_451 = arith.constant 16 : i32
            %add3A_452 = arith.addi %add3A_436, %add3A_451 : i32
            %swap3A_453 = arith.index_cast %add3A_452 : i32 to index
            %swap3A_454 = tpu.vector_load %arg15[%swap3A_453] {strides = array<i32>} : memref<51376xf32, #tpu.memory_space<vmem>>, vector<16xf32>,
            %swap3A_455 = vector.shape_cast %swap3A_454 : vector<16xf32> to vector<16xf32>
            %swap3A_456 = vector.shape_cast %mul3A_450 : vector<16xf32> to vector<16xf32>
            tpu.vector_store %arg15[%swap3A_453], %swap3A_456 {add = true, strides = array<i32>} : memref<51376xf32, #tpu.memory_space<vmem>>, vector<16xf32>,
            %add3A_457 = arith.constant 10272 : i32
            %add3A_458 = arith.addi %add3A_457, %mul3A_404 : i32
            %get3A_459 = arith.index_cast %while3A_392 : i32 to index
            %get3A_460 = arith.constant 64 : index
            %get3A_461 = tpu.vector_load %arg16[%get3A_459, %get3A_460] {strides = array<i32>} : memref<32x384xf32, #tpu.memory_space<vmem>>, vector<1x16xf32>,
            %get3A_462 = vector.shape_cast %get3A_461 : vector<1x16xf32> to vector<16xf32>
            %mul3A_463 = arith.mulf %get3A_462, %get3A_412 : vector<16xf32>
            %swap3A_464 = arith.index_cast %add3A_458 : i32 to index
            %swap3A_465 = tpu.vector_load %arg15[%swap3A_464] {strides = array<i32>} : memref<51376xf32, #tpu.memory_space<vmem>>, vector<16xf32>,
            %swap3A_466 = vector.shape_cast %swap3A_465 : vector<16xf32> to vector<16xf32>
            %swap3A_467 = vector.shape_cast %mul3A_463 : vector<16xf32> to vector<16xf32>
            tpu.vector_store %arg15[%swap3A_464], %swap3A_467 {add = true, strides = array<i32>} : memref<51376xf32, #tpu.memory_space<vmem>>, vector<16xf32>,
            %get3A_468 = arith.index_cast %while3A_392 : i32 to index
            %get3A_469 = arith.constant 80 : index
            %get3A_470 = tpu.vector_load %arg16[%get3A_468, %get3A_469] {strides = array<i32>} : memref<32x384xf32, #tpu.memory_space<vmem>>, vector<1x16xf32>,
            %get3A_471 = vector.shape_cast %get3A_470 : vector<1x16xf32> to vector<16xf32>
            %mul3A_472 = arith.mulf %get3A_471, %get3A_412 : vector<16xf32>
            %add3A_473 = arith.constant 16 : i32
            %add3A_474 = arith.addi %add3A_458, %add3A_473 : i32
            %swap3A_475 = arith.index_cast %add3A_474 : i32 to index
            %swap3A_476 = tpu.vector_load %arg15[%swap3A_475] {strides = array<i32>} : memref<51376xf32, #tpu.memory_space<vmem>>, vector<16xf32>,
            %swap3A_477 = vector.shape_cast %swap3A_476 : vector<16xf32> to vector<16xf32>
            %swap3A_478 = vector.shape_cast %mul3A_472 : vector<16xf32> to vector<16xf32>
            tpu.vector_store %arg15[%swap3A_475], %swap3A_478 {add = true, strides = array<i32>} : memref<51376xf32, #tpu.memory_space<vmem>>, vector<16xf32>,
            %add3A_479 = arith.constant 15408 : i32
            %add3A_480 = arith.addi %add3A_479, %mul3A_404 : i32
            %get3A_481 = arith.index_cast %while3A_392 : i32 to index
            %get3A_482 = arith.constant 96 : index
            %get3A_483 = tpu.vector_load %arg16[%get3A_481, %get3A_482] {strides = array<i32>} : memref<32x384xf32, #tpu.memory_space<vmem>>, vector<1x16xf32>,
            %get3A_484 = vector.shape_cast %get3A_483 : vector<1x16xf32> to vector<16xf32>
            %mul3A_485 = arith.mulf %get3A_484, %get3A_412 : vector<16xf32>
            %swap3A_486 = arith.index_cast %add3A_480 : i32 to index
            %swap3A_487 = tpu.vector_load %arg15[%swap3A_486] {strides = array<i32>} : memref<51376xf32, #tpu.memory_space<vmem>>, vector<16xf32>,
            %swap3A_488 = vector.shape_cast %swap3A_487 : vector<16xf32> to vector<16xf32>
            %swap3A_489 = vector.shape_cast %mul3A_485 : vector<16xf32> to vector<16xf32>
            tpu.vector_store %arg15[%swap3A_486], %swap3A_489 {add = true, strides = array<i32>} : memref<51376xf32, #tpu.memory_space<vmem>>, vector<16xf32>,
            %get3A_490 = arith.index_cast %while3A_392 : i32 to index
            %get3A_491 = arith.constant 112 : index
            %get3A_492 = tpu.vector_load %arg16[%get3A_490, %get3A_491] {strides = array<i32>} : memref<32x384xf32, #tpu.memory_space<vmem>>, vector<1x16xf32>,
            %get3A_493 = vector.shape_cast %get3A_492 : vector<1x16xf32> to vector<16xf32>
            %mul3A_494 = arith.mulf %get3A_493, %get3A_412 : vector<16xf32>
            %add3A_495 = arith.constant 16 : i32
            %add3A_496 = arith.addi %add3A_480, %add3A_495 : i32
            %swap3A_497 = arith.index_cast %add3A_496 : i32 to index
            %swap3A_498 = tpu.vector_load %arg15[%swap3A_497] {strides = array<i32>} : memref<51376xf32, #tpu.memory_space<vmem>>, vector<16xf32>,
            %swap3A_499 = vector.shape_cast %swap3A_498 : vector<16xf32> to vector<16xf32>
            %swap3A_500 = vector.shape_cast %mul3A_494 : vector<16xf32> to vector<16xf32>
            tpu.vector_store %arg15[%swap3A_497], %swap3A_500 {add = true, strides = array<i32>} : memref<51376xf32, #tpu.memory_space<vmem>>, vector<16xf32>,
            %add3A_501 = arith.constant 20544 : i32
            %add3A_502 = arith.addi %add3A_501, %mul3A_404 : i32
            %get3A_503 = arith.index_cast %while3A_392 : i32 to index
            %get3A_504 = arith.constant 128 : index
            %get3A_505 = tpu.vector_load %arg16[%get3A_503, %get3A_504] {strides = array<i32>} : memref<32x384xf32, #tpu.memory_space<vmem>>, vector<1x16xf32>,
            %get3A_506 = vector.shape_cast %get3A_505 : vector<1x16xf32> to vector<16xf32>
            %mul3A_507 = arith.mulf %get3A_506, %get3A_412 : vector<16xf32>
            %swap3A_508 = arith.index_cast %add3A_502 : i32 to index
            %swap3A_509 = tpu.vector_load %arg15[%swap3A_508] {strides = array<i32>} : memref<51376xf32, #tpu.memory_space<vmem>>, vector<16xf32>,
            %swap3A_510 = vector.shape_cast %swap3A_509 : vector<16xf32> to vector<16xf32>
            %swap3A_511 = vector.shape_cast %mul3A_507 : vector<16xf32> to vector<16xf32>
            tpu.vector_store %arg15[%swap3A_508], %swap3A_511 {add = true, strides = array<i32>} : memref<51376xf32, #tpu.memory_space<vmem>>, vector<16xf32>,
            %get3A_512 = arith.index_cast %while3A_392 : i32 to index
            %get3A_513 = arith.constant 144 : index
            %get3A_514 = tpu.vector_load %arg16[%get3A_512, %get3A_513] {strides = array<i32>} : memref<32x384xf32, #tpu.memory_space<vmem>>, vector<1x16xf32>,
            %get3A_515 = vector.shape_cast %get3A_514 : vector<1x16xf32> to vector<16xf32>
            %mul3A_516 = arith.mulf %get3A_515, %get3A_412 : vector<16xf32>
            %add3A_517 = arith.constant 16 : i32
            %add3A_518 = arith.addi %add3A_502, %add3A_517 : i32
            %swap3A_519 = arith.index_cast %add3A_518 : i32 to index
            %swap3A_520 = tpu.vector_load %arg15[%swap3A_519] {strides = array<i32>} : memref<51376xf32, #tpu.memory_space<vmem>>, vector<16xf32>,
            %swap3A_521 = vector.shape_cast %swap3A_520 : vector<16xf32> to vector<16xf32>
            %swap3A_522 = vector.shape_cast %mul3A_516 : vector<16xf32> to vector<16xf32>
            tpu.vector_store %arg15[%swap3A_519], %swap3A_522 {add = true, strides = array<i32>} : memref<51376xf32, #tpu.memory_space<vmem>>, vector<16xf32>,
            %add3A_523 = arith.constant 25680 : i32
            %add3A_524 = arith.addi %add3A_523, %mul3A_404 : i32
            %get3A_525 = arith.index_cast %while3A_392 : i32 to index
            %get3A_526 = arith.constant 160 : index
            %get3A_527 = tpu.vector_load %arg16[%get3A_525, %get3A_526] {strides = array<i32>} : memref<32x384xf32, #tpu.memory_space<vmem>>, vector<1x16xf32>,
            %get3A_528 = vector.shape_cast %get3A_527 : vector<1x16xf32> to vector<16xf32>
            %mul3A_529 = arith.mulf %get3A_528, %get3A_412 : vector<16xf32>
            %swap3A_530 = arith.index_cast %add3A_524 : i32 to index
            %swap3A_531 = tpu.vector_load %arg15[%swap3A_530] {strides = array<i32>} : memref<51376xf32, #tpu.memory_space<vmem>>, vector<16xf32>,
            %swap3A_532 = vector.shape_cast %swap3A_531 : vector<16xf32> to vector<16xf32>
            %swap3A_533 = vector.shape_cast %mul3A_529 : vector<16xf32> to vector<16xf32>
            tpu.vector_store %arg15[%swap3A_530], %swap3A_533 {add = true, strides = array<i32>} : memref<51376xf32, #tpu.memory_space<vmem>>, vector<16xf32>,
            %get3A_534 = arith.index_cast %while3A_392 : i32 to index
            %get3A_535 = arith.constant 176 : index
            %get3A_536 = tpu.vector_load %arg16[%get3A_534, %get3A_535] {strides = array<i32>} : memref<32x384xf32, #tpu.memory_space<vmem>>, vector<1x16xf32>,
            %get3A_537 = vector.shape_cast %get3A_536 : vector<1x16xf32> to vector<16xf32>
            %mul3A_538 = arith.mulf %get3A_537, %get3A_412 : vector<16xf32>
            %add3A_539 = arith.constant 16 : i32
            %add3A_540 = arith.addi %add3A_524, %add3A_539 : i32
            %swap3A_541 = arith.index_cast %add3A_540 : i32 to index
            %swap3A_542 = tpu.vector_load %arg15[%swap3A_541] {strides = array<i32>} : memref<51376xf32, #tpu.memory_space<vmem>>, vector<16xf32>,
            %swap3A_543 = vector.shape_cast %swap3A_542 : vector<16xf32> to vector<16xf32>
            %swap3A_544 = vector.shape_cast %mul3A_538 : vector<16xf32> to vector<16xf32>
            tpu.vector_store %arg15[%swap3A_541], %swap3A_544 {add = true, strides = array<i32>} : memref<51376xf32, #tpu.memory_space<vmem>>, vector<16xf32>,
            %add3A_545 = arith.constant 30816 : i32
            %add3A_546 = arith.addi %add3A_545, %mul3A_404 : i32
            %get3A_547 = arith.index_cast %while3A_392 : i32 to index
            %get3A_548 = arith.constant 192 : index
            %get3A_549 = tpu.vector_load %arg16[%get3A_547, %get3A_548] {strides = array<i32>} : memref<32x384xf32, #tpu.memory_space<vmem>>, vector<1x16xf32>,
            %get3A_550 = vector.shape_cast %get3A_549 : vector<1x16xf32> to vector<16xf32>
            %mul3A_551 = arith.mulf %get3A_550, %get3A_412 : vector<16xf32>
            %swap3A_552 = arith.index_cast %add3A_546 : i32 to index
            %swap3A_553 = tpu.vector_load %arg15[%swap3A_552] {strides = array<i32>} : memref<51376xf32, #tpu.memory_space<vmem>>, vector<16xf32>,
            %swap3A_554 = vector.shape_cast %swap3A_553 : vector<16xf32> to vector<16xf32>
            %swap3A_555 = vector.shape_cast %mul3A_551 : vector<16xf32> to vector<16xf32>
            tpu.vector_store %arg15[%swap3A_552], %swap3A_555 {add = true, strides = array<i32>} : memref<51376xf32, #tpu.memory_space<vmem>>, vector<16xf32>,
            %get3A_556 = arith.index_cast %while3A_392 : i32 to index
            %get3A_557 = arith.constant 208 : index
            %get3A_558 = tpu.vector_load %arg16[%get3A_556, %get3A_557] {strides = array<i32>} : memref<32x384xf32, #tpu.memory_space<vmem>>, vector<1x16xf32>,
            %get3A_559 = vector.shape_cast %get3A_558 : vector<1x16xf32> to vector<16xf32>
            %mul3A_560 = arith.mulf %get3A_559, %get3A_412 : vector<16xf32>
            %add3A_561 = arith.constant 16 : i32
            %add3A_562 = arith.addi %add3A_546, %add3A_561 : i32
            %swap3A_563 = arith.index_cast %add3A_562 : i32 to index
            %swap3A_564 = tpu.vector_load %arg15[%swap3A_563] {strides = array<i32>} : memref<51376xf32, #tpu.memory_space<vmem>>, vector<16xf32>,
            %swap3A_565 = vector.shape_cast %swap3A_564 : vector<16xf32> to vector<16xf32>
            %swap3A_566 = vector.shape_cast %mul3A_560 : vector<16xf32> to vector<16xf32>
            tpu.vector_store %arg15[%swap3A_563], %swap3A_566 {add = true, strides = array<i32>} : memref<51376xf32, #tpu.memory_space<vmem>>, vector<16xf32>,
            %add3A_567 = arith.constant 35952 : i32
            %add3A_568 = arith.addi %add3A_567, %mul3A_404 : i32
            %get3A_569 = arith.index_cast %while3A_392 : i32 to index
            %get3A_570 = arith.constant 224 : index
            %get3A_571 = tpu.vector_load %arg16[%get3A_569, %get3A_570] {strides = array<i32>} : memref<32x384xf32, #tpu.memory_space<vmem>>, vector<1x16xf32>,
            %get3A_572 = vector.shape_cast %get3A_571 : vector<1x16xf32> to vector<16xf32>
            %mul3A_573 = arith.mulf %get3A_572, %get3A_412 : vector<16xf32>
            %swap3A_574 = arith.index_cast %add3A_568 : i32 to index
            %swap3A_575 = tpu.vector_load %arg15[%swap3A_574] {strides = array<i32>} : memref<51376xf32, #tpu.memory_space<vmem>>, vector<16xf32>,
            %swap3A_576 = vector.shape_cast %swap3A_575 : vector<16xf32> to vector<16xf32>
            %swap3A_577 = vector.shape_cast %mul3A_573 : vector<16xf32> to vector<16xf32>
            tpu.vector_store %arg15[%swap3A_574], %swap3A_577 {add = true, strides = array<i32>} : memref<51376xf32, #tpu.memory_space<vmem>>, vector<16xf32>,
            %get3A_578 = arith.index_cast %while3A_392 : i32 to index
            %get3A_579 = arith.constant 240 : index
            %get3A_580 = tpu.vector_load %arg16[%get3A_578, %get3A_579] {strides = array<i32>} : memref<32x384xf32, #tpu.memory_space<vmem>>, vector<1x16xf32>,
            %get3A_581 = vector.shape_cast %get3A_580 : vector<1x16xf32> to vector<16xf32>
            %mul3A_582 = arith.mulf %get3A_581, %get3A_412 : vector<16xf32>
            %add3A_583 = arith.constant 16 : i32
            %add3A_584 = arith.addi %add3A_568, %add3A_583 : i32
            %swap3A_585 = arith.index_cast %add3A_584 : i32 to index
            %swap3A_586 = tpu.vector_load %arg15[%swap3A_585] {strides = array<i32>} : memref<51376xf32, #tpu.memory_space<vmem>>, vector<16xf32>,
            %swap3A_587 = vector.shape_cast %swap3A_586 : vector<16xf32> to vector<16xf32>
            %swap3A_588 = vector.shape_cast %mul3A_582 : vector<16xf32> to vector<16xf32>
            tpu.vector_store %arg15[%swap3A_585], %swap3A_588 {add = true, strides = array<i32>} : memref<51376xf32, #tpu.memory_space<vmem>>, vector<16xf32>,
            %add3A_589 = arith.constant 41088 : i32
            %add3A_590 = arith.addi %add3A_589, %mul3A_404 : i32
            %get3A_591 = arith.index_cast %while3A_392 : i32 to index
            %get3A_592 = arith.constant 256 : index
            %get3A_593 = tpu.vector_load %arg16[%get3A_591, %get3A_592] {strides = array<i32>} : memref<32x384xf32, #tpu.memory_space<vmem>>, vector<1x16xf32>,
            %get3A_594 = vector.shape_cast %get3A_593 : vector<1x16xf32> to vector<16xf32>
            %mul3A_595 = arith.mulf %get3A_594, %get3A_412 : vector<16xf32>
            %swap3A_596 = arith.index_cast %add3A_590 : i32 to index
            %swap3A_597 = tpu.vector_load %arg15[%swap3A_596] {strides = array<i32>} : memref<51376xf32, #tpu.memory_space<vmem>>, vector<16xf32>,
            %swap3A_598 = vector.shape_cast %swap3A_597 : vector<16xf32> to vector<16xf32>
            %swap3A_599 = vector.shape_cast %mul3A_595 : vector<16xf32> to vector<16xf32>
            tpu.vector_store %arg15[%swap3A_596], %swap3A_599 {add = true, strides = array<i32>} : memref<51376xf32, #tpu.memory_space<vmem>>, vector<16xf32>,
            %get3A_600 = arith.index_cast %while3A_392 : i32 to index
            %get3A_601 = arith.constant 272 : index
            %get3A_602 = tpu.vector_load %arg16[%get3A_600, %get3A_601] {strides = array<i32>} : memref<32x384xf32, #tpu.memory_space<vmem>>, vector<1x16xf32>,
            %get3A_603 = vector.shape_cast %get3A_602 : vector<1x16xf32> to vector<16xf32>
            %mul3A_604 = arith.mulf %get3A_603, %get3A_412 : vector<16xf32>
            %add3A_605 = arith.constant 16 : i32
            %add3A_606 = arith.addi %add3A_590, %add3A_605 : i32
            %swap3A_607 = arith.index_cast %add3A_606 : i32 to index
            %swap3A_608 = tpu.vector_load %arg15[%swap3A_607] {strides = array<i32>} : memref<51376xf32, #tpu.memory_space<vmem>>, vector<16xf32>,
            %swap3A_609 = vector.shape_cast %swap3A_608 : vector<16xf32> to vector<16xf32>
            %swap3A_610 = vector.shape_cast %mul3A_604 : vector<16xf32> to vector<16xf32>
            tpu.vector_store %arg15[%swap3A_607], %swap3A_610 {add = true, strides = array<i32>} : memref<51376xf32, #tpu.memory_space<vmem>>, vector<16xf32>,
            %add3A_611 = arith.constant 46224 : i32
            %add3A_612 = arith.addi %add3A_611, %mul3A_404 : i32
            %get3A_613 = arith.index_cast %while3A_392 : i32 to index
            %get3A_614 = arith.constant 288 : index
            %get3A_615 = tpu.vector_load %arg16[%get3A_613, %get3A_614] {strides = array<i32>} : memref<32x384xf32, #tpu.memory_space<vmem>>, vector<1x16xf32>,
            %get3A_616 = vector.shape_cast %get3A_615 : vector<1x16xf32> to vector<16xf32>
            %mul3A_617 = arith.mulf %get3A_616, %get3A_412 : vector<16xf32>
            %swap3A_618 = arith.index_cast %add3A_612 : i32 to index
            %swap3A_619 = tpu.vector_load %arg15[%swap3A_618] {strides = array<i32>} : memref<51376xf32, #tpu.memory_space<vmem>>, vector<16xf32>,
            %swap3A_620 = vector.shape_cast %swap3A_619 : vector<16xf32> to vector<16xf32>
            %swap3A_621 = vector.shape_cast %mul3A_617 : vector<16xf32> to vector<16xf32>
            tpu.vector_store %arg15[%swap3A_618], %swap3A_621 {add = true, strides = array<i32>} : memref<51376xf32, #tpu.memory_space<vmem>>, vector<16xf32>,
            %get3A_622 = arith.index_cast %while3A_392 : i32 to index
            %get3A_623 = arith.constant 304 : index
            %get3A_624 = tpu.vector_load %arg16[%get3A_622, %get3A_623] {strides = array<i32>} : memref<32x384xf32, #tpu.memory_space<vmem>>, vector<1x16xf32>,
            %get3A_625 = vector.shape_cast %get3A_624 : vector<1x16xf32> to vector<16xf32>
            %mul3A_626 = arith.mulf %get3A_625, %get3A_412 : vector<16xf32>
            %add3A_627 = arith.constant 16 : i32
            %add3A_628 = arith.addi %add3A_612, %add3A_627 : i32
            %swap3A_629 = arith.index_cast %add3A_628 : i32 to index
            %swap3A_630 = tpu.vector_load %arg15[%swap3A_629] {strides = array<i32>} : memref<51376xf32, #tpu.memory_space<vmem>>, vector<16xf32>,
            %swap3A_631 = vector.shape_cast %swap3A_630 : vector<16xf32> to vector<16xf32>
            %swap3A_632 = vector.shape_cast %mul3A_626 : vector<16xf32> to vector<16xf32>
            tpu.vector_store %arg15[%swap3A_629], %swap3A_632 {add = true, strides = array<i32>} : memref<51376xf32, #tpu.memory_space<vmem>>, vector<16xf32>,
          }
        }
        %while3A_280 = arith.constant 1 : i32
        scf.for %while3A_344 = %while3A_278 to %while3A_274 step %while3A_280  : i32 {
          %mul3A_345 = arith.constant 32 : i32
          %mul3A_346 = arith.muli %while3A_344, %mul3A_345 : i32
          %add3A_347 = arith.addi %squeeze3A, %mul3A_346 : i32
          %add3A_348 = arith.constant 0 : i32
          %add3A_349 = arith.addi %add3A_347, %add3A_348 : i32
          %get3A_350 = arith.index_cast %add3A_349 : i32 to index
          %get3A_351 = tpu.vector_load %arg10[%get3A_350] {strides = array<i32>} : memref<4352xi32, #tpu.memory_space<vmem>>, vector<16xi32>,
          %get3A_352 = vector.shape_cast %get3A_351 : vector<16xi32> to vector<16xi32>
          %and3A_353 = arith.constant 4095 : i32
          %and3A_354 = vector.broadcast %and3A_353 : i32 to vector<16xi32>
          %and3A_355 = arith.andi %get3A_352, %and3A_354 : vector<16xi32>
          %swap3A_356 = arith.constant 0 : index
          %swap3A_357 = tpu.vector_load %arg14[%swap3A_356] {strides = array<i32>} : memref<32xi32, #tpu.memory_space<vmem>>, vector<16xi32>,
          %swap3A_358 = vector.shape_cast %swap3A_357 : vector<16xi32> to vector<16xi32>
          %swap3A_359 = vector.shape_cast %and3A_355 : vector<16xi32> to vector<16xi32>
          tpu.vector_store %arg14[%swap3A_356], %swap3A_359 {strides = array<i32>} : memref<32xi32, #tpu.memory_space<vmem>>, vector<16xi32>,
          %mul3A_360 = arith.constant 32 : i32
          %mul3A_361 = arith.muli %while3A_344, %mul3A_360 : i32
          %add3A_362 = arith.addi %squeeze3A, %mul3A_361 : i32
          %add3A_363 = arith.constant 16 : i32
          %add3A_364 = arith.addi %add3A_362, %add3A_363 : i32
          %get3A_365 = arith.index_cast %add3A_364 : i32 to index
          %get3A_366 = tpu.vector_load %arg10[%get3A_365] {strides = array<i32>} : memref<4352xi32, #tpu.memory_space<vmem>>, vector<16xi32>,
          %get3A_367 = vector.shape_cast %get3A_366 : vector<16xi32> to vector<16xi32>
          %and3A_368 = arith.constant 4095 : i32
          %and3A_369 = vector.broadcast %and3A_368 : i32 to vector<16xi32>
          %and3A_370 = arith.andi %get3A_367, %and3A_369 : vector<16xi32>
          %swap3A_371 = arith.constant 16 : index
          %swap3A_372 = tpu.vector_load %arg14[%swap3A_371] {strides = array<i32>} : memref<32xi32, #tpu.memory_space<vmem>>, vector<16xi32>,
          %swap3A_373 = vector.shape_cast %swap3A_372 : vector<16xi32> to vector<16xi32>
          %swap3A_374 = vector.shape_cast %and3A_370 : vector<16xi32> to vector<16xi32>
          tpu.vector_store %arg14[%swap3A_371], %swap3A_374 {strides = array<i32>} : memref<32xi32, #tpu.memory_space<vmem>>, vector<16xi32>,
          %dma_start3A = arith.constant 0 : i32
          %dma_start3A_375 = arith.constant 0 : i32
          %dma_start3A_376 = tpu.memref_slice %arg2[%dma_start3A, %dma_start3A_375] : memref<4096x384xf32, #tpu.memory_space<hbm>> -> memref<4096x384xf32, #tpu.memory_space<hbm>>
          tpu.enqueue_indirect_dma source(%dma_start3A_376 : memref<4096x384xf32, #tpu.memory_space<hbm>>) target(%arg16 : memref<32x384xf32, #tpu.memory_space<vmem>>) offsets(%arg14 : memref<32xi32, #tpu.memory_space<vmem>>) semaphore(%arg18 : memref<!tpu.dma_semaphore, #tpu.memory_space<semaphore_mem>>)
          %dma_wait3A = arith.constant 0 : i32
          %dma_wait3A_377 = arith.constant 0 : i32
          %dma_wait3A_378 = tpu.memref_slice %arg2[%dma_wait3A, %dma_wait3A_377] : memref<4096x384xf32, #tpu.memory_space<hbm>> -> memref<4096x384xf32, #tpu.memory_space<hbm>>
          tpu.wait_indirect_dma semaphore(%arg18 : memref<!tpu.dma_semaphore, #tpu.memory_space<semaphore_mem>>) src(%dma_wait3A_378 : memref<4096x384xf32, #tpu.memory_space<hbm>>) dst(%arg16 : memref<32x384xf32, #tpu.memory_space<vmem>>)
          %mul3A_379 = arith.constant 32 : i32
          %mul3A_380 = arith.muli %while3A_344, %mul3A_379 : i32
          %sub3A_381 = arith.subi %sub3A, %mul3A_380 : i32
          %min3A = arith.constant 32 : i32
          %min3A_382 = arith.minsi %sub3A_381, %min3A : i32
          %while3A_383 = arith.constant 0 : i32
          %while3A_384 = arith.subi %min3A_382, %while3A_383 : i32
          %while3A_385 = arith.addi %while3A_383, %while3A_384 : i32
          %while3A_386 = arith.constant 1 : i32
          %while3A_387 = arith.divsi %while3A_384, %while3A_386 : i32
          %while3A_388 = arith.muli %while3A_387, %while3A_386 : i32
          %while3A_389 = arith.addi %while3A_383, %while3A_388 : i32
          %while3A_390 = arith.constant 1 : i32
          scf.for %while3A_392 = %while3A_383 to %while3A_389 step %while3A_390  : i32 {
            %mul3A_393 = arith.constant 32 : i32
            %mul3A_394 = arith.muli %while3A_344, %mul3A_393 : i32
            %add3A_395 = arith.addi %squeeze3A, %mul3A_394 : i32
            %add3A_396 = arith.addi %add3A_395, %while3A_392 : i32
            %get3A_397 = arith.index_cast %add3A_396 : i32 to index
            %get3A_398 = tpu.vector_load %arg10[%get3A_397] {strides = array<i32>} : memref<4352xi32, #tpu.memory_space<vmem>>, vector<16xi32>,
            %get3A_399 = vector.shape_cast %get3A_398 : vector<16xi32> to vector<16xi32>
            %slice3A_400 = vector.extract_strided_slice %get3A_399 {offsets = [0], sizes = [1], strides = [1]} : vector<16xi32> to vector<1xi32>
            %squeeze3A_401 = vector.extract %slice3A_400[0] : i32 from vector<1xi32>
            %shift_right_logical3A = arith.constant 12 : i32
            %shift_right_logical3A_402 = arith.shrui %squeeze3A_401, %shift_right_logical3A : i32
            %mul3A_403 = arith.constant 20 : i32
            %mul3A_404 = arith.muli %shift_right_logical3A_402, %mul3A_403 : i32
            %mul3A_405 = arith.constant 16 : i32
            %mul3A_406 = arith.muli %mul3A_405, %scan3A_62 : i32
            %add3A_407 = arith.constant 320 : i32
            %add3A_408 = arith.addi %add3A_407, %mul3A_406 : i32
            %get3A_409 = arith.index_cast %while3A_392 : i32 to index
            %get3A_410 = arith.index_cast %add3A_408 : i32 to index
            %get3A_411 = tpu.vector_load %arg16[%get3A_409, %get3A_410] {strides = array<i32>} : memref<32x384xf32, #tpu.memory_space<vmem>>, vector<1x16xf32>,
            %get3A_412 = vector.shape_cast %get3A_411 : vector<1x16xf32> to vector<16xf32>
            %add3A_413 = arith.constant 0 : i32
            %add3A_414 = arith.addi %add3A_413, %mul3A_404 : i32
            %get3A_415 = arith.index_cast %while3A_392 : i32 to index
            %get3A_416 = arith.constant 0 : index
            %get3A_417 = tpu.vector_load %arg16[%get3A_415, %get3A_416] {strides = array<i32>} : memref<32x384xf32, #tpu.memory_space<vmem>>, vector<1x16xf32>,
            %get3A_418 = vector.shape_cast %get3A_417 : vector<1x16xf32> to vector<16xf32>
            %mul3A_419 = arith.mulf %get3A_418, %get3A_412 : vector<16xf32>
            %swap3A_420 = arith.index_cast %add3A_414 : i32 to index
            %swap3A_421 = tpu.vector_load %arg15[%swap3A_420] {strides = array<i32>} : memref<51376xf32, #tpu.memory_space<vmem>>, vector<16xf32>,
            %swap3A_422 = vector.shape_cast %swap3A_421 : vector<16xf32> to vector<16xf32>
            %swap3A_423 = vector.shape_cast %mul3A_419 : vector<16xf32> to vector<16xf32>
            tpu.vector_store %arg15[%swap3A_420], %swap3A_423 {add = true, strides = array<i32>} : memref<51376xf32, #tpu.memory_space<vmem>>, vector<16xf32>,
            %get3A_424 = arith.index_cast %while3A_392 : i32 to index
            %get3A_425 = arith.constant 16 : index
            %get3A_426 = tpu.vector_load %arg16[%get3A_424, %get3A_425] {strides = array<i32>} : memref<32x384xf32, #tpu.memory_space<vmem>>, vector<1x16xf32>,
            %get3A_427 = vector.shape_cast %get3A_426 : vector<1x16xf32> to vector<16xf32>
            %mul3A_428 = arith.mulf %get3A_427, %get3A_412 : vector<16xf32>
            %add3A_429 = arith.constant 16 : i32
            %add3A_430 = arith.addi %add3A_414, %add3A_429 : i32
            %swap3A_431 = arith.index_cast %add3A_430 : i32 to index
            %swap3A_432 = tpu.vector_load %arg15[%swap3A_431] {strides = array<i32>} : memref<51376xf32, #tpu.memory_space<vmem>>, vector<16xf32>,
            %swap3A_433 = vector.shape_cast %swap3A_432 : vector<16xf32> to vector<16xf32>
            %swap3A_434 = vector.shape_cast %mul3A_428 : vector<16xf32> to vector<16xf32>
            tpu.vector_store %arg15[%swap3A_431], %swap3A_434 {add = true, strides = array<i32>} : memref<51376xf32, #tpu.memory_space<vmem>>, vector<16xf32>,
            %add3A_435 = arith.constant 5136 : i32
            %add3A_436 = arith.addi %add3A_435, %mul3A_404 : i32
            %get3A_437 = arith.index_cast %while3A_392 : i32 to index
            %get3A_438 = arith.constant 32 : index
            %get3A_439 = tpu.vector_load %arg16[%get3A_437, %get3A_438] {strides = array<i32>} : memref<32x384xf32, #tpu.memory_space<vmem>>, vector<1x16xf32>,
            %get3A_440 = vector.shape_cast %get3A_439 : vector<1x16xf32> to vector<16xf32>
            %mul3A_441 = arith.mulf %get3A_440, %get3A_412 : vector<16xf32>
            %swap3A_442 = arith.index_cast %add3A_436 : i32 to index
            %swap3A_443 = tpu.vector_load %arg15[%swap3A_442] {strides = array<i32>} : memref<51376xf32, #tpu.memory_space<vmem>>, vector<16xf32>,
            %swap3A_444 = vector.shape_cast %swap3A_443 : vector<16xf32> to vector<16xf32>
            %swap3A_445 = vector.shape_cast %mul3A_441 : vector<16xf32> to vector<16xf32>
            tpu.vector_store %arg15[%swap3A_442], %swap3A_445 {add = true, strides = array<i32>} : memref<51376xf32, #tpu.memory_space<vmem>>, vector<16xf32>,
            %get3A_446 = arith.index_cast %while3A_392 : i32 to index
            %get3A_447 = arith.constant 48 : index
            %get3A_448 = tpu.vector_load %arg16[%get3A_446, %get3A_447] {strides = array<i32>} : memref<32x384xf32, #tpu.memory_space<vmem>>, vector<1x16xf32>,
            %get3A_449 = vector.shape_cast %get3A_448 : vector<1x16xf32> to vector<16xf32>
            %mul3A_450 = arith.mulf %get3A_449, %get3A_412 : vector<16xf32>
            %add3A_451 = arith.constant 16 : i32
            %add3A_452 = arith.addi %add3A_436, %add3A_451 : i32
            %swap3A_453 = arith.index_cast %add3A_452 : i32 to index
            %swap3A_454 = tpu.vector_load %arg15[%swap3A_453] {strides = array<i32>} : memref<51376xf32, #tpu.memory_space<vmem>>, vector<16xf32>,
            %swap3A_455 = vector.shape_cast %swap3A_454 : vector<16xf32> to vector<16xf32>
            %swap3A_456 = vector.shape_cast %mul3A_450 : vector<16xf32> to vector<16xf32>
            tpu.vector_store %arg15[%swap3A_453], %swap3A_456 {add = true, strides = array<i32>} : memref<51376xf32, #tpu.memory_space<vmem>>, vector<16xf32>,
            %add3A_457 = arith.constant 10272 : i32
            %add3A_458 = arith.addi %add3A_457, %mul3A_404 : i32
            %get3A_459 = arith.index_cast %while3A_392 : i32 to index
            %get3A_460 = arith.constant 64 : index
            %get3A_461 = tpu.vector_load %arg16[%get3A_459, %get3A_460] {strides = array<i32>} : memref<32x384xf32, #tpu.memory_space<vmem>>, vector<1x16xf32>,
            %get3A_462 = vector.shape_cast %get3A_461 : vector<1x16xf32> to vector<16xf32>
            %mul3A_463 = arith.mulf %get3A_462, %get3A_412 : vector<16xf32>
            %swap3A_464 = arith.index_cast %add3A_458 : i32 to index
            %swap3A_465 = tpu.vector_load %arg15[%swap3A_464] {strides = array<i32>} : memref<51376xf32, #tpu.memory_space<vmem>>, vector<16xf32>,
            %swap3A_466 = vector.shape_cast %swap3A_465 : vector<16xf32> to vector<16xf32>
            %swap3A_467 = vector.shape_cast %mul3A_463 : vector<16xf32> to vector<16xf32>
            tpu.vector_store %arg15[%swap3A_464], %swap3A_467 {add = true, strides = array<i32>} : memref<51376xf32, #tpu.memory_space<vmem>>, vector<16xf32>,
            %get3A_468 = arith.index_cast %while3A_392 : i32 to index
            %get3A_469 = arith.constant 80 : index
            %get3A_470 = tpu.vector_load %arg16[%get3A_468, %get3A_469] {strides = array<i32>} : memref<32x384xf32, #tpu.memory_space<vmem>>, vector<1x16xf32>,
            %get3A_471 = vector.shape_cast %get3A_470 : vector<1x16xf32> to vector<16xf32>
            %mul3A_472 = arith.mulf %get3A_471, %get3A_412 : vector<16xf32>
            %add3A_473 = arith.constant 16 : i32
            %add3A_474 = arith.addi %add3A_458, %add3A_473 : i32
            %swap3A_475 = arith.index_cast %add3A_474 : i32 to index
            %swap3A_476 = tpu.vector_load %arg15[%swap3A_475] {strides = array<i32>} : memref<51376xf32, #tpu.memory_space<vmem>>, vector<16xf32>,
            %swap3A_477 = vector.shape_cast %swap3A_476 : vector<16xf32> to vector<16xf32>
            %swap3A_478 = vector.shape_cast %mul3A_472 : vector<16xf32> to vector<16xf32>
            tpu.vector_store %arg15[%swap3A_475], %swap3A_478 {add = true, strides = array<i32>} : memref<51376xf32, #tpu.memory_space<vmem>>, vector<16xf32>,
            %add3A_479 = arith.constant 15408 : i32
            %add3A_480 = arith.addi %add3A_479, %mul3A_404 : i32
            %get3A_481 = arith.index_cast %while3A_392 : i32 to index
            %get3A_482 = arith.constant 96 : index
            %get3A_483 = tpu.vector_load %arg16[%get3A_481, %get3A_482] {strides = array<i32>} : memref<32x384xf32, #tpu.memory_space<vmem>>, vector<1x16xf32>,
            %get3A_484 = vector.shape_cast %get3A_483 : vector<1x16xf32> to vector<16xf32>
            %mul3A_485 = arith.mulf %get3A_484, %get3A_412 : vector<16xf32>
            %swap3A_486 = arith.index_cast %add3A_480 : i32 to index
            %swap3A_487 = tpu.vector_load %arg15[%swap3A_486] {strides = array<i32>} : memref<51376xf32, #tpu.memory_space<vmem>>, vector<16xf32>,
            %swap3A_488 = vector.shape_cast %swap3A_487 : vector<16xf32> to vector<16xf32>
            %swap3A_489 = vector.shape_cast %mul3A_485 : vector<16xf32> to vector<16xf32>
            tpu.vector_store %arg15[%swap3A_486], %swap3A_489 {add = true, strides = array<i32>} : memref<51376xf32, #tpu.memory_space<vmem>>, vector<16xf32>,
            %get3A_490 = arith.index_cast %while3A_392 : i32 to index
            %get3A_491 = arith.constant 112 : index
            %get3A_492 = tpu.vector_load %arg16[%get3A_490, %get3A_491] {strides = array<i32>} : memref<32x384xf32, #tpu.memory_space<vmem>>, vector<1x16xf32>,
            %get3A_493 = vector.shape_cast %get3A_492 : vector<1x16xf32> to vector<16xf32>
            %mul3A_494 = arith.mulf %get3A_493, %get3A_412 : vector<16xf32>
            %add3A_495 = arith.constant 16 : i32
            %add3A_496 = arith.addi %add3A_480, %add3A_495 : i32
            %swap3A_497 = arith.index_cast %add3A_496 : i32 to index
            %swap3A_498 = tpu.vector_load %arg15[%swap3A_497] {strides = array<i32>} : memref<51376xf32, #tpu.memory_space<vmem>>, vector<16xf32>,
            %swap3A_499 = vector.shape_cast %swap3A_498 : vector<16xf32> to vector<16xf32>
            %swap3A_500 = vector.shape_cast %mul3A_494 : vector<16xf32> to vector<16xf32>
            tpu.vector_store %arg15[%swap3A_497], %swap3A_500 {add = true, strides = array<i32>} : memref<51376xf32, #tpu.memory_space<vmem>>, vector<16xf32>,
            %add3A_501 = arith.constant 20544 : i32
            %add3A_502 = arith.addi %add3A_501, %mul3A_404 : i32
            %get3A_503 = arith.index_cast %while3A_392 : i32 to index
            %get3A_504 = arith.constant 128 : index
            %get3A_505 = tpu.vector_load %arg16[%get3A_503, %get3A_504] {strides = array<i32>} : memref<32x384xf32, #tpu.memory_space<vmem>>, vector<1x16xf32>,
            %get3A_506 = vector.shape_cast %get3A_505 : vector<1x16xf32> to vector<16xf32>
            %mul3A_507 = arith.mulf %get3A_506, %get3A_412 : vector<16xf32>
            %swap3A_508 = arith.index_cast %add3A_502 : i32 to index
            %swap3A_509 = tpu.vector_load %arg15[%swap3A_508] {strides = array<i32>} : memref<51376xf32, #tpu.memory_space<vmem>>, vector<16xf32>,
            %swap3A_510 = vector.shape_cast %swap3A_509 : vector<16xf32> to vector<16xf32>
            %swap3A_511 = vector.shape_cast %mul3A_507 : vector<16xf32> to vector<16xf32>
            tpu.vector_store %arg15[%swap3A_508], %swap3A_511 {add = true, strides = array<i32>} : memref<51376xf32, #tpu.memory_space<vmem>>, vector<16xf32>,
            %get3A_512 = arith.index_cast %while3A_392 : i32 to index
            %get3A_513 = arith.constant 144 : index
            %get3A_514 = tpu.vector_load %arg16[%get3A_512, %get3A_513] {strides = array<i32>} : memref<32x384xf32, #tpu.memory_space<vmem>>, vector<1x16xf32>,
            %get3A_515 = vector.shape_cast %get3A_514 : vector<1x16xf32> to vector<16xf32>
            %mul3A_516 = arith.mulf %get3A_515, %get3A_412 : vector<16xf32>
            %add3A_517 = arith.constant 16 : i32
            %add3A_518 = arith.addi %add3A_502, %add3A_517 : i32
            %swap3A_519 = arith.index_cast %add3A_518 : i32 to index
            %swap3A_520 = tpu.vector_load %arg15[%swap3A_519] {strides = array<i32>} : memref<51376xf32, #tpu.memory_space<vmem>>, vector<16xf32>,
            %swap3A_521 = vector.shape_cast %swap3A_520 : vector<16xf32> to vector<16xf32>
            %swap3A_522 = vector.shape_cast %mul3A_516 : vector<16xf32> to vector<16xf32>
            tpu.vector_store %arg15[%swap3A_519], %swap3A_522 {add = true, strides = array<i32>} : memref<51376xf32, #tpu.memory_space<vmem>>, vector<16xf32>,
            %add3A_523 = arith.constant 25680 : i32
            %add3A_524 = arith.addi %add3A_523, %mul3A_404 : i32
            %get3A_525 = arith.index_cast %while3A_392 : i32 to index
            %get3A_526 = arith.constant 160 : index
            %get3A_527 = tpu.vector_load %arg16[%get3A_525, %get3A_526] {strides = array<i32>} : memref<32x384xf32, #tpu.memory_space<vmem>>, vector<1x16xf32>,
            %get3A_528 = vector.shape_cast %get3A_527 : vector<1x16xf32> to vector<16xf32>
            %mul3A_529 = arith.mulf %get3A_528, %get3A_412 : vector<16xf32>
            %swap3A_530 = arith.index_cast %add3A_524 : i32 to index
            %swap3A_531 = tpu.vector_load %arg15[%swap3A_530] {strides = array<i32>} : memref<51376xf32, #tpu.memory_space<vmem>>, vector<16xf32>,
            %swap3A_532 = vector.shape_cast %swap3A_531 : vector<16xf32> to vector<16xf32>
            %swap3A_533 = vector.shape_cast %mul3A_529 : vector<16xf32> to vector<16xf32>
            tpu.vector_store %arg15[%swap3A_530], %swap3A_533 {add = true, strides = array<i32>} : memref<51376xf32, #tpu.memory_space<vmem>>, vector<16xf32>,
            %get3A_534 = arith.index_cast %while3A_392 : i32 to index
            %get3A_535 = arith.constant 176 : index
            %get3A_536 = tpu.vector_load %arg16[%get3A_534, %get3A_535] {strides = array<i32>} : memref<32x384xf32, #tpu.memory_space<vmem>>, vector<1x16xf32>,
            %get3A_537 = vector.shape_cast %get3A_536 : vector<1x16xf32> to vector<16xf32>
            %mul3A_538 = arith.mulf %get3A_537, %get3A_412 : vector<16xf32>
            %add3A_539 = arith.constant 16 : i32
            %add3A_540 = arith.addi %add3A_524, %add3A_539 : i32
            %swap3A_541 = arith.index_cast %add3A_540 : i32 to index
            %swap3A_542 = tpu.vector_load %arg15[%swap3A_541] {strides = array<i32>} : memref<51376xf32, #tpu.memory_space<vmem>>, vector<16xf32>,
            %swap3A_543 = vector.shape_cast %swap3A_542 : vector<16xf32> to vector<16xf32>
            %swap3A_544 = vector.shape_cast %mul3A_538 : vector<16xf32> to vector<16xf32>
            tpu.vector_store %arg15[%swap3A_541], %swap3A_544 {add = true, strides = array<i32>} : memref<51376xf32, #tpu.memory_space<vmem>>, vector<16xf32>,
            %add3A_545 = arith.constant 30816 : i32
            %add3A_546 = arith.addi %add3A_545, %mul3A_404 : i32
            %get3A_547 = arith.index_cast %while3A_392 : i32 to index
            %get3A_548 = arith.constant 192 : index
            %get3A_549 = tpu.vector_load %arg16[%get3A_547, %get3A_548] {strides = array<i32>} : memref<32x384xf32, #tpu.memory_space<vmem>>, vector<1x16xf32>,
            %get3A_550 = vector.shape_cast %get3A_549 : vector<1x16xf32> to vector<16xf32>
            %mul3A_551 = arith.mulf %get3A_550, %get3A_412 : vector<16xf32>
            %swap3A_552 = arith.index_cast %add3A_546 : i32 to index
            %swap3A_553 = tpu.vector_load %arg15[%swap3A_552] {strides = array<i32>} : memref<51376xf32, #tpu.memory_space<vmem>>, vector<16xf32>,
            %swap3A_554 = vector.shape_cast %swap3A_553 : vector<16xf32> to vector<16xf32>
            %swap3A_555 = vector.shape_cast %mul3A_551 : vector<16xf32> to vector<16xf32>
            tpu.vector_store %arg15[%swap3A_552], %swap3A_555 {add = true, strides = array<i32>} : memref<51376xf32, #tpu.memory_space<vmem>>, vector<16xf32>,
            %get3A_556 = arith.index_cast %while3A_392 : i32 to index
            %get3A_557 = arith.constant 208 : index
            %get3A_558 = tpu.vector_load %arg16[%get3A_556, %get3A_557] {strides = array<i32>} : memref<32x384xf32, #tpu.memory_space<vmem>>, vector<1x16xf32>,
            %get3A_559 = vector.shape_cast %get3A_558 : vector<1x16xf32> to vector<16xf32>
            %mul3A_560 = arith.mulf %get3A_559, %get3A_412 : vector<16xf32>
            %add3A_561 = arith.constant 16 : i32
            %add3A_562 = arith.addi %add3A_546, %add3A_561 : i32
            %swap3A_563 = arith.index_cast %add3A_562 : i32 to index
            %swap3A_564 = tpu.vector_load %arg15[%swap3A_563] {strides = array<i32>} : memref<51376xf32, #tpu.memory_space<vmem>>, vector<16xf32>,
            %swap3A_565 = vector.shape_cast %swap3A_564 : vector<16xf32> to vector<16xf32>
            %swap3A_566 = vector.shape_cast %mul3A_560 : vector<16xf32> to vector<16xf32>
            tpu.vector_store %arg15[%swap3A_563], %swap3A_566 {add = true, strides = array<i32>} : memref<51376xf32, #tpu.memory_space<vmem>>, vector<16xf32>,
            %add3A_567 = arith.constant 35952 : i32
            %add3A_568 = arith.addi %add3A_567, %mul3A_404 : i32
            %get3A_569 = arith.index_cast %while3A_392 : i32 to index
            %get3A_570 = arith.constant 224 : index
            %get3A_571 = tpu.vector_load %arg16[%get3A_569, %get3A_570] {strides = array<i32>} : memref<32x384xf32, #tpu.memory_space<vmem>>, vector<1x16xf32>,
            %get3A_572 = vector.shape_cast %get3A_571 : vector<1x16xf32> to vector<16xf32>
            %mul3A_573 = arith.mulf %get3A_572, %get3A_412 : vector<16xf32>
            %swap3A_574 = arith.index_cast %add3A_568 : i32 to index
            %swap3A_575 = tpu.vector_load %arg15[%swap3A_574] {strides = array<i32>} : memref<51376xf32, #tpu.memory_space<vmem>>, vector<16xf32>,
            %swap3A_576 = vector.shape_cast %swap3A_575 : vector<16xf32> to vector<16xf32>
            %swap3A_577 = vector.shape_cast %mul3A_573 : vector<16xf32> to vector<16xf32>
            tpu.vector_store %arg15[%swap3A_574], %swap3A_577 {add = true, strides = array<i32>} : memref<51376xf32, #tpu.memory_space<vmem>>, vector<16xf32>,
            %get3A_578 = arith.index_cast %while3A_392 : i32 to index
            %get3A_579 = arith.constant 240 : index
            %get3A_580 = tpu.vector_load %arg16[%get3A_578, %get3A_579] {strides = array<i32>} : memref<32x384xf32, #tpu.memory_space<vmem>>, vector<1x16xf32>,
            %get3A_581 = vector.shape_cast %get3A_580 : vector<1x16xf32> to vector<16xf32>
            %mul3A_582 = arith.mulf %get3A_581, %get3A_412 : vector<16xf32>
            %add3A_583 = arith.constant 16 : i32
            %add3A_584 = arith.addi %add3A_568, %add3A_583 : i32
            %swap3A_585 = arith.index_cast %add3A_584 : i32 to index
            %swap3A_586 = tpu.vector_load %arg15[%swap3A_585] {strides = array<i32>} : memref<51376xf32, #tpu.memory_space<vmem>>, vector<16xf32>,
            %swap3A_587 = vector.shape_cast %swap3A_586 : vector<16xf32> to vector<16xf32>
            %swap3A_588 = vector.shape_cast %mul3A_582 : vector<16xf32> to vector<16xf32>
            tpu.vector_store %arg15[%swap3A_585], %swap3A_588 {add = true, strides = array<i32>} : memref<51376xf32, #tpu.memory_space<vmem>>, vector<16xf32>,
            %add3A_589 = arith.constant 41088 : i32
            %add3A_590 = arith.addi %add3A_589, %mul3A_404 : i32
            %get3A_591 = arith.index_cast %while3A_392 : i32 to index
            %get3A_592 = arith.constant 256 : index
            %get3A_593 = tpu.vector_load %arg16[%get3A_591, %get3A_592] {strides = array<i32>} : memref<32x384xf32, #tpu.memory_space<vmem>>, vector<1x16xf32>,
            %get3A_594 = vector.shape_cast %get3A_593 : vector<1x16xf32> to vector<16xf32>
            %mul3A_595 = arith.mulf %get3A_594, %get3A_412 : vector<16xf32>
            %swap3A_596 = arith.index_cast %add3A_590 : i32 to index
            %swap3A_597 = tpu.vector_load %arg15[%swap3A_596] {strides = array<i32>} : memref<51376xf32, #tpu.memory_space<vmem>>, vector<16xf32>,
            %swap3A_598 = vector.shape_cast %swap3A_597 : vector<16xf32> to vector<16xf32>
            %swap3A_599 = vector.shape_cast %mul3A_595 : vector<16xf32> to vector<16xf32>
            tpu.vector_store %arg15[%swap3A_596], %swap3A_599 {add = true, strides = array<i32>} : memref<51376xf32, #tpu.memory_space<vmem>>, vector<16xf32>,
            %get3A_600 = arith.index_cast %while3A_392 : i32 to index
            %get3A_601 = arith.constant 272 : index
            %get3A_602 = tpu.vector_load %arg16[%get3A_600, %get3A_601] {strides = array<i32>} : memref<32x384xf32, #tpu.memory_space<vmem>>, vector<1x16xf32>,
            %get3A_603 = vector.shape_cast %get3A_602 : vector<1x16xf32> to vector<16xf32>
            %mul3A_604 = arith.mulf %get3A_603, %get3A_412 : vector<16xf32>
            %add3A_605 = arith.constant 16 : i32
            %add3A_606 = arith.addi %add3A_590, %add3A_605 : i32
            %swap3A_607 = arith.index_cast %add3A_606 : i32 to index
            %swap3A_608 = tpu.vector_load %arg15[%swap3A_607] {strides = array<i32>} : memref<51376xf32, #tpu.memory_space<vmem>>, vector<16xf32>,
            %swap3A_609 = vector.shape_cast %swap3A_608 : vector<16xf32> to vector<16xf32>
            %swap3A_610 = vector.shape_cast %mul3A_604 : vector<16xf32> to vector<16xf32>
            tpu.vector_store %arg15[%swap3A_607], %swap3A_610 {add = true, strides = array<i32>} : memref<51376xf32, #tpu.memory_space<vmem>>, vector<16xf32>,
            %add3A_611 = arith.constant 46224 : i32
            %add3A_612 = arith.addi %add3A_611, %mul3A_404 : i32
            %get3A_613 = arith.index_cast %while3A_392 : i32 to index
            %get3A_614 = arith.constant 288 : index
            %get3A_615 = tpu.vector_load %arg16[%get3A_613, %get3A_614] {strides = array<i32>} : memref<32x384xf32, #tpu.memory_space<vmem>>, vector<1x16xf32>,
            %get3A_616 = vector.shape_cast %get3A_615 : vector<1x16xf32> to vector<16xf32>
            %mul3A_617 = arith.mulf %get3A_616, %get3A_412 : vector<16xf32>
            %swap3A_618 = arith.index_cast %add3A_612 : i32 to index
            %swap3A_619 = tpu.vector_load %arg15[%swap3A_618] {strides = array<i32>} : memref<51376xf32, #tpu.memory_space<vmem>>, vector<16xf32>,
            %swap3A_620 = vector.shape_cast %swap3A_619 : vector<16xf32> to vector<16xf32>
            %swap3A_621 = vector.shape_cast %mul3A_617 : vector<16xf32> to vector<16xf32>
            tpu.vector_store %arg15[%swap3A_618], %swap3A_621 {add = true, strides = array<i32>} : memref<51376xf32, #tpu.memory_space<vmem>>, vector<16xf32>,
            %get3A_622 = arith.index_cast %while3A_392 : i32 to index
            %get3A_623 = arith.constant 304 : index
            %get3A_624 = tpu.vector_load %arg16[%get3A_622, %get3A_623] {strides = array<i32>} : memref<32x384xf32, #tpu.memory_space<vmem>>, vector<1x16xf32>,
            %get3A_625 = vector.shape_cast %get3A_624 : vector<1x16xf32> to vector<16xf32>
            %mul3A_626 = arith.mulf %get3A_625, %get3A_412 : vector<16xf32>
            %add3A_627 = arith.constant 16 : i32
            %add3A_628 = arith.addi %add3A_612, %add3A_627 : i32
            %swap3A_629 = arith.index_cast %add3A_628 : i32 to index
            %swap3A_630 = tpu.vector_load %arg15[%swap3A_629] {strides = array<i32>} : memref<51376xf32, #tpu.memory_space<vmem>>, vector<16xf32>,
            %swap3A_631 = vector.shape_cast %swap3A_630 : vector<16xf32> to vector<16xf32>
            %swap3A_632 = vector.shape_cast %mul3A_626 : vector<16xf32> to vector<16xf32>
            tpu.vector_store %arg15[%swap3A_629], %swap3A_632 {add = true, strides = array<i32>} : memref<51376xf32, #tpu.memory_space<vmem>>, vector<16xf32>,
          }
          %while3A_391 = arith.constant 1 : i32
          scf.for %while3A_392 = %while3A_389 to %while3A_385 step %while3A_391  : i32 {
            %mul3A_393 = arith.constant 32 : i32
            %mul3A_394 = arith.muli %while3A_344, %mul3A_393 : i32
            %add3A_395 = arith.addi %squeeze3A, %mul3A_394 : i32
            %add3A_396 = arith.addi %add3A_395, %while3A_392 : i32
            %get3A_397 = arith.index_cast %add3A_396 : i32 to index
            %get3A_398 = tpu.vector_load %arg10[%get3A_397] {strides = array<i32>} : memref<4352xi32, #tpu.memory_space<vmem>>, vector<16xi32>,
            %get3A_399 = vector.shape_cast %get3A_398 : vector<16xi32> to vector<16xi32>
            %slice3A_400 = vector.extract_strided_slice %get3A_399 {offsets = [0], sizes = [1], strides = [1]} : vector<16xi32> to vector<1xi32>
            %squeeze3A_401 = vector.extract %slice3A_400[0] : i32 from vector<1xi32>
            %shift_right_logical3A = arith.constant 12 : i32
            %shift_right_logical3A_402 = arith.shrui %squeeze3A_401, %shift_right_logical3A : i32
            %mul3A_403 = arith.constant 20 : i32
            %mul3A_404 = arith.muli %shift_right_logical3A_402, %mul3A_403 : i32
            %mul3A_405 = arith.constant 16 : i32
            %mul3A_406 = arith.muli %mul3A_405, %scan3A_62 : i32
            %add3A_407 = arith.constant 320 : i32
            %add3A_408 = arith.addi %add3A_407, %mul3A_406 : i32
            %get3A_409 = arith.index_cast %while3A_392 : i32 to index
            %get3A_410 = arith.index_cast %add3A_408 : i32 to index
            %get3A_411 = tpu.vector_load %arg16[%get3A_409, %get3A_410] {strides = array<i32>} : memref<32x384xf32, #tpu.memory_space<vmem>>, vector<1x16xf32>,
            %get3A_412 = vector.shape_cast %get3A_411 : vector<1x16xf32> to vector<16xf32>
            %add3A_413 = arith.constant 0 : i32
            %add3A_414 = arith.addi %add3A_413, %mul3A_404 : i32
            %get3A_415 = arith.index_cast %while3A_392 : i32 to index
            %get3A_416 = arith.constant 0 : index
            %get3A_417 = tpu.vector_load %arg16[%get3A_415, %get3A_416] {strides = array<i32>} : memref<32x384xf32, #tpu.memory_space<vmem>>, vector<1x16xf32>,
            %get3A_418 = vector.shape_cast %get3A_417 : vector<1x16xf32> to vector<16xf32>
            %mul3A_419 = arith.mulf %get3A_418, %get3A_412 : vector<16xf32>
            %swap3A_420 = arith.index_cast %add3A_414 : i32 to index
            %swap3A_421 = tpu.vector_load %arg15[%swap3A_420] {strides = array<i32>} : memref<51376xf32, #tpu.memory_space<vmem>>, vector<16xf32>,
            %swap3A_422 = vector.shape_cast %swap3A_421 : vector<16xf32> to vector<16xf32>
            %swap3A_423 = vector.shape_cast %mul3A_419 : vector<16xf32> to vector<16xf32>
            tpu.vector_store %arg15[%swap3A_420], %swap3A_423 {add = true, strides = array<i32>} : memref<51376xf32, #tpu.memory_space<vmem>>, vector<16xf32>,
            %get3A_424 = arith.index_cast %while3A_392 : i32 to index
            %get3A_425 = arith.constant 16 : index
            %get3A_426 = tpu.vector_load %arg16[%get3A_424, %get3A_425] {strides = array<i32>} : memref<32x384xf32, #tpu.memory_space<vmem>>, vector<1x16xf32>,
            %get3A_427 = vector.shape_cast %get3A_426 : vector<1x16xf32> to vector<16xf32>
            %mul3A_428 = arith.mulf %get3A_427, %get3A_412 : vector<16xf32>
            %add3A_429 = arith.constant 16 : i32
            %add3A_430 = arith.addi %add3A_414, %add3A_429 : i32
            %swap3A_431 = arith.index_cast %add3A_430 : i32 to index
            %swap3A_432 = tpu.vector_load %arg15[%swap3A_431] {strides = array<i32>} : memref<51376xf32, #tpu.memory_space<vmem>>, vector<16xf32>,
            %swap3A_433 = vector.shape_cast %swap3A_432 : vector<16xf32> to vector<16xf32>
            %swap3A_434 = vector.shape_cast %mul3A_428 : vector<16xf32> to vector<16xf32>
            tpu.vector_store %arg15[%swap3A_431], %swap3A_434 {add = true, strides = array<i32>} : memref<51376xf32, #tpu.memory_space<vmem>>, vector<16xf32>,
            %add3A_435 = arith.constant 5136 : i32
            %add3A_436 = arith.addi %add3A_435, %mul3A_404 : i32
            %get3A_437 = arith.index_cast %while3A_392 : i32 to index
            %get3A_438 = arith.constant 32 : index
            %get3A_439 = tpu.vector_load %arg16[%get3A_437, %get3A_438] {strides = array<i32>} : memref<32x384xf32, #tpu.memory_space<vmem>>, vector<1x16xf32>,
            %get3A_440 = vector.shape_cast %get3A_439 : vector<1x16xf32> to vector<16xf32>
            %mul3A_441 = arith.mulf %get3A_440, %get3A_412 : vector<16xf32>
            %swap3A_442 = arith.index_cast %add3A_436 : i32 to index
            %swap3A_443 = tpu.vector_load %arg15[%swap3A_442] {strides = array<i32>} : memref<51376xf32, #tpu.memory_space<vmem>>, vector<16xf32>,
            %swap3A_444 = vector.shape_cast %swap3A_443 : vector<16xf32> to vector<16xf32>
            %swap3A_445 = vector.shape_cast %mul3A_441 : vector<16xf32> to vector<16xf32>
            tpu.vector_store %arg15[%swap3A_442], %swap3A_445 {add = true, strides = array<i32>} : memref<51376xf32, #tpu.memory_space<vmem>>, vector<16xf32>,
            %get3A_446 = arith.index_cast %while3A_392 : i32 to index
            %get3A_447 = arith.constant 48 : index
            %get3A_448 = tpu.vector_load %arg16[%get3A_446, %get3A_447] {strides = array<i32>} : memref<32x384xf32, #tpu.memory_space<vmem>>, vector<1x16xf32>,
            %get3A_449 = vector.shape_cast %get3A_448 : vector<1x16xf32> to vector<16xf32>
            %mul3A_450 = arith.mulf %get3A_449, %get3A_412 : vector<16xf32>
            %add3A_451 = arith.constant 16 : i32
            %add3A_452 = arith.addi %add3A_436, %add3A_451 : i32
            %swap3A_453 = arith.index_cast %add3A_452 : i32 to index
            %swap3A_454 = tpu.vector_load %arg15[%swap3A_453] {strides = array<i32>} : memref<51376xf32, #tpu.memory_space<vmem>>, vector<16xf32>,
            %swap3A_455 = vector.shape_cast %swap3A_454 : vector<16xf32> to vector<16xf32>
            %swap3A_456 = vector.shape_cast %mul3A_450 : vector<16xf32> to vector<16xf32>
            tpu.vector_store %arg15[%swap3A_453], %swap3A_456 {add = true, strides = array<i32>} : memref<51376xf32, #tpu.memory_space<vmem>>, vector<16xf32>,
            %add3A_457 = arith.constant 10272 : i32
            %add3A_458 = arith.addi %add3A_457, %mul3A_404 : i32
            %get3A_459 = arith.index_cast %while3A_392 : i32 to index
            %get3A_460 = arith.constant 64 : index
            %get3A_461 = tpu.vector_load %arg16[%get3A_459, %get3A_460] {strides = array<i32>} : memref<32x384xf32, #tpu.memory_space<vmem>>, vector<1x16xf32>,
            %get3A_462 = vector.shape_cast %get3A_461 : vector<1x16xf32> to vector<16xf32>
            %mul3A_463 = arith.mulf %get3A_462, %get3A_412 : vector<16xf32>
            %swap3A_464 = arith.index_cast %add3A_458 : i32 to index
            %swap3A_465 = tpu.vector_load %arg15[%swap3A_464] {strides = array<i32>} : memref<51376xf32, #tpu.memory_space<vmem>>, vector<16xf32>,
            %swap3A_466 = vector.shape_cast %swap3A_465 : vector<16xf32> to vector<16xf32>
            %swap3A_467 = vector.shape_cast %mul3A_463 : vector<16xf32> to vector<16xf32>
            tpu.vector_store %arg15[%swap3A_464], %swap3A_467 {add = true, strides = array<i32>} : memref<51376xf32, #tpu.memory_space<vmem>>, vector<16xf32>,
            %get3A_468 = arith.index_cast %while3A_392 : i32 to index
            %get3A_469 = arith.constant 80 : index
            %get3A_470 = tpu.vector_load %arg16[%get3A_468, %get3A_469] {strides = array<i32>} : memref<32x384xf32, #tpu.memory_space<vmem>>, vector<1x16xf32>,
            %get3A_471 = vector.shape_cast %get3A_470 : vector<1x16xf32> to vector<16xf32>
            %mul3A_472 = arith.mulf %get3A_471, %get3A_412 : vector<16xf32>
            %add3A_473 = arith.constant 16 : i32
            %add3A_474 = arith.addi %add3A_458, %add3A_473 : i32
            %swap3A_475 = arith.index_cast %add3A_474 : i32 to index
            %swap3A_476 = tpu.vector_load %arg15[%swap3A_475] {strides = array<i32>} : memref<51376xf32, #tpu.memory_space<vmem>>, vector<16xf32>,
            %swap3A_477 = vector.shape_cast %swap3A_476 : vector<16xf32> to vector<16xf32>
            %swap3A_478 = vector.shape_cast %mul3A_472 : vector<16xf32> to vector<16xf32>
            tpu.vector_store %arg15[%swap3A_475], %swap3A_478 {add = true, strides = array<i32>} : memref<51376xf32, #tpu.memory_space<vmem>>, vector<16xf32>,
            %add3A_479 = arith.constant 15408 : i32
            %add3A_480 = arith.addi %add3A_479, %mul3A_404 : i32
            %get3A_481 = arith.index_cast %while3A_392 : i32 to index
            %get3A_482 = arith.constant 96 : index
            %get3A_483 = tpu.vector_load %arg16[%get3A_481, %get3A_482] {strides = array<i32>} : memref<32x384xf32, #tpu.memory_space<vmem>>, vector<1x16xf32>,
            %get3A_484 = vector.shape_cast %get3A_483 : vector<1x16xf32> to vector<16xf32>
            %mul3A_485 = arith.mulf %get3A_484, %get3A_412 : vector<16xf32>
            %swap3A_486 = arith.index_cast %add3A_480 : i32 to index
            %swap3A_487 = tpu.vector_load %arg15[%swap3A_486] {strides = array<i32>} : memref<51376xf32, #tpu.memory_space<vmem>>, vector<16xf32>,
            %swap3A_488 = vector.shape_cast %swap3A_487 : vector<16xf32> to vector<16xf32>
            %swap3A_489 = vector.shape_cast %mul3A_485 : vector<16xf32> to vector<16xf32>
            tpu.vector_store %arg15[%swap3A_486], %swap3A_489 {add = true, strides = array<i32>} : memref<51376xf32, #tpu.memory_space<vmem>>, vector<16xf32>,
            %get3A_490 = arith.index_cast %while3A_392 : i32 to index
            %get3A_491 = arith.constant 112 : index
            %get3A_492 = tpu.vector_load %arg16[%get3A_490, %get3A_491] {strides = array<i32>} : memref<32x384xf32, #tpu.memory_space<vmem>>, vector<1x16xf32>,
            %get3A_493 = vector.shape_cast %get3A_492 : vector<1x16xf32> to vector<16xf32>
            %mul3A_494 = arith.mulf %get3A_493, %get3A_412 : vector<16xf32>
            %add3A_495 = arith.constant 16 : i32
            %add3A_496 = arith.addi %add3A_480, %add3A_495 : i32
            %swap3A_497 = arith.index_cast %add3A_496 : i32 to index
            %swap3A_498 = tpu.vector_load %arg15[%swap3A_497] {strides = array<i32>} : memref<51376xf32, #tpu.memory_space<vmem>>, vector<16xf32>,
            %swap3A_499 = vector.shape_cast %swap3A_498 : vector<16xf32> to vector<16xf32>
            %swap3A_500 = vector.shape_cast %mul3A_494 : vector<16xf32> to vector<16xf32>
            tpu.vector_store %arg15[%swap3A_497], %swap3A_500 {add = true, strides = array<i32>} : memref<51376xf32, #tpu.memory_space<vmem>>, vector<16xf32>,
            %add3A_501 = arith.constant 20544 : i32
            %add3A_502 = arith.addi %add3A_501, %mul3A_404 : i32
            %get3A_503 = arith.index_cast %while3A_392 : i32 to index
            %get3A_504 = arith.constant 128 : index
            %get3A_505 = tpu.vector_load %arg16[%get3A_503, %get3A_504] {strides = array<i32>} : memref<32x384xf32, #tpu.memory_space<vmem>>, vector<1x16xf32>,
            %get3A_506 = vector.shape_cast %get3A_505 : vector<1x16xf32> to vector<16xf32>
            %mul3A_507 = arith.mulf %get3A_506, %get3A_412 : vector<16xf32>
            %swap3A_508 = arith.index_cast %add3A_502 : i32 to index
            %swap3A_509 = tpu.vector_load %arg15[%swap3A_508] {strides = array<i32>} : memref<51376xf32, #tpu.memory_space<vmem>>, vector<16xf32>,
            %swap3A_510 = vector.shape_cast %swap3A_509 : vector<16xf32> to vector<16xf32>
            %swap3A_511 = vector.shape_cast %mul3A_507 : vector<16xf32> to vector<16xf32>
            tpu.vector_store %arg15[%swap3A_508], %swap3A_511 {add = true, strides = array<i32>} : memref<51376xf32, #tpu.memory_space<vmem>>, vector<16xf32>,
            %get3A_512 = arith.index_cast %while3A_392 : i32 to index
            %get3A_513 = arith.constant 144 : index
            %get3A_514 = tpu.vector_load %arg16[%get3A_512, %get3A_513] {strides = array<i32>} : memref<32x384xf32, #tpu.memory_space<vmem>>, vector<1x16xf32>,
            %get3A_515 = vector.shape_cast %get3A_514 : vector<1x16xf32> to vector<16xf32>
            %mul3A_516 = arith.mulf %get3A_515, %get3A_412 : vector<16xf32>
            %add3A_517 = arith.constant 16 : i32
            %add3A_518 = arith.addi %add3A_502, %add3A_517 : i32
            %swap3A_519 = arith.index_cast %add3A_518 : i32 to index
            %swap3A_520 = tpu.vector_load %arg15[%swap3A_519] {strides = array<i32>} : memref<51376xf32, #tpu.memory_space<vmem>>, vector<16xf32>,
            %swap3A_521 = vector.shape_cast %swap3A_520 : vector<16xf32> to vector<16xf32>
            %swap3A_522 = vector.shape_cast %mul3A_516 : vector<16xf32> to vector<16xf32>
            tpu.vector_store %arg15[%swap3A_519], %swap3A_522 {add = true, strides = array<i32>} : memref<51376xf32, #tpu.memory_space<vmem>>, vector<16xf32>,
            %add3A_523 = arith.constant 25680 : i32
            %add3A_524 = arith.addi %add3A_523, %mul3A_404 : i32
            %get3A_525 = arith.index_cast %while3A_392 : i32 to index
            %get3A_526 = arith.constant 160 : index
            %get3A_527 = tpu.vector_load %arg16[%get3A_525, %get3A_526] {strides = array<i32>} : memref<32x384xf32, #tpu.memory_space<vmem>>, vector<1x16xf32>,
            %get3A_528 = vector.shape_cast %get3A_527 : vector<1x16xf32> to vector<16xf32>
            %mul3A_529 = arith.mulf %get3A_528, %get3A_412 : vector<16xf32>
            %swap3A_530 = arith.index_cast %add3A_524 : i32 to index
            %swap3A_531 = tpu.vector_load %arg15[%swap3A_530] {strides = array<i32>} : memref<51376xf32, #tpu.memory_space<vmem>>, vector<16xf32>,
            %swap3A_532 = vector.shape_cast %swap3A_531 : vector<16xf32> to vector<16xf32>
            %swap3A_533 = vector.shape_cast %mul3A_529 : vector<16xf32> to vector<16xf32>
            tpu.vector_store %arg15[%swap3A_530], %swap3A_533 {add = true, strides = array<i32>} : memref<51376xf32, #tpu.memory_space<vmem>>, vector<16xf32>,
            %get3A_534 = arith.index_cast %while3A_392 : i32 to index
            %get3A_535 = arith.constant 176 : index
            %get3A_536 = tpu.vector_load %arg16[%get3A_534, %get3A_535] {strides = array<i32>} : memref<32x384xf32, #tpu.memory_space<vmem>>, vector<1x16xf32>,
            %get3A_537 = vector.shape_cast %get3A_536 : vector<1x16xf32> to vector<16xf32>
            %mul3A_538 = arith.mulf %get3A_537, %get3A_412 : vector<16xf32>
            %add3A_539 = arith.constant 16 : i32
            %add3A_540 = arith.addi %add3A_524, %add3A_539 : i32
            %swap3A_541 = arith.index_cast %add3A_540 : i32 to index
            %swap3A_542 = tpu.vector_load %arg15[%swap3A_541] {strides = array<i32>} : memref<51376xf32, #tpu.memory_space<vmem>>, vector<16xf32>,
            %swap3A_543 = vector.shape_cast %swap3A_542 : vector<16xf32> to vector<16xf32>
            %swap3A_544 = vector.shape_cast %mul3A_538 : vector<16xf32> to vector<16xf32>
            tpu.vector_store %arg15[%swap3A_541], %swap3A_544 {add = true, strides = array<i32>} : memref<51376xf32, #tpu.memory_space<vmem>>, vector<16xf32>,
            %add3A_545 = arith.constant 30816 : i32
            %add3A_546 = arith.addi %add3A_545, %mul3A_404 : i32
            %get3A_547 = arith.index_cast %while3A_392 : i32 to index
            %get3A_548 = arith.constant 192 : index
            %get3A_549 = tpu.vector_load %arg16[%get3A_547, %get3A_548] {strides = array<i32>} : memref<32x384xf32, #tpu.memory_space<vmem>>, vector<1x16xf32>,
            %get3A_550 = vector.shape_cast %get3A_549 : vector<1x16xf32> to vector<16xf32>
            %mul3A_551 = arith.mulf %get3A_550, %get3A_412 : vector<16xf32>
            %swap3A_552 = arith.index_cast %add3A_546 : i32 to index
            %swap3A_553 = tpu.vector_load %arg15[%swap3A_552] {strides = array<i32>} : memref<51376xf32, #tpu.memory_space<vmem>>, vector<16xf32>,
            %swap3A_554 = vector.shape_cast %swap3A_553 : vector<16xf32> to vector<16xf32>
            %swap3A_555 = vector.shape_cast %mul3A_551 : vector<16xf32> to vector<16xf32>
            tpu.vector_store %arg15[%swap3A_552], %swap3A_555 {add = true, strides = array<i32>} : memref<51376xf32, #tpu.memory_space<vmem>>, vector<16xf32>,
            %get3A_556 = arith.index_cast %while3A_392 : i32 to index
            %get3A_557 = arith.constant 208 : index
            %get3A_558 = tpu.vector_load %arg16[%get3A_556, %get3A_557] {strides = array<i32>} : memref<32x384xf32, #tpu.memory_space<vmem>>, vector<1x16xf32>,
            %get3A_559 = vector.shape_cast %get3A_558 : vector<1x16xf32> to vector<16xf32>
            %mul3A_560 = arith.mulf %get3A_559, %get3A_412 : vector<16xf32>
            %add3A_561 = arith.constant 16 : i32
            %add3A_562 = arith.addi %add3A_546, %add3A_561 : i32
            %swap3A_563 = arith.index_cast %add3A_562 : i32 to index
            %swap3A_564 = tpu.vector_load %arg15[%swap3A_563] {strides = array<i32>} : memref<51376xf32, #tpu.memory_space<vmem>>, vector<16xf32>,
            %swap3A_565 = vector.shape_cast %swap3A_564 : vector<16xf32> to vector<16xf32>
            %swap3A_566 = vector.shape_cast %mul3A_560 : vector<16xf32> to vector<16xf32>
            tpu.vector_store %arg15[%swap3A_563], %swap3A_566 {add = true, strides = array<i32>} : memref<51376xf32, #tpu.memory_space<vmem>>, vector<16xf32>,
            %add3A_567 = arith.constant 35952 : i32
            %add3A_568 = arith.addi %add3A_567, %mul3A_404 : i32
            %get3A_569 = arith.index_cast %while3A_392 : i32 to index
            %get3A_570 = arith.constant 224 : index
            %get3A_571 = tpu.vector_load %arg16[%get3A_569, %get3A_570] {strides = array<i32>} : memref<32x384xf32, #tpu.memory_space<vmem>>, vector<1x16xf32>,
            %get3A_572 = vector.shape_cast %get3A_571 : vector<1x16xf32> to vector<16xf32>
            %mul3A_573 = arith.mulf %get3A_572, %get3A_412 : vector<16xf32>
            %swap3A_574 = arith.index_cast %add3A_568 : i32 to index
            %swap3A_575 = tpu.vector_load %arg15[%swap3A_574] {strides = array<i32>} : memref<51376xf32, #tpu.memory_space<vmem>>, vector<16xf32>,
            %swap3A_576 = vector.shape_cast %swap3A_575 : vector<16xf32> to vector<16xf32>
            %swap3A_577 = vector.shape_cast %mul3A_573 : vector<16xf32> to vector<16xf32>
            tpu.vector_store %arg15[%swap3A_574], %swap3A_577 {add = true, strides = array<i32>} : memref<51376xf32, #tpu.memory_space<vmem>>, vector<16xf32>,
            %get3A_578 = arith.index_cast %while3A_392 : i32 to index
            %get3A_579 = arith.constant 240 : index
            %get3A_580 = tpu.vector_load %arg16[%get3A_578, %get3A_579] {strides = array<i32>} : memref<32x384xf32, #tpu.memory_space<vmem>>, vector<1x16xf32>,
            %get3A_581 = vector.shape_cast %get3A_580 : vector<1x16xf32> to vector<16xf32>
            %mul3A_582 = arith.mulf %get3A_581, %get3A_412 : vector<16xf32>
            %add3A_583 = arith.constant 16 : i32
            %add3A_584 = arith.addi %add3A_568, %add3A_583 : i32
            %swap3A_585 = arith.index_cast %add3A_584 : i32 to index
            %swap3A_586 = tpu.vector_load %arg15[%swap3A_585] {strides = array<i32>} : memref<51376xf32, #tpu.memory_space<vmem>>, vector<16xf32>,
            %swap3A_587 = vector.shape_cast %swap3A_586 : vector<16xf32> to vector<16xf32>
            %swap3A_588 = vector.shape_cast %mul3A_582 : vector<16xf32> to vector<16xf32>
            tpu.vector_store %arg15[%swap3A_585], %swap3A_588 {add = true, strides = array<i32>} : memref<51376xf32, #tpu.memory_space<vmem>>, vector<16xf32>,
            %add3A_589 = arith.constant 41088 : i32
            %add3A_590 = arith.addi %add3A_589, %mul3A_404 : i32
            %get3A_591 = arith.index_cast %while3A_392 : i32 to index
            %get3A_592 = arith.constant 256 : index
            %get3A_593 = tpu.vector_load %arg16[%get3A_591, %get3A_592] {strides = array<i32>} : memref<32x384xf32, #tpu.memory_space<vmem>>, vector<1x16xf32>,
            %get3A_594 = vector.shape_cast %get3A_593 : vector<1x16xf32> to vector<16xf32>
            %mul3A_595 = arith.mulf %get3A_594, %get3A_412 : vector<16xf32>
            %swap3A_596 = arith.index_cast %add3A_590 : i32 to index
            %swap3A_597 = tpu.vector_load %arg15[%swap3A_596] {strides = array<i32>} : memref<51376xf32, #tpu.memory_space<vmem>>, vector<16xf32>,
            %swap3A_598 = vector.shape_cast %swap3A_597 : vector<16xf32> to vector<16xf32>
            %swap3A_599 = vector.shape_cast %mul3A_595 : vector<16xf32> to vector<16xf32>
            tpu.vector_store %arg15[%swap3A_596], %swap3A_599 {add = true, strides = array<i32>} : memref<51376xf32, #tpu.memory_space<vmem>>, vector<16xf32>,
            %get3A_600 = arith.index_cast %while3A_392 : i32 to index
            %get3A_601 = arith.constant 272 : index
            %get3A_602 = tpu.vector_load %arg16[%get3A_600, %get3A_601] {strides = array<i32>} : memref<32x384xf32, #tpu.memory_space<vmem>>, vector<1x16xf32>,
            %get3A_603 = vector.shape_cast %get3A_602 : vector<1x16xf32> to vector<16xf32>
            %mul3A_604 = arith.mulf %get3A_603, %get3A_412 : vector<16xf32>
            %add3A_605 = arith.constant 16 : i32
            %add3A_606 = arith.addi %add3A_590, %add3A_605 : i32
            %swap3A_607 = arith.index_cast %add3A_606 : i32 to index
            %swap3A_608 = tpu.vector_load %arg15[%swap3A_607] {strides = array<i32>} : memref<51376xf32, #tpu.memory_space<vmem>>, vector<16xf32>,
            %swap3A_609 = vector.shape_cast %swap3A_608 : vector<16xf32> to vector<16xf32>
            %swap3A_610 = vector.shape_cast %mul3A_604 : vector<16xf32> to vector<16xf32>
            tpu.vector_store %arg15[%swap3A_607], %swap3A_610 {add = true, strides = array<i32>} : memref<51376xf32, #tpu.memory_space<vmem>>, vector<16xf32>,
            %add3A_611 = arith.constant 46224 : i32
            %add3A_612 = arith.addi %add3A_611, %mul3A_404 : i32
            %get3A_613 = arith.index_cast %while3A_392 : i32 to index
            %get3A_614 = arith.constant 288 : index
            %get3A_615 = tpu.vector_load %arg16[%get3A_613, %get3A_614] {strides = array<i32>} : memref<32x384xf32, #tpu.memory_space<vmem>>, vector<1x16xf32>,
            %get3A_616 = vector.shape_cast %get3A_615 : vector<1x16xf32> to vector<16xf32>
            %mul3A_617 = arith.mulf %get3A_616, %get3A_412 : vector<16xf32>
            %swap3A_618 = arith.index_cast %add3A_612 : i32 to index
            %swap3A_619 = tpu.vector_load %arg15[%swap3A_618] {strides = array<i32>} : memref<51376xf32, #tpu.memory_space<vmem>>, vector<16xf32>,
            %swap3A_620 = vector.shape_cast %swap3A_619 : vector<16xf32> to vector<16xf32>
            %swap3A_621 = vector.shape_cast %mul3A_617 : vector<16xf32> to vector<16xf32>
            tpu.vector_store %arg15[%swap3A_618], %swap3A_621 {add = true, strides = array<i32>} : memref<51376xf32, #tpu.memory_space<vmem>>, vector<16xf32>,
            %get3A_622 = arith.index_cast %while3A_392 : i32 to index
            %get3A_623 = arith.constant 304 : index
            %get3A_624 = tpu.vector_load %arg16[%get3A_622, %get3A_623] {strides = array<i32>} : memref<32x384xf32, #tpu.memory_space<vmem>>, vector<1x16xf32>,
            %get3A_625 = vector.shape_cast %get3A_624 : vector<1x16xf32> to vector<16xf32>
            %mul3A_626 = arith.mulf %get3A_625, %get3A_412 : vector<16xf32>
            %add3A_627 = arith.constant 16 : i32
            %add3A_628 = arith.addi %add3A_612, %add3A_627 : i32
            %swap3A_629 = arith.index_cast %add3A_628 : i32 to index
            %swap3A_630 = tpu.vector_load %arg15[%swap3A_629] {strides = array<i32>} : memref<51376xf32, #tpu.memory_space<vmem>>, vector<16xf32>,
            %swap3A_631 = vector.shape_cast %swap3A_630 : vector<16xf32> to vector<16xf32>
            %swap3A_632 = vector.shape_cast %mul3A_626 : vector<16xf32> to vector<16xf32>
            tpu.vector_store %arg15[%swap3A_629], %swap3A_632 {add = true, strides = array<i32>} : memref<51376xf32, #tpu.memory_space<vmem>>, vector<16xf32>,
          }
        }
        %add3A_281 = arith.constant 31 : i32
        %add3A_282 = arith.addi %sub3A_53, %add3A_281 : i32
        %jit3A_283 = arith.constant 32 : i32
        %div3A_284 = arith.divsi %add3A_282, %jit3A_283 : i32
        %sign3A_285 = arith.constant 0 : i32
        %sign3A_286 = arith.cmpi sgt, %add3A_282, %sign3A_285 : i32
        %sign3A_287 = arith.extui %sign3A_286 : i1 to i32
        %sign3A_288 = arith.constant 0 : i32
        %sign3A_289 = arith.cmpi slt, %add3A_282, %sign3A_288 : i32
        %sign3A_290 = arith.extui %sign3A_289 : i1 to i32
        %sign3A_291 = arith.subi %sign3A_287, %sign3A_290 : i32
        %sign3A_292 = arith.constant 0 : i32
        %sign3A_293 = arith.cmpi sgt, %jit3A_283, %sign3A_292 : i32
        %sign3A_294 = arith.extui %sign3A_293 : i1 to i32
        %sign3A_295 = arith.constant 0 : i32
        %sign3A_296 = arith.cmpi slt, %jit3A_283, %sign3A_295 : i32
        %sign3A_297 = arith.extui %sign3A_296 : i1 to i32
        %sign3A_298 = arith.subi %sign3A_294, %sign3A_297 : i32
        %ne3A_299 = arith.cmpi ne, %sign3A_291, %sign3A_298 : i32
        %rem3A_300 = arith.remsi %add3A_282, %jit3A_283 : i32
        %ne3A_301 = arith.constant 0 : i32
        %ne3A_302 = arith.cmpi ne, %rem3A_300, %ne3A_301 : i32
        %and3A_303 = arith.andi %ne3A_299, %ne3A_302 : i1
        %sub3A_304 = arith.constant 1 : i32
        %sub3A_305 = arith.subi %div3A_284, %sub3A_304 : i32
        %select_n3A_306 = arith.select %and3A_303, %sub3A_305, %div3A_284 : i32
        %while3A_307 = arith.constant 0 : i32
        %while3A_308 = arith.constant 0 : i32
        %while3A_309 = arith.subi %select_n3A_306, %while3A_308 : i32
        %while3A_310 = arith.addi %while3A_308, %while3A_309 : i32
        %while3A_311 = arith.constant 1 : i32
        %while3A_312 = arith.divsi %while3A_309, %while3A_311 : i32
        %while3A_313 = arith.muli %while3A_312, %while3A_311 : i32
        %while3A_314 = arith.addi %while3A_308, %while3A_313 : i32
        %while3A_315 = arith.constant 1 : i32
        scf.for %while3A_344 = %while3A_308 to %while3A_314 step %while3A_315  : i32 {
          %mul3A_345 = arith.constant 32 : i32
          %mul3A_346 = arith.muli %while3A_344, %mul3A_345 : i32
          %add3A_347 = arith.addi %squeeze3A_45, %mul3A_346 : i32
          %add3A_348 = arith.constant 0 : i32
          %add3A_349 = arith.addi %add3A_347, %add3A_348 : i32
          %get3A_350 = arith.index_cast %add3A_349 : i32 to index
          %get3A_351 = tpu.vector_load %arg11[%get3A_350] {strides = array<i32>} : memref<4352xi32, #tpu.memory_space<vmem>>, vector<16xi32>,
          %get3A_352 = vector.shape_cast %get3A_351 : vector<16xi32> to vector<16xi32>
          %and3A_353 = arith.constant 4095 : i32
          %and3A_354 = vector.broadcast %and3A_353 : i32 to vector<16xi32>
          %and3A_355 = arith.andi %get3A_352, %and3A_354 : vector<16xi32>
          %swap3A_356 = arith.constant 0 : index
          %swap3A_357 = tpu.vector_load %arg14[%swap3A_356] {strides = array<i32>} : memref<32xi32, #tpu.memory_space<vmem>>, vector<16xi32>,
          %swap3A_358 = vector.shape_cast %swap3A_357 : vector<16xi32> to vector<16xi32>
          %swap3A_359 = vector.shape_cast %and3A_355 : vector<16xi32> to vector<16xi32>
          tpu.vector_store %arg14[%swap3A_356], %swap3A_359 {strides = array<i32>} : memref<32xi32, #tpu.memory_space<vmem>>, vector<16xi32>,
          %mul3A_360 = arith.constant 32 : i32
          %mul3A_361 = arith.muli %while3A_344, %mul3A_360 : i32
          %add3A_362 = arith.addi %squeeze3A_45, %mul3A_361 : i32
          %add3A_363 = arith.constant 16 : i32
          %add3A_364 = arith.addi %add3A_362, %add3A_363 : i32
          %get3A_365 = arith.index_cast %add3A_364 : i32 to index
          %get3A_366 = tpu.vector_load %arg11[%get3A_365] {strides = array<i32>} : memref<4352xi32, #tpu.memory_space<vmem>>, vector<16xi32>,
          %get3A_367 = vector.shape_cast %get3A_366 : vector<16xi32> to vector<16xi32>
          %and3A_368 = arith.constant 4095 : i32
          %and3A_369 = vector.broadcast %and3A_368 : i32 to vector<16xi32>
          %and3A_370 = arith.andi %get3A_367, %and3A_369 : vector<16xi32>
          %swap3A_371 = arith.constant 16 : index
          %swap3A_372 = tpu.vector_load %arg14[%swap3A_371] {strides = array<i32>} : memref<32xi32, #tpu.memory_space<vmem>>, vector<16xi32>,
          %swap3A_373 = vector.shape_cast %swap3A_372 : vector<16xi32> to vector<16xi32>
          %swap3A_374 = vector.shape_cast %and3A_370 : vector<16xi32> to vector<16xi32>
          tpu.vector_store %arg14[%swap3A_371], %swap3A_374 {strides = array<i32>} : memref<32xi32, #tpu.memory_space<vmem>>, vector<16xi32>,
          %dma_start3A = arith.constant 0 : i32
          %dma_start3A_375 = arith.constant 0 : i32
          %dma_start3A_376 = tpu.memref_slice %arg3[%dma_start3A, %dma_start3A_375] : memref<4096x384xf32, #tpu.memory_space<hbm>> -> memref<4096x384xf32, #tpu.memory_space<hbm>>
          tpu.enqueue_indirect_dma source(%dma_start3A_376 : memref<4096x384xf32, #tpu.memory_space<hbm>>) target(%arg16 : memref<32x384xf32, #tpu.memory_space<vmem>>) offsets(%arg14 : memref<32xi32, #tpu.memory_space<vmem>>) semaphore(%arg18 : memref<!tpu.dma_semaphore, #tpu.memory_space<semaphore_mem>>)
          %dma_wait3A = arith.constant 0 : i32
          %dma_wait3A_377 = arith.constant 0 : i32
          %dma_wait3A_378 = tpu.memref_slice %arg3[%dma_wait3A, %dma_wait3A_377] : memref<4096x384xf32, #tpu.memory_space<hbm>> -> memref<4096x384xf32, #tpu.memory_space<hbm>>
          tpu.wait_indirect_dma semaphore(%arg18 : memref<!tpu.dma_semaphore, #tpu.memory_space<semaphore_mem>>) src(%dma_wait3A_378 : memref<4096x384xf32, #tpu.memory_space<hbm>>) dst(%arg16 : memref<32x384xf32, #tpu.memory_space<vmem>>)
          %mul3A_379 = arith.constant 32 : i32
          %mul3A_380 = arith.muli %while3A_344, %mul3A_379 : i32
          %sub3A_381 = arith.subi %sub3A_53, %mul3A_380 : i32
          %min3A = arith.constant 32 : i32
          %min3A_382 = arith.minsi %sub3A_381, %min3A : i32
          %while3A_383 = arith.constant 0 : i32
          %while3A_384 = arith.subi %min3A_382, %while3A_383 : i32
          %while3A_385 = arith.addi %while3A_383, %while3A_384 : i32
          %while3A_386 = arith.constant 1 : i32
          %while3A_387 = arith.divsi %while3A_384, %while3A_386 : i32
          %while3A_388 = arith.muli %while3A_387, %while3A_386 : i32
          %while3A_389 = arith.addi %while3A_383, %while3A_388 : i32
          %while3A_390 = arith.constant 1 : i32
          scf.for %while3A_392 = %while3A_383 to %while3A_389 step %while3A_390  : i32 {
            %mul3A_393 = arith.constant 32 : i32
            %mul3A_394 = arith.muli %while3A_344, %mul3A_393 : i32
            %add3A_395 = arith.addi %squeeze3A_45, %mul3A_394 : i32
            %add3A_396 = arith.addi %add3A_395, %while3A_392 : i32
            %get3A_397 = arith.index_cast %add3A_396 : i32 to index
            %get3A_398 = tpu.vector_load %arg11[%get3A_397] {strides = array<i32>} : memref<4352xi32, #tpu.memory_space<vmem>>, vector<16xi32>,
            %get3A_399 = vector.shape_cast %get3A_398 : vector<16xi32> to vector<16xi32>
            %slice3A_400 = vector.extract_strided_slice %get3A_399 {offsets = [0], sizes = [1], strides = [1]} : vector<16xi32> to vector<1xi32>
            %squeeze3A_401 = vector.extract %slice3A_400[0] : i32 from vector<1xi32>
            %shift_right_logical3A = arith.constant 12 : i32
            %shift_right_logical3A_402 = arith.shrui %squeeze3A_401, %shift_right_logical3A : i32
            %mul3A_403 = arith.constant 20 : i32
            %mul3A_404 = arith.muli %shift_right_logical3A_402, %mul3A_403 : i32
            %mul3A_405 = arith.constant 16 : i32
            %mul3A_406 = arith.muli %mul3A_405, %scan3A_62 : i32
            %add3A_407 = arith.constant 320 : i32
            %add3A_408 = arith.addi %add3A_407, %mul3A_406 : i32
            %get3A_409 = arith.index_cast %while3A_392 : i32 to index
            %get3A_410 = arith.index_cast %add3A_408 : i32 to index
            %get3A_411 = tpu.vector_load %arg16[%get3A_409, %get3A_410] {strides = array<i32>} : memref<32x384xf32, #tpu.memory_space<vmem>>, vector<1x16xf32>,
            %get3A_412 = vector.shape_cast %get3A_411 : vector<1x16xf32> to vector<16xf32>
            %mul3A_413 = arith.mulf %get3A_412, %select_n3A_22 : vector<16xf32>
            %add3A_414 = arith.constant 0 : i32
            %add3A_415 = arith.addi %add3A_414, %mul3A_404 : i32
            %get3A_416 = arith.index_cast %while3A_392 : i32 to index
            %get3A_417 = arith.constant 0 : index
            %get3A_418 = tpu.vector_load %arg16[%get3A_416, %get3A_417] {strides = array<i32>} : memref<32x384xf32, #tpu.memory_space<vmem>>, vector<1x16xf32>,
            %get3A_419 = vector.shape_cast %get3A_418 : vector<1x16xf32> to vector<16xf32>
            %mul3A_420 = arith.mulf %get3A_419, %mul3A_413 : vector<16xf32>
            %swap3A_421 = arith.index_cast %add3A_415 : i32 to index
            %swap3A_422 = tpu.vector_load %arg15[%swap3A_421] {strides = array<i32>} : memref<51376xf32, #tpu.memory_space<vmem>>, vector<16xf32>,
            %swap3A_423 = vector.shape_cast %swap3A_422 : vector<16xf32> to vector<16xf32>
            %swap3A_424 = vector.shape_cast %mul3A_420 : vector<16xf32> to vector<16xf32>
            tpu.vector_store %arg15[%swap3A_421], %swap3A_424 {add = true, strides = array<i32>} : memref<51376xf32, #tpu.memory_space<vmem>>, vector<16xf32>,
            %get3A_425 = arith.index_cast %while3A_392 : i32 to index
            %get3A_426 = arith.constant 16 : index
            %get3A_427 = tpu.vector_load %arg16[%get3A_425, %get3A_426] {strides = array<i32>} : memref<32x384xf32, #tpu.memory_space<vmem>>, vector<1x16xf32>,
            %get3A_428 = vector.shape_cast %get3A_427 : vector<1x16xf32> to vector<16xf32>
            %mul3A_429 = arith.mulf %get3A_428, %mul3A_413 : vector<16xf32>
            %add3A_430 = arith.constant 16 : i32
            %add3A_431 = arith.addi %add3A_415, %add3A_430 : i32
            %swap3A_432 = arith.index_cast %add3A_431 : i32 to index
            %swap3A_433 = tpu.vector_load %arg15[%swap3A_432] {strides = array<i32>} : memref<51376xf32, #tpu.memory_space<vmem>>, vector<16xf32>,
            %swap3A_434 = vector.shape_cast %swap3A_433 : vector<16xf32> to vector<16xf32>
            %swap3A_435 = vector.shape_cast %mul3A_429 : vector<16xf32> to vector<16xf32>
            tpu.vector_store %arg15[%swap3A_432], %swap3A_435 {add = true, strides = array<i32>} : memref<51376xf32, #tpu.memory_space<vmem>>, vector<16xf32>,
            %add3A_436 = arith.constant 5136 : i32
            %add3A_437 = arith.addi %add3A_436, %mul3A_404 : i32
            %get3A_438 = arith.index_cast %while3A_392 : i32 to index
            %get3A_439 = arith.constant 32 : index
            %get3A_440 = tpu.vector_load %arg16[%get3A_438, %get3A_439] {strides = array<i32>} : memref<32x384xf32, #tpu.memory_space<vmem>>, vector<1x16xf32>,
            %get3A_441 = vector.shape_cast %get3A_440 : vector<1x16xf32> to vector<16xf32>
            %mul3A_442 = arith.mulf %get3A_441, %mul3A_413 : vector<16xf32>
            %swap3A_443 = arith.index_cast %add3A_437 : i32 to index
            %swap3A_444 = tpu.vector_load %arg15[%swap3A_443] {strides = array<i32>} : memref<51376xf32, #tpu.memory_space<vmem>>, vector<16xf32>,
            %swap3A_445 = vector.shape_cast %swap3A_444 : vector<16xf32> to vector<16xf32>
            %swap3A_446 = vector.shape_cast %mul3A_442 : vector<16xf32> to vector<16xf32>
            tpu.vector_store %arg15[%swap3A_443], %swap3A_446 {add = true, strides = array<i32>} : memref<51376xf32, #tpu.memory_space<vmem>>, vector<16xf32>,
            %get3A_447 = arith.index_cast %while3A_392 : i32 to index
            %get3A_448 = arith.constant 48 : index
            %get3A_449 = tpu.vector_load %arg16[%get3A_447, %get3A_448] {strides = array<i32>} : memref<32x384xf32, #tpu.memory_space<vmem>>, vector<1x16xf32>,
            %get3A_450 = vector.shape_cast %get3A_449 : vector<1x16xf32> to vector<16xf32>
            %mul3A_451 = arith.mulf %get3A_450, %mul3A_413 : vector<16xf32>
            %add3A_452 = arith.constant 16 : i32
            %add3A_453 = arith.addi %add3A_437, %add3A_452 : i32
            %swap3A_454 = arith.index_cast %add3A_453 : i32 to index
            %swap3A_455 = tpu.vector_load %arg15[%swap3A_454] {strides = array<i32>} : memref<51376xf32, #tpu.memory_space<vmem>>, vector<16xf32>,
            %swap3A_456 = vector.shape_cast %swap3A_455 : vector<16xf32> to vector<16xf32>
            %swap3A_457 = vector.shape_cast %mul3A_451 : vector<16xf32> to vector<16xf32>
            tpu.vector_store %arg15[%swap3A_454], %swap3A_457 {add = true, strides = array<i32>} : memref<51376xf32, #tpu.memory_space<vmem>>, vector<16xf32>,
            %add3A_458 = arith.constant 10272 : i32
            %add3A_459 = arith.addi %add3A_458, %mul3A_404 : i32
            %get3A_460 = arith.index_cast %while3A_392 : i32 to index
            %get3A_461 = arith.constant 64 : index
            %get3A_462 = tpu.vector_load %arg16[%get3A_460, %get3A_461] {strides = array<i32>} : memref<32x384xf32, #tpu.memory_space<vmem>>, vector<1x16xf32>,
            %get3A_463 = vector.shape_cast %get3A_462 : vector<1x16xf32> to vector<16xf32>
            %mul3A_464 = arith.mulf %get3A_463, %mul3A_413 : vector<16xf32>
            %swap3A_465 = arith.index_cast %add3A_459 : i32 to index
            %swap3A_466 = tpu.vector_load %arg15[%swap3A_465] {strides = array<i32>} : memref<51376xf32, #tpu.memory_space<vmem>>, vector<16xf32>,
            %swap3A_467 = vector.shape_cast %swap3A_466 : vector<16xf32> to vector<16xf32>
            %swap3A_468 = vector.shape_cast %mul3A_464 : vector<16xf32> to vector<16xf32>
            tpu.vector_store %arg15[%swap3A_465], %swap3A_468 {add = true, strides = array<i32>} : memref<51376xf32, #tpu.memory_space<vmem>>, vector<16xf32>,
            %get3A_469 = arith.index_cast %while3A_392 : i32 to index
            %get3A_470 = arith.constant 80 : index
            %get3A_471 = tpu.vector_load %arg16[%get3A_469, %get3A_470] {strides = array<i32>} : memref<32x384xf32, #tpu.memory_space<vmem>>, vector<1x16xf32>,
            %get3A_472 = vector.shape_cast %get3A_471 : vector<1x16xf32> to vector<16xf32>
            %mul3A_473 = arith.mulf %get3A_472, %mul3A_413 : vector<16xf32>
            %add3A_474 = arith.constant 16 : i32
            %add3A_475 = arith.addi %add3A_459, %add3A_474 : i32
            %swap3A_476 = arith.index_cast %add3A_475 : i32 to index
            %swap3A_477 = tpu.vector_load %arg15[%swap3A_476] {strides = array<i32>} : memref<51376xf32, #tpu.memory_space<vmem>>, vector<16xf32>,
            %swap3A_478 = vector.shape_cast %swap3A_477 : vector<16xf32> to vector<16xf32>
            %swap3A_479 = vector.shape_cast %mul3A_473 : vector<16xf32> to vector<16xf32>
            tpu.vector_store %arg15[%swap3A_476], %swap3A_479 {add = true, strides = array<i32>} : memref<51376xf32, #tpu.memory_space<vmem>>, vector<16xf32>,
            %add3A_480 = arith.constant 15408 : i32
            %add3A_481 = arith.addi %add3A_480, %mul3A_404 : i32
            %get3A_482 = arith.index_cast %while3A_392 : i32 to index
            %get3A_483 = arith.constant 96 : index
            %get3A_484 = tpu.vector_load %arg16[%get3A_482, %get3A_483] {strides = array<i32>} : memref<32x384xf32, #tpu.memory_space<vmem>>, vector<1x16xf32>,
            %get3A_485 = vector.shape_cast %get3A_484 : vector<1x16xf32> to vector<16xf32>
            %mul3A_486 = arith.mulf %get3A_485, %mul3A_413 : vector<16xf32>
            %swap3A_487 = arith.index_cast %add3A_481 : i32 to index
            %swap3A_488 = tpu.vector_load %arg15[%swap3A_487] {strides = array<i32>} : memref<51376xf32, #tpu.memory_space<vmem>>, vector<16xf32>,
            %swap3A_489 = vector.shape_cast %swap3A_488 : vector<16xf32> to vector<16xf32>
            %swap3A_490 = vector.shape_cast %mul3A_486 : vector<16xf32> to vector<16xf32>
            tpu.vector_store %arg15[%swap3A_487], %swap3A_490 {add = true, strides = array<i32>} : memref<51376xf32, #tpu.memory_space<vmem>>, vector<16xf32>,
            %get3A_491 = arith.index_cast %while3A_392 : i32 to index
            %get3A_492 = arith.constant 112 : index
            %get3A_493 = tpu.vector_load %arg16[%get3A_491, %get3A_492] {strides = array<i32>} : memref<32x384xf32, #tpu.memory_space<vmem>>, vector<1x16xf32>,
            %get3A_494 = vector.shape_cast %get3A_493 : vector<1x16xf32> to vector<16xf32>
            %mul3A_495 = arith.mulf %get3A_494, %mul3A_413 : vector<16xf32>
            %add3A_496 = arith.constant 16 : i32
            %add3A_497 = arith.addi %add3A_481, %add3A_496 : i32
            %swap3A_498 = arith.index_cast %add3A_497 : i32 to index
            %swap3A_499 = tpu.vector_load %arg15[%swap3A_498] {strides = array<i32>} : memref<51376xf32, #tpu.memory_space<vmem>>, vector<16xf32>,
            %swap3A_500 = vector.shape_cast %swap3A_499 : vector<16xf32> to vector<16xf32>
            %swap3A_501 = vector.shape_cast %mul3A_495 : vector<16xf32> to vector<16xf32>
            tpu.vector_store %arg15[%swap3A_498], %swap3A_501 {add = true, strides = array<i32>} : memref<51376xf32, #tpu.memory_space<vmem>>, vector<16xf32>,
            %add3A_502 = arith.constant 20544 : i32
            %add3A_503 = arith.addi %add3A_502, %mul3A_404 : i32
            %get3A_504 = arith.index_cast %while3A_392 : i32 to index
            %get3A_505 = arith.constant 128 : index
            %get3A_506 = tpu.vector_load %arg16[%get3A_504, %get3A_505] {strides = array<i32>} : memref<32x384xf32, #tpu.memory_space<vmem>>, vector<1x16xf32>,
            %get3A_507 = vector.shape_cast %get3A_506 : vector<1x16xf32> to vector<16xf32>
            %mul3A_508 = arith.mulf %get3A_507, %mul3A_413 : vector<16xf32>
            %swap3A_509 = arith.index_cast %add3A_503 : i32 to index
            %swap3A_510 = tpu.vector_load %arg15[%swap3A_509] {strides = array<i32>} : memref<51376xf32, #tpu.memory_space<vmem>>, vector<16xf32>,
            %swap3A_511 = vector.shape_cast %swap3A_510 : vector<16xf32> to vector<16xf32>
            %swap3A_512 = vector.shape_cast %mul3A_508 : vector<16xf32> to vector<16xf32>
            tpu.vector_store %arg15[%swap3A_509], %swap3A_512 {add = true, strides = array<i32>} : memref<51376xf32, #tpu.memory_space<vmem>>, vector<16xf32>,
            %get3A_513 = arith.index_cast %while3A_392 : i32 to index
            %get3A_514 = arith.constant 144 : index
            %get3A_515 = tpu.vector_load %arg16[%get3A_513, %get3A_514] {strides = array<i32>} : memref<32x384xf32, #tpu.memory_space<vmem>>, vector<1x16xf32>,
            %get3A_516 = vector.shape_cast %get3A_515 : vector<1x16xf32> to vector<16xf32>
            %mul3A_517 = arith.mulf %get3A_516, %mul3A_413 : vector<16xf32>
            %add3A_518 = arith.constant 16 : i32
            %add3A_519 = arith.addi %add3A_503, %add3A_518 : i32
            %swap3A_520 = arith.index_cast %add3A_519 : i32 to index
            %swap3A_521 = tpu.vector_load %arg15[%swap3A_520] {strides = array<i32>} : memref<51376xf32, #tpu.memory_space<vmem>>, vector<16xf32>,
            %swap3A_522 = vector.shape_cast %swap3A_521 : vector<16xf32> to vector<16xf32>
            %swap3A_523 = vector.shape_cast %mul3A_517 : vector<16xf32> to vector<16xf32>
            tpu.vector_store %arg15[%swap3A_520], %swap3A_523 {add = true, strides = array<i32>} : memref<51376xf32, #tpu.memory_space<vmem>>, vector<16xf32>,
            %add3A_524 = arith.constant 25680 : i32
            %add3A_525 = arith.addi %add3A_524, %mul3A_404 : i32
            %get3A_526 = arith.index_cast %while3A_392 : i32 to index
            %get3A_527 = arith.constant 160 : index
            %get3A_528 = tpu.vector_load %arg16[%get3A_526, %get3A_527] {strides = array<i32>} : memref<32x384xf32, #tpu.memory_space<vmem>>, vector<1x16xf32>,
            %get3A_529 = vector.shape_cast %get3A_528 : vector<1x16xf32> to vector<16xf32>
            %mul3A_530 = arith.mulf %get3A_529, %mul3A_413 : vector<16xf32>
            %swap3A_531 = arith.index_cast %add3A_525 : i32 to index
            %swap3A_532 = tpu.vector_load %arg15[%swap3A_531] {strides = array<i32>} : memref<51376xf32, #tpu.memory_space<vmem>>, vector<16xf32>,
            %swap3A_533 = vector.shape_cast %swap3A_532 : vector<16xf32> to vector<16xf32>
            %swap3A_534 = vector.shape_cast %mul3A_530 : vector<16xf32> to vector<16xf32>
            tpu.vector_store %arg15[%swap3A_531], %swap3A_534 {add = true, strides = array<i32>} : memref<51376xf32, #tpu.memory_space<vmem>>, vector<16xf32>,
            %get3A_535 = arith.index_cast %while3A_392 : i32 to index
            %get3A_536 = arith.constant 176 : index
            %get3A_537 = tpu.vector_load %arg16[%get3A_535, %get3A_536] {strides = array<i32>} : memref<32x384xf32, #tpu.memory_space<vmem>>, vector<1x16xf32>,
            %get3A_538 = vector.shape_cast %get3A_537 : vector<1x16xf32> to vector<16xf32>
            %mul3A_539 = arith.mulf %get3A_538, %mul3A_413 : vector<16xf32>
            %add3A_540 = arith.constant 16 : i32
            %add3A_541 = arith.addi %add3A_525, %add3A_540 : i32
            %swap3A_542 = arith.index_cast %add3A_541 : i32 to index
            %swap3A_543 = tpu.vector_load %arg15[%swap3A_542] {strides = array<i32>} : memref<51376xf32, #tpu.memory_space<vmem>>, vector<16xf32>,
            %swap3A_544 = vector.shape_cast %swap3A_543 : vector<16xf32> to vector<16xf32>
            %swap3A_545 = vector.shape_cast %mul3A_539 : vector<16xf32> to vector<16xf32>
            tpu.vector_store %arg15[%swap3A_542], %swap3A_545 {add = true, strides = array<i32>} : memref<51376xf32, #tpu.memory_space<vmem>>, vector<16xf32>,
            %add3A_546 = arith.constant 30816 : i32
            %add3A_547 = arith.addi %add3A_546, %mul3A_404 : i32
            %get3A_548 = arith.index_cast %while3A_392 : i32 to index
            %get3A_549 = arith.constant 192 : index
            %get3A_550 = tpu.vector_load %arg16[%get3A_548, %get3A_549] {strides = array<i32>} : memref<32x384xf32, #tpu.memory_space<vmem>>, vector<1x16xf32>,
            %get3A_551 = vector.shape_cast %get3A_550 : vector<1x16xf32> to vector<16xf32>
            %mul3A_552 = arith.mulf %get3A_551, %mul3A_413 : vector<16xf32>
            %swap3A_553 = arith.index_cast %add3A_547 : i32 to index
            %swap3A_554 = tpu.vector_load %arg15[%swap3A_553] {strides = array<i32>} : memref<51376xf32, #tpu.memory_space<vmem>>, vector<16xf32>,
            %swap3A_555 = vector.shape_cast %swap3A_554 : vector<16xf32> to vector<16xf32>
            %swap3A_556 = vector.shape_cast %mul3A_552 : vector<16xf32> to vector<16xf32>
            tpu.vector_store %arg15[%swap3A_553], %swap3A_556 {add = true, strides = array<i32>} : memref<51376xf32, #tpu.memory_space<vmem>>, vector<16xf32>,
            %get3A_557 = arith.index_cast %while3A_392 : i32 to index
            %get3A_558 = arith.constant 208 : index
            %get3A_559 = tpu.vector_load %arg16[%get3A_557, %get3A_558] {strides = array<i32>} : memref<32x384xf32, #tpu.memory_space<vmem>>, vector<1x16xf32>,
            %get3A_560 = vector.shape_cast %get3A_559 : vector<1x16xf32> to vector<16xf32>
            %mul3A_561 = arith.mulf %get3A_560, %mul3A_413 : vector<16xf32>
            %add3A_562 = arith.constant 16 : i32
            %add3A_563 = arith.addi %add3A_547, %add3A_562 : i32
            %swap3A_564 = arith.index_cast %add3A_563 : i32 to index
            %swap3A_565 = tpu.vector_load %arg15[%swap3A_564] {strides = array<i32>} : memref<51376xf32, #tpu.memory_space<vmem>>, vector<16xf32>,
            %swap3A_566 = vector.shape_cast %swap3A_565 : vector<16xf32> to vector<16xf32>
            %swap3A_567 = vector.shape_cast %mul3A_561 : vector<16xf32> to vector<16xf32>
            tpu.vector_store %arg15[%swap3A_564], %swap3A_567 {add = true, strides = array<i32>} : memref<51376xf32, #tpu.memory_space<vmem>>, vector<16xf32>,
            %add3A_568 = arith.constant 35952 : i32
            %add3A_569 = arith.addi %add3A_568, %mul3A_404 : i32
            %get3A_570 = arith.index_cast %while3A_392 : i32 to index
            %get3A_571 = arith.constant 224 : index
            %get3A_572 = tpu.vector_load %arg16[%get3A_570, %get3A_571] {strides = array<i32>} : memref<32x384xf32, #tpu.memory_space<vmem>>, vector<1x16xf32>,
            %get3A_573 = vector.shape_cast %get3A_572 : vector<1x16xf32> to vector<16xf32>
            %mul3A_574 = arith.mulf %get3A_573, %mul3A_413 : vector<16xf32>
            %swap3A_575 = arith.index_cast %add3A_569 : i32 to index
            %swap3A_576 = tpu.vector_load %arg15[%swap3A_575] {strides = array<i32>} : memref<51376xf32, #tpu.memory_space<vmem>>, vector<16xf32>,
            %swap3A_577 = vector.shape_cast %swap3A_576 : vector<16xf32> to vector<16xf32>
            %swap3A_578 = vector.shape_cast %mul3A_574 : vector<16xf32> to vector<16xf32>
            tpu.vector_store %arg15[%swap3A_575], %swap3A_578 {add = true, strides = array<i32>} : memref<51376xf32, #tpu.memory_space<vmem>>, vector<16xf32>,
            %get3A_579 = arith.index_cast %while3A_392 : i32 to index
            %get3A_580 = arith.constant 240 : index
            %get3A_581 = tpu.vector_load %arg16[%get3A_579, %get3A_580] {strides = array<i32>} : memref<32x384xf32, #tpu.memory_space<vmem>>, vector<1x16xf32>,
            %get3A_582 = vector.shape_cast %get3A_581 : vector<1x16xf32> to vector<16xf32>
            %mul3A_583 = arith.mulf %get3A_582, %mul3A_413 : vector<16xf32>
            %add3A_584 = arith.constant 16 : i32
            %add3A_585 = arith.addi %add3A_569, %add3A_584 : i32
            %swap3A_586 = arith.index_cast %add3A_585 : i32 to index
            %swap3A_587 = tpu.vector_load %arg15[%swap3A_586] {strides = array<i32>} : memref<51376xf32, #tpu.memory_space<vmem>>, vector<16xf32>,
            %swap3A_588 = vector.shape_cast %swap3A_587 : vector<16xf32> to vector<16xf32>
            %swap3A_589 = vector.shape_cast %mul3A_583 : vector<16xf32> to vector<16xf32>
            tpu.vector_store %arg15[%swap3A_586], %swap3A_589 {add = true, strides = array<i32>} : memref<51376xf32, #tpu.memory_space<vmem>>, vector<16xf32>,
            %add3A_590 = arith.constant 41088 : i32
            %add3A_591 = arith.addi %add3A_590, %mul3A_404 : i32
            %get3A_592 = arith.index_cast %while3A_392 : i32 to index
            %get3A_593 = arith.constant 256 : index
            %get3A_594 = tpu.vector_load %arg16[%get3A_592, %get3A_593] {strides = array<i32>} : memref<32x384xf32, #tpu.memory_space<vmem>>, vector<1x16xf32>,
            %get3A_595 = vector.shape_cast %get3A_594 : vector<1x16xf32> to vector<16xf32>
            %mul3A_596 = arith.mulf %get3A_595, %mul3A_413 : vector<16xf32>
            %swap3A_597 = arith.index_cast %add3A_591 : i32 to index
            %swap3A_598 = tpu.vector_load %arg15[%swap3A_597] {strides = array<i32>} : memref<51376xf32, #tpu.memory_space<vmem>>, vector<16xf32>,
            %swap3A_599 = vector.shape_cast %swap3A_598 : vector<16xf32> to vector<16xf32>
            %swap3A_600 = vector.shape_cast %mul3A_596 : vector<16xf32> to vector<16xf32>
            tpu.vector_store %arg15[%swap3A_597], %swap3A_600 {add = true, strides = array<i32>} : memref<51376xf32, #tpu.memory_space<vmem>>, vector<16xf32>,
            %get3A_601 = arith.index_cast %while3A_392 : i32 to index
            %get3A_602 = arith.constant 272 : index
            %get3A_603 = tpu.vector_load %arg16[%get3A_601, %get3A_602] {strides = array<i32>} : memref<32x384xf32, #tpu.memory_space<vmem>>, vector<1x16xf32>,
            %get3A_604 = vector.shape_cast %get3A_603 : vector<1x16xf32> to vector<16xf32>
            %mul3A_605 = arith.mulf %get3A_604, %mul3A_413 : vector<16xf32>
            %add3A_606 = arith.constant 16 : i32
            %add3A_607 = arith.addi %add3A_591, %add3A_606 : i32
            %swap3A_608 = arith.index_cast %add3A_607 : i32 to index
            %swap3A_609 = tpu.vector_load %arg15[%swap3A_608] {strides = array<i32>} : memref<51376xf32, #tpu.memory_space<vmem>>, vector<16xf32>,
            %swap3A_610 = vector.shape_cast %swap3A_609 : vector<16xf32> to vector<16xf32>
            %swap3A_611 = vector.shape_cast %mul3A_605 : vector<16xf32> to vector<16xf32>
            tpu.vector_store %arg15[%swap3A_608], %swap3A_611 {add = true, strides = array<i32>} : memref<51376xf32, #tpu.memory_space<vmem>>, vector<16xf32>,
            %add3A_612 = arith.constant 46224 : i32
            %add3A_613 = arith.addi %add3A_612, %mul3A_404 : i32
            %get3A_614 = arith.index_cast %while3A_392 : i32 to index
            %get3A_615 = arith.constant 288 : index
            %get3A_616 = tpu.vector_load %arg16[%get3A_614, %get3A_615] {strides = array<i32>} : memref<32x384xf32, #tpu.memory_space<vmem>>, vector<1x16xf32>,
            %get3A_617 = vector.shape_cast %get3A_616 : vector<1x16xf32> to vector<16xf32>
            %mul3A_618 = arith.mulf %get3A_617, %mul3A_413 : vector<16xf32>
            %swap3A_619 = arith.index_cast %add3A_613 : i32 to index
            %swap3A_620 = tpu.vector_load %arg15[%swap3A_619] {strides = array<i32>} : memref<51376xf32, #tpu.memory_space<vmem>>, vector<16xf32>,
            %swap3A_621 = vector.shape_cast %swap3A_620 : vector<16xf32> to vector<16xf32>
            %swap3A_622 = vector.shape_cast %mul3A_618 : vector<16xf32> to vector<16xf32>
            tpu.vector_store %arg15[%swap3A_619], %swap3A_622 {add = true, strides = array<i32>} : memref<51376xf32, #tpu.memory_space<vmem>>, vector<16xf32>,
            %get3A_623 = arith.index_cast %while3A_392 : i32 to index
            %get3A_624 = arith.constant 304 : index
            %get3A_625 = tpu.vector_load %arg16[%get3A_623, %get3A_624] {strides = array<i32>} : memref<32x384xf32, #tpu.memory_space<vmem>>, vector<1x16xf32>,
            %get3A_626 = vector.shape_cast %get3A_625 : vector<1x16xf32> to vector<16xf32>
            %mul3A_627 = arith.mulf %get3A_626, %mul3A_413 : vector<16xf32>
            %add3A_628 = arith.constant 16 : i32
            %add3A_629 = arith.addi %add3A_613, %add3A_628 : i32
            %swap3A_630 = arith.index_cast %add3A_629 : i32 to index
            %swap3A_631 = tpu.vector_load %arg15[%swap3A_630] {strides = array<i32>} : memref<51376xf32, #tpu.memory_space<vmem>>, vector<16xf32>,
            %swap3A_632 = vector.shape_cast %swap3A_631 : vector<16xf32> to vector<16xf32>
            %swap3A_633 = vector.shape_cast %mul3A_627 : vector<16xf32> to vector<16xf32>
            tpu.vector_store %arg15[%swap3A_630], %swap3A_633 {add = true, strides = array<i32>} : memref<51376xf32, #tpu.memory_space<vmem>>, vector<16xf32>,
          }
          %while3A_391 = arith.constant 1 : i32
          scf.for %while3A_392 = %while3A_389 to %while3A_385 step %while3A_391  : i32 {
            %mul3A_393 = arith.constant 32 : i32
            %mul3A_394 = arith.muli %while3A_344, %mul3A_393 : i32
            %add3A_395 = arith.addi %squeeze3A_45, %mul3A_394 : i32
            %add3A_396 = arith.addi %add3A_395, %while3A_392 : i32
            %get3A_397 = arith.index_cast %add3A_396 : i32 to index
            %get3A_398 = tpu.vector_load %arg11[%get3A_397] {strides = array<i32>} : memref<4352xi32, #tpu.memory_space<vmem>>, vector<16xi32>,
            %get3A_399 = vector.shape_cast %get3A_398 : vector<16xi32> to vector<16xi32>
            %slice3A_400 = vector.extract_strided_slice %get3A_399 {offsets = [0], sizes = [1], strides = [1]} : vector<16xi32> to vector<1xi32>
            %squeeze3A_401 = vector.extract %slice3A_400[0] : i32 from vector<1xi32>
            %shift_right_logical3A = arith.constant 12 : i32
            %shift_right_logical3A_402 = arith.shrui %squeeze3A_401, %shift_right_logical3A : i32
            %mul3A_403 = arith.constant 20 : i32
            %mul3A_404 = arith.muli %shift_right_logical3A_402, %mul3A_403 : i32
            %mul3A_405 = arith.constant 16 : i32
            %mul3A_406 = arith.muli %mul3A_405, %scan3A_62 : i32
            %add3A_407 = arith.constant 320 : i32
            %add3A_408 = arith.addi %add3A_407, %mul3A_406 : i32
            %get3A_409 = arith.index_cast %while3A_392 : i32 to index
            %get3A_410 = arith.index_cast %add3A_408 : i32 to index
            %get3A_411 = tpu.vector_load %arg16[%get3A_409, %get3A_410] {strides = array<i32>} : memref<32x384xf32, #tpu.memory_space<vmem>>, vector<1x16xf32>,
            %get3A_412 = vector.shape_cast %get3A_411 : vector<1x16xf32> to vector<16xf32>
            %mul3A_413 = arith.mulf %get3A_412, %select_n3A_22 : vector<16xf32>
            %add3A_414 = arith.constant 0 : i32
            %add3A_415 = arith.addi %add3A_414, %mul3A_404 : i32
            %get3A_416 = arith.index_cast %while3A_392 : i32 to index
            %get3A_417 = arith.constant 0 : index
            %get3A_418 = tpu.vector_load %arg16[%get3A_416, %get3A_417] {strides = array<i32>} : memref<32x384xf32, #tpu.memory_space<vmem>>, vector<1x16xf32>,
            %get3A_419 = vector.shape_cast %get3A_418 : vector<1x16xf32> to vector<16xf32>
            %mul3A_420 = arith.mulf %get3A_419, %mul3A_413 : vector<16xf32>
            %swap3A_421 = arith.index_cast %add3A_415 : i32 to index
            %swap3A_422 = tpu.vector_load %arg15[%swap3A_421] {strides = array<i32>} : memref<51376xf32, #tpu.memory_space<vmem>>, vector<16xf32>,
            %swap3A_423 = vector.shape_cast %swap3A_422 : vector<16xf32> to vector<16xf32>
            %swap3A_424 = vector.shape_cast %mul3A_420 : vector<16xf32> to vector<16xf32>
            tpu.vector_store %arg15[%swap3A_421], %swap3A_424 {add = true, strides = array<i32>} : memref<51376xf32, #tpu.memory_space<vmem>>, vector<16xf32>,
            %get3A_425 = arith.index_cast %while3A_392 : i32 to index
            %get3A_426 = arith.constant 16 : index
            %get3A_427 = tpu.vector_load %arg16[%get3A_425, %get3A_426] {strides = array<i32>} : memref<32x384xf32, #tpu.memory_space<vmem>>, vector<1x16xf32>,
            %get3A_428 = vector.shape_cast %get3A_427 : vector<1x16xf32> to vector<16xf32>
            %mul3A_429 = arith.mulf %get3A_428, %mul3A_413 : vector<16xf32>
            %add3A_430 = arith.constant 16 : i32
            %add3A_431 = arith.addi %add3A_415, %add3A_430 : i32
            %swap3A_432 = arith.index_cast %add3A_431 : i32 to index
            %swap3A_433 = tpu.vector_load %arg15[%swap3A_432] {strides = array<i32>} : memref<51376xf32, #tpu.memory_space<vmem>>, vector<16xf32>,
            %swap3A_434 = vector.shape_cast %swap3A_433 : vector<16xf32> to vector<16xf32>
            %swap3A_435 = vector.shape_cast %mul3A_429 : vector<16xf32> to vector<16xf32>
            tpu.vector_store %arg15[%swap3A_432], %swap3A_435 {add = true, strides = array<i32>} : memref<51376xf32, #tpu.memory_space<vmem>>, vector<16xf32>,
            %add3A_436 = arith.constant 5136 : i32
            %add3A_437 = arith.addi %add3A_436, %mul3A_404 : i32
            %get3A_438 = arith.index_cast %while3A_392 : i32 to index
            %get3A_439 = arith.constant 32 : index
            %get3A_440 = tpu.vector_load %arg16[%get3A_438, %get3A_439] {strides = array<i32>} : memref<32x384xf32, #tpu.memory_space<vmem>>, vector<1x16xf32>,
            %get3A_441 = vector.shape_cast %get3A_440 : vector<1x16xf32> to vector<16xf32>
            %mul3A_442 = arith.mulf %get3A_441, %mul3A_413 : vector<16xf32>
            %swap3A_443 = arith.index_cast %add3A_437 : i32 to index
            %swap3A_444 = tpu.vector_load %arg15[%swap3A_443] {strides = array<i32>} : memref<51376xf32, #tpu.memory_space<vmem>>, vector<16xf32>,
            %swap3A_445 = vector.shape_cast %swap3A_444 : vector<16xf32> to vector<16xf32>
            %swap3A_446 = vector.shape_cast %mul3A_442 : vector<16xf32> to vector<16xf32>
            tpu.vector_store %arg15[%swap3A_443], %swap3A_446 {add = true, strides = array<i32>} : memref<51376xf32, #tpu.memory_space<vmem>>, vector<16xf32>,
            %get3A_447 = arith.index_cast %while3A_392 : i32 to index
            %get3A_448 = arith.constant 48 : index
            %get3A_449 = tpu.vector_load %arg16[%get3A_447, %get3A_448] {strides = array<i32>} : memref<32x384xf32, #tpu.memory_space<vmem>>, vector<1x16xf32>,
            %get3A_450 = vector.shape_cast %get3A_449 : vector<1x16xf32> to vector<16xf32>
            %mul3A_451 = arith.mulf %get3A_450, %mul3A_413 : vector<16xf32>
            %add3A_452 = arith.constant 16 : i32
            %add3A_453 = arith.addi %add3A_437, %add3A_452 : i32
            %swap3A_454 = arith.index_cast %add3A_453 : i32 to index
            %swap3A_455 = tpu.vector_load %arg15[%swap3A_454] {strides = array<i32>} : memref<51376xf32, #tpu.memory_space<vmem>>, vector<16xf32>,
            %swap3A_456 = vector.shape_cast %swap3A_455 : vector<16xf32> to vector<16xf32>
            %swap3A_457 = vector.shape_cast %mul3A_451 : vector<16xf32> to vector<16xf32>
            tpu.vector_store %arg15[%swap3A_454], %swap3A_457 {add = true, strides = array<i32>} : memref<51376xf32, #tpu.memory_space<vmem>>, vector<16xf32>,
            %add3A_458 = arith.constant 10272 : i32
            %add3A_459 = arith.addi %add3A_458, %mul3A_404 : i32
            %get3A_460 = arith.index_cast %while3A_392 : i32 to index
            %get3A_461 = arith.constant 64 : index
            %get3A_462 = tpu.vector_load %arg16[%get3A_460, %get3A_461] {strides = array<i32>} : memref<32x384xf32, #tpu.memory_space<vmem>>, vector<1x16xf32>,
            %get3A_463 = vector.shape_cast %get3A_462 : vector<1x16xf32> to vector<16xf32>
            %mul3A_464 = arith.mulf %get3A_463, %mul3A_413 : vector<16xf32>
            %swap3A_465 = arith.index_cast %add3A_459 : i32 to index
            %swap3A_466 = tpu.vector_load %arg15[%swap3A_465] {strides = array<i32>} : memref<51376xf32, #tpu.memory_space<vmem>>, vector<16xf32>,
            %swap3A_467 = vector.shape_cast %swap3A_466 : vector<16xf32> to vector<16xf32>
            %swap3A_468 = vector.shape_cast %mul3A_464 : vector<16xf32> to vector<16xf32>
            tpu.vector_store %arg15[%swap3A_465], %swap3A_468 {add = true, strides = array<i32>} : memref<51376xf32, #tpu.memory_space<vmem>>, vector<16xf32>,
            %get3A_469 = arith.index_cast %while3A_392 : i32 to index
            %get3A_470 = arith.constant 80 : index
            %get3A_471 = tpu.vector_load %arg16[%get3A_469, %get3A_470] {strides = array<i32>} : memref<32x384xf32, #tpu.memory_space<vmem>>, vector<1x16xf32>,
            %get3A_472 = vector.shape_cast %get3A_471 : vector<1x16xf32> to vector<16xf32>
            %mul3A_473 = arith.mulf %get3A_472, %mul3A_413 : vector<16xf32>
            %add3A_474 = arith.constant 16 : i32
            %add3A_475 = arith.addi %add3A_459, %add3A_474 : i32
            %swap3A_476 = arith.index_cast %add3A_475 : i32 to index
            %swap3A_477 = tpu.vector_load %arg15[%swap3A_476] {strides = array<i32>} : memref<51376xf32, #tpu.memory_space<vmem>>, vector<16xf32>,
            %swap3A_478 = vector.shape_cast %swap3A_477 : vector<16xf32> to vector<16xf32>
            %swap3A_479 = vector.shape_cast %mul3A_473 : vector<16xf32> to vector<16xf32>
            tpu.vector_store %arg15[%swap3A_476], %swap3A_479 {add = true, strides = array<i32>} : memref<51376xf32, #tpu.memory_space<vmem>>, vector<16xf32>,
            %add3A_480 = arith.constant 15408 : i32
            %add3A_481 = arith.addi %add3A_480, %mul3A_404 : i32
            %get3A_482 = arith.index_cast %while3A_392 : i32 to index
            %get3A_483 = arith.constant 96 : index
            %get3A_484 = tpu.vector_load %arg16[%get3A_482, %get3A_483] {strides = array<i32>} : memref<32x384xf32, #tpu.memory_space<vmem>>, vector<1x16xf32>,
            %get3A_485 = vector.shape_cast %get3A_484 : vector<1x16xf32> to vector<16xf32>
            %mul3A_486 = arith.mulf %get3A_485, %mul3A_413 : vector<16xf32>
            %swap3A_487 = arith.index_cast %add3A_481 : i32 to index
            %swap3A_488 = tpu.vector_load %arg15[%swap3A_487] {strides = array<i32>} : memref<51376xf32, #tpu.memory_space<vmem>>, vector<16xf32>,
            %swap3A_489 = vector.shape_cast %swap3A_488 : vector<16xf32> to vector<16xf32>
            %swap3A_490 = vector.shape_cast %mul3A_486 : vector<16xf32> to vector<16xf32>
            tpu.vector_store %arg15[%swap3A_487], %swap3A_490 {add = true, strides = array<i32>} : memref<51376xf32, #tpu.memory_space<vmem>>, vector<16xf32>,
            %get3A_491 = arith.index_cast %while3A_392 : i32 to index
            %get3A_492 = arith.constant 112 : index
            %get3A_493 = tpu.vector_load %arg16[%get3A_491, %get3A_492] {strides = array<i32>} : memref<32x384xf32, #tpu.memory_space<vmem>>, vector<1x16xf32>,
            %get3A_494 = vector.shape_cast %get3A_493 : vector<1x16xf32> to vector<16xf32>
            %mul3A_495 = arith.mulf %get3A_494, %mul3A_413 : vector<16xf32>
            %add3A_496 = arith.constant 16 : i32
            %add3A_497 = arith.addi %add3A_481, %add3A_496 : i32
            %swap3A_498 = arith.index_cast %add3A_497 : i32 to index
            %swap3A_499 = tpu.vector_load %arg15[%swap3A_498] {strides = array<i32>} : memref<51376xf32, #tpu.memory_space<vmem>>, vector<16xf32>,
            %swap3A_500 = vector.shape_cast %swap3A_499 : vector<16xf32> to vector<16xf32>
            %swap3A_501 = vector.shape_cast %mul3A_495 : vector<16xf32> to vector<16xf32>
            tpu.vector_store %arg15[%swap3A_498], %swap3A_501 {add = true, strides = array<i32>} : memref<51376xf32, #tpu.memory_space<vmem>>, vector<16xf32>,
            %add3A_502 = arith.constant 20544 : i32
            %add3A_503 = arith.addi %add3A_502, %mul3A_404 : i32
            %get3A_504 = arith.index_cast %while3A_392 : i32 to index
            %get3A_505 = arith.constant 128 : index
            %get3A_506 = tpu.vector_load %arg16[%get3A_504, %get3A_505] {strides = array<i32>} : memref<32x384xf32, #tpu.memory_space<vmem>>, vector<1x16xf32>,
            %get3A_507 = vector.shape_cast %get3A_506 : vector<1x16xf32> to vector<16xf32>
            %mul3A_508 = arith.mulf %get3A_507, %mul3A_413 : vector<16xf32>
            %swap3A_509 = arith.index_cast %add3A_503 : i32 to index
            %swap3A_510 = tpu.vector_load %arg15[%swap3A_509] {strides = array<i32>} : memref<51376xf32, #tpu.memory_space<vmem>>, vector<16xf32>,
            %swap3A_511 = vector.shape_cast %swap3A_510 : vector<16xf32> to vector<16xf32>
            %swap3A_512 = vector.shape_cast %mul3A_508 : vector<16xf32> to vector<16xf32>
            tpu.vector_store %arg15[%swap3A_509], %swap3A_512 {add = true, strides = array<i32>} : memref<51376xf32, #tpu.memory_space<vmem>>, vector<16xf32>,
            %get3A_513 = arith.index_cast %while3A_392 : i32 to index
            %get3A_514 = arith.constant 144 : index
            %get3A_515 = tpu.vector_load %arg16[%get3A_513, %get3A_514] {strides = array<i32>} : memref<32x384xf32, #tpu.memory_space<vmem>>, vector<1x16xf32>,
            %get3A_516 = vector.shape_cast %get3A_515 : vector<1x16xf32> to vector<16xf32>
            %mul3A_517 = arith.mulf %get3A_516, %mul3A_413 : vector<16xf32>
            %add3A_518 = arith.constant 16 : i32
            %add3A_519 = arith.addi %add3A_503, %add3A_518 : i32
            %swap3A_520 = arith.index_cast %add3A_519 : i32 to index
            %swap3A_521 = tpu.vector_load %arg15[%swap3A_520] {strides = array<i32>} : memref<51376xf32, #tpu.memory_space<vmem>>, vector<16xf32>,
            %swap3A_522 = vector.shape_cast %swap3A_521 : vector<16xf32> to vector<16xf32>
            %swap3A_523 = vector.shape_cast %mul3A_517 : vector<16xf32> to vector<16xf32>
            tpu.vector_store %arg15[%swap3A_520], %swap3A_523 {add = true, strides = array<i32>} : memref<51376xf32, #tpu.memory_space<vmem>>, vector<16xf32>,
            %add3A_524 = arith.constant 25680 : i32
            %add3A_525 = arith.addi %add3A_524, %mul3A_404 : i32
            %get3A_526 = arith.index_cast %while3A_392 : i32 to index
            %get3A_527 = arith.constant 160 : index
            %get3A_528 = tpu.vector_load %arg16[%get3A_526, %get3A_527] {strides = array<i32>} : memref<32x384xf32, #tpu.memory_space<vmem>>, vector<1x16xf32>,
            %get3A_529 = vector.shape_cast %get3A_528 : vector<1x16xf32> to vector<16xf32>
            %mul3A_530 = arith.mulf %get3A_529, %mul3A_413 : vector<16xf32>
            %swap3A_531 = arith.index_cast %add3A_525 : i32 to index
            %swap3A_532 = tpu.vector_load %arg15[%swap3A_531] {strides = array<i32>} : memref<51376xf32, #tpu.memory_space<vmem>>, vector<16xf32>,
            %swap3A_533 = vector.shape_cast %swap3A_532 : vector<16xf32> to vector<16xf32>
            %swap3A_534 = vector.shape_cast %mul3A_530 : vector<16xf32> to vector<16xf32>
            tpu.vector_store %arg15[%swap3A_531], %swap3A_534 {add = true, strides = array<i32>} : memref<51376xf32, #tpu.memory_space<vmem>>, vector<16xf32>,
            %get3A_535 = arith.index_cast %while3A_392 : i32 to index
            %get3A_536 = arith.constant 176 : index
            %get3A_537 = tpu.vector_load %arg16[%get3A_535, %get3A_536] {strides = array<i32>} : memref<32x384xf32, #tpu.memory_space<vmem>>, vector<1x16xf32>,
            %get3A_538 = vector.shape_cast %get3A_537 : vector<1x16xf32> to vector<16xf32>
            %mul3A_539 = arith.mulf %get3A_538, %mul3A_413 : vector<16xf32>
            %add3A_540 = arith.constant 16 : i32
            %add3A_541 = arith.addi %add3A_525, %add3A_540 : i32
            %swap3A_542 = arith.index_cast %add3A_541 : i32 to index
            %swap3A_543 = tpu.vector_load %arg15[%swap3A_542] {strides = array<i32>} : memref<51376xf32, #tpu.memory_space<vmem>>, vector<16xf32>,
            %swap3A_544 = vector.shape_cast %swap3A_543 : vector<16xf32> to vector<16xf32>
            %swap3A_545 = vector.shape_cast %mul3A_539 : vector<16xf32> to vector<16xf32>
            tpu.vector_store %arg15[%swap3A_542], %swap3A_545 {add = true, strides = array<i32>} : memref<51376xf32, #tpu.memory_space<vmem>>, vector<16xf32>,
            %add3A_546 = arith.constant 30816 : i32
            %add3A_547 = arith.addi %add3A_546, %mul3A_404 : i32
            %get3A_548 = arith.index_cast %while3A_392 : i32 to index
            %get3A_549 = arith.constant 192 : index
            %get3A_550 = tpu.vector_load %arg16[%get3A_548, %get3A_549] {strides = array<i32>} : memref<32x384xf32, #tpu.memory_space<vmem>>, vector<1x16xf32>,
            %get3A_551 = vector.shape_cast %get3A_550 : vector<1x16xf32> to vector<16xf32>
            %mul3A_552 = arith.mulf %get3A_551, %mul3A_413 : vector<16xf32>
            %swap3A_553 = arith.index_cast %add3A_547 : i32 to index
            %swap3A_554 = tpu.vector_load %arg15[%swap3A_553] {strides = array<i32>} : memref<51376xf32, #tpu.memory_space<vmem>>, vector<16xf32>,
            %swap3A_555 = vector.shape_cast %swap3A_554 : vector<16xf32> to vector<16xf32>
            %swap3A_556 = vector.shape_cast %mul3A_552 : vector<16xf32> to vector<16xf32>
            tpu.vector_store %arg15[%swap3A_553], %swap3A_556 {add = true, strides = array<i32>} : memref<51376xf32, #tpu.memory_space<vmem>>, vector<16xf32>,
            %get3A_557 = arith.index_cast %while3A_392 : i32 to index
            %get3A_558 = arith.constant 208 : index
            %get3A_559 = tpu.vector_load %arg16[%get3A_557, %get3A_558] {strides = array<i32>} : memref<32x384xf32, #tpu.memory_space<vmem>>, vector<1x16xf32>,
            %get3A_560 = vector.shape_cast %get3A_559 : vector<1x16xf32> to vector<16xf32>
            %mul3A_561 = arith.mulf %get3A_560, %mul3A_413 : vector<16xf32>
            %add3A_562 = arith.constant 16 : i32
            %add3A_563 = arith.addi %add3A_547, %add3A_562 : i32
            %swap3A_564 = arith.index_cast %add3A_563 : i32 to index
            %swap3A_565 = tpu.vector_load %arg15[%swap3A_564] {strides = array<i32>} : memref<51376xf32, #tpu.memory_space<vmem>>, vector<16xf32>,
            %swap3A_566 = vector.shape_cast %swap3A_565 : vector<16xf32> to vector<16xf32>
            %swap3A_567 = vector.shape_cast %mul3A_561 : vector<16xf32> to vector<16xf32>
            tpu.vector_store %arg15[%swap3A_564], %swap3A_567 {add = true, strides = array<i32>} : memref<51376xf32, #tpu.memory_space<vmem>>, vector<16xf32>,
            %add3A_568 = arith.constant 35952 : i32
            %add3A_569 = arith.addi %add3A_568, %mul3A_404 : i32
            %get3A_570 = arith.index_cast %while3A_392 : i32 to index
            %get3A_571 = arith.constant 224 : index
            %get3A_572 = tpu.vector_load %arg16[%get3A_570, %get3A_571] {strides = array<i32>} : memref<32x384xf32, #tpu.memory_space<vmem>>, vector<1x16xf32>,
            %get3A_573 = vector.shape_cast %get3A_572 : vector<1x16xf32> to vector<16xf32>
            %mul3A_574 = arith.mulf %get3A_573, %mul3A_413 : vector<16xf32>
            %swap3A_575 = arith.index_cast %add3A_569 : i32 to index
            %swap3A_576 = tpu.vector_load %arg15[%swap3A_575] {strides = array<i32>} : memref<51376xf32, #tpu.memory_space<vmem>>, vector<16xf32>,
            %swap3A_577 = vector.shape_cast %swap3A_576 : vector<16xf32> to vector<16xf32>
            %swap3A_578 = vector.shape_cast %mul3A_574 : vector<16xf32> to vector<16xf32>
            tpu.vector_store %arg15[%swap3A_575], %swap3A_578 {add = true, strides = array<i32>} : memref<51376xf32, #tpu.memory_space<vmem>>, vector<16xf32>,
            %get3A_579 = arith.index_cast %while3A_392 : i32 to index
            %get3A_580 = arith.constant 240 : index
            %get3A_581 = tpu.vector_load %arg16[%get3A_579, %get3A_580] {strides = array<i32>} : memref<32x384xf32, #tpu.memory_space<vmem>>, vector<1x16xf32>,
            %get3A_582 = vector.shape_cast %get3A_581 : vector<1x16xf32> to vector<16xf32>
            %mul3A_583 = arith.mulf %get3A_582, %mul3A_413 : vector<16xf32>
            %add3A_584 = arith.constant 16 : i32
            %add3A_585 = arith.addi %add3A_569, %add3A_584 : i32
            %swap3A_586 = arith.index_cast %add3A_585 : i32 to index
            %swap3A_587 = tpu.vector_load %arg15[%swap3A_586] {strides = array<i32>} : memref<51376xf32, #tpu.memory_space<vmem>>, vector<16xf32>,
            %swap3A_588 = vector.shape_cast %swap3A_587 : vector<16xf32> to vector<16xf32>
            %swap3A_589 = vector.shape_cast %mul3A_583 : vector<16xf32> to vector<16xf32>
            tpu.vector_store %arg15[%swap3A_586], %swap3A_589 {add = true, strides = array<i32>} : memref<51376xf32, #tpu.memory_space<vmem>>, vector<16xf32>,
            %add3A_590 = arith.constant 41088 : i32
            %add3A_591 = arith.addi %add3A_590, %mul3A_404 : i32
            %get3A_592 = arith.index_cast %while3A_392 : i32 to index
            %get3A_593 = arith.constant 256 : index
            %get3A_594 = tpu.vector_load %arg16[%get3A_592, %get3A_593] {strides = array<i32>} : memref<32x384xf32, #tpu.memory_space<vmem>>, vector<1x16xf32>,
            %get3A_595 = vector.shape_cast %get3A_594 : vector<1x16xf32> to vector<16xf32>
            %mul3A_596 = arith.mulf %get3A_595, %mul3A_413 : vector<16xf32>
            %swap3A_597 = arith.index_cast %add3A_591 : i32 to index
            %swap3A_598 = tpu.vector_load %arg15[%swap3A_597] {strides = array<i32>} : memref<51376xf32, #tpu.memory_space<vmem>>, vector<16xf32>,
            %swap3A_599 = vector.shape_cast %swap3A_598 : vector<16xf32> to vector<16xf32>
            %swap3A_600 = vector.shape_cast %mul3A_596 : vector<16xf32> to vector<16xf32>
            tpu.vector_store %arg15[%swap3A_597], %swap3A_600 {add = true, strides = array<i32>} : memref<51376xf32, #tpu.memory_space<vmem>>, vector<16xf32>,
            %get3A_601 = arith.index_cast %while3A_392 : i32 to index
            %get3A_602 = arith.constant 272 : index
            %get3A_603 = tpu.vector_load %arg16[%get3A_601, %get3A_602] {strides = array<i32>} : memref<32x384xf32, #tpu.memory_space<vmem>>, vector<1x16xf32>,
            %get3A_604 = vector.shape_cast %get3A_603 : vector<1x16xf32> to vector<16xf32>
            %mul3A_605 = arith.mulf %get3A_604, %mul3A_413 : vector<16xf32>
            %add3A_606 = arith.constant 16 : i32
            %add3A_607 = arith.addi %add3A_591, %add3A_606 : i32
            %swap3A_608 = arith.index_cast %add3A_607 : i32 to index
            %swap3A_609 = tpu.vector_load %arg15[%swap3A_608] {strides = array<i32>} : memref<51376xf32, #tpu.memory_space<vmem>>, vector<16xf32>,
            %swap3A_610 = vector.shape_cast %swap3A_609 : vector<16xf32> to vector<16xf32>
            %swap3A_611 = vector.shape_cast %mul3A_605 : vector<16xf32> to vector<16xf32>
            tpu.vector_store %arg15[%swap3A_608], %swap3A_611 {add = true, strides = array<i32>} : memref<51376xf32, #tpu.memory_space<vmem>>, vector<16xf32>,
            %add3A_612 = arith.constant 46224 : i32
            %add3A_613 = arith.addi %add3A_612, %mul3A_404 : i32
            %get3A_614 = arith.index_cast %while3A_392 : i32 to index
            %get3A_615 = arith.constant 288 : index
            %get3A_616 = tpu.vector_load %arg16[%get3A_614, %get3A_615] {strides = array<i32>} : memref<32x384xf32, #tpu.memory_space<vmem>>, vector<1x16xf32>,
            %get3A_617 = vector.shape_cast %get3A_616 : vector<1x16xf32> to vector<16xf32>
            %mul3A_618 = arith.mulf %get3A_617, %mul3A_413 : vector<16xf32>
            %swap3A_619 = arith.index_cast %add3A_613 : i32 to index
            %swap3A_620 = tpu.vector_load %arg15[%swap3A_619] {strides = array<i32>} : memref<51376xf32, #tpu.memory_space<vmem>>, vector<16xf32>,
            %swap3A_621 = vector.shape_cast %swap3A_620 : vector<16xf32> to vector<16xf32>
            %swap3A_622 = vector.shape_cast %mul3A_618 : vector<16xf32> to vector<16xf32>
            tpu.vector_store %arg15[%swap3A_619], %swap3A_622 {add = true, strides = array<i32>} : memref<51376xf32, #tpu.memory_space<vmem>>, vector<16xf32>,
            %get3A_623 = arith.index_cast %while3A_392 : i32 to index
            %get3A_624 = arith.constant 304 : index
            %get3A_625 = tpu.vector_load %arg16[%get3A_623, %get3A_624] {strides = array<i32>} : memref<32x384xf32, #tpu.memory_space<vmem>>, vector<1x16xf32>,
            %get3A_626 = vector.shape_cast %get3A_625 : vector<1x16xf32> to vector<16xf32>
            %mul3A_627 = arith.mulf %get3A_626, %mul3A_413 : vector<16xf32>
            %add3A_628 = arith.constant 16 : i32
            %add3A_629 = arith.addi %add3A_613, %add3A_628 : i32
            %swap3A_630 = arith.index_cast %add3A_629 : i32 to index
            %swap3A_631 = tpu.vector_load %arg15[%swap3A_630] {strides = array<i32>} : memref<51376xf32, #tpu.memory_space<vmem>>, vector<16xf32>,
            %swap3A_632 = vector.shape_cast %swap3A_631 : vector<16xf32> to vector<16xf32>
            %swap3A_633 = vector.shape_cast %mul3A_627 : vector<16xf32> to vector<16xf32>
            tpu.vector_store %arg15[%swap3A_630], %swap3A_633 {add = true, strides = array<i32>} : memref<51376xf32, #tpu.memory_space<vmem>>, vector<16xf32>,
          }
        }
        %while3A_316 = arith.constant 1 : i32
        scf.for %while3A_344 = %while3A_314 to %while3A_310 step %while3A_316  : i32 {
          %mul3A_345 = arith.constant 32 : i32
          %mul3A_346 = arith.muli %while3A_344, %mul3A_345 : i32
          %add3A_347 = arith.addi %squeeze3A_45, %mul3A_346 : i32
          %add3A_348 = arith.constant 0 : i32
          %add3A_349 = arith.addi %add3A_347, %add3A_348 : i32
          %get3A_350 = arith.index_cast %add3A_349 : i32 to index
          %get3A_351 = tpu.vector_load %arg11[%get3A_350] {strides = array<i32>} : memref<4352xi32, #tpu.memory_space<vmem>>, vector<16xi32>,
          %get3A_352 = vector.shape_cast %get3A_351 : vector<16xi32> to vector<16xi32>
          %and3A_353 = arith.constant 4095 : i32
          %and3A_354 = vector.broadcast %and3A_353 : i32 to vector<16xi32>
          %and3A_355 = arith.andi %get3A_352, %and3A_354 : vector<16xi32>
          %swap3A_356 = arith.constant 0 : index
          %swap3A_357 = tpu.vector_load %arg14[%swap3A_356] {strides = array<i32>} : memref<32xi32, #tpu.memory_space<vmem>>, vector<16xi32>,
          %swap3A_358 = vector.shape_cast %swap3A_357 : vector<16xi32> to vector<16xi32>
          %swap3A_359 = vector.shape_cast %and3A_355 : vector<16xi32> to vector<16xi32>
          tpu.vector_store %arg14[%swap3A_356], %swap3A_359 {strides = array<i32>} : memref<32xi32, #tpu.memory_space<vmem>>, vector<16xi32>,
          %mul3A_360 = arith.constant 32 : i32
          %mul3A_361 = arith.muli %while3A_344, %mul3A_360 : i32
          %add3A_362 = arith.addi %squeeze3A_45, %mul3A_361 : i32
          %add3A_363 = arith.constant 16 : i32
          %add3A_364 = arith.addi %add3A_362, %add3A_363 : i32
          %get3A_365 = arith.index_cast %add3A_364 : i32 to index
          %get3A_366 = tpu.vector_load %arg11[%get3A_365] {strides = array<i32>} : memref<4352xi32, #tpu.memory_space<vmem>>, vector<16xi32>,
          %get3A_367 = vector.shape_cast %get3A_366 : vector<16xi32> to vector<16xi32>
          %and3A_368 = arith.constant 4095 : i32
          %and3A_369 = vector.broadcast %and3A_368 : i32 to vector<16xi32>
          %and3A_370 = arith.andi %get3A_367, %and3A_369 : vector<16xi32>
          %swap3A_371 = arith.constant 16 : index
          %swap3A_372 = tpu.vector_load %arg14[%swap3A_371] {strides = array<i32>} : memref<32xi32, #tpu.memory_space<vmem>>, vector<16xi32>,
          %swap3A_373 = vector.shape_cast %swap3A_372 : vector<16xi32> to vector<16xi32>
          %swap3A_374 = vector.shape_cast %and3A_370 : vector<16xi32> to vector<16xi32>
          tpu.vector_store %arg14[%swap3A_371], %swap3A_374 {strides = array<i32>} : memref<32xi32, #tpu.memory_space<vmem>>, vector<16xi32>,
          %dma_start3A = arith.constant 0 : i32
          %dma_start3A_375 = arith.constant 0 : i32
          %dma_start3A_376 = tpu.memref_slice %arg3[%dma_start3A, %dma_start3A_375] : memref<4096x384xf32, #tpu.memory_space<hbm>> -> memref<4096x384xf32, #tpu.memory_space<hbm>>
          tpu.enqueue_indirect_dma source(%dma_start3A_376 : memref<4096x384xf32, #tpu.memory_space<hbm>>) target(%arg16 : memref<32x384xf32, #tpu.memory_space<vmem>>) offsets(%arg14 : memref<32xi32, #tpu.memory_space<vmem>>) semaphore(%arg18 : memref<!tpu.dma_semaphore, #tpu.memory_space<semaphore_mem>>)
          %dma_wait3A = arith.constant 0 : i32
          %dma_wait3A_377 = arith.constant 0 : i32
          %dma_wait3A_378 = tpu.memref_slice %arg3[%dma_wait3A, %dma_wait3A_377] : memref<4096x384xf32, #tpu.memory_space<hbm>> -> memref<4096x384xf32, #tpu.memory_space<hbm>>
          tpu.wait_indirect_dma semaphore(%arg18 : memref<!tpu.dma_semaphore, #tpu.memory_space<semaphore_mem>>) src(%dma_wait3A_378 : memref<4096x384xf32, #tpu.memory_space<hbm>>) dst(%arg16 : memref<32x384xf32, #tpu.memory_space<vmem>>)
          %mul3A_379 = arith.constant 32 : i32
          %mul3A_380 = arith.muli %while3A_344, %mul3A_379 : i32
          %sub3A_381 = arith.subi %sub3A_53, %mul3A_380 : i32
          %min3A = arith.constant 32 : i32
          %min3A_382 = arith.minsi %sub3A_381, %min3A : i32
          %while3A_383 = arith.constant 0 : i32
          %while3A_384 = arith.subi %min3A_382, %while3A_383 : i32
          %while3A_385 = arith.addi %while3A_383, %while3A_384 : i32
          %while3A_386 = arith.constant 1 : i32
          %while3A_387 = arith.divsi %while3A_384, %while3A_386 : i32
          %while3A_388 = arith.muli %while3A_387, %while3A_386 : i32
          %while3A_389 = arith.addi %while3A_383, %while3A_388 : i32
          %while3A_390 = arith.constant 1 : i32
          scf.for %while3A_392 = %while3A_383 to %while3A_389 step %while3A_390  : i32 {
            %mul3A_393 = arith.constant 32 : i32
            %mul3A_394 = arith.muli %while3A_344, %mul3A_393 : i32
            %add3A_395 = arith.addi %squeeze3A_45, %mul3A_394 : i32
            %add3A_396 = arith.addi %add3A_395, %while3A_392 : i32
            %get3A_397 = arith.index_cast %add3A_396 : i32 to index
            %get3A_398 = tpu.vector_load %arg11[%get3A_397] {strides = array<i32>} : memref<4352xi32, #tpu.memory_space<vmem>>, vector<16xi32>,
            %get3A_399 = vector.shape_cast %get3A_398 : vector<16xi32> to vector<16xi32>
            %slice3A_400 = vector.extract_strided_slice %get3A_399 {offsets = [0], sizes = [1], strides = [1]} : vector<16xi32> to vector<1xi32>
            %squeeze3A_401 = vector.extract %slice3A_400[0] : i32 from vector<1xi32>
            %shift_right_logical3A = arith.constant 12 : i32
            %shift_right_logical3A_402 = arith.shrui %squeeze3A_401, %shift_right_logical3A : i32
            %mul3A_403 = arith.constant 20 : i32
            %mul3A_404 = arith.muli %shift_right_logical3A_402, %mul3A_403 : i32
            %mul3A_405 = arith.constant 16 : i32
            %mul3A_406 = arith.muli %mul3A_405, %scan3A_62 : i32
            %add3A_407 = arith.constant 320 : i32
            %add3A_408 = arith.addi %add3A_407, %mul3A_406 : i32
            %get3A_409 = arith.index_cast %while3A_392 : i32 to index
            %get3A_410 = arith.index_cast %add3A_408 : i32 to index
            %get3A_411 = tpu.vector_load %arg16[%get3A_409, %get3A_410] {strides = array<i32>} : memref<32x384xf32, #tpu.memory_space<vmem>>, vector<1x16xf32>,
            %get3A_412 = vector.shape_cast %get3A_411 : vector<1x16xf32> to vector<16xf32>
            %mul3A_413 = arith.mulf %get3A_412, %select_n3A_22 : vector<16xf32>
            %add3A_414 = arith.constant 0 : i32
            %add3A_415 = arith.addi %add3A_414, %mul3A_404 : i32
            %get3A_416 = arith.index_cast %while3A_392 : i32 to index
            %get3A_417 = arith.constant 0 : index
            %get3A_418 = tpu.vector_load %arg16[%get3A_416, %get3A_417] {strides = array<i32>} : memref<32x384xf32, #tpu.memory_space<vmem>>, vector<1x16xf32>,
            %get3A_419 = vector.shape_cast %get3A_418 : vector<1x16xf32> to vector<16xf32>
            %mul3A_420 = arith.mulf %get3A_419, %mul3A_413 : vector<16xf32>
            %swap3A_421 = arith.index_cast %add3A_415 : i32 to index
            %swap3A_422 = tpu.vector_load %arg15[%swap3A_421] {strides = array<i32>} : memref<51376xf32, #tpu.memory_space<vmem>>, vector<16xf32>,
            %swap3A_423 = vector.shape_cast %swap3A_422 : vector<16xf32> to vector<16xf32>
            %swap3A_424 = vector.shape_cast %mul3A_420 : vector<16xf32> to vector<16xf32>
            tpu.vector_store %arg15[%swap3A_421], %swap3A_424 {add = true, strides = array<i32>} : memref<51376xf32, #tpu.memory_space<vmem>>, vector<16xf32>,
            %get3A_425 = arith.index_cast %while3A_392 : i32 to index
            %get3A_426 = arith.constant 16 : index
            %get3A_427 = tpu.vector_load %arg16[%get3A_425, %get3A_426] {strides = array<i32>} : memref<32x384xf32, #tpu.memory_space<vmem>>, vector<1x16xf32>,
            %get3A_428 = vector.shape_cast %get3A_427 : vector<1x16xf32> to vector<16xf32>
            %mul3A_429 = arith.mulf %get3A_428, %mul3A_413 : vector<16xf32>
            %add3A_430 = arith.constant 16 : i32
            %add3A_431 = arith.addi %add3A_415, %add3A_430 : i32
            %swap3A_432 = arith.index_cast %add3A_431 : i32 to index
            %swap3A_433 = tpu.vector_load %arg15[%swap3A_432] {strides = array<i32>} : memref<51376xf32, #tpu.memory_space<vmem>>, vector<16xf32>,
            %swap3A_434 = vector.shape_cast %swap3A_433 : vector<16xf32> to vector<16xf32>
            %swap3A_435 = vector.shape_cast %mul3A_429 : vector<16xf32> to vector<16xf32>
            tpu.vector_store %arg15[%swap3A_432], %swap3A_435 {add = true, strides = array<i32>} : memref<51376xf32, #tpu.memory_space<vmem>>, vector<16xf32>,
            %add3A_436 = arith.constant 5136 : i32
            %add3A_437 = arith.addi %add3A_436, %mul3A_404 : i32
            %get3A_438 = arith.index_cast %while3A_392 : i32 to index
            %get3A_439 = arith.constant 32 : index
            %get3A_440 = tpu.vector_load %arg16[%get3A_438, %get3A_439] {strides = array<i32>} : memref<32x384xf32, #tpu.memory_space<vmem>>, vector<1x16xf32>,
            %get3A_441 = vector.shape_cast %get3A_440 : vector<1x16xf32> to vector<16xf32>
            %mul3A_442 = arith.mulf %get3A_441, %mul3A_413 : vector<16xf32>
            %swap3A_443 = arith.index_cast %add3A_437 : i32 to index
            %swap3A_444 = tpu.vector_load %arg15[%swap3A_443] {strides = array<i32>} : memref<51376xf32, #tpu.memory_space<vmem>>, vector<16xf32>,
            %swap3A_445 = vector.shape_cast %swap3A_444 : vector<16xf32> to vector<16xf32>
            %swap3A_446 = vector.shape_cast %mul3A_442 : vector<16xf32> to vector<16xf32>
            tpu.vector_store %arg15[%swap3A_443], %swap3A_446 {add = true, strides = array<i32>} : memref<51376xf32, #tpu.memory_space<vmem>>, vector<16xf32>,
            %get3A_447 = arith.index_cast %while3A_392 : i32 to index
            %get3A_448 = arith.constant 48 : index
            %get3A_449 = tpu.vector_load %arg16[%get3A_447, %get3A_448] {strides = array<i32>} : memref<32x384xf32, #tpu.memory_space<vmem>>, vector<1x16xf32>,
            %get3A_450 = vector.shape_cast %get3A_449 : vector<1x16xf32> to vector<16xf32>
            %mul3A_451 = arith.mulf %get3A_450, %mul3A_413 : vector<16xf32>
            %add3A_452 = arith.constant 16 : i32
            %add3A_453 = arith.addi %add3A_437, %add3A_452 : i32
            %swap3A_454 = arith.index_cast %add3A_453 : i32 to index
            %swap3A_455 = tpu.vector_load %arg15[%swap3A_454] {strides = array<i32>} : memref<51376xf32, #tpu.memory_space<vmem>>, vector<16xf32>,
            %swap3A_456 = vector.shape_cast %swap3A_455 : vector<16xf32> to vector<16xf32>
            %swap3A_457 = vector.shape_cast %mul3A_451 : vector<16xf32> to vector<16xf32>
            tpu.vector_store %arg15[%swap3A_454], %swap3A_457 {add = true, strides = array<i32>} : memref<51376xf32, #tpu.memory_space<vmem>>, vector<16xf32>,
            %add3A_458 = arith.constant 10272 : i32
            %add3A_459 = arith.addi %add3A_458, %mul3A_404 : i32
            %get3A_460 = arith.index_cast %while3A_392 : i32 to index
            %get3A_461 = arith.constant 64 : index
            %get3A_462 = tpu.vector_load %arg16[%get3A_460, %get3A_461] {strides = array<i32>} : memref<32x384xf32, #tpu.memory_space<vmem>>, vector<1x16xf32>,
            %get3A_463 = vector.shape_cast %get3A_462 : vector<1x16xf32> to vector<16xf32>
            %mul3A_464 = arith.mulf %get3A_463, %mul3A_413 : vector<16xf32>
            %swap3A_465 = arith.index_cast %add3A_459 : i32 to index
            %swap3A_466 = tpu.vector_load %arg15[%swap3A_465] {strides = array<i32>} : memref<51376xf32, #tpu.memory_space<vmem>>, vector<16xf32>,
            %swap3A_467 = vector.shape_cast %swap3A_466 : vector<16xf32> to vector<16xf32>
            %swap3A_468 = vector.shape_cast %mul3A_464 : vector<16xf32> to vector<16xf32>
            tpu.vector_store %arg15[%swap3A_465], %swap3A_468 {add = true, strides = array<i32>} : memref<51376xf32, #tpu.memory_space<vmem>>, vector<16xf32>,
            %get3A_469 = arith.index_cast %while3A_392 : i32 to index
            %get3A_470 = arith.constant 80 : index
            %get3A_471 = tpu.vector_load %arg16[%get3A_469, %get3A_470] {strides = array<i32>} : memref<32x384xf32, #tpu.memory_space<vmem>>, vector<1x16xf32>,
            %get3A_472 = vector.shape_cast %get3A_471 : vector<1x16xf32> to vector<16xf32>
            %mul3A_473 = arith.mulf %get3A_472, %mul3A_413 : vector<16xf32>
            %add3A_474 = arith.constant 16 : i32
            %add3A_475 = arith.addi %add3A_459, %add3A_474 : i32
            %swap3A_476 = arith.index_cast %add3A_475 : i32 to index
            %swap3A_477 = tpu.vector_load %arg15[%swap3A_476] {strides = array<i32>} : memref<51376xf32, #tpu.memory_space<vmem>>, vector<16xf32>,
            %swap3A_478 = vector.shape_cast %swap3A_477 : vector<16xf32> to vector<16xf32>
            %swap3A_479 = vector.shape_cast %mul3A_473 : vector<16xf32> to vector<16xf32>
            tpu.vector_store %arg15[%swap3A_476], %swap3A_479 {add = true, strides = array<i32>} : memref<51376xf32, #tpu.memory_space<vmem>>, vector<16xf32>,
            %add3A_480 = arith.constant 15408 : i32
            %add3A_481 = arith.addi %add3A_480, %mul3A_404 : i32
            %get3A_482 = arith.index_cast %while3A_392 : i32 to index
            %get3A_483 = arith.constant 96 : index
            %get3A_484 = tpu.vector_load %arg16[%get3A_482, %get3A_483] {strides = array<i32>} : memref<32x384xf32, #tpu.memory_space<vmem>>, vector<1x16xf32>,
            %get3A_485 = vector.shape_cast %get3A_484 : vector<1x16xf32> to vector<16xf32>
            %mul3A_486 = arith.mulf %get3A_485, %mul3A_413 : vector<16xf32>
            %swap3A_487 = arith.index_cast %add3A_481 : i32 to index
            %swap3A_488 = tpu.vector_load %arg15[%swap3A_487] {strides = array<i32>} : memref<51376xf32, #tpu.memory_space<vmem>>, vector<16xf32>,
            %swap3A_489 = vector.shape_cast %swap3A_488 : vector<16xf32> to vector<16xf32>
            %swap3A_490 = vector.shape_cast %mul3A_486 : vector<16xf32> to vector<16xf32>
            tpu.vector_store %arg15[%swap3A_487], %swap3A_490 {add = true, strides = array<i32>} : memref<51376xf32, #tpu.memory_space<vmem>>, vector<16xf32>,
            %get3A_491 = arith.index_cast %while3A_392 : i32 to index
            %get3A_492 = arith.constant 112 : index
            %get3A_493 = tpu.vector_load %arg16[%get3A_491, %get3A_492] {strides = array<i32>} : memref<32x384xf32, #tpu.memory_space<vmem>>, vector<1x16xf32>,
            %get3A_494 = vector.shape_cast %get3A_493 : vector<1x16xf32> to vector<16xf32>
            %mul3A_495 = arith.mulf %get3A_494, %mul3A_413 : vector<16xf32>
            %add3A_496 = arith.constant 16 : i32
            %add3A_497 = arith.addi %add3A_481, %add3A_496 : i32
            %swap3A_498 = arith.index_cast %add3A_497 : i32 to index
            %swap3A_499 = tpu.vector_load %arg15[%swap3A_498] {strides = array<i32>} : memref<51376xf32, #tpu.memory_space<vmem>>, vector<16xf32>,
            %swap3A_500 = vector.shape_cast %swap3A_499 : vector<16xf32> to vector<16xf32>
            %swap3A_501 = vector.shape_cast %mul3A_495 : vector<16xf32> to vector<16xf32>
            tpu.vector_store %arg15[%swap3A_498], %swap3A_501 {add = true, strides = array<i32>} : memref<51376xf32, #tpu.memory_space<vmem>>, vector<16xf32>,
            %add3A_502 = arith.constant 20544 : i32
            %add3A_503 = arith.addi %add3A_502, %mul3A_404 : i32
            %get3A_504 = arith.index_cast %while3A_392 : i32 to index
            %get3A_505 = arith.constant 128 : index
            %get3A_506 = tpu.vector_load %arg16[%get3A_504, %get3A_505] {strides = array<i32>} : memref<32x384xf32, #tpu.memory_space<vmem>>, vector<1x16xf32>,
            %get3A_507 = vector.shape_cast %get3A_506 : vector<1x16xf32> to vector<16xf32>
            %mul3A_508 = arith.mulf %get3A_507, %mul3A_413 : vector<16xf32>
            %swap3A_509 = arith.index_cast %add3A_503 : i32 to index
            %swap3A_510 = tpu.vector_load %arg15[%swap3A_509] {strides = array<i32>} : memref<51376xf32, #tpu.memory_space<vmem>>, vector<16xf32>,
            %swap3A_511 = vector.shape_cast %swap3A_510 : vector<16xf32> to vector<16xf32>
            %swap3A_512 = vector.shape_cast %mul3A_508 : vector<16xf32> to vector<16xf32>
            tpu.vector_store %arg15[%swap3A_509], %swap3A_512 {add = true, strides = array<i32>} : memref<51376xf32, #tpu.memory_space<vmem>>, vector<16xf32>,
            %get3A_513 = arith.index_cast %while3A_392 : i32 to index
            %get3A_514 = arith.constant 144 : index
            %get3A_515 = tpu.vector_load %arg16[%get3A_513, %get3A_514] {strides = array<i32>} : memref<32x384xf32, #tpu.memory_space<vmem>>, vector<1x16xf32>,
            %get3A_516 = vector.shape_cast %get3A_515 : vector<1x16xf32> to vector<16xf32>
            %mul3A_517 = arith.mulf %get3A_516, %mul3A_413 : vector<16xf32>
            %add3A_518 = arith.constant 16 : i32
            %add3A_519 = arith.addi %add3A_503, %add3A_518 : i32
            %swap3A_520 = arith.index_cast %add3A_519 : i32 to index
            %swap3A_521 = tpu.vector_load %arg15[%swap3A_520] {strides = array<i32>} : memref<51376xf32, #tpu.memory_space<vmem>>, vector<16xf32>,
            %swap3A_522 = vector.shape_cast %swap3A_521 : vector<16xf32> to vector<16xf32>
            %swap3A_523 = vector.shape_cast %mul3A_517 : vector<16xf32> to vector<16xf32>
            tpu.vector_store %arg15[%swap3A_520], %swap3A_523 {add = true, strides = array<i32>} : memref<51376xf32, #tpu.memory_space<vmem>>, vector<16xf32>,
            %add3A_524 = arith.constant 25680 : i32
            %add3A_525 = arith.addi %add3A_524, %mul3A_404 : i32
            %get3A_526 = arith.index_cast %while3A_392 : i32 to index
            %get3A_527 = arith.constant 160 : index
            %get3A_528 = tpu.vector_load %arg16[%get3A_526, %get3A_527] {strides = array<i32>} : memref<32x384xf32, #tpu.memory_space<vmem>>, vector<1x16xf32>,
            %get3A_529 = vector.shape_cast %get3A_528 : vector<1x16xf32> to vector<16xf32>
            %mul3A_530 = arith.mulf %get3A_529, %mul3A_413 : vector<16xf32>
            %swap3A_531 = arith.index_cast %add3A_525 : i32 to index
            %swap3A_532 = tpu.vector_load %arg15[%swap3A_531] {strides = array<i32>} : memref<51376xf32, #tpu.memory_space<vmem>>, vector<16xf32>,
            %swap3A_533 = vector.shape_cast %swap3A_532 : vector<16xf32> to vector<16xf32>
            %swap3A_534 = vector.shape_cast %mul3A_530 : vector<16xf32> to vector<16xf32>
            tpu.vector_store %arg15[%swap3A_531], %swap3A_534 {add = true, strides = array<i32>} : memref<51376xf32, #tpu.memory_space<vmem>>, vector<16xf32>,
            %get3A_535 = arith.index_cast %while3A_392 : i32 to index
            %get3A_536 = arith.constant 176 : index
            %get3A_537 = tpu.vector_load %arg16[%get3A_535, %get3A_536] {strides = array<i32>} : memref<32x384xf32, #tpu.memory_space<vmem>>, vector<1x16xf32>,
            %get3A_538 = vector.shape_cast %get3A_537 : vector<1x16xf32> to vector<16xf32>
            %mul3A_539 = arith.mulf %get3A_538, %mul3A_413 : vector<16xf32>
            %add3A_540 = arith.constant 16 : i32
            %add3A_541 = arith.addi %add3A_525, %add3A_540 : i32
            %swap3A_542 = arith.index_cast %add3A_541 : i32 to index
            %swap3A_543 = tpu.vector_load %arg15[%swap3A_542] {strides = array<i32>} : memref<51376xf32, #tpu.memory_space<vmem>>, vector<16xf32>,
            %swap3A_544 = vector.shape_cast %swap3A_543 : vector<16xf32> to vector<16xf32>
            %swap3A_545 = vector.shape_cast %mul3A_539 : vector<16xf32> to vector<16xf32>
            tpu.vector_store %arg15[%swap3A_542], %swap3A_545 {add = true, strides = array<i32>} : memref<51376xf32, #tpu.memory_space<vmem>>, vector<16xf32>,
            %add3A_546 = arith.constant 30816 : i32
            %add3A_547 = arith.addi %add3A_546, %mul3A_404 : i32
            %get3A_548 = arith.index_cast %while3A_392 : i32 to index
            %get3A_549 = arith.constant 192 : index
            %get3A_550 = tpu.vector_load %arg16[%get3A_548, %get3A_549] {strides = array<i32>} : memref<32x384xf32, #tpu.memory_space<vmem>>, vector<1x16xf32>,
            %get3A_551 = vector.shape_cast %get3A_550 : vector<1x16xf32> to vector<16xf32>
            %mul3A_552 = arith.mulf %get3A_551, %mul3A_413 : vector<16xf32>
            %swap3A_553 = arith.index_cast %add3A_547 : i32 to index
            %swap3A_554 = tpu.vector_load %arg15[%swap3A_553] {strides = array<i32>} : memref<51376xf32, #tpu.memory_space<vmem>>, vector<16xf32>,
            %swap3A_555 = vector.shape_cast %swap3A_554 : vector<16xf32> to vector<16xf32>
            %swap3A_556 = vector.shape_cast %mul3A_552 : vector<16xf32> to vector<16xf32>
            tpu.vector_store %arg15[%swap3A_553], %swap3A_556 {add = true, strides = array<i32>} : memref<51376xf32, #tpu.memory_space<vmem>>, vector<16xf32>,
            %get3A_557 = arith.index_cast %while3A_392 : i32 to index
            %get3A_558 = arith.constant 208 : index
            %get3A_559 = tpu.vector_load %arg16[%get3A_557, %get3A_558] {strides = array<i32>} : memref<32x384xf32, #tpu.memory_space<vmem>>, vector<1x16xf32>,
            %get3A_560 = vector.shape_cast %get3A_559 : vector<1x16xf32> to vector<16xf32>
            %mul3A_561 = arith.mulf %get3A_560, %mul3A_413 : vector<16xf32>
            %add3A_562 = arith.constant 16 : i32
            %add3A_563 = arith.addi %add3A_547, %add3A_562 : i32
            %swap3A_564 = arith.index_cast %add3A_563 : i32 to index
            %swap3A_565 = tpu.vector_load %arg15[%swap3A_564] {strides = array<i32>} : memref<51376xf32, #tpu.memory_space<vmem>>, vector<16xf32>,
            %swap3A_566 = vector.shape_cast %swap3A_565 : vector<16xf32> to vector<16xf32>
            %swap3A_567 = vector.shape_cast %mul3A_561 : vector<16xf32> to vector<16xf32>
            tpu.vector_store %arg15[%swap3A_564], %swap3A_567 {add = true, strides = array<i32>} : memref<51376xf32, #tpu.memory_space<vmem>>, vector<16xf32>,
            %add3A_568 = arith.constant 35952 : i32
            %add3A_569 = arith.addi %add3A_568, %mul3A_404 : i32
            %get3A_570 = arith.index_cast %while3A_392 : i32 to index
            %get3A_571 = arith.constant 224 : index
            %get3A_572 = tpu.vector_load %arg16[%get3A_570, %get3A_571] {strides = array<i32>} : memref<32x384xf32, #tpu.memory_space<vmem>>, vector<1x16xf32>,
            %get3A_573 = vector.shape_cast %get3A_572 : vector<1x16xf32> to vector<16xf32>
            %mul3A_574 = arith.mulf %get3A_573, %mul3A_413 : vector<16xf32>
            %swap3A_575 = arith.index_cast %add3A_569 : i32 to index
            %swap3A_576 = tpu.vector_load %arg15[%swap3A_575] {strides = array<i32>} : memref<51376xf32, #tpu.memory_space<vmem>>, vector<16xf32>,
            %swap3A_577 = vector.shape_cast %swap3A_576 : vector<16xf32> to vector<16xf32>
            %swap3A_578 = vector.shape_cast %mul3A_574 : vector<16xf32> to vector<16xf32>
            tpu.vector_store %arg15[%swap3A_575], %swap3A_578 {add = true, strides = array<i32>} : memref<51376xf32, #tpu.memory_space<vmem>>, vector<16xf32>,
            %get3A_579 = arith.index_cast %while3A_392 : i32 to index
            %get3A_580 = arith.constant 240 : index
            %get3A_581 = tpu.vector_load %arg16[%get3A_579, %get3A_580] {strides = array<i32>} : memref<32x384xf32, #tpu.memory_space<vmem>>, vector<1x16xf32>,
            %get3A_582 = vector.shape_cast %get3A_581 : vector<1x16xf32> to vector<16xf32>
            %mul3A_583 = arith.mulf %get3A_582, %mul3A_413 : vector<16xf32>
            %add3A_584 = arith.constant 16 : i32
            %add3A_585 = arith.addi %add3A_569, %add3A_584 : i32
            %swap3A_586 = arith.index_cast %add3A_585 : i32 to index
            %swap3A_587 = tpu.vector_load %arg15[%swap3A_586] {strides = array<i32>} : memref<51376xf32, #tpu.memory_space<vmem>>, vector<16xf32>,
            %swap3A_588 = vector.shape_cast %swap3A_587 : vector<16xf32> to vector<16xf32>
            %swap3A_589 = vector.shape_cast %mul3A_583 : vector<16xf32> to vector<16xf32>
            tpu.vector_store %arg15[%swap3A_586], %swap3A_589 {add = true, strides = array<i32>} : memref<51376xf32, #tpu.memory_space<vmem>>, vector<16xf32>,
            %add3A_590 = arith.constant 41088 : i32
            %add3A_591 = arith.addi %add3A_590, %mul3A_404 : i32
            %get3A_592 = arith.index_cast %while3A_392 : i32 to index
            %get3A_593 = arith.constant 256 : index
            %get3A_594 = tpu.vector_load %arg16[%get3A_592, %get3A_593] {strides = array<i32>} : memref<32x384xf32, #tpu.memory_space<vmem>>, vector<1x16xf32>,
            %get3A_595 = vector.shape_cast %get3A_594 : vector<1x16xf32> to vector<16xf32>
            %mul3A_596 = arith.mulf %get3A_595, %mul3A_413 : vector<16xf32>
            %swap3A_597 = arith.index_cast %add3A_591 : i32 to index
            %swap3A_598 = tpu.vector_load %arg15[%swap3A_597] {strides = array<i32>} : memref<51376xf32, #tpu.memory_space<vmem>>, vector<16xf32>,
            %swap3A_599 = vector.shape_cast %swap3A_598 : vector<16xf32> to vector<16xf32>
            %swap3A_600 = vector.shape_cast %mul3A_596 : vector<16xf32> to vector<16xf32>
            tpu.vector_store %arg15[%swap3A_597], %swap3A_600 {add = true, strides = array<i32>} : memref<51376xf32, #tpu.memory_space<vmem>>, vector<16xf32>,
            %get3A_601 = arith.index_cast %while3A_392 : i32 to index
            %get3A_602 = arith.constant 272 : index
            %get3A_603 = tpu.vector_load %arg16[%get3A_601, %get3A_602] {strides = array<i32>} : memref<32x384xf32, #tpu.memory_space<vmem>>, vector<1x16xf32>,
            %get3A_604 = vector.shape_cast %get3A_603 : vector<1x16xf32> to vector<16xf32>
            %mul3A_605 = arith.mulf %get3A_604, %mul3A_413 : vector<16xf32>
            %add3A_606 = arith.constant 16 : i32
            %add3A_607 = arith.addi %add3A_591, %add3A_606 : i32
            %swap3A_608 = arith.index_cast %add3A_607 : i32 to index
            %swap3A_609 = tpu.vector_load %arg15[%swap3A_608] {strides = array<i32>} : memref<51376xf32, #tpu.memory_space<vmem>>, vector<16xf32>,
            %swap3A_610 = vector.shape_cast %swap3A_609 : vector<16xf32> to vector<16xf32>
            %swap3A_611 = vector.shape_cast %mul3A_605 : vector<16xf32> to vector<16xf32>
            tpu.vector_store %arg15[%swap3A_608], %swap3A_611 {add = true, strides = array<i32>} : memref<51376xf32, #tpu.memory_space<vmem>>, vector<16xf32>,
            %add3A_612 = arith.constant 46224 : i32
            %add3A_613 = arith.addi %add3A_612, %mul3A_404 : i32
            %get3A_614 = arith.index_cast %while3A_392 : i32 to index
            %get3A_615 = arith.constant 288 : index
            %get3A_616 = tpu.vector_load %arg16[%get3A_614, %get3A_615] {strides = array<i32>} : memref<32x384xf32, #tpu.memory_space<vmem>>, vector<1x16xf32>,
            %get3A_617 = vector.shape_cast %get3A_616 : vector<1x16xf32> to vector<16xf32>
            %mul3A_618 = arith.mulf %get3A_617, %mul3A_413 : vector<16xf32>
            %swap3A_619 = arith.index_cast %add3A_613 : i32 to index
            %swap3A_620 = tpu.vector_load %arg15[%swap3A_619] {strides = array<i32>} : memref<51376xf32, #tpu.memory_space<vmem>>, vector<16xf32>,
            %swap3A_621 = vector.shape_cast %swap3A_620 : vector<16xf32> to vector<16xf32>
            %swap3A_622 = vector.shape_cast %mul3A_618 : vector<16xf32> to vector<16xf32>
            tpu.vector_store %arg15[%swap3A_619], %swap3A_622 {add = true, strides = array<i32>} : memref<51376xf32, #tpu.memory_space<vmem>>, vector<16xf32>,
            %get3A_623 = arith.index_cast %while3A_392 : i32 to index
            %get3A_624 = arith.constant 304 : index
            %get3A_625 = tpu.vector_load %arg16[%get3A_623, %get3A_624] {strides = array<i32>} : memref<32x384xf32, #tpu.memory_space<vmem>>, vector<1x16xf32>,
            %get3A_626 = vector.shape_cast %get3A_625 : vector<1x16xf32> to vector<16xf32>
            %mul3A_627 = arith.mulf %get3A_626, %mul3A_413 : vector<16xf32>
            %add3A_628 = arith.constant 16 : i32
            %add3A_629 = arith.addi %add3A_613, %add3A_628 : i32
            %swap3A_630 = arith.index_cast %add3A_629 : i32 to index
            %swap3A_631 = tpu.vector_load %arg15[%swap3A_630] {strides = array<i32>} : memref<51376xf32, #tpu.memory_space<vmem>>, vector<16xf32>,
            %swap3A_632 = vector.shape_cast %swap3A_631 : vector<16xf32> to vector<16xf32>
            %swap3A_633 = vector.shape_cast %mul3A_627 : vector<16xf32> to vector<16xf32>
            tpu.vector_store %arg15[%swap3A_630], %swap3A_633 {add = true, strides = array<i32>} : memref<51376xf32, #tpu.memory_space<vmem>>, vector<16xf32>,
          }
          %while3A_391 = arith.constant 1 : i32
          scf.for %while3A_392 = %while3A_389 to %while3A_385 step %while3A_391  : i32 {
            %mul3A_393 = arith.constant 32 : i32
            %mul3A_394 = arith.muli %while3A_344, %mul3A_393 : i32
            %add3A_395 = arith.addi %squeeze3A_45, %mul3A_394 : i32
            %add3A_396 = arith.addi %add3A_395, %while3A_392 : i32
            %get3A_397 = arith.index_cast %add3A_396 : i32 to index
            %get3A_398 = tpu.vector_load %arg11[%get3A_397] {strides = array<i32>} : memref<4352xi32, #tpu.memory_space<vmem>>, vector<16xi32>,
            %get3A_399 = vector.shape_cast %get3A_398 : vector<16xi32> to vector<16xi32>
            %slice3A_400 = vector.extract_strided_slice %get3A_399 {offsets = [0], sizes = [1], strides = [1]} : vector<16xi32> to vector<1xi32>
            %squeeze3A_401 = vector.extract %slice3A_400[0] : i32 from vector<1xi32>
            %shift_right_logical3A = arith.constant 12 : i32
            %shift_right_logical3A_402 = arith.shrui %squeeze3A_401, %shift_right_logical3A : i32
            %mul3A_403 = arith.constant 20 : i32
            %mul3A_404 = arith.muli %shift_right_logical3A_402, %mul3A_403 : i32
            %mul3A_405 = arith.constant 16 : i32
            %mul3A_406 = arith.muli %mul3A_405, %scan3A_62 : i32
            %add3A_407 = arith.constant 320 : i32
            %add3A_408 = arith.addi %add3A_407, %mul3A_406 : i32
            %get3A_409 = arith.index_cast %while3A_392 : i32 to index
            %get3A_410 = arith.index_cast %add3A_408 : i32 to index
            %get3A_411 = tpu.vector_load %arg16[%get3A_409, %get3A_410] {strides = array<i32>} : memref<32x384xf32, #tpu.memory_space<vmem>>, vector<1x16xf32>,
            %get3A_412 = vector.shape_cast %get3A_411 : vector<1x16xf32> to vector<16xf32>
            %mul3A_413 = arith.mulf %get3A_412, %select_n3A_22 : vector<16xf32>
            %add3A_414 = arith.constant 0 : i32
            %add3A_415 = arith.addi %add3A_414, %mul3A_404 : i32
            %get3A_416 = arith.index_cast %while3A_392 : i32 to index
            %get3A_417 = arith.constant 0 : index
            %get3A_418 = tpu.vector_load %arg16[%get3A_416, %get3A_417] {strides = array<i32>} : memref<32x384xf32, #tpu.memory_space<vmem>>, vector<1x16xf32>,
            %get3A_419 = vector.shape_cast %get3A_418 : vector<1x16xf32> to vector<16xf32>
            %mul3A_420 = arith.mulf %get3A_419, %mul3A_413 : vector<16xf32>
            %swap3A_421 = arith.index_cast %add3A_415 : i32 to index
            %swap3A_422 = tpu.vector_load %arg15[%swap3A_421] {strides = array<i32>} : memref<51376xf32, #tpu.memory_space<vmem>>, vector<16xf32>,
            %swap3A_423 = vector.shape_cast %swap3A_422 : vector<16xf32> to vector<16xf32>
            %swap3A_424 = vector.shape_cast %mul3A_420 : vector<16xf32> to vector<16xf32>
            tpu.vector_store %arg15[%swap3A_421], %swap3A_424 {add = true, strides = array<i32>} : memref<51376xf32, #tpu.memory_space<vmem>>, vector<16xf32>,
            %get3A_425 = arith.index_cast %while3A_392 : i32 to index
            %get3A_426 = arith.constant 16 : index
            %get3A_427 = tpu.vector_load %arg16[%get3A_425, %get3A_426] {strides = array<i32>} : memref<32x384xf32, #tpu.memory_space<vmem>>, vector<1x16xf32>,
            %get3A_428 = vector.shape_cast %get3A_427 : vector<1x16xf32> to vector<16xf32>
            %mul3A_429 = arith.mulf %get3A_428, %mul3A_413 : vector<16xf32>
            %add3A_430 = arith.constant 16 : i32
            %add3A_431 = arith.addi %add3A_415, %add3A_430 : i32
            %swap3A_432 = arith.index_cast %add3A_431 : i32 to index
            %swap3A_433 = tpu.vector_load %arg15[%swap3A_432] {strides = array<i32>} : memref<51376xf32, #tpu.memory_space<vmem>>, vector<16xf32>,
            %swap3A_434 = vector.shape_cast %swap3A_433 : vector<16xf32> to vector<16xf32>
            %swap3A_435 = vector.shape_cast %mul3A_429 : vector<16xf32> to vector<16xf32>
            tpu.vector_store %arg15[%swap3A_432], %swap3A_435 {add = true, strides = array<i32>} : memref<51376xf32, #tpu.memory_space<vmem>>, vector<16xf32>,
            %add3A_436 = arith.constant 5136 : i32
            %add3A_437 = arith.addi %add3A_436, %mul3A_404 : i32
            %get3A_438 = arith.index_cast %while3A_392 : i32 to index
            %get3A_439 = arith.constant 32 : index
            %get3A_440 = tpu.vector_load %arg16[%get3A_438, %get3A_439] {strides = array<i32>} : memref<32x384xf32, #tpu.memory_space<vmem>>, vector<1x16xf32>,
            %get3A_441 = vector.shape_cast %get3A_440 : vector<1x16xf32> to vector<16xf32>
            %mul3A_442 = arith.mulf %get3A_441, %mul3A_413 : vector<16xf32>
            %swap3A_443 = arith.index_cast %add3A_437 : i32 to index
            %swap3A_444 = tpu.vector_load %arg15[%swap3A_443] {strides = array<i32>} : memref<51376xf32, #tpu.memory_space<vmem>>, vector<16xf32>,
            %swap3A_445 = vector.shape_cast %swap3A_444 : vector<16xf32> to vector<16xf32>
            %swap3A_446 = vector.shape_cast %mul3A_442 : vector<16xf32> to vector<16xf32>
            tpu.vector_store %arg15[%swap3A_443], %swap3A_446 {add = true, strides = array<i32>} : memref<51376xf32, #tpu.memory_space<vmem>>, vector<16xf32>,
            %get3A_447 = arith.index_cast %while3A_392 : i32 to index
            %get3A_448 = arith.constant 48 : index
            %get3A_449 = tpu.vector_load %arg16[%get3A_447, %get3A_448] {strides = array<i32>} : memref<32x384xf32, #tpu.memory_space<vmem>>, vector<1x16xf32>,
            %get3A_450 = vector.shape_cast %get3A_449 : vector<1x16xf32> to vector<16xf32>
            %mul3A_451 = arith.mulf %get3A_450, %mul3A_413 : vector<16xf32>
            %add3A_452 = arith.constant 16 : i32
            %add3A_453 = arith.addi %add3A_437, %add3A_452 : i32
            %swap3A_454 = arith.index_cast %add3A_453 : i32 to index
            %swap3A_455 = tpu.vector_load %arg15[%swap3A_454] {strides = array<i32>} : memref<51376xf32, #tpu.memory_space<vmem>>, vector<16xf32>,
            %swap3A_456 = vector.shape_cast %swap3A_455 : vector<16xf32> to vector<16xf32>
            %swap3A_457 = vector.shape_cast %mul3A_451 : vector<16xf32> to vector<16xf32>
            tpu.vector_store %arg15[%swap3A_454], %swap3A_457 {add = true, strides = array<i32>} : memref<51376xf32, #tpu.memory_space<vmem>>, vector<16xf32>,
            %add3A_458 = arith.constant 10272 : i32
            %add3A_459 = arith.addi %add3A_458, %mul3A_404 : i32
            %get3A_460 = arith.index_cast %while3A_392 : i32 to index
            %get3A_461 = arith.constant 64 : index
            %get3A_462 = tpu.vector_load %arg16[%get3A_460, %get3A_461] {strides = array<i32>} : memref<32x384xf32, #tpu.memory_space<vmem>>, vector<1x16xf32>,
            %get3A_463 = vector.shape_cast %get3A_462 : vector<1x16xf32> to vector<16xf32>
            %mul3A_464 = arith.mulf %get3A_463, %mul3A_413 : vector<16xf32>
            %swap3A_465 = arith.index_cast %add3A_459 : i32 to index
            %swap3A_466 = tpu.vector_load %arg15[%swap3A_465] {strides = array<i32>} : memref<51376xf32, #tpu.memory_space<vmem>>, vector<16xf32>,
            %swap3A_467 = vector.shape_cast %swap3A_466 : vector<16xf32> to vector<16xf32>
            %swap3A_468 = vector.shape_cast %mul3A_464 : vector<16xf32> to vector<16xf32>
            tpu.vector_store %arg15[%swap3A_465], %swap3A_468 {add = true, strides = array<i32>} : memref<51376xf32, #tpu.memory_space<vmem>>, vector<16xf32>,
            %get3A_469 = arith.index_cast %while3A_392 : i32 to index
            %get3A_470 = arith.constant 80 : index
            %get3A_471 = tpu.vector_load %arg16[%get3A_469, %get3A_470] {strides = array<i32>} : memref<32x384xf32, #tpu.memory_space<vmem>>, vector<1x16xf32>,
            %get3A_472 = vector.shape_cast %get3A_471 : vector<1x16xf32> to vector<16xf32>
            %mul3A_473 = arith.mulf %get3A_472, %mul3A_413 : vector<16xf32>
            %add3A_474 = arith.constant 16 : i32
            %add3A_475 = arith.addi %add3A_459, %add3A_474 : i32
            %swap3A_476 = arith.index_cast %add3A_475 : i32 to index
            %swap3A_477 = tpu.vector_load %arg15[%swap3A_476] {strides = array<i32>} : memref<51376xf32, #tpu.memory_space<vmem>>, vector<16xf32>,
            %swap3A_478 = vector.shape_cast %swap3A_477 : vector<16xf32> to vector<16xf32>
            %swap3A_479 = vector.shape_cast %mul3A_473 : vector<16xf32> to vector<16xf32>
            tpu.vector_store %arg15[%swap3A_476], %swap3A_479 {add = true, strides = array<i32>} : memref<51376xf32, #tpu.memory_space<vmem>>, vector<16xf32>,
            %add3A_480 = arith.constant 15408 : i32
            %add3A_481 = arith.addi %add3A_480, %mul3A_404 : i32
            %get3A_482 = arith.index_cast %while3A_392 : i32 to index
            %get3A_483 = arith.constant 96 : index
            %get3A_484 = tpu.vector_load %arg16[%get3A_482, %get3A_483] {strides = array<i32>} : memref<32x384xf32, #tpu.memory_space<vmem>>, vector<1x16xf32>,
            %get3A_485 = vector.shape_cast %get3A_484 : vector<1x16xf32> to vector<16xf32>
            %mul3A_486 = arith.mulf %get3A_485, %mul3A_413 : vector<16xf32>
            %swap3A_487 = arith.index_cast %add3A_481 : i32 to index
            %swap3A_488 = tpu.vector_load %arg15[%swap3A_487] {strides = array<i32>} : memref<51376xf32, #tpu.memory_space<vmem>>, vector<16xf32>,
            %swap3A_489 = vector.shape_cast %swap3A_488 : vector<16xf32> to vector<16xf32>
            %swap3A_490 = vector.shape_cast %mul3A_486 : vector<16xf32> to vector<16xf32>
            tpu.vector_store %arg15[%swap3A_487], %swap3A_490 {add = true, strides = array<i32>} : memref<51376xf32, #tpu.memory_space<vmem>>, vector<16xf32>,
            %get3A_491 = arith.index_cast %while3A_392 : i32 to index
            %get3A_492 = arith.constant 112 : index
            %get3A_493 = tpu.vector_load %arg16[%get3A_491, %get3A_492] {strides = array<i32>} : memref<32x384xf32, #tpu.memory_space<vmem>>, vector<1x16xf32>,
            %get3A_494 = vector.shape_cast %get3A_493 : vector<1x16xf32> to vector<16xf32>
            %mul3A_495 = arith.mulf %get3A_494, %mul3A_413 : vector<16xf32>
            %add3A_496 = arith.constant 16 : i32
            %add3A_497 = arith.addi %add3A_481, %add3A_496 : i32
            %swap3A_498 = arith.index_cast %add3A_497 : i32 to index
            %swap3A_499 = tpu.vector_load %arg15[%swap3A_498] {strides = array<i32>} : memref<51376xf32, #tpu.memory_space<vmem>>, vector<16xf32>,
            %swap3A_500 = vector.shape_cast %swap3A_499 : vector<16xf32> to vector<16xf32>
            %swap3A_501 = vector.shape_cast %mul3A_495 : vector<16xf32> to vector<16xf32>
            tpu.vector_store %arg15[%swap3A_498], %swap3A_501 {add = true, strides = array<i32>} : memref<51376xf32, #tpu.memory_space<vmem>>, vector<16xf32>,
            %add3A_502 = arith.constant 20544 : i32
            %add3A_503 = arith.addi %add3A_502, %mul3A_404 : i32
            %get3A_504 = arith.index_cast %while3A_392 : i32 to index
            %get3A_505 = arith.constant 128 : index
            %get3A_506 = tpu.vector_load %arg16[%get3A_504, %get3A_505] {strides = array<i32>} : memref<32x384xf32, #tpu.memory_space<vmem>>, vector<1x16xf32>,
            %get3A_507 = vector.shape_cast %get3A_506 : vector<1x16xf32> to vector<16xf32>
            %mul3A_508 = arith.mulf %get3A_507, %mul3A_413 : vector<16xf32>
            %swap3A_509 = arith.index_cast %add3A_503 : i32 to index
            %swap3A_510 = tpu.vector_load %arg15[%swap3A_509] {strides = array<i32>} : memref<51376xf32, #tpu.memory_space<vmem>>, vector<16xf32>,
            %swap3A_511 = vector.shape_cast %swap3A_510 : vector<16xf32> to vector<16xf32>
            %swap3A_512 = vector.shape_cast %mul3A_508 : vector<16xf32> to vector<16xf32>
            tpu.vector_store %arg15[%swap3A_509], %swap3A_512 {add = true, strides = array<i32>} : memref<51376xf32, #tpu.memory_space<vmem>>, vector<16xf32>,
            %get3A_513 = arith.index_cast %while3A_392 : i32 to index
            %get3A_514 = arith.constant 144 : index
            %get3A_515 = tpu.vector_load %arg16[%get3A_513, %get3A_514] {strides = array<i32>} : memref<32x384xf32, #tpu.memory_space<vmem>>, vector<1x16xf32>,
            %get3A_516 = vector.shape_cast %get3A_515 : vector<1x16xf32> to vector<16xf32>
            %mul3A_517 = arith.mulf %get3A_516, %mul3A_413 : vector<16xf32>
            %add3A_518 = arith.constant 16 : i32
            %add3A_519 = arith.addi %add3A_503, %add3A_518 : i32
            %swap3A_520 = arith.index_cast %add3A_519 : i32 to index
            %swap3A_521 = tpu.vector_load %arg15[%swap3A_520] {strides = array<i32>} : memref<51376xf32, #tpu.memory_space<vmem>>, vector<16xf32>,
            %swap3A_522 = vector.shape_cast %swap3A_521 : vector<16xf32> to vector<16xf32>
            %swap3A_523 = vector.shape_cast %mul3A_517 : vector<16xf32> to vector<16xf32>
            tpu.vector_store %arg15[%swap3A_520], %swap3A_523 {add = true, strides = array<i32>} : memref<51376xf32, #tpu.memory_space<vmem>>, vector<16xf32>,
            %add3A_524 = arith.constant 25680 : i32
            %add3A_525 = arith.addi %add3A_524, %mul3A_404 : i32
            %get3A_526 = arith.index_cast %while3A_392 : i32 to index
            %get3A_527 = arith.constant 160 : index
            %get3A_528 = tpu.vector_load %arg16[%get3A_526, %get3A_527] {strides = array<i32>} : memref<32x384xf32, #tpu.memory_space<vmem>>, vector<1x16xf32>,
            %get3A_529 = vector.shape_cast %get3A_528 : vector<1x16xf32> to vector<16xf32>
            %mul3A_530 = arith.mulf %get3A_529, %mul3A_413 : vector<16xf32>
            %swap3A_531 = arith.index_cast %add3A_525 : i32 to index
            %swap3A_532 = tpu.vector_load %arg15[%swap3A_531] {strides = array<i32>} : memref<51376xf32, #tpu.memory_space<vmem>>, vector<16xf32>,
            %swap3A_533 = vector.shape_cast %swap3A_532 : vector<16xf32> to vector<16xf32>
            %swap3A_534 = vector.shape_cast %mul3A_530 : vector<16xf32> to vector<16xf32>
            tpu.vector_store %arg15[%swap3A_531], %swap3A_534 {add = true, strides = array<i32>} : memref<51376xf32, #tpu.memory_space<vmem>>, vector<16xf32>,
            %get3A_535 = arith.index_cast %while3A_392 : i32 to index
            %get3A_536 = arith.constant 176 : index
            %get3A_537 = tpu.vector_load %arg16[%get3A_535, %get3A_536] {strides = array<i32>} : memref<32x384xf32, #tpu.memory_space<vmem>>, vector<1x16xf32>,
            %get3A_538 = vector.shape_cast %get3A_537 : vector<1x16xf32> to vector<16xf32>
            %mul3A_539 = arith.mulf %get3A_538, %mul3A_413 : vector<16xf32>
            %add3A_540 = arith.constant 16 : i32
            %add3A_541 = arith.addi %add3A_525, %add3A_540 : i32
            %swap3A_542 = arith.index_cast %add3A_541 : i32 to index
            %swap3A_543 = tpu.vector_load %arg15[%swap3A_542] {strides = array<i32>} : memref<51376xf32, #tpu.memory_space<vmem>>, vector<16xf32>,
            %swap3A_544 = vector.shape_cast %swap3A_543 : vector<16xf32> to vector<16xf32>
            %swap3A_545 = vector.shape_cast %mul3A_539 : vector<16xf32> to vector<16xf32>
            tpu.vector_store %arg15[%swap3A_542], %swap3A_545 {add = true, strides = array<i32>} : memref<51376xf32, #tpu.memory_space<vmem>>, vector<16xf32>,
            %add3A_546 = arith.constant 30816 : i32
            %add3A_547 = arith.addi %add3A_546, %mul3A_404 : i32
            %get3A_548 = arith.index_cast %while3A_392 : i32 to index
            %get3A_549 = arith.constant 192 : index
            %get3A_550 = tpu.vector_load %arg16[%get3A_548, %get3A_549] {strides = array<i32>} : memref<32x384xf32, #tpu.memory_space<vmem>>, vector<1x16xf32>,
            %get3A_551 = vector.shape_cast %get3A_550 : vector<1x16xf32> to vector<16xf32>
            %mul3A_552 = arith.mulf %get3A_551, %mul3A_413 : vector<16xf32>
            %swap3A_553 = arith.index_cast %add3A_547 : i32 to index
            %swap3A_554 = tpu.vector_load %arg15[%swap3A_553] {strides = array<i32>} : memref<51376xf32, #tpu.memory_space<vmem>>, vector<16xf32>,
            %swap3A_555 = vector.shape_cast %swap3A_554 : vector<16xf32> to vector<16xf32>
            %swap3A_556 = vector.shape_cast %mul3A_552 : vector<16xf32> to vector<16xf32>
            tpu.vector_store %arg15[%swap3A_553], %swap3A_556 {add = true, strides = array<i32>} : memref<51376xf32, #tpu.memory_space<vmem>>, vector<16xf32>,
            %get3A_557 = arith.index_cast %while3A_392 : i32 to index
            %get3A_558 = arith.constant 208 : index
            %get3A_559 = tpu.vector_load %arg16[%get3A_557, %get3A_558] {strides = array<i32>} : memref<32x384xf32, #tpu.memory_space<vmem>>, vector<1x16xf32>,
            %get3A_560 = vector.shape_cast %get3A_559 : vector<1x16xf32> to vector<16xf32>
            %mul3A_561 = arith.mulf %get3A_560, %mul3A_413 : vector<16xf32>
            %add3A_562 = arith.constant 16 : i32
            %add3A_563 = arith.addi %add3A_547, %add3A_562 : i32
            %swap3A_564 = arith.index_cast %add3A_563 : i32 to index
            %swap3A_565 = tpu.vector_load %arg15[%swap3A_564] {strides = array<i32>} : memref<51376xf32, #tpu.memory_space<vmem>>, vector<16xf32>,
            %swap3A_566 = vector.shape_cast %swap3A_565 : vector<16xf32> to vector<16xf32>
            %swap3A_567 = vector.shape_cast %mul3A_561 : vector<16xf32> to vector<16xf32>
            tpu.vector_store %arg15[%swap3A_564], %swap3A_567 {add = true, strides = array<i32>} : memref<51376xf32, #tpu.memory_space<vmem>>, vector<16xf32>,
            %add3A_568 = arith.constant 35952 : i32
            %add3A_569 = arith.addi %add3A_568, %mul3A_404 : i32
            %get3A_570 = arith.index_cast %while3A_392 : i32 to index
            %get3A_571 = arith.constant 224 : index
            %get3A_572 = tpu.vector_load %arg16[%get3A_570, %get3A_571] {strides = array<i32>} : memref<32x384xf32, #tpu.memory_space<vmem>>, vector<1x16xf32>,
            %get3A_573 = vector.shape_cast %get3A_572 : vector<1x16xf32> to vector<16xf32>
            %mul3A_574 = arith.mulf %get3A_573, %mul3A_413 : vector<16xf32>
            %swap3A_575 = arith.index_cast %add3A_569 : i32 to index
            %swap3A_576 = tpu.vector_load %arg15[%swap3A_575] {strides = array<i32>} : memref<51376xf32, #tpu.memory_space<vmem>>, vector<16xf32>,
            %swap3A_577 = vector.shape_cast %swap3A_576 : vector<16xf32> to vector<16xf32>
            %swap3A_578 = vector.shape_cast %mul3A_574 : vector<16xf32> to vector<16xf32>
            tpu.vector_store %arg15[%swap3A_575], %swap3A_578 {add = true, strides = array<i32>} : memref<51376xf32, #tpu.memory_space<vmem>>, vector<16xf32>,
            %get3A_579 = arith.index_cast %while3A_392 : i32 to index
            %get3A_580 = arith.constant 240 : index
            %get3A_581 = tpu.vector_load %arg16[%get3A_579, %get3A_580] {strides = array<i32>} : memref<32x384xf32, #tpu.memory_space<vmem>>, vector<1x16xf32>,
            %get3A_582 = vector.shape_cast %get3A_581 : vector<1x16xf32> to vector<16xf32>
            %mul3A_583 = arith.mulf %get3A_582, %mul3A_413 : vector<16xf32>
            %add3A_584 = arith.constant 16 : i32
            %add3A_585 = arith.addi %add3A_569, %add3A_584 : i32
            %swap3A_586 = arith.index_cast %add3A_585 : i32 to index
            %swap3A_587 = tpu.vector_load %arg15[%swap3A_586] {strides = array<i32>} : memref<51376xf32, #tpu.memory_space<vmem>>, vector<16xf32>,
            %swap3A_588 = vector.shape_cast %swap3A_587 : vector<16xf32> to vector<16xf32>
            %swap3A_589 = vector.shape_cast %mul3A_583 : vector<16xf32> to vector<16xf32>
            tpu.vector_store %arg15[%swap3A_586], %swap3A_589 {add = true, strides = array<i32>} : memref<51376xf32, #tpu.memory_space<vmem>>, vector<16xf32>,
            %add3A_590 = arith.constant 41088 : i32
            %add3A_591 = arith.addi %add3A_590, %mul3A_404 : i32
            %get3A_592 = arith.index_cast %while3A_392 : i32 to index
            %get3A_593 = arith.constant 256 : index
            %get3A_594 = tpu.vector_load %arg16[%get3A_592, %get3A_593] {strides = array<i32>} : memref<32x384xf32, #tpu.memory_space<vmem>>, vector<1x16xf32>,
            %get3A_595 = vector.shape_cast %get3A_594 : vector<1x16xf32> to vector<16xf32>
            %mul3A_596 = arith.mulf %get3A_595, %mul3A_413 : vector<16xf32>
            %swap3A_597 = arith.index_cast %add3A_591 : i32 to index
            %swap3A_598 = tpu.vector_load %arg15[%swap3A_597] {strides = array<i32>} : memref<51376xf32, #tpu.memory_space<vmem>>, vector<16xf32>,
            %swap3A_599 = vector.shape_cast %swap3A_598 : vector<16xf32> to vector<16xf32>
            %swap3A_600 = vector.shape_cast %mul3A_596 : vector<16xf32> to vector<16xf32>
            tpu.vector_store %arg15[%swap3A_597], %swap3A_600 {add = true, strides = array<i32>} : memref<51376xf32, #tpu.memory_space<vmem>>, vector<16xf32>,
            %get3A_601 = arith.index_cast %while3A_392 : i32 to index
            %get3A_602 = arith.constant 272 : index
            %get3A_603 = tpu.vector_load %arg16[%get3A_601, %get3A_602] {strides = array<i32>} : memref<32x384xf32, #tpu.memory_space<vmem>>, vector<1x16xf32>,
            %get3A_604 = vector.shape_cast %get3A_603 : vector<1x16xf32> to vector<16xf32>
            %mul3A_605 = arith.mulf %get3A_604, %mul3A_413 : vector<16xf32>
            %add3A_606 = arith.constant 16 : i32
            %add3A_607 = arith.addi %add3A_591, %add3A_606 : i32
            %swap3A_608 = arith.index_cast %add3A_607 : i32 to index
            %swap3A_609 = tpu.vector_load %arg15[%swap3A_608] {strides = array<i32>} : memref<51376xf32, #tpu.memory_space<vmem>>, vector<16xf32>,
            %swap3A_610 = vector.shape_cast %swap3A_609 : vector<16xf32> to vector<16xf32>
            %swap3A_611 = vector.shape_cast %mul3A_605 : vector<16xf32> to vector<16xf32>
            tpu.vector_store %arg15[%swap3A_608], %swap3A_611 {add = true, strides = array<i32>} : memref<51376xf32, #tpu.memory_space<vmem>>, vector<16xf32>,
            %add3A_612 = arith.constant 46224 : i32
            %add3A_613 = arith.addi %add3A_612, %mul3A_404 : i32
            %get3A_614 = arith.index_cast %while3A_392 : i32 to index
            %get3A_615 = arith.constant 288 : index
            %get3A_616 = tpu.vector_load %arg16[%get3A_614, %get3A_615] {strides = array<i32>} : memref<32x384xf32, #tpu.memory_space<vmem>>, vector<1x16xf32>,
            %get3A_617 = vector.shape_cast %get3A_616 : vector<1x16xf32> to vector<16xf32>
            %mul3A_618 = arith.mulf %get3A_617, %mul3A_413 : vector<16xf32>
            %swap3A_619 = arith.index_cast %add3A_613 : i32 to index
            %swap3A_620 = tpu.vector_load %arg15[%swap3A_619] {strides = array<i32>} : memref<51376xf32, #tpu.memory_space<vmem>>, vector<16xf32>,
            %swap3A_621 = vector.shape_cast %swap3A_620 : vector<16xf32> to vector<16xf32>
            %swap3A_622 = vector.shape_cast %mul3A_618 : vector<16xf32> to vector<16xf32>
            tpu.vector_store %arg15[%swap3A_619], %swap3A_622 {add = true, strides = array<i32>} : memref<51376xf32, #tpu.memory_space<vmem>>, vector<16xf32>,
            %get3A_623 = arith.index_cast %while3A_392 : i32 to index
            %get3A_624 = arith.constant 304 : index
            %get3A_625 = tpu.vector_load %arg16[%get3A_623, %get3A_624] {strides = array<i32>} : memref<32x384xf32, #tpu.memory_space<vmem>>, vector<1x16xf32>,
            %get3A_626 = vector.shape_cast %get3A_625 : vector<1x16xf32> to vector<16xf32>
            %mul3A_627 = arith.mulf %get3A_626, %mul3A_413 : vector<16xf32>
            %add3A_628 = arith.constant 16 : i32
            %add3A_629 = arith.addi %add3A_613, %add3A_628 : i32
            %swap3A_630 = arith.index_cast %add3A_629 : i32 to index
            %swap3A_631 = tpu.vector_load %arg15[%swap3A_630] {strides = array<i32>} : memref<51376xf32, #tpu.memory_space<vmem>>, vector<16xf32>,
            %swap3A_632 = vector.shape_cast %swap3A_631 : vector<16xf32> to vector<16xf32>
            %swap3A_633 = vector.shape_cast %mul3A_627 : vector<16xf32> to vector<16xf32>
            tpu.vector_store %arg15[%swap3A_630], %swap3A_633 {add = true, strides = array<i32>} : memref<51376xf32, #tpu.memory_space<vmem>>, vector<16xf32>,
          }
        }
        %mul3A_317 = arith.constant 2560 : i32
        %mul3A_318 = arith.muli %scan3A_62, %mul3A_317 : i32
        %mul3A_319 = arith.constant 10 : i32
        %mul3A_320 = arith.muli %add3A_31, %mul3A_319 : i32
        %add3A_321 = arith.addi %mul3A_318, %mul3A_320 : i32
        %mul3A_322 = arith.constant 5120 : i32
        %mul3A_323 = arith.muli %add3A_321, %mul3A_322 : i32
        %add3A_324 = arith.constant 0 : i32
        %add3A_325 = arith.addi %mul3A_323, %add3A_324 : i32
        "tpu.region"() ({
          %run_scoped3A = tpu.sem_alloc : memref<!tpu.dma_semaphore, #tpu.memory_space<semaphore_mem>>
          %dma_start3A = arith.constant 0 : i32
          %dma_start3A_344 = tpu.memref_slice %arg15[%dma_start3A] : memref<51376xf32, #tpu.memory_space<vmem>> -> memref<5120xf32, #tpu.memory_space<vmem>>
          %dma_start3A_345 = tpu.memref_slice %arg9[%add3A_325] : memref<52428800xf32, #tpu.memory_space<hbm>> -> memref<5120xf32, #tpu.memory_space<hbm>>
          %dma_start3A_346 = tpu.memref_slice %arg9[%add3A_325] : memref<52428800xf32, #tpu.memory_space<hbm>> -> memref<5120xf32, #tpu.memory_space<hbm>>
          %dma_start3A_347 = arith.constant 0 : i32
          %dma_start3A_348 = tpu.memref_slice %arg15[%dma_start3A_347] : memref<51376xf32, #tpu.memory_space<vmem>> -> memref<5120xf32, #tpu.memory_space<vmem>>
          tpu.enqueue_dma source(%dma_start3A_348 : memref<5120xf32, #tpu.memory_space<vmem>>) target(%dma_start3A_346 : memref<5120xf32, #tpu.memory_space<hbm>>) target_semaphore(%run_scoped3A : memref<!tpu.dma_semaphore, #tpu.memory_space<semaphore_mem>>)
          %dma_wait3A = arith.constant 0 : i32
          %dma_wait3A_349 = tpu.memref_slice %arg15[%dma_wait3A] : memref<51376xf32, #tpu.memory_space<vmem>> -> memref<5120xf32, #tpu.memory_space<vmem>>
          %dma_wait3A_350 = tpu.memref_slice %arg9[%add3A_325] : memref<52428800xf32, #tpu.memory_space<hbm>> -> memref<5120xf32, #tpu.memory_space<hbm>>
          %dma_wait3A_351 = tpu.memref_slice %arg9[%add3A_325] : memref<52428800xf32, #tpu.memory_space<hbm>> -> memref<5120xf32, #tpu.memory_space<hbm>>
          %dma_wait3A_352 = arith.constant 0 : i32
          %dma_wait3A_353 = tpu.memref_slice %arg15[%dma_wait3A_352] : memref<51376xf32, #tpu.memory_space<vmem>> -> memref<5120xf32, #tpu.memory_space<vmem>>
          tpu.wait_dma2 semaphore(%run_scoped3A : memref<!tpu.dma_semaphore, #tpu.memory_space<semaphore_mem>>) src(%dma_wait3A_353 : memref<5120xf32, #tpu.memory_space<vmem>>) dst(%dma_wait3A_351 : memref<5120xf32, #tpu.memory_space<hbm>>)
          tpu.yield
        }) : () -> ()
        %add3A_326 = arith.constant 5120 : i32
        %add3A_327 = arith.addi %mul3A_323, %add3A_326 : i32
        "tpu.region"() ({
          %run_scoped3A = tpu.sem_alloc : memref<!tpu.dma_semaphore, #tpu.memory_space<semaphore_mem>>
          %dma_start3A = arith.constant 5136 : i32
          %dma_start3A_344 = tpu.memref_slice %arg15[%dma_start3A] : memref<51376xf32, #tpu.memory_space<vmem>> -> memref<5120xf32, #tpu.memory_space<vmem>>
          %dma_start3A_345 = tpu.memref_slice %arg9[%add3A_327] : memref<52428800xf32, #tpu.memory_space<hbm>> -> memref<5120xf32, #tpu.memory_space<hbm>>
          %dma_start3A_346 = tpu.memref_slice %arg9[%add3A_327] : memref<52428800xf32, #tpu.memory_space<hbm>> -> memref<5120xf32, #tpu.memory_space<hbm>>
          %dma_start3A_347 = arith.constant 5136 : i32
          %dma_start3A_348 = tpu.memref_slice %arg15[%dma_start3A_347] : memref<51376xf32, #tpu.memory_space<vmem>> -> memref<5120xf32, #tpu.memory_space<vmem>>
          tpu.enqueue_dma source(%dma_start3A_348 : memref<5120xf32, #tpu.memory_space<vmem>>) target(%dma_start3A_346 : memref<5120xf32, #tpu.memory_space<hbm>>) target_semaphore(%run_scoped3A : memref<!tpu.dma_semaphore, #tpu.memory_space<semaphore_mem>>)
          %dma_wait3A = arith.constant 5136 : i32
          %dma_wait3A_349 = tpu.memref_slice %arg15[%dma_wait3A] : memref<51376xf32, #tpu.memory_space<vmem>> -> memref<5120xf32, #tpu.memory_space<vmem>>
          %dma_wait3A_350 = tpu.memref_slice %arg9[%add3A_327] : memref<52428800xf32, #tpu.memory_space<hbm>> -> memref<5120xf32, #tpu.memory_space<hbm>>
          %dma_wait3A_351 = tpu.memref_slice %arg9[%add3A_327] : memref<52428800xf32, #tpu.memory_space<hbm>> -> memref<5120xf32, #tpu.memory_space<hbm>>
          %dma_wait3A_352 = arith.constant 5136 : i32
          %dma_wait3A_353 = tpu.memref_slice %arg15[%dma_wait3A_352] : memref<51376xf32, #tpu.memory_space<vmem>> -> memref<5120xf32, #tpu.memory_space<vmem>>
          tpu.wait_dma2 semaphore(%run_scoped3A : memref<!tpu.dma_semaphore, #tpu.memory_space<semaphore_mem>>) src(%dma_wait3A_353 : memref<5120xf32, #tpu.memory_space<vmem>>) dst(%dma_wait3A_351 : memref<5120xf32, #tpu.memory_space<hbm>>)
          tpu.yield
        }) : () -> ()
        %add3A_328 = arith.constant 10240 : i32
        %add3A_329 = arith.addi %mul3A_323, %add3A_328 : i32
        "tpu.region"() ({
          %run_scoped3A = tpu.sem_alloc : memref<!tpu.dma_semaphore, #tpu.memory_space<semaphore_mem>>
          %dma_start3A = arith.constant 10272 : i32
          %dma_start3A_344 = tpu.memref_slice %arg15[%dma_start3A] : memref<51376xf32, #tpu.memory_space<vmem>> -> memref<5120xf32, #tpu.memory_space<vmem>>
          %dma_start3A_345 = tpu.memref_slice %arg9[%add3A_329] : memref<52428800xf32, #tpu.memory_space<hbm>> -> memref<5120xf32, #tpu.memory_space<hbm>>
          %dma_start3A_346 = tpu.memref_slice %arg9[%add3A_329] : memref<52428800xf32, #tpu.memory_space<hbm>> -> memref<5120xf32, #tpu.memory_space<hbm>>
          %dma_start3A_347 = arith.constant 10272 : i32
          %dma_start3A_348 = tpu.memref_slice %arg15[%dma_start3A_347] : memref<51376xf32, #tpu.memory_space<vmem>> -> memref<5120xf32, #tpu.memory_space<vmem>>
          tpu.enqueue_dma source(%dma_start3A_348 : memref<5120xf32, #tpu.memory_space<vmem>>) target(%dma_start3A_346 : memref<5120xf32, #tpu.memory_space<hbm>>) target_semaphore(%run_scoped3A : memref<!tpu.dma_semaphore, #tpu.memory_space<semaphore_mem>>)
          %dma_wait3A = arith.constant 10272 : i32
          %dma_wait3A_349 = tpu.memref_slice %arg15[%dma_wait3A] : memref<51376xf32, #tpu.memory_space<vmem>> -> memref<5120xf32, #tpu.memory_space<vmem>>
          %dma_wait3A_350 = tpu.memref_slice %arg9[%add3A_329] : memref<52428800xf32, #tpu.memory_space<hbm>> -> memref<5120xf32, #tpu.memory_space<hbm>>
          %dma_wait3A_351 = tpu.memref_slice %arg9[%add3A_329] : memref<52428800xf32, #tpu.memory_space<hbm>> -> memref<5120xf32, #tpu.memory_space<hbm>>
          %dma_wait3A_352 = arith.constant 10272 : i32
          %dma_wait3A_353 = tpu.memref_slice %arg15[%dma_wait3A_352] : memref<51376xf32, #tpu.memory_space<vmem>> -> memref<5120xf32, #tpu.memory_space<vmem>>
          tpu.wait_dma2 semaphore(%run_scoped3A : memref<!tpu.dma_semaphore, #tpu.memory_space<semaphore_mem>>) src(%dma_wait3A_353 : memref<5120xf32, #tpu.memory_space<vmem>>) dst(%dma_wait3A_351 : memref<5120xf32, #tpu.memory_space<hbm>>)
          tpu.yield
        }) : () -> ()
        %add3A_330 = arith.constant 15360 : i32
        %add3A_331 = arith.addi %mul3A_323, %add3A_330 : i32
        "tpu.region"() ({
          %run_scoped3A = tpu.sem_alloc : memref<!tpu.dma_semaphore, #tpu.memory_space<semaphore_mem>>
          %dma_start3A = arith.constant 15408 : i32
          %dma_start3A_344 = tpu.memref_slice %arg15[%dma_start3A] : memref<51376xf32, #tpu.memory_space<vmem>> -> memref<5120xf32, #tpu.memory_space<vmem>>
          %dma_start3A_345 = tpu.memref_slice %arg9[%add3A_331] : memref<52428800xf32, #tpu.memory_space<hbm>> -> memref<5120xf32, #tpu.memory_space<hbm>>
          %dma_start3A_346 = tpu.memref_slice %arg9[%add3A_331] : memref<52428800xf32, #tpu.memory_space<hbm>> -> memref<5120xf32, #tpu.memory_space<hbm>>
          %dma_start3A_347 = arith.constant 15408 : i32
          %dma_start3A_348 = tpu.memref_slice %arg15[%dma_start3A_347] : memref<51376xf32, #tpu.memory_space<vmem>> -> memref<5120xf32, #tpu.memory_space<vmem>>
          tpu.enqueue_dma source(%dma_start3A_348 : memref<5120xf32, #tpu.memory_space<vmem>>) target(%dma_start3A_346 : memref<5120xf32, #tpu.memory_space<hbm>>) target_semaphore(%run_scoped3A : memref<!tpu.dma_semaphore, #tpu.memory_space<semaphore_mem>>)
          %dma_wait3A = arith.constant 15408 : i32
          %dma_wait3A_349 = tpu.memref_slice %arg15[%dma_wait3A] : memref<51376xf32, #tpu.memory_space<vmem>> -> memref<5120xf32, #tpu.memory_space<vmem>>
          %dma_wait3A_350 = tpu.memref_slice %arg9[%add3A_331] : memref<52428800xf32, #tpu.memory_space<hbm>> -> memref<5120xf32, #tpu.memory_space<hbm>>
          %dma_wait3A_351 = tpu.memref_slice %arg9[%add3A_331] : memref<52428800xf32, #tpu.memory_space<hbm>> -> memref<5120xf32, #tpu.memory_space<hbm>>
          %dma_wait3A_352 = arith.constant 15408 : i32
          %dma_wait3A_353 = tpu.memref_slice %arg15[%dma_wait3A_352] : memref<51376xf32, #tpu.memory_space<vmem>> -> memref<5120xf32, #tpu.memory_space<vmem>>
          tpu.wait_dma2 semaphore(%run_scoped3A : memref<!tpu.dma_semaphore, #tpu.memory_space<semaphore_mem>>) src(%dma_wait3A_353 : memref<5120xf32, #tpu.memory_space<vmem>>) dst(%dma_wait3A_351 : memref<5120xf32, #tpu.memory_space<hbm>>)
          tpu.yield
        }) : () -> ()
        %add3A_332 = arith.constant 20480 : i32
        %add3A_333 = arith.addi %mul3A_323, %add3A_332 : i32
        "tpu.region"() ({
          %run_scoped3A = tpu.sem_alloc : memref<!tpu.dma_semaphore, #tpu.memory_space<semaphore_mem>>
          %dma_start3A = arith.constant 20544 : i32
          %dma_start3A_344 = tpu.memref_slice %arg15[%dma_start3A] : memref<51376xf32, #tpu.memory_space<vmem>> -> memref<5120xf32, #tpu.memory_space<vmem>>
          %dma_start3A_345 = tpu.memref_slice %arg9[%add3A_333] : memref<52428800xf32, #tpu.memory_space<hbm>> -> memref<5120xf32, #tpu.memory_space<hbm>>
          %dma_start3A_346 = tpu.memref_slice %arg9[%add3A_333] : memref<52428800xf32, #tpu.memory_space<hbm>> -> memref<5120xf32, #tpu.memory_space<hbm>>
          %dma_start3A_347 = arith.constant 20544 : i32
          %dma_start3A_348 = tpu.memref_slice %arg15[%dma_start3A_347] : memref<51376xf32, #tpu.memory_space<vmem>> -> memref<5120xf32, #tpu.memory_space<vmem>>
          tpu.enqueue_dma source(%dma_start3A_348 : memref<5120xf32, #tpu.memory_space<vmem>>) target(%dma_start3A_346 : memref<5120xf32, #tpu.memory_space<hbm>>) target_semaphore(%run_scoped3A : memref<!tpu.dma_semaphore, #tpu.memory_space<semaphore_mem>>)
          %dma_wait3A = arith.constant 20544 : i32
          %dma_wait3A_349 = tpu.memref_slice %arg15[%dma_wait3A] : memref<51376xf32, #tpu.memory_space<vmem>> -> memref<5120xf32, #tpu.memory_space<vmem>>
          %dma_wait3A_350 = tpu.memref_slice %arg9[%add3A_333] : memref<52428800xf32, #tpu.memory_space<hbm>> -> memref<5120xf32, #tpu.memory_space<hbm>>
          %dma_wait3A_351 = tpu.memref_slice %arg9[%add3A_333] : memref<52428800xf32, #tpu.memory_space<hbm>> -> memref<5120xf32, #tpu.memory_space<hbm>>
          %dma_wait3A_352 = arith.constant 20544 : i32
          %dma_wait3A_353 = tpu.memref_slice %arg15[%dma_wait3A_352] : memref<51376xf32, #tpu.memory_space<vmem>> -> memref<5120xf32, #tpu.memory_space<vmem>>
          tpu.wait_dma2 semaphore(%run_scoped3A : memref<!tpu.dma_semaphore, #tpu.memory_space<semaphore_mem>>) src(%dma_wait3A_353 : memref<5120xf32, #tpu.memory_space<vmem>>) dst(%dma_wait3A_351 : memref<5120xf32, #tpu.memory_space<hbm>>)
          tpu.yield
        }) : () -> ()
        %add3A_334 = arith.constant 25600 : i32
        %add3A_335 = arith.addi %mul3A_323, %add3A_334 : i32
        "tpu.region"() ({
          %run_scoped3A = tpu.sem_alloc : memref<!tpu.dma_semaphore, #tpu.memory_space<semaphore_mem>>
          %dma_start3A = arith.constant 25680 : i32
          %dma_start3A_344 = tpu.memref_slice %arg15[%dma_start3A] : memref<51376xf32, #tpu.memory_space<vmem>> -> memref<5120xf32, #tpu.memory_space<vmem>>
          %dma_start3A_345 = tpu.memref_slice %arg9[%add3A_335] : memref<52428800xf32, #tpu.memory_space<hbm>> -> memref<5120xf32, #tpu.memory_space<hbm>>
          %dma_start3A_346 = tpu.memref_slice %arg9[%add3A_335] : memref<52428800xf32, #tpu.memory_space<hbm>> -> memref<5120xf32, #tpu.memory_space<hbm>>
          %dma_start3A_347 = arith.constant 25680 : i32
          %dma_start3A_348 = tpu.memref_slice %arg15[%dma_start3A_347] : memref<51376xf32, #tpu.memory_space<vmem>> -> memref<5120xf32, #tpu.memory_space<vmem>>
          tpu.enqueue_dma source(%dma_start3A_348 : memref<5120xf32, #tpu.memory_space<vmem>>) target(%dma_start3A_346 : memref<5120xf32, #tpu.memory_space<hbm>>) target_semaphore(%run_scoped3A : memref<!tpu.dma_semaphore, #tpu.memory_space<semaphore_mem>>)
          %dma_wait3A = arith.constant 25680 : i32
          %dma_wait3A_349 = tpu.memref_slice %arg15[%dma_wait3A] : memref<51376xf32, #tpu.memory_space<vmem>> -> memref<5120xf32, #tpu.memory_space<vmem>>
          %dma_wait3A_350 = tpu.memref_slice %arg9[%add3A_335] : memref<52428800xf32, #tpu.memory_space<hbm>> -> memref<5120xf32, #tpu.memory_space<hbm>>
          %dma_wait3A_351 = tpu.memref_slice %arg9[%add3A_335] : memref<52428800xf32, #tpu.memory_space<hbm>> -> memref<5120xf32, #tpu.memory_space<hbm>>
          %dma_wait3A_352 = arith.constant 25680 : i32
          %dma_wait3A_353 = tpu.memref_slice %arg15[%dma_wait3A_352] : memref<51376xf32, #tpu.memory_space<vmem>> -> memref<5120xf32, #tpu.memory_space<vmem>>
          tpu.wait_dma2 semaphore(%run_scoped3A : memref<!tpu.dma_semaphore, #tpu.memory_space<semaphore_mem>>) src(%dma_wait3A_353 : memref<5120xf32, #tpu.memory_space<vmem>>) dst(%dma_wait3A_351 : memref<5120xf32, #tpu.memory_space<hbm>>)
          tpu.yield
        }) : () -> ()
        %add3A_336 = arith.constant 30720 : i32
        %add3A_337 = arith.addi %mul3A_323, %add3A_336 : i32
        "tpu.region"() ({
          %run_scoped3A = tpu.sem_alloc : memref<!tpu.dma_semaphore, #tpu.memory_space<semaphore_mem>>
          %dma_start3A = arith.constant 30816 : i32
          %dma_start3A_344 = tpu.memref_slice %arg15[%dma_start3A] : memref<51376xf32, #tpu.memory_space<vmem>> -> memref<5120xf32, #tpu.memory_space<vmem>>
          %dma_start3A_345 = tpu.memref_slice %arg9[%add3A_337] : memref<52428800xf32, #tpu.memory_space<hbm>> -> memref<5120xf32, #tpu.memory_space<hbm>>
          %dma_start3A_346 = tpu.memref_slice %arg9[%add3A_337] : memref<52428800xf32, #tpu.memory_space<hbm>> -> memref<5120xf32, #tpu.memory_space<hbm>>
          %dma_start3A_347 = arith.constant 30816 : i32
          %dma_start3A_348 = tpu.memref_slice %arg15[%dma_start3A_347] : memref<51376xf32, #tpu.memory_space<vmem>> -> memref<5120xf32, #tpu.memory_space<vmem>>
          tpu.enqueue_dma source(%dma_start3A_348 : memref<5120xf32, #tpu.memory_space<vmem>>) target(%dma_start3A_346 : memref<5120xf32, #tpu.memory_space<hbm>>) target_semaphore(%run_scoped3A : memref<!tpu.dma_semaphore, #tpu.memory_space<semaphore_mem>>)
          %dma_wait3A = arith.constant 30816 : i32
          %dma_wait3A_349 = tpu.memref_slice %arg15[%dma_wait3A] : memref<51376xf32, #tpu.memory_space<vmem>> -> memref<5120xf32, #tpu.memory_space<vmem>>
          %dma_wait3A_350 = tpu.memref_slice %arg9[%add3A_337] : memref<52428800xf32, #tpu.memory_space<hbm>> -> memref<5120xf32, #tpu.memory_space<hbm>>
          %dma_wait3A_351 = tpu.memref_slice %arg9[%add3A_337] : memref<52428800xf32, #tpu.memory_space<hbm>> -> memref<5120xf32, #tpu.memory_space<hbm>>
          %dma_wait3A_352 = arith.constant 30816 : i32
          %dma_wait3A_353 = tpu.memref_slice %arg15[%dma_wait3A_352] : memref<51376xf32, #tpu.memory_space<vmem>> -> memref<5120xf32, #tpu.memory_space<vmem>>
          tpu.wait_dma2 semaphore(%run_scoped3A : memref<!tpu.dma_semaphore, #tpu.memory_space<semaphore_mem>>) src(%dma_wait3A_353 : memref<5120xf32, #tpu.memory_space<vmem>>) dst(%dma_wait3A_351 : memref<5120xf32, #tpu.memory_space<hbm>>)
          tpu.yield
        }) : () -> ()
        %add3A_338 = arith.constant 35840 : i32
        %add3A_339 = arith.addi %mul3A_323, %add3A_338 : i32
        "tpu.region"() ({
          %run_scoped3A = tpu.sem_alloc : memref<!tpu.dma_semaphore, #tpu.memory_space<semaphore_mem>>
          %dma_start3A = arith.constant 35952 : i32
          %dma_start3A_344 = tpu.memref_slice %arg15[%dma_start3A] : memref<51376xf32, #tpu.memory_space<vmem>> -> memref<5120xf32, #tpu.memory_space<vmem>>
          %dma_start3A_345 = tpu.memref_slice %arg9[%add3A_339] : memref<52428800xf32, #tpu.memory_space<hbm>> -> memref<5120xf32, #tpu.memory_space<hbm>>
          %dma_start3A_346 = tpu.memref_slice %arg9[%add3A_339] : memref<52428800xf32, #tpu.memory_space<hbm>> -> memref<5120xf32, #tpu.memory_space<hbm>>
          %dma_start3A_347 = arith.constant 35952 : i32
          %dma_start3A_348 = tpu.memref_slice %arg15[%dma_start3A_347] : memref<51376xf32, #tpu.memory_space<vmem>> -> memref<5120xf32, #tpu.memory_space<vmem>>
          tpu.enqueue_dma source(%dma_start3A_348 : memref<5120xf32, #tpu.memory_space<vmem>>) target(%dma_start3A_346 : memref<5120xf32, #tpu.memory_space<hbm>>) target_semaphore(%run_scoped3A : memref<!tpu.dma_semaphore, #tpu.memory_space<semaphore_mem>>)
          %dma_wait3A = arith.constant 35952 : i32
          %dma_wait3A_349 = tpu.memref_slice %arg15[%dma_wait3A] : memref<51376xf32, #tpu.memory_space<vmem>> -> memref<5120xf32, #tpu.memory_space<vmem>>
          %dma_wait3A_350 = tpu.memref_slice %arg9[%add3A_339] : memref<52428800xf32, #tpu.memory_space<hbm>> -> memref<5120xf32, #tpu.memory_space<hbm>>
          %dma_wait3A_351 = tpu.memref_slice %arg9[%add3A_339] : memref<52428800xf32, #tpu.memory_space<hbm>> -> memref<5120xf32, #tpu.memory_space<hbm>>
          %dma_wait3A_352 = arith.constant 35952 : i32
          %dma_wait3A_353 = tpu.memref_slice %arg15[%dma_wait3A_352] : memref<51376xf32, #tpu.memory_space<vmem>> -> memref<5120xf32, #tpu.memory_space<vmem>>
          tpu.wait_dma2 semaphore(%run_scoped3A : memref<!tpu.dma_semaphore, #tpu.memory_space<semaphore_mem>>) src(%dma_wait3A_353 : memref<5120xf32, #tpu.memory_space<vmem>>) dst(%dma_wait3A_351 : memref<5120xf32, #tpu.memory_space<hbm>>)
          tpu.yield
        }) : () -> ()
        %add3A_340 = arith.constant 40960 : i32
        %add3A_341 = arith.addi %mul3A_323, %add3A_340 : i32
        "tpu.region"() ({
          %run_scoped3A = tpu.sem_alloc : memref<!tpu.dma_semaphore, #tpu.memory_space<semaphore_mem>>
          %dma_start3A = arith.constant 41088 : i32
          %dma_start3A_344 = tpu.memref_slice %arg15[%dma_start3A] : memref<51376xf32, #tpu.memory_space<vmem>> -> memref<5120xf32, #tpu.memory_space<vmem>>
          %dma_start3A_345 = tpu.memref_slice %arg9[%add3A_341] : memref<52428800xf32, #tpu.memory_space<hbm>> -> memref<5120xf32, #tpu.memory_space<hbm>>
          %dma_start3A_346 = tpu.memref_slice %arg9[%add3A_341] : memref<52428800xf32, #tpu.memory_space<hbm>> -> memref<5120xf32, #tpu.memory_space<hbm>>
          %dma_start3A_347 = arith.constant 41088 : i32
          %dma_start3A_348 = tpu.memref_slice %arg15[%dma_start3A_347] : memref<51376xf32, #tpu.memory_space<vmem>> -> memref<5120xf32, #tpu.memory_space<vmem>>
          tpu.enqueue_dma source(%dma_start3A_348 : memref<5120xf32, #tpu.memory_space<vmem>>) target(%dma_start3A_346 : memref<5120xf32, #tpu.memory_space<hbm>>) target_semaphore(%run_scoped3A : memref<!tpu.dma_semaphore, #tpu.memory_space<semaphore_mem>>)
          %dma_wait3A = arith.constant 41088 : i32
          %dma_wait3A_349 = tpu.memref_slice %arg15[%dma_wait3A] : memref<51376xf32, #tpu.memory_space<vmem>> -> memref<5120xf32, #tpu.memory_space<vmem>>
          %dma_wait3A_350 = tpu.memref_slice %arg9[%add3A_341] : memref<52428800xf32, #tpu.memory_space<hbm>> -> memref<5120xf32, #tpu.memory_space<hbm>>
          %dma_wait3A_351 = tpu.memref_slice %arg9[%add3A_341] : memref<52428800xf32, #tpu.memory_space<hbm>> -> memref<5120xf32, #tpu.memory_space<hbm>>
          %dma_wait3A_352 = arith.constant 41088 : i32
          %dma_wait3A_353 = tpu.memref_slice %arg15[%dma_wait3A_352] : memref<51376xf32, #tpu.memory_space<vmem>> -> memref<5120xf32, #tpu.memory_space<vmem>>
          tpu.wait_dma2 semaphore(%run_scoped3A : memref<!tpu.dma_semaphore, #tpu.memory_space<semaphore_mem>>) src(%dma_wait3A_353 : memref<5120xf32, #tpu.memory_space<vmem>>) dst(%dma_wait3A_351 : memref<5120xf32, #tpu.memory_space<hbm>>)
          tpu.yield
        }) : () -> ()
        %add3A_342 = arith.constant 46080 : i32
        %add3A_343 = arith.addi %mul3A_323, %add3A_342 : i32
        "tpu.region"() ({
          %run_scoped3A = tpu.sem_alloc : memref<!tpu.dma_semaphore, #tpu.memory_space<semaphore_mem>>
          %dma_start3A = arith.constant 46224 : i32
          %dma_start3A_344 = tpu.memref_slice %arg15[%dma_start3A] : memref<51376xf32, #tpu.memory_space<vmem>> -> memref<5120xf32, #tpu.memory_space<vmem>>
          %dma_start3A_345 = tpu.memref_slice %arg9[%add3A_343] : memref<52428800xf32, #tpu.memory_space<hbm>> -> memref<5120xf32, #tpu.memory_space<hbm>>
          %dma_start3A_346 = tpu.memref_slice %arg9[%add3A_343] : memref<52428800xf32, #tpu.memory_space<hbm>> -> memref<5120xf32, #tpu.memory_space<hbm>>
          %dma_start3A_347 = arith.constant 46224 : i32
          %dma_start3A_348 = tpu.memref_slice %arg15[%dma_start3A_347] : memref<51376xf32, #tpu.memory_space<vmem>> -> memref<5120xf32, #tpu.memory_space<vmem>>
          tpu.enqueue_dma source(%dma_start3A_348 : memref<5120xf32, #tpu.memory_space<vmem>>) target(%dma_start3A_346 : memref<5120xf32, #tpu.memory_space<hbm>>) target_semaphore(%run_scoped3A : memref<!tpu.dma_semaphore, #tpu.memory_space<semaphore_mem>>)
          %dma_wait3A = arith.constant 46224 : i32
          %dma_wait3A_349 = tpu.memref_slice %arg15[%dma_wait3A] : memref<51376xf32, #tpu.memory_space<vmem>> -> memref<5120xf32, #tpu.memory_space<vmem>>
          %dma_wait3A_350 = tpu.memref_slice %arg9[%add3A_343] : memref<52428800xf32, #tpu.memory_space<hbm>> -> memref<5120xf32, #tpu.memory_space<hbm>>
          %dma_wait3A_351 = tpu.memref_slice %arg9[%add3A_343] : memref<52428800xf32, #tpu.memory_space<hbm>> -> memref<5120xf32, #tpu.memory_space<hbm>>
          %dma_wait3A_352 = arith.constant 46224 : i32
          %dma_wait3A_353 = tpu.memref_slice %arg15[%dma_wait3A_352] : memref<51376xf32, #tpu.memory_space<vmem>> -> memref<5120xf32, #tpu.memory_space<vmem>>
          tpu.wait_dma2 semaphore(%run_scoped3A : memref<!tpu.dma_semaphore, #tpu.memory_space<semaphore_mem>>) src(%dma_wait3A_353 : memref<5120xf32, #tpu.memory_space<vmem>>) dst(%dma_wait3A_351 : memref<5120xf32, #tpu.memory_space<hbm>>)
          tpu.yield
        }) : () -> ()
      }
      %scan3A_61 = arith.constant 4 : i32
    }
    %scan3A_27 = arith.constant 8 : i32
    return
  }
}

module attributes {stable_mosaic.version = 14 : i64} {
  func.func @_tc_prep(%arg0: memref<4096x68xf32, #tpu.memory_space<vmem>>, %arg1: memref<256x68xf32, #tpu.memory_space<vmem>>, %arg2: memref<4096x3xf32, #tpu.memory_space<vmem>>, %arg3: memref<3x64xf32, #tpu.memory_space<vmem>>, %arg4: memref<1x4096xi32, #tpu.memory_space<vmem>>, %arg5: memref<1x4096xi32, #tpu.memory_space<vmem>>, %arg6: memref<4096x1xi32, #tpu.memory_space<vmem>>, %arg7: memref<4096x1xi32, #tpu.memory_space<vmem>>, %arg8: memref<68x320xf32, #tpu.memory_space<vmem>>, %arg9: memref<68x320xf32, #tpu.memory_space<vmem>>, %arg10: memref<68x320xf32, #tpu.memory_space<vmem>>, %arg11: memref<4096x384xf32, #tpu.memory_space<vmem>>, %arg12: memref<4096x384xf32, #tpu.memory_space<vmem>>, %arg13: memref<256x320xf32, #tpu.memory_space<vmem>>, %arg14: memref<4352x1xi32, #tpu.memory_space<vmem>>, %arg15: memref<272x1xi32, #tpu.memory_space<vmem>>, %arg16: memref<4352x1xi32, #tpu.memory_space<vmem>>, %arg17: memref<272x1xi32, #tpu.memory_space<vmem>>) attributes {dimension_semantics = [], scalar_prefetch = 0 : i64, scratch_operands = 0 : i64, tpu.core_type = #tpu.core_type<tc>} {
    %get3A = arith.constant 0 : index
    %get3A_0 = arith.constant 0 : index
    %get3A_1 = vector.load %arg0[%get3A, %get3A_0] : memref<4096x68xf32, #tpu.memory_space<vmem>>, vector<4096x68xf32>
    %get3A_2 = arith.constant 0 : index
    %get3A_3 = arith.constant 0 : index
    %get3A_4 = vector.load %arg1[%get3A_2, %get3A_3] : memref<256x68xf32, #tpu.memory_space<vmem>>, vector<256x68xf32>
    %get3A_5 = arith.constant 0 : index
    %get3A_6 = arith.constant 0 : index
    %get3A_7 = vector.load %arg10[%get3A_5, %get3A_6] : memref<68x320xf32, #tpu.memory_space<vmem>>, vector<68x320xf32>
    %dot_general3A = arith.constant dense<0.000000e+00> : vector<256x320xf32>
    %dot_general3A_8 = tpu.matmul %get3A_4, %get3A_7, %dot_general3A {dimension_numbers = #tpu.dot_dimension_numbers<[1], [0], [0], [1], [0, 0, 1, 1], [], []>, precision = #tpu.contract_precision<fp32>, transpose_lhs_hint = false} : vector<256x68xf32>, vector<68x320xf32>, vector<256x320xf32> -> vector<256x320xf32>
    %swap3A = arith.constant 0 : index
    %swap3A_9 = arith.constant 0 : index
    %swap3A_10 = vector.load %arg13[%swap3A, %swap3A_9] : memref<256x320xf32, #tpu.memory_space<vmem>>, vector<256x320xf32>
    tpu.vector_store %arg13[%swap3A, %swap3A_9], %dot_general3A_8 {strides = array<i32>} : memref<256x320xf32, #tpu.memory_space<vmem>>, vector<256x320xf32>,
    %get3A_11 = arith.constant 0 : index
    %get3A_12 = arith.constant 0 : index
    %get3A_13 = vector.load %arg2[%get3A_11, %get3A_12] : memref<4096x3xf32, #tpu.memory_space<vmem>>, vector<4096x3xf32>
    %get3A_14 = arith.constant 0 : index
    %get3A_15 = arith.constant 0 : index
    %get3A_16 = vector.load %arg3[%get3A_14, %get3A_15] : memref<3x64xf32, #tpu.memory_space<vmem>>, vector<3x64xf32>
    %dot_general3A_17 = arith.constant dense<0.000000e+00> : vector<4096x64xf32>
    %dot_general3A_18 = tpu.matmul %get3A_13, %get3A_16, %dot_general3A_17 {dimension_numbers = #tpu.dot_dimension_numbers<[1], [0], [0], [1], [0, 0, 1, 1], [], []>, transpose_lhs_hint = false} : vector<4096x3xf32>, vector<3x64xf32>, vector<4096x64xf32> -> vector<4096x64xf32>
    %mul3A = arith.constant 6.28318548 : f32
    %mul3A_19 = vector.broadcast %mul3A : f32 to vector<4096x64xf32>
    %mul3A_20 = arith.mulf %mul3A_19, %dot_general3A_18 : vector<4096x64xf32>
    %iota3A = tpu.iota {dimensions = array<i32: 1>} : vector<4096x64xi32>
    %jit3A = arith.constant 2 : i32
    %eq3A = arith.constant 0 : i32
    %eq3A_21 = arith.cmpi eq, %jit3A, %eq3A : i32
    %jit3A_22 = arith.constant 1 : i32
    %select_n3A = arith.select %eq3A_21, %jit3A_22, %jit3A : i32
    %rem3A = vector.broadcast %select_n3A : i32 to vector<4096x64xi32>
    %rem3A_23 = arith.remsi %iota3A, %rem3A : vector<4096x64xi32>
    %ne3A = arith.constant 0 : i32
    %ne3A_24 = vector.broadcast %ne3A : i32 to vector<4096x64xi32>
    %ne3A_25 = arith.cmpi ne, %rem3A_23, %ne3A_24 : vector<4096x64xi32>
    %lt3A = arith.constant 0 : i32
    %lt3A_26 = vector.broadcast %lt3A : i32 to vector<4096x64xi32>
    %lt3A_27 = arith.cmpi slt, %rem3A_23, %lt3A_26 : vector<4096x64xi32>
    %lt3A_28 = arith.constant 0 : i32
    %lt3A_29 = arith.cmpi slt, %select_n3A, %lt3A_28 : i32
    %ne3A_30 = vector.broadcast %lt3A_29 : i1 to vector<4096x64xi1>
    %ne3A_31 = vector.broadcast %ne3A_30 : vector<4096x64xi1> to vector<4096x64xi1>
    %ne3A_32 = arith.xori %lt3A_27, %ne3A_31 : vector<4096x64xi1>
    %and3A = arith.andi %ne3A_32, %ne3A_25 : vector<4096x64xi1>
    %add3A = vector.broadcast %select_n3A : i32 to vector<4096x64xi32>
    %add3A_33 = arith.addi %rem3A_23, %add3A : vector<4096x64xi32>
    %select_n3A_34 = arith.select %and3A, %add3A_33, %rem3A_23 : vector<4096x64xi1>, vector<4096x64xi32>
    %eq3A_35 = arith.constant 0 : i32
    %eq3A_36 = vector.broadcast %eq3A_35 : i32 to vector<4096x64xi32>
    %eq3A_37 = arith.cmpi eq, %select_n3A_34, %eq3A_36 : vector<4096x64xi32>
    %cos3A = math.cos %mul3A_20 : vector<4096x64xf32>
    %sin3A = math.sin %mul3A_20 : vector<4096x64xf32>
    %neg3A = arith.constant 0.000000e+00 : f32
    %neg3A_38 = vector.broadcast %neg3A : f32 to vector<4096x64xf32>
    %neg3A_39 = arith.subf %neg3A_38, %sin3A : vector<4096x64xf32>
    %select_n3A_40 = arith.select %eq3A_37, %cos3A, %neg3A_39 : vector<4096x64xi1>, vector<4096x64xf32>
    %get3A_41 = arith.constant 0 : index
    %get3A_42 = arith.constant 0 : index
    %get3A_43 = vector.load %arg8[%get3A_41, %get3A_42] : memref<68x320xf32, #tpu.memory_space<vmem>>, vector<68x320xf32>
    %dot_general3A_44 = arith.constant dense<0.000000e+00> : vector<4096x320xf32>
    %dot_general3A_45 = tpu.matmul %get3A_1, %get3A_43, %dot_general3A_44 {dimension_numbers = #tpu.dot_dimension_numbers<[1], [0], [0], [1], [0, 0, 1, 1], [], []>, precision = #tpu.contract_precision<fp32>, transpose_lhs_hint = false} : vector<4096x68xf32>, vector<68x320xf32>, vector<4096x320xf32> -> vector<4096x320xf32>
    %concatenate3A = tpu.concatenate %dot_general3A_45, %select_n3A_40 in 1 : vector<4096x320xf32>, vector<4096x64xf32> -> vector<4096x384xf32>
    %swap3A_46 = arith.constant 0 : index
    %swap3A_47 = arith.constant 0 : index
    %swap3A_48 = vector.load %arg11[%swap3A_46, %swap3A_47] : memref<4096x384xf32, #tpu.memory_space<vmem>>, vector<4096x384xf32>
    tpu.vector_store %arg11[%swap3A_46, %swap3A_47], %concatenate3A {strides = array<i32>} : memref<4096x384xf32, #tpu.memory_space<vmem>>, vector<4096x384xf32>,
    %get3A_49 = arith.constant 0 : index
    %get3A_50 = arith.constant 0 : index
    %get3A_51 = vector.load %arg9[%get3A_49, %get3A_50] : memref<68x320xf32, #tpu.memory_space<vmem>>, vector<68x320xf32>
    %dot_general3A_52 = arith.constant dense<0.000000e+00> : vector<4096x320xf32>
    %dot_general3A_53 = tpu.matmul %get3A_1, %get3A_51, %dot_general3A_52 {dimension_numbers = #tpu.dot_dimension_numbers<[1], [0], [0], [1], [0, 0, 1, 1], [], []>, precision = #tpu.contract_precision<fp32>, transpose_lhs_hint = false} : vector<4096x68xf32>, vector<68x320xf32>, vector<4096x320xf32> -> vector<4096x320xf32>
    %concatenate3A_54 = tpu.concatenate %dot_general3A_53, %select_n3A_40 in 1 : vector<4096x320xf32>, vector<4096x64xf32> -> vector<4096x384xf32>
    %swap3A_55 = arith.constant 0 : index
    %swap3A_56 = arith.constant 0 : index
    %swap3A_57 = vector.load %arg12[%swap3A_55, %swap3A_56] : memref<4096x384xf32, #tpu.memory_space<vmem>>, vector<4096x384xf32>
    tpu.vector_store %arg12[%swap3A_55, %swap3A_56], %concatenate3A_54 {strides = array<i32>} : memref<4096x384xf32, #tpu.memory_space<vmem>>, vector<4096x384xf32>,
    %broadcast_in_dim3A = arith.constant 1.000000e+00 : f32
    %broadcast_in_dim3A_58 = vector.broadcast %broadcast_in_dim3A : f32 to vector<1x4096xf32>
    %broadcast_in_dim3A_59 = arith.constant 1.000000e+00 : f32
    %broadcast_in_dim3A_60 = vector.broadcast %broadcast_in_dim3A_59 : f32 to vector<4096x1xf32>
    %get3A_61 = arith.constant 0 : index
    %get3A_62 = arith.constant 0 : index
    %get3A_63 = vector.load %arg4[%get3A_61, %get3A_62] : memref<1x4096xi32, #tpu.memory_space<vmem>>, vector<1x4096xi32>
    %convert_element_type3A = arith.sitofp %get3A_63 : vector<1x4096xi32> to vector<1x4096xf32>
    %get3A_64 = arith.constant 0 : index
    %get3A_65 = arith.constant 0 : index
    %get3A_66 = vector.load %arg5[%get3A_64, %get3A_65] : memref<1x4096xi32, #tpu.memory_space<vmem>>, vector<1x4096xi32>
    %convert_element_type3A_67 = arith.sitofp %get3A_66 : vector<1x4096xi32> to vector<1x4096xf32>
    %get3A_68 = arith.constant 0 : index
    %get3A_69 = arith.constant 0 : index
    %get3A_70 = vector.load %arg6[%get3A_68, %get3A_69] : memref<4096x1xi32, #tpu.memory_space<vmem>>, vector<4096x1xi32>
    %convert_element_type3A_71 = arith.sitofp %get3A_70 : vector<4096x1xi32> to vector<4096x1xf32>
    %get3A_72 = arith.constant 0 : index
    %get3A_73 = arith.constant 0 : index
    %get3A_74 = vector.load %arg7[%get3A_72, %get3A_73] : memref<4096x1xi32, #tpu.memory_space<vmem>>, vector<4096x1xi32>
    %convert_element_type3A_75 = arith.sitofp %get3A_74 : vector<4096x1xi32> to vector<4096x1xf32>
    %iota3A_76 = tpu.iota {dimensions = array<i32: 1>} : vector<1x4096xi32>
    %convert_element_type3A_77 = arith.sitofp %iota3A_76 : vector<1x4096xi32> to vector<1x4096xf32>
    %iota3A_78 = tpu.iota {dimensions = array<i32: 0>} : vector<4096x1xi32>
    %convert_element_type3A_79 = arith.sitofp %iota3A_78 : vector<4096x1xi32> to vector<4096x1xf32>
    %mul3A_80 = arith.constant 4.096000e+03 : f32
    %mul3A_81 = vector.broadcast %mul3A_80 : f32 to vector<1x4096xf32>
    %mul3A_82 = arith.mulf %convert_element_type3A, %mul3A_81 : vector<1x4096xf32>
    %add3A_83 = arith.addf %mul3A_82, %convert_element_type3A_77 : vector<1x4096xf32>
    %mul3A_84 = arith.constant 4.096000e+03 : f32
    %mul3A_85 = vector.broadcast %mul3A_84 : f32 to vector<4096x1xf32>
    %mul3A_86 = arith.mulf %convert_element_type3A_71, %mul3A_85 : vector<4096x1xf32>
    %add3A_87 = arith.addf %mul3A_86, %convert_element_type3A_79 : vector<4096x1xf32>
    %mul3A_88 = arith.constant 1.562500e-02 : f32
    %mul3A_89 = vector.broadcast %mul3A_88 : f32 to vector<4096x1xf32>
    %mul3A_90 = arith.mulf %convert_element_type3A_79, %mul3A_89 : vector<4096x1xf32>
    %floor3A = math.floor %mul3A_90 : vector<4096x1xf32>
    %mul3A_91 = arith.constant 6.400000e+01 : f32
    %mul3A_92 = vector.broadcast %mul3A_91 : f32 to vector<4096x1xf32>
    %mul3A_93 = arith.mulf %floor3A, %mul3A_92 : vector<4096x1xf32>
    %sub3A = arith.subf %convert_element_type3A_79, %mul3A_93 : vector<4096x1xf32>
    %concatenate3A_94 = tpu.concatenate %convert_element_type3A_75, %floor3A, %sub3A in 1 : vector<4096x1xf32>, vector<4096x1xf32>, vector<4096x1xf32> -> vector<4096x3xf32>
    %slice3A = vector.extract_strided_slice %add3A_83 {offsets = [0, 0], sizes = [1, 512], strides = [1, 1]} : vector<1x4096xf32> to vector<1x512xf32>
    %lt3A_95 = vector.broadcast %add3A_87 : vector<4096x1xf32> to vector<4096x512xf32>
    %lt3A_96 = vector.broadcast %slice3A : vector<1x512xf32> to vector<4096x512xf32>
    %lt3A_97 = arith.cmpf olt, %lt3A_95, %lt3A_96 : vector<4096x512xf32>
    %convert_element_type3A_98 = arith.extui %lt3A_97 : vector<4096x512xi1> to vector<4096x512xi32>
    %convert_element_type3A_99 = arith.sitofp %convert_element_type3A_98 : vector<4096x512xi32> to vector<4096x512xf32>
    %dot_general3A_100 = arith.constant dense<0.000000e+00> : vector<1x512xf32>
    %dot_general3A_101 = tpu.matmul %broadcast_in_dim3A_58, %convert_element_type3A_99, %dot_general3A_100 {dimension_numbers = #tpu.dot_dimension_numbers<[1], [0], [0], [1], [0, 0, 1, 1], [], []>, transpose_lhs_hint = false} : vector<1x4096xf32>, vector<4096x512xf32>, vector<1x512xf32> -> vector<1x512xf32>
    %slice3A_102 = vector.extract_strided_slice %add3A_83 {offsets = [0, 512], sizes = [1, 512], strides = [1, 1]} : vector<1x4096xf32> to vector<1x512xf32>
    %lt3A_103 = vector.broadcast %add3A_87 : vector<4096x1xf32> to vector<4096x512xf32>
    %lt3A_104 = vector.broadcast %slice3A_102 : vector<1x512xf32> to vector<4096x512xf32>
    %lt3A_105 = arith.cmpf olt, %lt3A_103, %lt3A_104 : vector<4096x512xf32>
    %convert_element_type3A_106 = arith.extui %lt3A_105 : vector<4096x512xi1> to vector<4096x512xi32>
    %convert_element_type3A_107 = arith.sitofp %convert_element_type3A_106 : vector<4096x512xi32> to vector<4096x512xf32>
    %dot_general3A_108 = arith.constant dense<0.000000e+00> : vector<1x512xf32>
    %dot_general3A_109 = tpu.matmul %broadcast_in_dim3A_58, %convert_element_type3A_107, %dot_general3A_108 {dimension_numbers = #tpu.dot_dimension_numbers<[1], [0], [0], [1], [0, 0, 1, 1], [], []>, transpose_lhs_hint = false} : vector<1x4096xf32>, vector<4096x512xf32>, vector<1x512xf32> -> vector<1x512xf32>
    %slice3A_110 = vector.extract_strided_slice %add3A_83 {offsets = [0, 1024], sizes = [1, 512], strides = [1, 1]} : vector<1x4096xf32> to vector<1x512xf32>
    %lt3A_111 = vector.broadcast %add3A_87 : vector<4096x1xf32> to vector<4096x512xf32>
    %lt3A_112 = vector.broadcast %slice3A_110 : vector<1x512xf32> to vector<4096x512xf32>
    %lt3A_113 = arith.cmpf olt, %lt3A_111, %lt3A_112 : vector<4096x512xf32>
    %convert_element_type3A_114 = arith.extui %lt3A_113 : vector<4096x512xi1> to vector<4096x512xi32>
    %convert_element_type3A_115 = arith.sitofp %convert_element_type3A_114 : vector<4096x512xi32> to vector<4096x512xf32>
    %dot_general3A_116 = arith.constant dense<0.000000e+00> : vector<1x512xf32>
    %dot_general3A_117 = tpu.matmul %broadcast_in_dim3A_58, %convert_element_type3A_115, %dot_general3A_116 {dimension_numbers = #tpu.dot_dimension_numbers<[1], [0], [0], [1], [0, 0, 1, 1], [], []>, transpose_lhs_hint = false} : vector<1x4096xf32>, vector<4096x512xf32>, vector<1x512xf32> -> vector<1x512xf32>
    %slice3A_118 = vector.extract_strided_slice %add3A_83 {offsets = [0, 1536], sizes = [1, 512], strides = [1, 1]} : vector<1x4096xf32> to vector<1x512xf32>
    %lt3A_119 = vector.broadcast %add3A_87 : vector<4096x1xf32> to vector<4096x512xf32>
    %lt3A_120 = vector.broadcast %slice3A_118 : vector<1x512xf32> to vector<4096x512xf32>
    %lt3A_121 = arith.cmpf olt, %lt3A_119, %lt3A_120 : vector<4096x512xf32>
    %convert_element_type3A_122 = arith.extui %lt3A_121 : vector<4096x512xi1> to vector<4096x512xi32>
    %convert_element_type3A_123 = arith.sitofp %convert_element_type3A_122 : vector<4096x512xi32> to vector<4096x512xf32>
    %dot_general3A_124 = arith.constant dense<0.000000e+00> : vector<1x512xf32>
    %dot_general3A_125 = tpu.matmul %broadcast_in_dim3A_58, %convert_element_type3A_123, %dot_general3A_124 {dimension_numbers = #tpu.dot_dimension_numbers<[1], [0], [0], [1], [0, 0, 1, 1], [], []>, transpose_lhs_hint = false} : vector<1x4096xf32>, vector<4096x512xf32>, vector<1x512xf32> -> vector<1x512xf32>
    %slice3A_126 = vector.extract_strided_slice %add3A_83 {offsets = [0, 2048], sizes = [1, 512], strides = [1, 1]} : vector<1x4096xf32> to vector<1x512xf32>
    %lt3A_127 = vector.broadcast %add3A_87 : vector<4096x1xf32> to vector<4096x512xf32>
    %lt3A_128 = vector.broadcast %slice3A_126 : vector<1x512xf32> to vector<4096x512xf32>
    %lt3A_129 = arith.cmpf olt, %lt3A_127, %lt3A_128 : vector<4096x512xf32>
    %convert_element_type3A_130 = arith.extui %lt3A_129 : vector<4096x512xi1> to vector<4096x512xi32>
    %convert_element_type3A_131 = arith.sitofp %convert_element_type3A_130 : vector<4096x512xi32> to vector<4096x512xf32>
    %dot_general3A_132 = arith.constant dense<0.000000e+00> : vector<1x512xf32>
    %dot_general3A_133 = tpu.matmul %broadcast_in_dim3A_58, %convert_element_type3A_131, %dot_general3A_132 {dimension_numbers = #tpu.dot_dimension_numbers<[1], [0], [0], [1], [0, 0, 1, 1], [], []>, transpose_lhs_hint = false} : vector<1x4096xf32>, vector<4096x512xf32>, vector<1x512xf32> -> vector<1x512xf32>
    %slice3A_134 = vector.extract_strided_slice %add3A_83 {offsets = [0, 2560], sizes = [1, 512], strides = [1, 1]} : vector<1x4096xf32> to vector<1x512xf32>
    %lt3A_135 = vector.broadcast %add3A_87 : vector<4096x1xf32> to vector<4096x512xf32>
    %lt3A_136 = vector.broadcast %slice3A_134 : vector<1x512xf32> to vector<4096x512xf32>
    %lt3A_137 = arith.cmpf olt, %lt3A_135, %lt3A_136 : vector<4096x512xf32>
    %convert_element_type3A_138 = arith.extui %lt3A_137 : vector<4096x512xi1> to vector<4096x512xi32>
    %convert_element_type3A_139 = arith.sitofp %convert_element_type3A_138 : vector<4096x512xi32> to vector<4096x512xf32>
    %dot_general3A_140 = arith.constant dense<0.000000e+00> : vector<1x512xf32>
    %dot_general3A_141 = tpu.matmul %broadcast_in_dim3A_58, %convert_element_type3A_139, %dot_general3A_140 {dimension_numbers = #tpu.dot_dimension_numbers<[1], [0], [0], [1], [0, 0, 1, 1], [], []>, transpose_lhs_hint = false} : vector<1x4096xf32>, vector<4096x512xf32>, vector<1x512xf32> -> vector<1x512xf32>
    %slice3A_142 = vector.extract_strided_slice %add3A_83 {offsets = [0, 3072], sizes = [1, 512], strides = [1, 1]} : vector<1x4096xf32> to vector<1x512xf32>
    %lt3A_143 = vector.broadcast %add3A_87 : vector<4096x1xf32> to vector<4096x512xf32>
    %lt3A_144 = vector.broadcast %slice3A_142 : vector<1x512xf32> to vector<4096x512xf32>
    %lt3A_145 = arith.cmpf olt, %lt3A_143, %lt3A_144 : vector<4096x512xf32>
    %convert_element_type3A_146 = arith.extui %lt3A_145 : vector<4096x512xi1> to vector<4096x512xi32>
    %convert_element_type3A_147 = arith.sitofp %convert_element_type3A_146 : vector<4096x512xi32> to vector<4096x512xf32>
    %dot_general3A_148 = arith.constant dense<0.000000e+00> : vector<1x512xf32>
    %dot_general3A_149 = tpu.matmul %broadcast_in_dim3A_58, %convert_element_type3A_147, %dot_general3A_148 {dimension_numbers = #tpu.dot_dimension_numbers<[1], [0], [0], [1], [0, 0, 1, 1], [], []>, transpose_lhs_hint = false} : vector<1x4096xf32>, vector<4096x512xf32>, vector<1x512xf32> -> vector<1x512xf32>
    %slice3A_150 = vector.extract_strided_slice %add3A_83 {offsets = [0, 3584], sizes = [1, 512], strides = [1, 1]} : vector<1x4096xf32> to vector<1x512xf32>
    %lt3A_151 = vector.broadcast %add3A_87 : vector<4096x1xf32> to vector<4096x512xf32>
    %lt3A_152 = vector.broadcast %slice3A_150 : vector<1x512xf32> to vector<4096x512xf32>
    %lt3A_153 = arith.cmpf olt, %lt3A_151, %lt3A_152 : vector<4096x512xf32>
    %convert_element_type3A_154 = arith.extui %lt3A_153 : vector<4096x512xi1> to vector<4096x512xi32>
    %convert_element_type3A_155 = arith.sitofp %convert_element_type3A_154 : vector<4096x512xi32> to vector<4096x512xf32>
    %dot_general3A_156 = arith.constant dense<0.000000e+00> : vector<1x512xf32>
    %dot_general3A_157 = tpu.matmul %broadcast_in_dim3A_58, %convert_element_type3A_155, %dot_general3A_156 {dimension_numbers = #tpu.dot_dimension_numbers<[1], [0], [0], [1], [0, 0, 1, 1], [], []>, transpose_lhs_hint = false} : vector<1x4096xf32>, vector<4096x512xf32>, vector<1x512xf32> -> vector<1x512xf32>
    %concatenate3A_158 = tpu.concatenate %dot_general3A_101, %dot_general3A_109, %dot_general3A_117, %dot_general3A_125, %dot_general3A_133, %dot_general3A_141, %dot_general3A_149, %dot_general3A_157 in 1 : vector<1x512xf32>, vector<1x512xf32>, vector<1x512xf32>, vector<1x512xf32>, vector<1x512xf32>, vector<1x512xf32>, vector<1x512xf32>, vector<1x512xf32> -> vector<1x4096xf32>
    %iota3A_159 = tpu.iota {dimensions = array<i32: 0>} : vector<512x1xi32>
    %convert_element_type3A_160 = arith.sitofp %iota3A_159 : vector<512x1xi32> to vector<512x1xf32>
    %add3A_161 = arith.constant 0.000000e+00 : f32
    %add3A_162 = vector.broadcast %add3A_161 : f32 to vector<512x1xf32>
    %add3A_163 = arith.addf %add3A_162, %convert_element_type3A_160 : vector<512x1xf32>
    %eq3A_164 = vector.broadcast %concatenate3A_158 : vector<1x4096xf32> to vector<512x4096xf32>
    %eq3A_165 = vector.broadcast %add3A_163 : vector<512x1xf32> to vector<512x4096xf32>
    %eq3A_166 = arith.cmpf oeq, %eq3A_164, %eq3A_165 : vector<512x4096xf32>
    %convert_element_type3A_167 = arith.extui %eq3A_166 : vector<512x4096xi1> to vector<512x4096xi32>
    %convert_element_type3A_168 = arith.sitofp %convert_element_type3A_167 : vector<512x4096xi32> to vector<512x4096xf32>
    %dot_general3A_169 = arith.constant dense<0.000000e+00> : vector<512x3xf32>
    %dot_general3A_170 = tpu.matmul %convert_element_type3A_168, %concatenate3A_94, %dot_general3A_169 {dimension_numbers = #tpu.dot_dimension_numbers<[1], [0], [0], [1], [0, 0, 1, 1], [], []>, transpose_lhs_hint = false} : vector<512x4096xf32>, vector<4096x3xf32>, vector<512x3xf32> -> vector<512x3xf32>
    %slice3A_171 = vector.extract_strided_slice %dot_general3A_170 {offsets = [0, 0], sizes = [512, 1], strides = [1, 1]} : vector<512x3xf32> to vector<512x1xf32>
    %mul3A_172 = arith.constant 4.096000e+03 : f32
    %mul3A_173 = vector.broadcast %mul3A_172 : f32 to vector<512x1xf32>
    %mul3A_174 = arith.mulf %slice3A_171, %mul3A_173 : vector<512x1xf32>
    %slice3A_175 = vector.extract_strided_slice %dot_general3A_170 {offsets = [0, 1], sizes = [512, 1], strides = [1, 1]} : vector<512x3xf32> to vector<512x1xf32>
    %mul3A_176 = arith.constant 6.400000e+01 : f32
    %mul3A_177 = vector.broadcast %mul3A_176 : f32 to vector<512x1xf32>
    %mul3A_178 = arith.mulf %slice3A_175, %mul3A_177 : vector<512x1xf32>
    %add3A_179 = arith.addf %mul3A_174, %mul3A_178 : vector<512x1xf32>
    %slice3A_180 = vector.extract_strided_slice %dot_general3A_170 {offsets = [0, 2], sizes = [512, 1], strides = [1, 1]} : vector<512x3xf32> to vector<512x1xf32>
    %add3A_181 = arith.addf %add3A_179, %slice3A_180 : vector<512x1xf32>
    %iota3A_182 = tpu.iota {dimensions = array<i32: 0>} : vector<512x1xi32>
    %convert_element_type3A_183 = arith.sitofp %iota3A_182 : vector<512x1xi32> to vector<512x1xf32>
    %add3A_184 = arith.constant 5.120000e+02 : f32
    %add3A_185 = vector.broadcast %add3A_184 : f32 to vector<512x1xf32>
    %add3A_186 = arith.addf %add3A_185, %convert_element_type3A_183 : vector<512x1xf32>
    %eq3A_187 = vector.broadcast %concatenate3A_158 : vector<1x4096xf32> to vector<512x4096xf32>
    %eq3A_188 = vector.broadcast %add3A_186 : vector<512x1xf32> to vector<512x4096xf32>
    %eq3A_189 = arith.cmpf oeq, %eq3A_187, %eq3A_188 : vector<512x4096xf32>
    %convert_element_type3A_190 = arith.extui %eq3A_189 : vector<512x4096xi1> to vector<512x4096xi32>
    %convert_element_type3A_191 = arith.sitofp %convert_element_type3A_190 : vector<512x4096xi32> to vector<512x4096xf32>
    %dot_general3A_192 = arith.constant dense<0.000000e+00> : vector<512x3xf32>
    %dot_general3A_193 = tpu.matmul %convert_element_type3A_191, %concatenate3A_94, %dot_general3A_192 {dimension_numbers = #tpu.dot_dimension_numbers<[1], [0], [0], [1], [0, 0, 1, 1], [], []>, transpose_lhs_hint = false} : vector<512x4096xf32>, vector<4096x3xf32>, vector<512x3xf32> -> vector<512x3xf32>
    %slice3A_194 = vector.extract_strided_slice %dot_general3A_193 {offsets = [0, 0], sizes = [512, 1], strides = [1, 1]} : vector<512x3xf32> to vector<512x1xf32>
    %mul3A_195 = arith.constant 4.096000e+03 : f32
    %mul3A_196 = vector.broadcast %mul3A_195 : f32 to vector<512x1xf32>
    %mul3A_197 = arith.mulf %slice3A_194, %mul3A_196 : vector<512x1xf32>
    %slice3A_198 = vector.extract_strided_slice %dot_general3A_193 {offsets = [0, 1], sizes = [512, 1], strides = [1, 1]} : vector<512x3xf32> to vector<512x1xf32>
    %mul3A_199 = arith.constant 6.400000e+01 : f32
    %mul3A_200 = vector.broadcast %mul3A_199 : f32 to vector<512x1xf32>
    %mul3A_201 = arith.mulf %slice3A_198, %mul3A_200 : vector<512x1xf32>
    %add3A_202 = arith.addf %mul3A_197, %mul3A_201 : vector<512x1xf32>
    %slice3A_203 = vector.extract_strided_slice %dot_general3A_193 {offsets = [0, 2], sizes = [512, 1], strides = [1, 1]} : vector<512x3xf32> to vector<512x1xf32>
    %add3A_204 = arith.addf %add3A_202, %slice3A_203 : vector<512x1xf32>
    %iota3A_205 = tpu.iota {dimensions = array<i32: 0>} : vector<512x1xi32>
    %convert_element_type3A_206 = arith.sitofp %iota3A_205 : vector<512x1xi32> to vector<512x1xf32>
    %add3A_207 = arith.constant 1.024000e+03 : f32
    %add3A_208 = vector.broadcast %add3A_207 : f32 to vector<512x1xf32>
    %add3A_209 = arith.addf %add3A_208, %convert_element_type3A_206 : vector<512x1xf32>
    %eq3A_210 = vector.broadcast %concatenate3A_158 : vector<1x4096xf32> to vector<512x4096xf32>
    %eq3A_211 = vector.broadcast %add3A_209 : vector<512x1xf32> to vector<512x4096xf32>
    %eq3A_212 = arith.cmpf oeq, %eq3A_210, %eq3A_211 : vector<512x4096xf32>
    %convert_element_type3A_213 = arith.extui %eq3A_212 : vector<512x4096xi1> to vector<512x4096xi32>
    %convert_element_type3A_214 = arith.sitofp %convert_element_type3A_213 : vector<512x4096xi32> to vector<512x4096xf32>
    %dot_general3A_215 = arith.constant dense<0.000000e+00> : vector<512x3xf32>
    %dot_general3A_216 = tpu.matmul %convert_element_type3A_214, %concatenate3A_94, %dot_general3A_215 {dimension_numbers = #tpu.dot_dimension_numbers<[1], [0], [0], [1], [0, 0, 1, 1], [], []>, transpose_lhs_hint = false} : vector<512x4096xf32>, vector<4096x3xf32>, vector<512x3xf32> -> vector<512x3xf32>
    %slice3A_217 = vector.extract_strided_slice %dot_general3A_216 {offsets = [0, 0], sizes = [512, 1], strides = [1, 1]} : vector<512x3xf32> to vector<512x1xf32>
    %mul3A_218 = arith.constant 4.096000e+03 : f32
    %mul3A_219 = vector.broadcast %mul3A_218 : f32 to vector<512x1xf32>
    %mul3A_220 = arith.mulf %slice3A_217, %mul3A_219 : vector<512x1xf32>
    %slice3A_221 = vector.extract_strided_slice %dot_general3A_216 {offsets = [0, 1], sizes = [512, 1], strides = [1, 1]} : vector<512x3xf32> to vector<512x1xf32>
    %mul3A_222 = arith.constant 6.400000e+01 : f32
    %mul3A_223 = vector.broadcast %mul3A_222 : f32 to vector<512x1xf32>
    %mul3A_224 = arith.mulf %slice3A_221, %mul3A_223 : vector<512x1xf32>
    %add3A_225 = arith.addf %mul3A_220, %mul3A_224 : vector<512x1xf32>
    %slice3A_226 = vector.extract_strided_slice %dot_general3A_216 {offsets = [0, 2], sizes = [512, 1], strides = [1, 1]} : vector<512x3xf32> to vector<512x1xf32>
    %add3A_227 = arith.addf %add3A_225, %slice3A_226 : vector<512x1xf32>
    %iota3A_228 = tpu.iota {dimensions = array<i32: 0>} : vector<512x1xi32>
    %convert_element_type3A_229 = arith.sitofp %iota3A_228 : vector<512x1xi32> to vector<512x1xf32>
    %add3A_230 = arith.constant 1.536000e+03 : f32
    %add3A_231 = vector.broadcast %add3A_230 : f32 to vector<512x1xf32>
    %add3A_232 = arith.addf %add3A_231, %convert_element_type3A_229 : vector<512x1xf32>
    %eq3A_233 = vector.broadcast %concatenate3A_158 : vector<1x4096xf32> to vector<512x4096xf32>
    %eq3A_234 = vector.broadcast %add3A_232 : vector<512x1xf32> to vector<512x4096xf32>
    %eq3A_235 = arith.cmpf oeq, %eq3A_233, %eq3A_234 : vector<512x4096xf32>
    %convert_element_type3A_236 = arith.extui %eq3A_235 : vector<512x4096xi1> to vector<512x4096xi32>
    %convert_element_type3A_237 = arith.sitofp %convert_element_type3A_236 : vector<512x4096xi32> to vector<512x4096xf32>
    %dot_general3A_238 = arith.constant dense<0.000000e+00> : vector<512x3xf32>
    %dot_general3A_239 = tpu.matmul %convert_element_type3A_237, %concatenate3A_94, %dot_general3A_238 {dimension_numbers = #tpu.dot_dimension_numbers<[1], [0], [0], [1], [0, 0, 1, 1], [], []>, transpose_lhs_hint = false} : vector<512x4096xf32>, vector<4096x3xf32>, vector<512x3xf32> -> vector<512x3xf32>
    %slice3A_240 = vector.extract_strided_slice %dot_general3A_239 {offsets = [0, 0], sizes = [512, 1], strides = [1, 1]} : vector<512x3xf32> to vector<512x1xf32>
    %mul3A_241 = arith.constant 4.096000e+03 : f32
    %mul3A_242 = vector.broadcast %mul3A_241 : f32 to vector<512x1xf32>
    %mul3A_243 = arith.mulf %slice3A_240, %mul3A_242 : vector<512x1xf32>
    %slice3A_244 = vector.extract_strided_slice %dot_general3A_239 {offsets = [0, 1], sizes = [512, 1], strides = [1, 1]} : vector<512x3xf32> to vector<512x1xf32>
    %mul3A_245 = arith.constant 6.400000e+01 : f32
    %mul3A_246 = vector.broadcast %mul3A_245 : f32 to vector<512x1xf32>
    %mul3A_247 = arith.mulf %slice3A_244, %mul3A_246 : vector<512x1xf32>
    %add3A_248 = arith.addf %mul3A_243, %mul3A_247 : vector<512x1xf32>
    %slice3A_249 = vector.extract_strided_slice %dot_general3A_239 {offsets = [0, 2], sizes = [512, 1], strides = [1, 1]} : vector<512x3xf32> to vector<512x1xf32>
    %add3A_250 = arith.addf %add3A_248, %slice3A_249 : vector<512x1xf32>
    %iota3A_251 = tpu.iota {dimensions = array<i32: 0>} : vector<512x1xi32>
    %convert_element_type3A_252 = arith.sitofp %iota3A_251 : vector<512x1xi32> to vector<512x1xf32>
    %add3A_253 = arith.constant 2.048000e+03 : f32
    %add3A_254 = vector.broadcast %add3A_253 : f32 to vector<512x1xf32>
    %add3A_255 = arith.addf %add3A_254, %convert_element_type3A_252 : vector<512x1xf32>
    %eq3A_256 = vector.broadcast %concatenate3A_158 : vector<1x4096xf32> to vector<512x4096xf32>
    %eq3A_257 = vector.broadcast %add3A_255 : vector<512x1xf32> to vector<512x4096xf32>
    %eq3A_258 = arith.cmpf oeq, %eq3A_256, %eq3A_257 : vector<512x4096xf32>
    %convert_element_type3A_259 = arith.extui %eq3A_258 : vector<512x4096xi1> to vector<512x4096xi32>
    %convert_element_type3A_260 = arith.sitofp %convert_element_type3A_259 : vector<512x4096xi32> to vector<512x4096xf32>
    %dot_general3A_261 = arith.constant dense<0.000000e+00> : vector<512x3xf32>
    %dot_general3A_262 = tpu.matmul %convert_element_type3A_260, %concatenate3A_94, %dot_general3A_261 {dimension_numbers = #tpu.dot_dimension_numbers<[1], [0], [0], [1], [0, 0, 1, 1], [], []>, transpose_lhs_hint = false} : vector<512x4096xf32>, vector<4096x3xf32>, vector<512x3xf32> -> vector<512x3xf32>
    %slice3A_263 = vector.extract_strided_slice %dot_general3A_262 {offsets = [0, 0], sizes = [512, 1], strides = [1, 1]} : vector<512x3xf32> to vector<512x1xf32>
    %mul3A_264 = arith.constant 4.096000e+03 : f32
    %mul3A_265 = vector.broadcast %mul3A_264 : f32 to vector<512x1xf32>
    %mul3A_266 = arith.mulf %slice3A_263, %mul3A_265 : vector<512x1xf32>
    %slice3A_267 = vector.extract_strided_slice %dot_general3A_262 {offsets = [0, 1], sizes = [512, 1], strides = [1, 1]} : vector<512x3xf32> to vector<512x1xf32>
    %mul3A_268 = arith.constant 6.400000e+01 : f32
    %mul3A_269 = vector.broadcast %mul3A_268 : f32 to vector<512x1xf32>
    %mul3A_270 = arith.mulf %slice3A_267, %mul3A_269 : vector<512x1xf32>
    %add3A_271 = arith.addf %mul3A_266, %mul3A_270 : vector<512x1xf32>
    %slice3A_272 = vector.extract_strided_slice %dot_general3A_262 {offsets = [0, 2], sizes = [512, 1], strides = [1, 1]} : vector<512x3xf32> to vector<512x1xf32>
    %add3A_273 = arith.addf %add3A_271, %slice3A_272 : vector<512x1xf32>
    %iota3A_274 = tpu.iota {dimensions = array<i32: 0>} : vector<512x1xi32>
    %convert_element_type3A_275 = arith.sitofp %iota3A_274 : vector<512x1xi32> to vector<512x1xf32>
    %add3A_276 = arith.constant 2.560000e+03 : f32
    %add3A_277 = vector.broadcast %add3A_276 : f32 to vector<512x1xf32>
    %add3A_278 = arith.addf %add3A_277, %convert_element_type3A_275 : vector<512x1xf32>
    %eq3A_279 = vector.broadcast %concatenate3A_158 : vector<1x4096xf32> to vector<512x4096xf32>
    %eq3A_280 = vector.broadcast %add3A_278 : vector<512x1xf32> to vector<512x4096xf32>
    %eq3A_281 = arith.cmpf oeq, %eq3A_279, %eq3A_280 : vector<512x4096xf32>
    %convert_element_type3A_282 = arith.extui %eq3A_281 : vector<512x4096xi1> to vector<512x4096xi32>
    %convert_element_type3A_283 = arith.sitofp %convert_element_type3A_282 : vector<512x4096xi32> to vector<512x4096xf32>
    %dot_general3A_284 = arith.constant dense<0.000000e+00> : vector<512x3xf32>
    %dot_general3A_285 = tpu.matmul %convert_element_type3A_283, %concatenate3A_94, %dot_general3A_284 {dimension_numbers = #tpu.dot_dimension_numbers<[1], [0], [0], [1], [0, 0, 1, 1], [], []>, transpose_lhs_hint = false} : vector<512x4096xf32>, vector<4096x3xf32>, vector<512x3xf32> -> vector<512x3xf32>
    %slice3A_286 = vector.extract_strided_slice %dot_general3A_285 {offsets = [0, 0], sizes = [512, 1], strides = [1, 1]} : vector<512x3xf32> to vector<512x1xf32>
    %mul3A_287 = arith.constant 4.096000e+03 : f32
    %mul3A_288 = vector.broadcast %mul3A_287 : f32 to vector<512x1xf32>
    %mul3A_289 = arith.mulf %slice3A_286, %mul3A_288 : vector<512x1xf32>
    %slice3A_290 = vector.extract_strided_slice %dot_general3A_285 {offsets = [0, 1], sizes = [512, 1], strides = [1, 1]} : vector<512x3xf32> to vector<512x1xf32>
    %mul3A_291 = arith.constant 6.400000e+01 : f32
    %mul3A_292 = vector.broadcast %mul3A_291 : f32 to vector<512x1xf32>
    %mul3A_293 = arith.mulf %slice3A_290, %mul3A_292 : vector<512x1xf32>
    %add3A_294 = arith.addf %mul3A_289, %mul3A_293 : vector<512x1xf32>
    %slice3A_295 = vector.extract_strided_slice %dot_general3A_285 {offsets = [0, 2], sizes = [512, 1], strides = [1, 1]} : vector<512x3xf32> to vector<512x1xf32>
    %add3A_296 = arith.addf %add3A_294, %slice3A_295 : vector<512x1xf32>
    %iota3A_297 = tpu.iota {dimensions = array<i32: 0>} : vector<512x1xi32>
    %convert_element_type3A_298 = arith.sitofp %iota3A_297 : vector<512x1xi32> to vector<512x1xf32>
    %add3A_299 = arith.constant 3.072000e+03 : f32
    %add3A_300 = vector.broadcast %add3A_299 : f32 to vector<512x1xf32>
    %add3A_301 = arith.addf %add3A_300, %convert_element_type3A_298 : vector<512x1xf32>
    %eq3A_302 = vector.broadcast %concatenate3A_158 : vector<1x4096xf32> to vector<512x4096xf32>
    %eq3A_303 = vector.broadcast %add3A_301 : vector<512x1xf32> to vector<512x4096xf32>
    %eq3A_304 = arith.cmpf oeq, %eq3A_302, %eq3A_303 : vector<512x4096xf32>
    %convert_element_type3A_305 = arith.extui %eq3A_304 : vector<512x4096xi1> to vector<512x4096xi32>
    %convert_element_type3A_306 = arith.sitofp %convert_element_type3A_305 : vector<512x4096xi32> to vector<512x4096xf32>
    %dot_general3A_307 = arith.constant dense<0.000000e+00> : vector<512x3xf32>
    %dot_general3A_308 = tpu.matmul %convert_element_type3A_306, %concatenate3A_94, %dot_general3A_307 {dimension_numbers = #tpu.dot_dimension_numbers<[1], [0], [0], [1], [0, 0, 1, 1], [], []>, transpose_lhs_hint = false} : vector<512x4096xf32>, vector<4096x3xf32>, vector<512x3xf32> -> vector<512x3xf32>
    %slice3A_309 = vector.extract_strided_slice %dot_general3A_308 {offsets = [0, 0], sizes = [512, 1], strides = [1, 1]} : vector<512x3xf32> to vector<512x1xf32>
    %mul3A_310 = arith.constant 4.096000e+03 : f32
    %mul3A_311 = vector.broadcast %mul3A_310 : f32 to vector<512x1xf32>
    %mul3A_312 = arith.mulf %slice3A_309, %mul3A_311 : vector<512x1xf32>
    %slice3A_313 = vector.extract_strided_slice %dot_general3A_308 {offsets = [0, 1], sizes = [512, 1], strides = [1, 1]} : vector<512x3xf32> to vector<512x1xf32>
    %mul3A_314 = arith.constant 6.400000e+01 : f32
    %mul3A_315 = vector.broadcast %mul3A_314 : f32 to vector<512x1xf32>
    %mul3A_316 = arith.mulf %slice3A_313, %mul3A_315 : vector<512x1xf32>
    %add3A_317 = arith.addf %mul3A_312, %mul3A_316 : vector<512x1xf32>
    %slice3A_318 = vector.extract_strided_slice %dot_general3A_308 {offsets = [0, 2], sizes = [512, 1], strides = [1, 1]} : vector<512x3xf32> to vector<512x1xf32>
    %add3A_319 = arith.addf %add3A_317, %slice3A_318 : vector<512x1xf32>
    %iota3A_320 = tpu.iota {dimensions = array<i32: 0>} : vector<512x1xi32>
    %convert_element_type3A_321 = arith.sitofp %iota3A_320 : vector<512x1xi32> to vector<512x1xf32>
    %add3A_322 = arith.constant 3.584000e+03 : f32
    %add3A_323 = vector.broadcast %add3A_322 : f32 to vector<512x1xf32>
    %add3A_324 = arith.addf %add3A_323, %convert_element_type3A_321 : vector<512x1xf32>
    %eq3A_325 = vector.broadcast %concatenate3A_158 : vector<1x4096xf32> to vector<512x4096xf32>
    %eq3A_326 = vector.broadcast %add3A_324 : vector<512x1xf32> to vector<512x4096xf32>
    %eq3A_327 = arith.cmpf oeq, %eq3A_325, %eq3A_326 : vector<512x4096xf32>
    %convert_element_type3A_328 = arith.extui %eq3A_327 : vector<512x4096xi1> to vector<512x4096xi32>
    %convert_element_type3A_329 = arith.sitofp %convert_element_type3A_328 : vector<512x4096xi32> to vector<512x4096xf32>
    %dot_general3A_330 = arith.constant dense<0.000000e+00> : vector<512x3xf32>
    %dot_general3A_331 = tpu.matmul %convert_element_type3A_329, %concatenate3A_94, %dot_general3A_330 {dimension_numbers = #tpu.dot_dimension_numbers<[1], [0], [0], [1], [0, 0, 1, 1], [], []>, transpose_lhs_hint = false} : vector<512x4096xf32>, vector<4096x3xf32>, vector<512x3xf32> -> vector<512x3xf32>
    %slice3A_332 = vector.extract_strided_slice %dot_general3A_331 {offsets = [0, 0], sizes = [512, 1], strides = [1, 1]} : vector<512x3xf32> to vector<512x1xf32>
    %mul3A_333 = arith.constant 4.096000e+03 : f32
    %mul3A_334 = vector.broadcast %mul3A_333 : f32 to vector<512x1xf32>
    %mul3A_335 = arith.mulf %slice3A_332, %mul3A_334 : vector<512x1xf32>
    %slice3A_336 = vector.extract_strided_slice %dot_general3A_331 {offsets = [0, 1], sizes = [512, 1], strides = [1, 1]} : vector<512x3xf32> to vector<512x1xf32>
    %mul3A_337 = arith.constant 6.400000e+01 : f32
    %mul3A_338 = vector.broadcast %mul3A_337 : f32 to vector<512x1xf32>
    %mul3A_339 = arith.mulf %slice3A_336, %mul3A_338 : vector<512x1xf32>
    %add3A_340 = arith.addf %mul3A_335, %mul3A_339 : vector<512x1xf32>
    %slice3A_341 = vector.extract_strided_slice %dot_general3A_331 {offsets = [0, 2], sizes = [512, 1], strides = [1, 1]} : vector<512x3xf32> to vector<512x1xf32>
    %add3A_342 = arith.addf %add3A_340, %slice3A_341 : vector<512x1xf32>
    %broadcast_in_dim3A_343 = arith.constant 0.000000e+00 : f32
    %broadcast_in_dim3A_344 = vector.broadcast %broadcast_in_dim3A_343 : f32 to vector<256x1xf32>
    %concatenate3A_345 = tpu.concatenate %add3A_181, %add3A_204, %add3A_227, %add3A_250, %add3A_273, %add3A_296, %add3A_319, %add3A_342, %broadcast_in_dim3A_344 in 0 : vector<512x1xf32>, vector<512x1xf32>, vector<512x1xf32>, vector<512x1xf32>, vector<512x1xf32>, vector<512x1xf32>, vector<512x1xf32>, vector<512x1xf32>, vector<256x1xf32> -> vector<4352x1xf32>
    %iota3A_346 = tpu.iota {dimensions = array<i32: 0>} : vector<272x1xi32>
    %convert_element_type3A_347 = arith.sitofp %iota3A_346 : vector<272x1xi32> to vector<272x1xf32>
    %lt3A_348 = vector.broadcast %convert_element_type3A : vector<1x4096xf32> to vector<272x4096xf32>
    %lt3A_349 = vector.broadcast %convert_element_type3A_347 : vector<272x1xf32> to vector<272x4096xf32>
    %lt3A_350 = arith.cmpf olt, %lt3A_348, %lt3A_349 : vector<272x4096xf32>
    %convert_element_type3A_351 = arith.extui %lt3A_350 : vector<272x4096xi1> to vector<272x4096xi32>
    %convert_element_type3A_352 = arith.sitofp %convert_element_type3A_351 : vector<272x4096xi32> to vector<272x4096xf32>
    %dot_general3A_353 = arith.constant dense<0.000000e+00> : vector<272x1xf32>
    %dot_general3A_354 = tpu.matmul %convert_element_type3A_352, %broadcast_in_dim3A_60, %dot_general3A_353 {dimension_numbers = #tpu.dot_dimension_numbers<[1], [0], [0], [1], [0, 0, 1, 1], [], []>, transpose_lhs_hint = false} : vector<272x4096xf32>, vector<4096x1xf32>, vector<272x1xf32> -> vector<272x1xf32>
    %iota3A_355 = tpu.iota {dimensions = array<i32: 1>} : vector<1x4096xi32>
    %convert_element_type3A_356 = arith.sitofp %iota3A_355 : vector<1x4096xi32> to vector<1x4096xf32>
    %iota3A_357 = tpu.iota {dimensions = array<i32: 0>} : vector<4096x1xi32>
    %convert_element_type3A_358 = arith.sitofp %iota3A_357 : vector<4096x1xi32> to vector<4096x1xf32>
    %mul3A_359 = arith.constant 4.096000e+03 : f32
    %mul3A_360 = vector.broadcast %mul3A_359 : f32 to vector<1x4096xf32>
    %mul3A_361 = arith.mulf %convert_element_type3A_67, %mul3A_360 : vector<1x4096xf32>
    %add3A_362 = arith.addf %mul3A_361, %convert_element_type3A_356 : vector<1x4096xf32>
    %mul3A_363 = arith.constant 4.096000e+03 : f32
    %mul3A_364 = vector.broadcast %mul3A_363 : f32 to vector<4096x1xf32>
    %mul3A_365 = arith.mulf %convert_element_type3A_75, %mul3A_364 : vector<4096x1xf32>
    %add3A_366 = arith.addf %mul3A_365, %convert_element_type3A_358 : vector<4096x1xf32>
    %mul3A_367 = arith.constant 1.562500e-02 : f32
    %mul3A_368 = vector.broadcast %mul3A_367 : f32 to vector<4096x1xf32>
    %mul3A_369 = arith.mulf %convert_element_type3A_358, %mul3A_368 : vector<4096x1xf32>
    %floor3A_370 = math.floor %mul3A_369 : vector<4096x1xf32>
    %mul3A_371 = arith.constant 6.400000e+01 : f32
    %mul3A_372 = vector.broadcast %mul3A_371 : f32 to vector<4096x1xf32>
    %mul3A_373 = arith.mulf %floor3A_370, %mul3A_372 : vector<4096x1xf32>
    %sub3A_374 = arith.subf %convert_element_type3A_358, %mul3A_373 : vector<4096x1xf32>
    %concatenate3A_375 = tpu.concatenate %convert_element_type3A_71, %floor3A_370, %sub3A_374 in 1 : vector<4096x1xf32>, vector<4096x1xf32>, vector<4096x1xf32> -> vector<4096x3xf32>
    %slice3A_376 = vector.extract_strided_slice %add3A_362 {offsets = [0, 0], sizes = [1, 512], strides = [1, 1]} : vector<1x4096xf32> to vector<1x512xf32>
    %lt3A_377 = vector.broadcast %add3A_366 : vector<4096x1xf32> to vector<4096x512xf32>
    %lt3A_378 = vector.broadcast %slice3A_376 : vector<1x512xf32> to vector<4096x512xf32>
    %lt3A_379 = arith.cmpf olt, %lt3A_377, %lt3A_378 : vector<4096x512xf32>
    %convert_element_type3A_380 = arith.extui %lt3A_379 : vector<4096x512xi1> to vector<4096x512xi32>
    %convert_element_type3A_381 = arith.sitofp %convert_element_type3A_380 : vector<4096x512xi32> to vector<4096x512xf32>
    %dot_general3A_382 = arith.constant dense<0.000000e+00> : vector<1x512xf32>
    %dot_general3A_383 = tpu.matmul %broadcast_in_dim3A_58, %convert_element_type3A_381, %dot_general3A_382 {dimension_numbers = #tpu.dot_dimension_numbers<[1], [0], [0], [1], [0, 0, 1, 1], [], []>, transpose_lhs_hint = false} : vector<1x4096xf32>, vector<4096x512xf32>, vector<1x512xf32> -> vector<1x512xf32>
    %slice3A_384 = vector.extract_strided_slice %add3A_362 {offsets = [0, 512], sizes = [1, 512], strides = [1, 1]} : vector<1x4096xf32> to vector<1x512xf32>
    %lt3A_385 = vector.broadcast %add3A_366 : vector<4096x1xf32> to vector<4096x512xf32>
    %lt3A_386 = vector.broadcast %slice3A_384 : vector<1x512xf32> to vector<4096x512xf32>
    %lt3A_387 = arith.cmpf olt, %lt3A_385, %lt3A_386 : vector<4096x512xf32>
    %convert_element_type3A_388 = arith.extui %lt3A_387 : vector<4096x512xi1> to vector<4096x512xi32>
    %convert_element_type3A_389 = arith.sitofp %convert_element_type3A_388 : vector<4096x512xi32> to vector<4096x512xf32>
    %dot_general3A_390 = arith.constant dense<0.000000e+00> : vector<1x512xf32>
    %dot_general3A_391 = tpu.matmul %broadcast_in_dim3A_58, %convert_element_type3A_389, %dot_general3A_390 {dimension_numbers = #tpu.dot_dimension_numbers<[1], [0], [0], [1], [0, 0, 1, 1], [], []>, transpose_lhs_hint = false} : vector<1x4096xf32>, vector<4096x512xf32>, vector<1x512xf32> -> vector<1x512xf32>
    %slice3A_392 = vector.extract_strided_slice %add3A_362 {offsets = [0, 1024], sizes = [1, 512], strides = [1, 1]} : vector<1x4096xf32> to vector<1x512xf32>
    %lt3A_393 = vector.broadcast %add3A_366 : vector<4096x1xf32> to vector<4096x512xf32>
    %lt3A_394 = vector.broadcast %slice3A_392 : vector<1x512xf32> to vector<4096x512xf32>
    %lt3A_395 = arith.cmpf olt, %lt3A_393, %lt3A_394 : vector<4096x512xf32>
    %convert_element_type3A_396 = arith.extui %lt3A_395 : vector<4096x512xi1> to vector<4096x512xi32>
    %convert_element_type3A_397 = arith.sitofp %convert_element_type3A_396 : vector<4096x512xi32> to vector<4096x512xf32>
    %dot_general3A_398 = arith.constant dense<0.000000e+00> : vector<1x512xf32>
    %dot_general3A_399 = tpu.matmul %broadcast_in_dim3A_58, %convert_element_type3A_397, %dot_general3A_398 {dimension_numbers = #tpu.dot_dimension_numbers<[1], [0], [0], [1], [0, 0, 1, 1], [], []>, transpose_lhs_hint = false} : vector<1x4096xf32>, vector<4096x512xf32>, vector<1x512xf32> -> vector<1x512xf32>
    %slice3A_400 = vector.extract_strided_slice %add3A_362 {offsets = [0, 1536], sizes = [1, 512], strides = [1, 1]} : vector<1x4096xf32> to vector<1x512xf32>
    %lt3A_401 = vector.broadcast %add3A_366 : vector<4096x1xf32> to vector<4096x512xf32>
    %lt3A_402 = vector.broadcast %slice3A_400 : vector<1x512xf32> to vector<4096x512xf32>
    %lt3A_403 = arith.cmpf olt, %lt3A_401, %lt3A_402 : vector<4096x512xf32>
    %convert_element_type3A_404 = arith.extui %lt3A_403 : vector<4096x512xi1> to vector<4096x512xi32>
    %convert_element_type3A_405 = arith.sitofp %convert_element_type3A_404 : vector<4096x512xi32> to vector<4096x512xf32>
    %dot_general3A_406 = arith.constant dense<0.000000e+00> : vector<1x512xf32>
    %dot_general3A_407 = tpu.matmul %broadcast_in_dim3A_58, %convert_element_type3A_405, %dot_general3A_406 {dimension_numbers = #tpu.dot_dimension_numbers<[1], [0], [0], [1], [0, 0, 1, 1], [], []>, transpose_lhs_hint = false} : vector<1x4096xf32>, vector<4096x512xf32>, vector<1x512xf32> -> vector<1x512xf32>
    %slice3A_408 = vector.extract_strided_slice %add3A_362 {offsets = [0, 2048], sizes = [1, 512], strides = [1, 1]} : vector<1x4096xf32> to vector<1x512xf32>
    %lt3A_409 = vector.broadcast %add3A_366 : vector<4096x1xf32> to vector<4096x512xf32>
    %lt3A_410 = vector.broadcast %slice3A_408 : vector<1x512xf32> to vector<4096x512xf32>
    %lt3A_411 = arith.cmpf olt, %lt3A_409, %lt3A_410 : vector<4096x512xf32>
    %convert_element_type3A_412 = arith.extui %lt3A_411 : vector<4096x512xi1> to vector<4096x512xi32>
    %convert_element_type3A_413 = arith.sitofp %convert_element_type3A_412 : vector<4096x512xi32> to vector<4096x512xf32>
    %dot_general3A_414 = arith.constant dense<0.000000e+00> : vector<1x512xf32>
    %dot_general3A_415 = tpu.matmul %broadcast_in_dim3A_58, %convert_element_type3A_413, %dot_general3A_414 {dimension_numbers = #tpu.dot_dimension_numbers<[1], [0], [0], [1], [0, 0, 1, 1], [], []>, transpose_lhs_hint = false} : vector<1x4096xf32>, vector<4096x512xf32>, vector<1x512xf32> -> vector<1x512xf32>
    %slice3A_416 = vector.extract_strided_slice %add3A_362 {offsets = [0, 2560], sizes = [1, 512], strides = [1, 1]} : vector<1x4096xf32> to vector<1x512xf32>
    %lt3A_417 = vector.broadcast %add3A_366 : vector<4096x1xf32> to vector<4096x512xf32>
    %lt3A_418 = vector.broadcast %slice3A_416 : vector<1x512xf32> to vector<4096x512xf32>
    %lt3A_419 = arith.cmpf olt, %lt3A_417, %lt3A_418 : vector<4096x512xf32>
    %convert_element_type3A_420 = arith.extui %lt3A_419 : vector<4096x512xi1> to vector<4096x512xi32>
    %convert_element_type3A_421 = arith.sitofp %convert_element_type3A_420 : vector<4096x512xi32> to vector<4096x512xf32>
    %dot_general3A_422 = arith.constant dense<0.000000e+00> : vector<1x512xf32>
    %dot_general3A_423 = tpu.matmul %broadcast_in_dim3A_58, %convert_element_type3A_421, %dot_general3A_422 {dimension_numbers = #tpu.dot_dimension_numbers<[1], [0], [0], [1], [0, 0, 1, 1], [], []>, transpose_lhs_hint = false} : vector<1x4096xf32>, vector<4096x512xf32>, vector<1x512xf32> -> vector<1x512xf32>
    %slice3A_424 = vector.extract_strided_slice %add3A_362 {offsets = [0, 3072], sizes = [1, 512], strides = [1, 1]} : vector<1x4096xf32> to vector<1x512xf32>
    %lt3A_425 = vector.broadcast %add3A_366 : vector<4096x1xf32> to vector<4096x512xf32>
    %lt3A_426 = vector.broadcast %slice3A_424 : vector<1x512xf32> to vector<4096x512xf32>
    %lt3A_427 = arith.cmpf olt, %lt3A_425, %lt3A_426 : vector<4096x512xf32>
    %convert_element_type3A_428 = arith.extui %lt3A_427 : vector<4096x512xi1> to vector<4096x512xi32>
    %convert_element_type3A_429 = arith.sitofp %convert_element_type3A_428 : vector<4096x512xi32> to vector<4096x512xf32>
    %dot_general3A_430 = arith.constant dense<0.000000e+00> : vector<1x512xf32>
    %dot_general3A_431 = tpu.matmul %broadcast_in_dim3A_58, %convert_element_type3A_429, %dot_general3A_430 {dimension_numbers = #tpu.dot_dimension_numbers<[1], [0], [0], [1], [0, 0, 1, 1], [], []>, transpose_lhs_hint = false} : vector<1x4096xf32>, vector<4096x512xf32>, vector<1x512xf32> -> vector<1x512xf32>
    %slice3A_432 = vector.extract_strided_slice %add3A_362 {offsets = [0, 3584], sizes = [1, 512], strides = [1, 1]} : vector<1x4096xf32> to vector<1x512xf32>
    %lt3A_433 = vector.broadcast %add3A_366 : vector<4096x1xf32> to vector<4096x512xf32>
    %lt3A_434 = vector.broadcast %slice3A_432 : vector<1x512xf32> to vector<4096x512xf32>
    %lt3A_435 = arith.cmpf olt, %lt3A_433, %lt3A_434 : vector<4096x512xf32>
    %convert_element_type3A_436 = arith.extui %lt3A_435 : vector<4096x512xi1> to vector<4096x512xi32>
    %convert_element_type3A_437 = arith.sitofp %convert_element_type3A_436 : vector<4096x512xi32> to vector<4096x512xf32>
    %dot_general3A_438 = arith.constant dense<0.000000e+00> : vector<1x512xf32>
    %dot_general3A_439 = tpu.matmul %broadcast_in_dim3A_58, %convert_element_type3A_437, %dot_general3A_438 {dimension_numbers = #tpu.dot_dimension_numbers<[1], [0], [0], [1], [0, 0, 1, 1], [], []>, transpose_lhs_hint = false} : vector<1x4096xf32>, vector<4096x512xf32>, vector<1x512xf32> -> vector<1x512xf32>
    %concatenate3A_440 = tpu.concatenate %dot_general3A_383, %dot_general3A_391, %dot_general3A_399, %dot_general3A_407, %dot_general3A_415, %dot_general3A_423, %dot_general3A_431, %dot_general3A_439 in 1 : vector<1x512xf32>, vector<1x512xf32>, vector<1x512xf32>, vector<1x512xf32>, vector<1x512xf32>, vector<1x512xf32>, vector<1x512xf32>, vector<1x512xf32> -> vector<1x4096xf32>
    %iota3A_441 = tpu.iota {dimensions = array<i32: 0>} : vector<512x1xi32>
    %convert_element_type3A_442 = arith.sitofp %iota3A_441 : vector<512x1xi32> to vector<512x1xf32>
    %add3A_443 = arith.constant 0.000000e+00 : f32
    %add3A_444 = vector.broadcast %add3A_443 : f32 to vector<512x1xf32>
    %add3A_445 = arith.addf %add3A_444, %convert_element_type3A_442 : vector<512x1xf32>
    %eq3A_446 = vector.broadcast %concatenate3A_440 : vector<1x4096xf32> to vector<512x4096xf32>
    %eq3A_447 = vector.broadcast %add3A_445 : vector<512x1xf32> to vector<512x4096xf32>
    %eq3A_448 = arith.cmpf oeq, %eq3A_446, %eq3A_447 : vector<512x4096xf32>
    %convert_element_type3A_449 = arith.extui %eq3A_448 : vector<512x4096xi1> to vector<512x4096xi32>
    %convert_element_type3A_450 = arith.sitofp %convert_element_type3A_449 : vector<512x4096xi32> to vector<512x4096xf32>
    %dot_general3A_451 = arith.constant dense<0.000000e+00> : vector<512x3xf32>
    %dot_general3A_452 = tpu.matmul %convert_element_type3A_450, %concatenate3A_375, %dot_general3A_451 {dimension_numbers = #tpu.dot_dimension_numbers<[1], [0], [0], [1], [0, 0, 1, 1], [], []>, transpose_lhs_hint = false} : vector<512x4096xf32>, vector<4096x3xf32>, vector<512x3xf32> -> vector<512x3xf32>
    %slice3A_453 = vector.extract_strided_slice %dot_general3A_452 {offsets = [0, 0], sizes = [512, 1], strides = [1, 1]} : vector<512x3xf32> to vector<512x1xf32>
    %mul3A_454 = arith.constant 4.096000e+03 : f32
    %mul3A_455 = vector.broadcast %mul3A_454 : f32 to vector<512x1xf32>
    %mul3A_456 = arith.mulf %slice3A_453, %mul3A_455 : vector<512x1xf32>
    %slice3A_457 = vector.extract_strided_slice %dot_general3A_452 {offsets = [0, 1], sizes = [512, 1], strides = [1, 1]} : vector<512x3xf32> to vector<512x1xf32>
    %mul3A_458 = arith.constant 6.400000e+01 : f32
    %mul3A_459 = vector.broadcast %mul3A_458 : f32 to vector<512x1xf32>
    %mul3A_460 = arith.mulf %slice3A_457, %mul3A_459 : vector<512x1xf32>
    %add3A_461 = arith.addf %mul3A_456, %mul3A_460 : vector<512x1xf32>
    %slice3A_462 = vector.extract_strided_slice %dot_general3A_452 {offsets = [0, 2], sizes = [512, 1], strides = [1, 1]} : vector<512x3xf32> to vector<512x1xf32>
    %add3A_463 = arith.addf %add3A_461, %slice3A_462 : vector<512x1xf32>
    %iota3A_464 = tpu.iota {dimensions = array<i32: 0>} : vector<512x1xi32>
    %convert_element_type3A_465 = arith.sitofp %iota3A_464 : vector<512x1xi32> to vector<512x1xf32>
    %add3A_466 = arith.constant 5.120000e+02 : f32
    %add3A_467 = vector.broadcast %add3A_466 : f32 to vector<512x1xf32>
    %add3A_468 = arith.addf %add3A_467, %convert_element_type3A_465 : vector<512x1xf32>
    %eq3A_469 = vector.broadcast %concatenate3A_440 : vector<1x4096xf32> to vector<512x4096xf32>
    %eq3A_470 = vector.broadcast %add3A_468 : vector<512x1xf32> to vector<512x4096xf32>
    %eq3A_471 = arith.cmpf oeq, %eq3A_469, %eq3A_470 : vector<512x4096xf32>
    %convert_element_type3A_472 = arith.extui %eq3A_471 : vector<512x4096xi1> to vector<512x4096xi32>
    %convert_element_type3A_473 = arith.sitofp %convert_element_type3A_472 : vector<512x4096xi32> to vector<512x4096xf32>
    %dot_general3A_474 = arith.constant dense<0.000000e+00> : vector<512x3xf32>
    %dot_general3A_475 = tpu.matmul %convert_element_type3A_473, %concatenate3A_375, %dot_general3A_474 {dimension_numbers = #tpu.dot_dimension_numbers<[1], [0], [0], [1], [0, 0, 1, 1], [], []>, transpose_lhs_hint = false} : vector<512x4096xf32>, vector<4096x3xf32>, vector<512x3xf32> -> vector<512x3xf32>
    %slice3A_476 = vector.extract_strided_slice %dot_general3A_475 {offsets = [0, 0], sizes = [512, 1], strides = [1, 1]} : vector<512x3xf32> to vector<512x1xf32>
    %mul3A_477 = arith.constant 4.096000e+03 : f32
    %mul3A_478 = vector.broadcast %mul3A_477 : f32 to vector<512x1xf32>
    %mul3A_479 = arith.mulf %slice3A_476, %mul3A_478 : vector<512x1xf32>
    %slice3A_480 = vector.extract_strided_slice %dot_general3A_475 {offsets = [0, 1], sizes = [512, 1], strides = [1, 1]} : vector<512x3xf32> to vector<512x1xf32>
    %mul3A_481 = arith.constant 6.400000e+01 : f32
    %mul3A_482 = vector.broadcast %mul3A_481 : f32 to vector<512x1xf32>
    %mul3A_483 = arith.mulf %slice3A_480, %mul3A_482 : vector<512x1xf32>
    %add3A_484 = arith.addf %mul3A_479, %mul3A_483 : vector<512x1xf32>
    %slice3A_485 = vector.extract_strided_slice %dot_general3A_475 {offsets = [0, 2], sizes = [512, 1], strides = [1, 1]} : vector<512x3xf32> to vector<512x1xf32>
    %add3A_486 = arith.addf %add3A_484, %slice3A_485 : vector<512x1xf32>
    %iota3A_487 = tpu.iota {dimensions = array<i32: 0>} : vector<512x1xi32>
    %convert_element_type3A_488 = arith.sitofp %iota3A_487 : vector<512x1xi32> to vector<512x1xf32>
    %add3A_489 = arith.constant 1.024000e+03 : f32
    %add3A_490 = vector.broadcast %add3A_489 : f32 to vector<512x1xf32>
    %add3A_491 = arith.addf %add3A_490, %convert_element_type3A_488 : vector<512x1xf32>
    %eq3A_492 = vector.broadcast %concatenate3A_440 : vector<1x4096xf32> to vector<512x4096xf32>
    %eq3A_493 = vector.broadcast %add3A_491 : vector<512x1xf32> to vector<512x4096xf32>
    %eq3A_494 = arith.cmpf oeq, %eq3A_492, %eq3A_493 : vector<512x4096xf32>
    %convert_element_type3A_495 = arith.extui %eq3A_494 : vector<512x4096xi1> to vector<512x4096xi32>
    %convert_element_type3A_496 = arith.sitofp %convert_element_type3A_495 : vector<512x4096xi32> to vector<512x4096xf32>
    %dot_general3A_497 = arith.constant dense<0.000000e+00> : vector<512x3xf32>
    %dot_general3A_498 = tpu.matmul %convert_element_type3A_496, %concatenate3A_375, %dot_general3A_497 {dimension_numbers = #tpu.dot_dimension_numbers<[1], [0], [0], [1], [0, 0, 1, 1], [], []>, transpose_lhs_hint = false} : vector<512x4096xf32>, vector<4096x3xf32>, vector<512x3xf32> -> vector<512x3xf32>
    %slice3A_499 = vector.extract_strided_slice %dot_general3A_498 {offsets = [0, 0], sizes = [512, 1], strides = [1, 1]} : vector<512x3xf32> to vector<512x1xf32>
    %mul3A_500 = arith.constant 4.096000e+03 : f32
    %mul3A_501 = vector.broadcast %mul3A_500 : f32 to vector<512x1xf32>
    %mul3A_502 = arith.mulf %slice3A_499, %mul3A_501 : vector<512x1xf32>
    %slice3A_503 = vector.extract_strided_slice %dot_general3A_498 {offsets = [0, 1], sizes = [512, 1], strides = [1, 1]} : vector<512x3xf32> to vector<512x1xf32>
    %mul3A_504 = arith.constant 6.400000e+01 : f32
    %mul3A_505 = vector.broadcast %mul3A_504 : f32 to vector<512x1xf32>
    %mul3A_506 = arith.mulf %slice3A_503, %mul3A_505 : vector<512x1xf32>
    %add3A_507 = arith.addf %mul3A_502, %mul3A_506 : vector<512x1xf32>
    %slice3A_508 = vector.extract_strided_slice %dot_general3A_498 {offsets = [0, 2], sizes = [512, 1], strides = [1, 1]} : vector<512x3xf32> to vector<512x1xf32>
    %add3A_509 = arith.addf %add3A_507, %slice3A_508 : vector<512x1xf32>
    %iota3A_510 = tpu.iota {dimensions = array<i32: 0>} : vector<512x1xi32>
    %convert_element_type3A_511 = arith.sitofp %iota3A_510 : vector<512x1xi32> to vector<512x1xf32>
    %add3A_512 = arith.constant 1.536000e+03 : f32
    %add3A_513 = vector.broadcast %add3A_512 : f32 to vector<512x1xf32>
    %add3A_514 = arith.addf %add3A_513, %convert_element_type3A_511 : vector<512x1xf32>
    %eq3A_515 = vector.broadcast %concatenate3A_440 : vector<1x4096xf32> to vector<512x4096xf32>
    %eq3A_516 = vector.broadcast %add3A_514 : vector<512x1xf32> to vector<512x4096xf32>
    %eq3A_517 = arith.cmpf oeq, %eq3A_515, %eq3A_516 : vector<512x4096xf32>
    %convert_element_type3A_518 = arith.extui %eq3A_517 : vector<512x4096xi1> to vector<512x4096xi32>
    %convert_element_type3A_519 = arith.sitofp %convert_element_type3A_518 : vector<512x4096xi32> to vector<512x4096xf32>
    %dot_general3A_520 = arith.constant dense<0.000000e+00> : vector<512x3xf32>
    %dot_general3A_521 = tpu.matmul %convert_element_type3A_519, %concatenate3A_375, %dot_general3A_520 {dimension_numbers = #tpu.dot_dimension_numbers<[1], [0], [0], [1], [0, 0, 1, 1], [], []>, transpose_lhs_hint = false} : vector<512x4096xf32>, vector<4096x3xf32>, vector<512x3xf32> -> vector<512x3xf32>
    %slice3A_522 = vector.extract_strided_slice %dot_general3A_521 {offsets = [0, 0], sizes = [512, 1], strides = [1, 1]} : vector<512x3xf32> to vector<512x1xf32>
    %mul3A_523 = arith.constant 4.096000e+03 : f32
    %mul3A_524 = vector.broadcast %mul3A_523 : f32 to vector<512x1xf32>
    %mul3A_525 = arith.mulf %slice3A_522, %mul3A_524 : vector<512x1xf32>
    %slice3A_526 = vector.extract_strided_slice %dot_general3A_521 {offsets = [0, 1], sizes = [512, 1], strides = [1, 1]} : vector<512x3xf32> to vector<512x1xf32>
    %mul3A_527 = arith.constant 6.400000e+01 : f32
    %mul3A_528 = vector.broadcast %mul3A_527 : f32 to vector<512x1xf32>
    %mul3A_529 = arith.mulf %slice3A_526, %mul3A_528 : vector<512x1xf32>
    %add3A_530 = arith.addf %mul3A_525, %mul3A_529 : vector<512x1xf32>
    %slice3A_531 = vector.extract_strided_slice %dot_general3A_521 {offsets = [0, 2], sizes = [512, 1], strides = [1, 1]} : vector<512x3xf32> to vector<512x1xf32>
    %add3A_532 = arith.addf %add3A_530, %slice3A_531 : vector<512x1xf32>
    %iota3A_533 = tpu.iota {dimensions = array<i32: 0>} : vector<512x1xi32>
    %convert_element_type3A_534 = arith.sitofp %iota3A_533 : vector<512x1xi32> to vector<512x1xf32>
    %add3A_535 = arith.constant 2.048000e+03 : f32
    %add3A_536 = vector.broadcast %add3A_535 : f32 to vector<512x1xf32>
    %add3A_537 = arith.addf %add3A_536, %convert_element_type3A_534 : vector<512x1xf32>
    %eq3A_538 = vector.broadcast %concatenate3A_440 : vector<1x4096xf32> to vector<512x4096xf32>
    %eq3A_539 = vector.broadcast %add3A_537 : vector<512x1xf32> to vector<512x4096xf32>
    %eq3A_540 = arith.cmpf oeq, %eq3A_538, %eq3A_539 : vector<512x4096xf32>
    %convert_element_type3A_541 = arith.extui %eq3A_540 : vector<512x4096xi1> to vector<512x4096xi32>
    %convert_element_type3A_542 = arith.sitofp %convert_element_type3A_541 : vector<512x4096xi32> to vector<512x4096xf32>
    %dot_general3A_543 = arith.constant dense<0.000000e+00> : vector<512x3xf32>
    %dot_general3A_544 = tpu.matmul %convert_element_type3A_542, %concatenate3A_375, %dot_general3A_543 {dimension_numbers = #tpu.dot_dimension_numbers<[1], [0], [0], [1], [0, 0, 1, 1], [], []>, transpose_lhs_hint = false} : vector<512x4096xf32>, vector<4096x3xf32>, vector<512x3xf32> -> vector<512x3xf32>
    %slice3A_545 = vector.extract_strided_slice %dot_general3A_544 {offsets = [0, 0], sizes = [512, 1], strides = [1, 1]} : vector<512x3xf32> to vector<512x1xf32>
    %mul3A_546 = arith.constant 4.096000e+03 : f32
    %mul3A_547 = vector.broadcast %mul3A_546 : f32 to vector<512x1xf32>
    %mul3A_548 = arith.mulf %slice3A_545, %mul3A_547 : vector<512x1xf32>
    %slice3A_549 = vector.extract_strided_slice %dot_general3A_544 {offsets = [0, 1], sizes = [512, 1], strides = [1, 1]} : vector<512x3xf32> to vector<512x1xf32>
    %mul3A_550 = arith.constant 6.400000e+01 : f32
    %mul3A_551 = vector.broadcast %mul3A_550 : f32 to vector<512x1xf32>
    %mul3A_552 = arith.mulf %slice3A_549, %mul3A_551 : vector<512x1xf32>
    %add3A_553 = arith.addf %mul3A_548, %mul3A_552 : vector<512x1xf32>
    %slice3A_554 = vector.extract_strided_slice %dot_general3A_544 {offsets = [0, 2], sizes = [512, 1], strides = [1, 1]} : vector<512x3xf32> to vector<512x1xf32>
    %add3A_555 = arith.addf %add3A_553, %slice3A_554 : vector<512x1xf32>
    %iota3A_556 = tpu.iota {dimensions = array<i32: 0>} : vector<512x1xi32>
    %convert_element_type3A_557 = arith.sitofp %iota3A_556 : vector<512x1xi32> to vector<512x1xf32>
    %add3A_558 = arith.constant 2.560000e+03 : f32
    %add3A_559 = vector.broadcast %add3A_558 : f32 to vector<512x1xf32>
    %add3A_560 = arith.addf %add3A_559, %convert_element_type3A_557 : vector<512x1xf32>
    %eq3A_561 = vector.broadcast %concatenate3A_440 : vector<1x4096xf32> to vector<512x4096xf32>
    %eq3A_562 = vector.broadcast %add3A_560 : vector<512x1xf32> to vector<512x4096xf32>
    %eq3A_563 = arith.cmpf oeq, %eq3A_561, %eq3A_562 : vector<512x4096xf32>
    %convert_element_type3A_564 = arith.extui %eq3A_563 : vector<512x4096xi1> to vector<512x4096xi32>
    %convert_element_type3A_565 = arith.sitofp %convert_element_type3A_564 : vector<512x4096xi32> to vector<512x4096xf32>
    %dot_general3A_566 = arith.constant dense<0.000000e+00> : vector<512x3xf32>
    %dot_general3A_567 = tpu.matmul %convert_element_type3A_565, %concatenate3A_375, %dot_general3A_566 {dimension_numbers = #tpu.dot_dimension_numbers<[1], [0], [0], [1], [0, 0, 1, 1], [], []>, transpose_lhs_hint = false} : vector<512x4096xf32>, vector<4096x3xf32>, vector<512x3xf32> -> vector<512x3xf32>
    %slice3A_568 = vector.extract_strided_slice %dot_general3A_567 {offsets = [0, 0], sizes = [512, 1], strides = [1, 1]} : vector<512x3xf32> to vector<512x1xf32>
    %mul3A_569 = arith.constant 4.096000e+03 : f32
    %mul3A_570 = vector.broadcast %mul3A_569 : f32 to vector<512x1xf32>
    %mul3A_571 = arith.mulf %slice3A_568, %mul3A_570 : vector<512x1xf32>
    %slice3A_572 = vector.extract_strided_slice %dot_general3A_567 {offsets = [0, 1], sizes = [512, 1], strides = [1, 1]} : vector<512x3xf32> to vector<512x1xf32>
    %mul3A_573 = arith.constant 6.400000e+01 : f32
    %mul3A_574 = vector.broadcast %mul3A_573 : f32 to vector<512x1xf32>
    %mul3A_575 = arith.mulf %slice3A_572, %mul3A_574 : vector<512x1xf32>
    %add3A_576 = arith.addf %mul3A_571, %mul3A_575 : vector<512x1xf32>
    %slice3A_577 = vector.extract_strided_slice %dot_general3A_567 {offsets = [0, 2], sizes = [512, 1], strides = [1, 1]} : vector<512x3xf32> to vector<512x1xf32>
    %add3A_578 = arith.addf %add3A_576, %slice3A_577 : vector<512x1xf32>
    %iota3A_579 = tpu.iota {dimensions = array<i32: 0>} : vector<512x1xi32>
    %convert_element_type3A_580 = arith.sitofp %iota3A_579 : vector<512x1xi32> to vector<512x1xf32>
    %add3A_581 = arith.constant 3.072000e+03 : f32
    %add3A_582 = vector.broadcast %add3A_581 : f32 to vector<512x1xf32>
    %add3A_583 = arith.addf %add3A_582, %convert_element_type3A_580 : vector<512x1xf32>
    %eq3A_584 = vector.broadcast %concatenate3A_440 : vector<1x4096xf32> to vector<512x4096xf32>
    %eq3A_585 = vector.broadcast %add3A_583 : vector<512x1xf32> to vector<512x4096xf32>
    %eq3A_586 = arith.cmpf oeq, %eq3A_584, %eq3A_585 : vector<512x4096xf32>
    %convert_element_type3A_587 = arith.extui %eq3A_586 : vector<512x4096xi1> to vector<512x4096xi32>
    %convert_element_type3A_588 = arith.sitofp %convert_element_type3A_587 : vector<512x4096xi32> to vector<512x4096xf32>
    %dot_general3A_589 = arith.constant dense<0.000000e+00> : vector<512x3xf32>
    %dot_general3A_590 = tpu.matmul %convert_element_type3A_588, %concatenate3A_375, %dot_general3A_589 {dimension_numbers = #tpu.dot_dimension_numbers<[1], [0], [0], [1], [0, 0, 1, 1], [], []>, transpose_lhs_hint = false} : vector<512x4096xf32>, vector<4096x3xf32>, vector<512x3xf32> -> vector<512x3xf32>
    %slice3A_591 = vector.extract_strided_slice %dot_general3A_590 {offsets = [0, 0], sizes = [512, 1], strides = [1, 1]} : vector<512x3xf32> to vector<512x1xf32>
    %mul3A_592 = arith.constant 4.096000e+03 : f32
    %mul3A_593 = vector.broadcast %mul3A_592 : f32 to vector<512x1xf32>
    %mul3A_594 = arith.mulf %slice3A_591, %mul3A_593 : vector<512x1xf32>
    %slice3A_595 = vector.extract_strided_slice %dot_general3A_590 {offsets = [0, 1], sizes = [512, 1], strides = [1, 1]} : vector<512x3xf32> to vector<512x1xf32>
    %mul3A_596 = arith.constant 6.400000e+01 : f32
    %mul3A_597 = vector.broadcast %mul3A_596 : f32 to vector<512x1xf32>
    %mul3A_598 = arith.mulf %slice3A_595, %mul3A_597 : vector<512x1xf32>
    %add3A_599 = arith.addf %mul3A_594, %mul3A_598 : vector<512x1xf32>
    %slice3A_600 = vector.extract_strided_slice %dot_general3A_590 {offsets = [0, 2], sizes = [512, 1], strides = [1, 1]} : vector<512x3xf32> to vector<512x1xf32>
    %add3A_601 = arith.addf %add3A_599, %slice3A_600 : vector<512x1xf32>
    %iota3A_602 = tpu.iota {dimensions = array<i32: 0>} : vector<512x1xi32>
    %convert_element_type3A_603 = arith.sitofp %iota3A_602 : vector<512x1xi32> to vector<512x1xf32>
    %add3A_604 = arith.constant 3.584000e+03 : f32
    %add3A_605 = vector.broadcast %add3A_604 : f32 to vector<512x1xf32>
    %add3A_606 = arith.addf %add3A_605, %convert_element_type3A_603 : vector<512x1xf32>
    %eq3A_607 = vector.broadcast %concatenate3A_440 : vector<1x4096xf32> to vector<512x4096xf32>
    %eq3A_608 = vector.broadcast %add3A_606 : vector<512x1xf32> to vector<512x4096xf32>
    %eq3A_609 = arith.cmpf oeq, %eq3A_607, %eq3A_608 : vector<512x4096xf32>
    %convert_element_type3A_610 = arith.extui %eq3A_609 : vector<512x4096xi1> to vector<512x4096xi32>
    %convert_element_type3A_611 = arith.sitofp %convert_element_type3A_610 : vector<512x4096xi32> to vector<512x4096xf32>
    %dot_general3A_612 = arith.constant dense<0.000000e+00> : vector<512x3xf32>
    %dot_general3A_613 = tpu.matmul %convert_element_type3A_611, %concatenate3A_375, %dot_general3A_612 {dimension_numbers = #tpu.dot_dimension_numbers<[1], [0], [0], [1], [0, 0, 1, 1], [], []>, transpose_lhs_hint = false} : vector<512x4096xf32>, vector<4096x3xf32>, vector<512x3xf32> -> vector<512x3xf32>
    %slice3A_614 = vector.extract_strided_slice %dot_general3A_613 {offsets = [0, 0], sizes = [512, 1], strides = [1, 1]} : vector<512x3xf32> to vector<512x1xf32>
    %mul3A_615 = arith.constant 4.096000e+03 : f32
    %mul3A_616 = vector.broadcast %mul3A_615 : f32 to vector<512x1xf32>
    %mul3A_617 = arith.mulf %slice3A_614, %mul3A_616 : vector<512x1xf32>
    %slice3A_618 = vector.extract_strided_slice %dot_general3A_613 {offsets = [0, 1], sizes = [512, 1], strides = [1, 1]} : vector<512x3xf32> to vector<512x1xf32>
    %mul3A_619 = arith.constant 6.400000e+01 : f32
    %mul3A_620 = vector.broadcast %mul3A_619 : f32 to vector<512x1xf32>
    %mul3A_621 = arith.mulf %slice3A_618, %mul3A_620 : vector<512x1xf32>
    %add3A_622 = arith.addf %mul3A_617, %mul3A_621 : vector<512x1xf32>
    %slice3A_623 = vector.extract_strided_slice %dot_general3A_613 {offsets = [0, 2], sizes = [512, 1], strides = [1, 1]} : vector<512x3xf32> to vector<512x1xf32>
    %add3A_624 = arith.addf %add3A_622, %slice3A_623 : vector<512x1xf32>
    %broadcast_in_dim3A_625 = arith.constant 0.000000e+00 : f32
    %broadcast_in_dim3A_626 = vector.broadcast %broadcast_in_dim3A_625 : f32 to vector<256x1xf32>
    %concatenate3A_627 = tpu.concatenate %add3A_463, %add3A_486, %add3A_509, %add3A_532, %add3A_555, %add3A_578, %add3A_601, %add3A_624, %broadcast_in_dim3A_626 in 0 : vector<512x1xf32>, vector<512x1xf32>, vector<512x1xf32>, vector<512x1xf32>, vector<512x1xf32>, vector<512x1xf32>, vector<512x1xf32>, vector<512x1xf32>, vector<256x1xf32> -> vector<4352x1xf32>
    %iota3A_628 = tpu.iota {dimensions = array<i32: 0>} : vector<272x1xi32>
    %convert_element_type3A_629 = arith.sitofp %iota3A_628 : vector<272x1xi32> to vector<272x1xf32>
    %lt3A_630 = vector.broadcast %convert_element_type3A_67 : vector<1x4096xf32> to vector<272x4096xf32>
    %lt3A_631 = vector.broadcast %convert_element_type3A_629 : vector<272x1xf32> to vector<272x4096xf32>
    %lt3A_632 = arith.cmpf olt, %lt3A_630, %lt3A_631 : vector<272x4096xf32>
    %convert_element_type3A_633 = arith.extui %lt3A_632 : vector<272x4096xi1> to vector<272x4096xi32>
    %convert_element_type3A_634 = arith.sitofp %convert_element_type3A_633 : vector<272x4096xi32> to vector<272x4096xf32>
    %dot_general3A_635 = arith.constant dense<0.000000e+00> : vector<272x1xf32>
    %dot_general3A_636 = tpu.matmul %convert_element_type3A_634, %broadcast_in_dim3A_60, %dot_general3A_635 {dimension_numbers = #tpu.dot_dimension_numbers<[1], [0], [0], [1], [0, 0, 1, 1], [], []>, transpose_lhs_hint = false} : vector<272x4096xf32>, vector<4096x1xf32>, vector<272x1xf32> -> vector<272x1xf32>
    %convert_element_type3A_637 = arith.fptosi %concatenate3A_345 : vector<4352x1xf32> to vector<4352x1xi32>
    %swap3A_638 = arith.constant 0 : index
    %swap3A_639 = arith.constant 0 : index
    %swap3A_640 = vector.load %arg14[%swap3A_638, %swap3A_639] : memref<4352x1xi32, #tpu.memory_space<vmem>>, vector<4352x1xi32>
    tpu.vector_store %arg14[%swap3A_638, %swap3A_639], %convert_element_type3A_637 {strides = array<i32>} : memref<4352x1xi32, #tpu.memory_space<vmem>>, vector<4352x1xi32>,
    %convert_element_type3A_641 = arith.fptosi %dot_general3A_354 : vector<272x1xf32> to vector<272x1xi32>
    %swap3A_642 = arith.constant 0 : index
    %swap3A_643 = arith.constant 0 : index
    %swap3A_644 = vector.load %arg15[%swap3A_642, %swap3A_643] : memref<272x1xi32, #tpu.memory_space<vmem>>, vector<272x1xi32>
    tpu.vector_store %arg15[%swap3A_642, %swap3A_643], %convert_element_type3A_641 {strides = array<i32>} : memref<272x1xi32, #tpu.memory_space<vmem>>, vector<272x1xi32>,
    %convert_element_type3A_645 = arith.fptosi %concatenate3A_627 : vector<4352x1xf32> to vector<4352x1xi32>
    %swap3A_646 = arith.constant 0 : index
    %swap3A_647 = arith.constant 0 : index
    %swap3A_648 = vector.load %arg16[%swap3A_646, %swap3A_647] : memref<4352x1xi32, #tpu.memory_space<vmem>>, vector<4352x1xi32>
    tpu.vector_store %arg16[%swap3A_646, %swap3A_647], %convert_element_type3A_645 {strides = array<i32>} : memref<4352x1xi32, #tpu.memory_space<vmem>>, vector<4352x1xi32>,
    %convert_element_type3A_649 = arith.fptosi %dot_general3A_636 : vector<272x1xf32> to vector<272x1xi32>
    %swap3A_650 = arith.constant 0 : index
    %swap3A_651 = arith.constant 0 : index
    %swap3A_652 = vector.load %arg17[%swap3A_650, %swap3A_651] : memref<272x1xi32, #tpu.memory_space<vmem>>, vector<272x1xi32>
    tpu.vector_store %arg17[%swap3A_650, %swap3A_651], %convert_element_type3A_649 {strides = array<i32>} : memref<272x1xi32, #tpu.memory_space<vmem>>, vector<272x1xi32>,
    return
  }
}

</mosaic_0001>

<sc_bundles>
// kernel: kernel.4.cloned.1.call-start
scs
__scs_entry_jumppad:
0x0: {  	(pc) =	sbr.rel $0x88, $3  }
0x1: {  	(tag) =	ssettag $0x0;
	lr =	simm.s32 $0x1  }
0x2: {  	[smem:$0x3F9C] =	sst lr;
	_ =	strace $0xD0000000  }
0x3: {  	_ = 	snop  }
0x4: {  	_ = 	snop  }
0x5: {  	_ = 	snop  }
0x6: {  	_ = 	snop  }
0x7: {  	_ = 	snop  }
__scs_overlays_trampoline_lowered:
0x8: {  	[smem:$0x3FAB] =	sst s0  }
0x9: {  	[smem:$0x3FAC] =	sst s1  }
0xa: {  	[smem:$0x3FAD] =	sst s2  }
0xb: {  	[smem:$0x3FAE] =	sst s3  }
0xc: {  	[smem:$0x3FAF] =	sst s4  }
0xd: {  	[smem:$0x3FB0] =	sst s5  }
0xe: {  	[smem:$0x3FB1] =	sst s6  }
0xf: {  	[smem:$0x3FB2] =	sst s7  }
0x10: {  	[smem:$0x3FB3] =	sst s8  }
0x11: {  	[smem:$0x3FB4] =	sst s9;
	s0 =	simm.s32 @!p0 $0x0  }
0x12: {  	s1 =	sld [smem:$0x3F9A];
	s0 =	simm.s32 @p0 $0x1  }
0x13: {  	[smem:$0x3FB5] =	sst s0;
	s0 =	simm.s32 @!p1 $0x0  }
0x14: {  	s2 =	sld [smem:$0x3F99];
	s0 =	simm.s32 @p1 $0x1  }
0x15: {  	[smem:$0x3FB6] =	sst s0;
	s0 =	simm.s32 @!p2 $0x0  }
0x16: {  	s3 =	sld [smem:$0x3FDB];
	s0 =	simm.s32 @p2 $0x1  }
0x17: {  	s4 =	simm.s32 $0x1BF5;
	[smem:$0x3FB8] =	sst s0  }
0x18: {  	s0 =	sld [smem:$0x3F9B];
	_ =	swait.ge [sflag:s4], $0x0  }
0x19: {  	s7 =	sld [smem:$0x3F9C]  }
0x1a: {  	s8 =	sadd.s32 $0xFFFFE003, lr  }
0x1b: {  	s9 =	sadd.s32 $0xFFFFFEF7, lr;
	s5 =	simm.s32 $0xFFFFFFFF;
	p2 =	slt.u32 s8, $0xFFFFF086  }
0x1c: {  	p1 =	slt.u32 s9, $0xF7A;
	s5 =	simm.s32 @!p2 $0x0  }
0x1d: {  	s5 =	simm.s32 @p1 $0x1;
	p0 =	seq.s32 s7, s2  }
0x1e: {  	s7 =	smul.u32 @!p0 $0xF7A, s2;
	p2 =	seq.s32 @!p0 s5, $0x0  }
0x1f: {  	s9 =	smul.u32 $0xF7A, s1;
	s8 =	simm.s32 @!p0 $0x1BF5;
	p2 =	por !p2, p0  }
0x20: {  	[sflag:s8] =	ssyncset.s32 @!p0 $0xFFFFF086;
	s6 =	sadd.s32 @!p0 s3, s7;
	s7 =	simm.s32 @!p0 $0x108  }
0x21: {  	s3 =	sadd.s32 s3, s9;
	s6 =	sadd.s32 @!p0 $0x88, s6;
	s7 =	simm.s32 @p2 $0x1082  }
0x22: {  	[simem:s7], [sflag:s8] =	dma.local @!p0 [hbm:s6], $0xF7A  }
0x23: {  	s9 =	sor.u32 $0xD0000000, s2;
	s6 =	simm.s32 $0x108;
	_ =	swait.ge @!p0 [sflag:s8], $0x0  }
0x24: {  	s3 =	sadd.s32 $0x88, s3;
	s6 =	simm.s32 @!p1 $0x1082;
	[sflag:s4] =	ssyncset.s32 $0xFFFFF086  }
0x25: {  	[simem:s6], [sflag:s4] =	dma.local [hbm:s3], $0xF7A  }
0x26: {  	[smem:$0x3F9C] =	sst s1;
	(tag) =	ssettag s2;
	_ =	strace s9  }
0x27: {  	s1 =	sld [smem:$0x3FAC]  }
0x28: {  	s2 =	sld [smem:$0x3FAD]  }
0x29: {  	s4 =	sld [smem:$0x3FAF]  }
0x2a: {  	p0 =	seq.s32 s5, $0x0;
	s5 =	sld [smem:$0x3FB0]  }
0x2b: {  	s6 =	sld [smem:$0x3FB1]  }
0x2c: {  	s7 =	sld [smem:$0x3FB2]  }
0x2d: {  	s3 =	simm.s32 $0x108;
	s8 =	sld [smem:$0x3FB3]  }
0x2e: {  	s3 =	simm.s32 @!p0 $0x1082;
	s9 =	sld [smem:$0x3FB4]  }
0x2f: {  	lr =	sadd.s32 s0, s3;
	s0 =	sld [smem:$0x3FAB]  }
0x30: {  	s3 =	sld [smem:$0x3FAE]  }
0x31: {  	[smem:$0x3FB7] =	sst s10  }
0x32: {  	s10 =	sld [smem:$0x3FB5];
	_ =	sdelay $0x3  }
0x33: {  	p0 =	seq.s32 s10, $0x1;
	s10 =	sld [smem:$0x3FB7];
	_ =	sdelay $0x3  }
0x34: {  	[smem:$0x3FB7] =	sst s10  }
0x35: {  	s10 =	sld [smem:$0x3FB6];
	_ =	sdelay $0x3  }
0x36: {  	p1 =	seq.s32 s10, $0x1;
	s10 =	sld [smem:$0x3FB7];
	_ =	sdelay $0x3  }
0x37: {  	[smem:$0x3FB7] =	sst s10  }
0x38: {  	s10 =	sld [smem:$0x3FB8]  }
0x39: {  	_ = 	snop;
	(pc) =	sbr.ind lr, $3  }
0x3a: {  	_ = 	snop  }
0x3b: {  	_ = 	snop  }
0x3c: {  	p2 =	seq.s32 s10, $0x1;
	s10 =	sld [smem:$0x3FB7]  }
0x3d: {  	_ =	shalt  }
0x3e: {  	_ =	shalt  }
0x3f: {  	_ =	shalt  }
0x40: {  	_ =	shalt  }
0x41: {  	_ =	shalt  }
0x42: {  	_ =	shalt  }
0x43: {  	_ =	shalt  }
0x44: {  	_ =	shalt  }
0x45: {  	_ =	shalt  }
0x46: {  	_ =	shalt  }
0x47: {  	_ =	shalt  }
0x48: {  	_ =	shalt  }
0x49: {  	_ =	shalt  }
0x4a: {  	_ =	shalt  }
0x4b: {  	_ =	shalt  }
0x4c: {  	_ =	shalt  }
0x4d: {  	_ =	shalt  }
0x4e: {  	_ =	shalt  }
0x4f: {  	_ =	shalt  }
0x50: {  	_ =	shalt  }
0x51: {  	_ =	shalt  }
0x52: {  	_ =	shalt  }
0x53: {  	_ =	shalt  }
0x54: {  	_ =	shalt  }
0x55: {  	_ =	shalt  }
0x56: {  	_ =	shalt  }
0x57: {  	_ =	shalt  }
0x58: {  	_ =	shalt  }
0x59: {  	_ =	shalt  }
0x5a: {  	_ =	shalt  }
0x5b: {  	_ =	shalt  }
0x5c: {  	_ =	shalt  }
0x5d: {  	_ =	shalt  }
0x5e: {  	_ =	shalt  }
0x5f: {  	_ =	shalt  }
0x60: {  	_ =	shalt  }
0x61: {  	_ =	shalt  }
0x62: {  	_ =	shalt  }
0x63: {  	_ =	shalt  }
0x64: {  	_ =	shalt  }
0x65: {  	_ =	shalt  }
0x66: {  	_ =	shalt  }
0x67: {  	_ =	shalt  }
0x68: {  	_ =	shalt  }
0x69: {  	_ =	shalt  }
0x6a: {  	_ =	shalt  }
0x6b: {  	_ =	shalt  }
0x6c: {  	_ =	shalt  }
0x6d: {  	_ =	shalt  }
0x6e: {  	_ =	shalt  }
0x6f: {  	_ =	shalt  }
0x70: {  	_ =	shalt  }
0x71: {  	_ =	shalt  }
0x72: {  	_ =	shalt  }
0x73: {  	_ =	shalt  }
0x74: {  	_ =	shalt  }
0x75: {  	_ =	shalt  }
0x76: {  	_ =	shalt  }
0x77: {  	_ =	shalt  }
0x78: {  	_ =	shalt  }
0x79: {  	_ =	shalt  }
0x7a: {  	_ =	shalt  }
0x7b: {  	_ =	shalt  }
0x7c: {  	_ =	shalt  }
0x7d: {  	_ =	shalt  }
0x7e: {  	_ =	shalt  }
0x7f: {  	_ =	shalt  }
0x80: {  	_ =	shalt  }
0x81: {  	_ =	shalt  }
0x82: {  	_ =	shalt  }
0x83: {  	_ =	shalt  }
0x84: {  	_ =	shalt  }
0x85: {  	_ =	shalt  }
0x86: {  	_ =	shalt  }
0x87: {  	_ =	shalt  }
.Lfunc_end0:
.L_simem_size_0:
called_computation_lowered:
.L_overlay_start_0:
0x88: {  	s2 =	sld [smem:$0x3FD9]  }
0x89: {  	s3 =	sld [smem:$0x3FFE];
	_ =	sdelay $0x1  }
0x8a: {  	s1 =	srdreg.scid  }
0x8b: {  	s0 =	sand.u32 $0x1, s1  }
0x8c: {  	s17 =	sshll.u32 s0, $0xA;
	s2 =	sadd.s32 s3, s2  }
0x8d: {  	s2 =	sadd.s32 s2, s17  }
0x8e: {  	[smem:$0x3FC3] =	sst s2  }
0x8f: {  	_ = 	snop  }
0x90: {  	s2 =	sld [smem:$0x3FD0];
	(tm) =	ssettm $0x1  }
0x91: {  	s18 =	sld [smem:$0x3FFB];
	_ =	sdelay $0x3  }
0x92: {  	_ =	strace s18  }
0x93: {  	s3 =	sld [smem:$0x3FFC];
	_ =	sdelay $0x3  }
0x94: {  	_ =	strace s3  }
0x95: {  	s3 =	sld [smem:$0x3FFD];
	_ =	sdelay $0x3  }
0x96: {  	_ =	strace s3  }
0x97: {  	_ =	strace $0x8FFFFFFF  }
0x98: {  	s19 =	sld [smem:$0x3FDB];
	_ =	sdelay $0x1  }
0x99: {  	s4 =	simm.s32 $_scs_section_size  }
0x9a: {  	s5 =	simm.s32 $_size__tile_overlayer_lowered;
	s6 =	simm.s32 $_tile_overlayer_lowered  }
0x9b: {  	s22 =	simm.s32 $0x1BFF;
	s21 =	sshll.u32 s6, $0x1;
	s3 =	sadd.s32 s4, s19  }
0x9c: {  	s7 =	simm.s32 $0x0;
	s20 =	sshll.u32 s5, $0x1;
	s5 =	sadd.s32 s21, s3  }
0x9d: {  	[timem:s7], [sflag:s22] =	dma.local [hbm:s5], s20  }
0x9e: {  	_ =	swait.ge [sflag:s22], s20  }
0x9f: {  	s4 =	ssub.s32 $0x0, s20;
	[sflag:s22] =	ssyncset.done $0x0  }
0xa0: {  	[sflag:s22] =	ssyncadd.s32 s4;
	_ =	sdelay $0x1  }
0xa1: {  	s23 =	simm.s32 $0x1B8B  }
0xa2: {  	_ =	swait.ge [sflag:s23], $0x1  }
0xa3: {  	[sflag:s23] =	ssyncset.done $0x0  }
0xa4: {  	s25 =	simm.s32 $0x1B8E;
	s24 =	sld [smem:$0x3FFE];
	[sflag:s23] =	ssyncadd.s32 $0xFFFFFFFF  }
0xa5: {  	s26 =	simm.s32 $execute0_lowered;
	[smem:$0x3FD2] =	sst s25  }
0xa6: {  	s5 =	sshll.u32 s26, $0x1;
	_ =	strace $0x80000046;
	[dreg:$0x1] =	wrdreg $0xFFFFFFFF  }
0xa7: {  	s28 =	simm.s32 $_size_execute0_lowered;
	s3 =	sadd.s32 s3, s5;
	[dreg:$0x0] =	wrdreg $0x0  }
0xa8: {  	s5 =	sshll.u32 s28, $0x1;
	[dreg:$0x2] =	wrdreg s3  }
0xa9: {  	[dreg:$0x3] =	wrdreg s5  }
0xaa: {  	[dreg:$0x4] =	wrdreg $0xC0  }
0xab: {  	_ =	task [dreg:s7], $0x5FFFF  }
0xac: {  	[dreg:$0x1] =	wrdreg $0xFFFFFFFF  }
0xad: {  	[dreg:$0x0] =	wrdreg $0x60  }
0xae: {  	[dreg:$0x2] =	wrdreg s24  }
0xaf: {  	[dreg:$0x3] =	wrdreg s2  }
0xb0: {  	[dreg:$0x4] =	wrdreg $0x9  }
0xb1: {  	_ =	task.clear_ibuf [dreg:s7], $0x5FFFF;
	_ =	strace $0x90000046  }
0xb2: {  	s29 =	simm.s32 $0x9;
	_ =	strace $0x80000048  }
0xb3: {  	_ =	swait.ge [sflag:s29], $0x1  }
0xb4: {  	[sflag:s29] =	ssyncadd.s32 $0xFFFFFFFF  }
0xb5: {  	_ =	strace $0x90000048  }
0xb6: {  	_ =	sfence  }
0xb7: {  	s30 =	sld [smem:$0x0];
	_ =	sdelay $0x2  }
0xb8: {  	s31 =	sshll.u32 s1, $0xD;
	s1 =	sshrl.u32 s1, $0x2  }
0xb9: {  	s3 =	sand.u32 $0x4000, s31;
	s1 =	sadd.s32 s1, s30  }
0xba: {  	s0 =	sor.u32 s3, s0;
	s1 =	sshll.u32 s1, $0x11  }
0xbb: {  	s0 =	sor.u32 s1, s0  }
0xbc: {  	s0 =	sadd.s32 $0x8F2B, s0  }
0xbd: {  	[sflag:s0] =	ssyncadd.remote.s32 $0x1  }
0xbe: {  	_ =	sfence.sel $0xFFFF  }
0xbf: {  	[dreg:$0x0] =	wrdreg $0xFFFFFFFF;
	(pc) =	sbr.abs _section_cstart, $3  }
0xc0: {  	[dreg:$0x1] =	wrdreg $0xFFFFFFFF  }
0xc1: {  	_ =	task.clear_ibuf [dreg:s7], $0x2FFFF;
	_ =	strace $0x9FFFFFFF  }
0xc2: {  	(tm) =	ssettm $0x7FFFFFFF  }
0xc3: {  	_ =	shalt  }
tec
execute0_lowered:
.L_overlay_start_1:
0x0: {  	(tag) =	ssettag $0x1  }
0x1: {  	s1 =	rddreg [dreg:$0x0]  }
0x2: {  	s2 =	rddreg [dreg:$0x1];
	s0 =	simm.s32 $0x0  }
0x3: {  	s20 =	srdreg.scid;
	s21 =	stileid.u32;
	s28 =	simm.s32 $0x10280  }
0x4: {  	s29 =	simm.s32 $0x10680;
	s30 =	simm.s32 $0x10E80;
	s31 =	simm.s32 $0x11280  }
0x5: {  	[smem:$0x7FF] =	sst s0;
	s19 =	sadd.s32 $0x30000, s1;
	s3 =	sadd.s32 $0x33400, s1  }
0x6: {  	s0 =	sand.u32 $0x1, s20;
	_ =	strace $0x80000047;
	[dreg:$0x3] =	wrdreg s19  }
0x7: {  	s4 =	sadd.s32 $0x33000, s1;
	s5 =	sadd.s32 $0x33800, s1;
	[dreg:$0x4] =	wrdreg s3  }
0x8: {  	v0 =	vimm.f32 $-1.000000000e+00;
	vm0 =	vcmask $0x300;
	s23 =	sadd.s32 $0x33200, s1;
	s25 =	sadd.s32 $0x33C00, s1;
	[dreg:$0x5] =	wrdreg s4  }
0x9: {  	s13 =	sadd.s32 $0x100, s1;
	s14 =	sadd.s32 $0x100, s2;
	v1 =	vsel vm0, $0x3F800000, v0;
	vm0 =	vcmask $0xB08;
	[dreg:$0x6] =	wrdreg s5  }
0xa: {  	v3 =	vlaneseq.u32;
	s3 =	sshll.u32 s21, $0x4;
	s22 =	sshll.u32 s0, $0x3;
	[dreg:$0x8] =	wrdreg s23;
	v1 =	vsel vm0, $0x3F800000, v1;
	vm0 =	vcmask $0x1310  }
0xb: {  	vm1 =	vcmask $0x3330;
	s0 =	ssub.s32 $0x2, s0;
	[dreg:$0x9] =	wrdreg s25;
	s23 =	simm.s32 $0x1;
	v2 =	vsel vm0, $0x3F800000, v1;
	vm0 =	vcmask $0x1B18  }
.Ltmp0:
0xc: {  	vm2 =	vcmask $0x3B38;
	s4 =	sor.u32 s22, s3;
	s24 =	sshrl.u32 s0, $0x1;
	v2 =	vsel vm0, $0x3F800000, v2;
	vm0 =	vcmask $0x2320;
	(pc) =	sbr.rel .LBB2_1-.Ltmp0, $4  }
0xd: {  	v4 =	vshrl.u32 v3, $0x3;
	[dreg:$0x7] =	wrdreg s4;
	s4 =	sshrl.u32 s4, $0x3;
	s0 =	ssub.s32 s0, s24;
	v5 =	vsel vm0, $0x3F800000, v2;
	vm0 =	vcmask $0x2B28  }
0xe: {  	v0 =	vimm.f32 $0.0e+00;
	s25 =	simm.s32 $0xF680;
	s26 =	smul.u32 $0xC00, s4;
	s0 =	smax.u32 s0, $0x1;
	v2 =	vmul.u32 $0x8, v4;
	v4 =	vsel vm0, $0x3F800000, v5  }
0xf: {  	v1 =	vand.u32 $0x7, v3;
	v3 =	vor.u32 $0x8, v3;
	s24 =	simm.s32 $0xEE80;
	s4 =	simm.s32 $0x0;
	[dreg:$0xb] =	wrdreg s0;
	v4 =	vsel vm1, $0x3F800000, v4  }
0x10: {  	s0 =	simm.s32 $0x11A80;
	vm0 =	vmmov $0xffff;
	[dreg:$0xa] =	wrdreg s26;
	s26 =	simm.s32 $0xFA80;
	vm1 =	vmmov $0xff;
	v4 =	vsel vm2, $0x3F800000, v4  }
.LBB2_21:
0x11: {  	s4 =	rddreg [dreg:$0xc]  }
0x12: {  	s3 =	rddreg [dreg:$0xb];
	s4 =	sadd.s32 $0x1, s4  }
0x13: {  	p0 =	sne.s32 s4, s3  }
.Ltmp1:
0x14: {  	_ = 	snop;
	(pc) =	sbr.rel @!p0 .LBB2_22-.Ltmp1, $1  }
0x15: {  	_ =	sdelay $0x3  }
.LBB2_1:
0x16: {  	[dreg:$0xc] =	wrdreg s4  }
0x17: {  	s3 =	simm.s32 $0x0;
	s17 =	rddreg [dreg:$0x4];
	s5 =	simm.s32 $0x2  }
0x18: {  	[tilespmem:s3], [sflag:$0x2] =	stream.linear.gather [hbm4b:s17+s3], $0x1100, $0x38;
	[tilespmem:$0x12000] =	vst v63  }
0x19: {  	_ =	swait.ge [sflag:s5], $0x1100  }
0x1a: {  	[sflag:s5] =	ssyncset.done $0x0  }
0x1b: {  	s6 =	simm.s32 $0x1100;
	s18 =	rddreg [dreg:$0x6];
	[sflag:s5] =	ssyncadd.s32 $0xFFFFEF00  }
0x1c: {  	[tilespmem:s6], [sflag:$0x2] =	stream.linear.gather [hbm4b:s18+s3], $0x1100, $0x38;
	[tilespmem:$0x12000] =	vst v63  }
0x1d: {  	_ =	swait.ge [sflag:s5], $0x1100  }
0x1e: {  	[sflag:s5] =	ssyncset.done $0x0  }
0x1f: {  	s20 =	simm.s32 $0x2200;
	s19 =	rddreg [dreg:$0x5];
	[sflag:s5] =	ssyncadd.s32 $0xFFFFEF00  }
0x20: {  	[tilespmem:s20], [sflag:$0x2] =	stream.linear.gather [hbm4b:s19+s3], $0x180, $0x38;
	[tilespmem:$0x12000] =	vst v63  }
0x21: {  	_ =	swait.ge [sflag:s5], $0x180  }
0x22: {  	s22 =	simm.s32 $0x2380;
	[sflag:s5] =	ssyncset.done $0x0  }
.Ltmp2:
0x23: {  	s21 =	rddreg [dreg:$0x8];
	[sflag:s5] =	ssyncadd.s32 $0xFFFFFE80;
	(pc) =	sbr.rel .LBB2_2-.Ltmp2, $4  }
0x24: {  	[tilespmem:s22], [sflag:$0x2] =	stream.linear.gather [hbm4b:s21+s3], $0x180, $0x38;
	[tilespmem:$0x12000] =	vst v63  }
0x25: {  	_ =	swait.ge [sflag:s5], $0x180  }
0x26: {  	[sflag:s5] =	ssyncset.done $0x0  }
0x27: {  	s4 =	simm.s32 $0x0;
	[sflag:s5] =	ssyncadd.s32 $0xFFFFFE80  }
.LBB2_20:
0x28: {  	s4 =	rddreg [dreg:$0xd]  }
0x29: {  	s4 =	sadd.s32 $0x1, s4  }
0x2a: {  	p0 =	sne.s32 s4, $0x8  }
.Ltmp3:
0x2b: {  	_ = 	snop;
	(pc) =	sbr.rel @!p0 .LBB2_21-.Ltmp3, $1  }
0x2c: {  	_ =	sdelay $0x3  }
.LBB2_2:
0x2d: {  	s3 =	rddreg [dreg:$0x7]  }
0x2e: {  	s3 =	sor.u32 s3, s4  }
0x2f: {  	v5 =	vld [tilespmem:s3+$0x2200]  }
0x30: {  	v6 =	vld [tilespmem:s3+$0x2201]  }
0x31: {  	v7 =	vld [tilespmem:s3+$0x2380]  }
0x32: {  	v8 =	vld [tilespmem:s3+$0x2381];
	_ =	sdelay $0x1  }
0x33: {  	(v2sf) =	vpush v5, $0x0  }
0x34: {  	(v2sf) =	vpush v6, $0x0  }
0x35: {  	(v2sf) =	vpush v7, $0x0  }
0x36: {  	(v2sf) =	vpush v8, $0x0;
	_ =	sdelay $0x6  }
0x37: {  	s19 =	sshll.u32 s4, $0x7;
	s6 =	rddreg [dreg:$0xa]  }
0x38: {  	[dreg:$0xd] =	wrdreg s4;
	s4 =	sadd.s32 s6, s19  }
0x39: {  	s8 =	rddreg [dreg:$0x3];
	s20 =	simm.s32 $0x80;
	s4 =	sshrl.u32 s4, $0x3  }
0x3a: {  	s9 =	simm.s32 $0x400;
	s10 =	simm.s32 $0x11E80;
	s4 =	sadd.s32 s8, s4  }
0x3b: {  	[tilespmem:s10], [sflag:$0x2] =	stream.strided.gather [hbm4b:s4+s20], $0x180, s9, s20, $0x38;
	[tilespmem:$0x12000] =	vst v63  }
0x3c: {  	s11 =	spop (v2sf)  }
0x3d: {  	s21 =	simm.s32 $0x2;
	s5 =	spop (v2sf)  }
0x3e: {  	s12 =	smul.u32 $0x14, s3;
	s6 =	spop (v2sf);
	s5 =	ssub.s32 s5, s11  }
0x3f: {  	s3 =	smul.u32 $0xC800, s3;
	s7 =	spop (v2sf);
	s22 =	sadd.s32 $0x1F, s5  }
0x40: {  	_ =	swait.ge [sflag:s21], $0x180;
	s10 =	ssub.s32 s7, s6;
	s9 =	sand.u32 $0x1F, s22  }
0x41: {  	s15 =	sshra.s32 s22, $0x1F;
	p0 =	slt.s32 s22, $0x1;
	[dreg:$0xf] =	wrdreg s3  }
0x42: {  	s7 =	simm.s32 $0x1;
	[dreg:$0xe] =	wrdreg s11;
	[sflag:s21] =	ssyncset.done $0x0  }
0x43: {  	p1 =	sne.s32 s9, $0x0;
	s16 =	sshrl.u32 s15, $0x1B;
	s17 =	sadd.s32 $0x1F, s10  }
0x44: {  	s9 =	simm.s32 $0x1;
	s15 =	simm.s32 $0x0;
	[sflag:s21] =	ssyncadd.s32 $0xFFFFFE80  }
0x45: {  	p0 =	por !p0, !p1;
	s3 =	sadd.s32 s16, s22;
	s18 =	sand.u32 $0x1F, s17  }
0x46: {  	s19 =	sshra.s32 s17, $0x1F;
	p6 =	slt.s32 s17, $0x1;
	s21 =	sand.u32 $0x1FFC, s12  }
0x47: {  	p0 =	por !p0, !p0;
	p5 =	sne.s32 s18, $0x0;
	s4 =	sshrl.u32 s19, $0x1B  }
.Ltmp4:
0x48: {  	s7 =	simm.s32 @!p0 $0x0;
	p0 =	por !p6, !p5;
	(pc) =	sbr.rel .LBB2_3-.Ltmp4, $4  }
0x49: {  	s22 =	sadd.s32 $0x1100, s6;
	s8 =	sadd.s32 s4, s17;
	p0 =	por !p0, !p0  }
0x4a: {  	s3 =	sshra.s32 s3, $0x5;
	s20 =	sshra.s32 s8, $0x5;
	s9 =	simm.s32 @!p0 $0x0  }
0x4b: {  	[dreg:$0x10] =	wrdreg s21;
	s4 =	ssub.s32 s3, s7;
	s18 =	ssub.s32 s20, s9  }
0x4c: {  	v5 =	vmov s11;
	[dreg:$0x11] =	wrdreg s22;
	v6 =	vmov s22;
	p0 =	slt.s32 s4, $0x1;
	p1 =	slt.s32 s18, $0x1  }
.LBB2_19:
0x4d: {  	s15 =	rddreg [dreg:$0x12]  }
0x4e: {  	s3 =	smul.u32 $0xC80000, s15  }
0x4f: {  	s6 =	rddreg [dreg:$0xf]  }
0x50: {  	s3 =	sadd.s32 s6, s3  }
0x51: {  	s20 =	rddreg [dreg:$0x9];
	s7 =	simm.s32 $0x0;
	s3 =	sshrl.u32 s3, $0x3  }
0x52: {  	s21 =	simm.s32 $0x2580;
	s8 =	simm.s32 $0x2;
	s3 =	sadd.s32 s20, s3  }
0x53: {  	[hbm4b:s3+s7] =	stream.linear.scatter [tilespmem:s21], [sflag:$0x2], $0x1400, $0x38;
	[tilespmem:$0x12000] =	vst v63  }
0x54: {  	_ =	swait.ge [sflag:s8], $0x1400  }
0x55: {  	[sflag:s8] =	ssyncset.done $0x0  }
0x56: {  	s9 =	simm.s32 $0x3990;
	s22 =	sadd.s32 $0x280, s3;
	[sflag:s8] =	ssyncadd.s32 $0xFFFFEC00  }
0x57: {  	[hbm4b:s22+s7] =	stream.linear.scatter [tilespmem:s9], [sflag:$0x2], $0x1400, $0x38;
	[tilespmem:$0x12000] =	vst v63  }
0x58: {  	_ =	swait.ge [sflag:s8], $0x1400  }
0x59: {  	[sflag:s8] =	ssyncset.done $0x0  }
0x5a: {  	s11 =	simm.s32 $0x4DA0;
	s9 =	sadd.s32 $0x500, s3;
	[sflag:s8] =	ssyncadd.s32 $0xFFFFEC00  }
0x5b: {  	[hbm4b:s9+s7] =	stream.linear.scatter [tilespmem:s11], [sflag:$0x2], $0x1400, $0x38;
	[tilespmem:$0x12000] =	vst v63  }
0x5c: {  	_ =	swait.ge [sflag:s8], $0x1400  }
0x5d: {  	[sflag:s8] =	ssyncset.done $0x0  }
0x5e: {  	s17 =	simm.s32 $0x61B0;
	s16 =	sadd.s32 $0x780, s3;
	[sflag:s8] =	ssyncadd.s32 $0xFFFFEC00  }
0x5f: {  	[hbm4b:s16+s7] =	stream.linear.scatter [tilespmem:s17], [sflag:$0x2], $0x1400, $0x38;
	[tilespmem:$0x12000] =	vst v63  }
0x60: {  	_ =	swait.ge [sflag:s8], $0x1400  }
0x61: {  	[sflag:s8] =	ssyncset.done $0x0  }
0x62: {  	s20 =	simm.s32 $0x75C0;
	s19 =	sadd.s32 $0xA00, s3;
	[sflag:s8] =	ssyncadd.s32 $0xFFFFEC00  }
0x63: {  	[hbm4b:s19+s7] =	stream.linear.scatter [tilespmem:s20], [sflag:$0x2], $0x1400, $0x38;
	[tilespmem:$0x12000] =	vst v63  }
0x64: {  	_ =	swait.ge [sflag:s8], $0x1400  }
0x65: {  	[sflag:s8] =	ssyncset.done $0x0  }
0x66: {  	s21 =	sadd.s32 $0xC80, s3;
	s22 =	simm.s32 $0x89D0;
	[sflag:s8] =	ssyncadd.s32 $0xFFFFEC00  }
0x67: {  	[hbm4b:s21+s7] =	stream.linear.scatter [tilespmem:s22], [sflag:$0x2], $0x1400, $0x38;
	[tilespmem:$0x12000] =	vst v63  }
0x68: {  	_ =	swait.ge [sflag:s8], $0x1400  }
0x69: {  	[sflag:s8] =	ssyncset.done $0x0  }
0x6a: {  	s11 =	sadd.s32 $0xF00, s3;
	s16 =	simm.s32 $0x9DE0;
	[sflag:s8] =	ssyncadd.s32 $0xFFFFEC00  }
0x6b: {  	[hbm4b:s11+s7] =	stream.linear.scatter [tilespmem:s16], [sflag:$0x2], $0x1400, $0x38;
	[tilespmem:$0x12000] =	vst v63  }
0x6c: {  	_ =	swait.ge [sflag:s8], $0x1400  }
0x6d: {  	[sflag:s8] =	ssyncset.done $0x0  }
0x6e: {  	s17 =	sadd.s32 $0x1180, s3;
	s19 =	simm.s32 $0xB1F0;
	[sflag:s8] =	ssyncadd.s32 $0xFFFFEC00  }
0x6f: {  	[hbm4b:s17+s7] =	stream.linear.scatter [tilespmem:s19], [sflag:$0x2], $0x1400, $0x38;
	[tilespmem:$0x12000] =	vst v63  }
0x70: {  	_ =	swait.ge [sflag:s8], $0x1400  }
0x71: {  	[sflag:s8] =	ssyncset.done $0x0  }
0x72: {  	s20 =	sadd.s32 $0x1400, s3;
	s21 =	simm.s32 $0xC600;
	[sflag:s8] =	ssyncadd.s32 $0xFFFFEC00  }
0x73: {  	[hbm4b:s20+s7] =	stream.linear.scatter [tilespmem:s21], [sflag:$0x2], $0x1400, $0x38;
	[tilespmem:$0x12000] =	vst v63  }
0x74: {  	s15 =	sadd.s32 $0x1, s15;
	_ =	swait.ge [sflag:s8], $0x1400  }
0x75: {  	p2 =	sne.s32 s15, $0x4;
	s3 =	sadd.s32 $0x1680, s3;
	[sflag:s8] =	ssyncset.done $0x0  }
.Ltmp5:
0x76: {  	s22 =	simm.s32 $0xDA10;
	[sflag:s8] =	ssyncadd.s32 $0xFFFFEC00;
	(pc) =	sbr.rel @!p2 .LBB2_20-.Ltmp5, $4  }
0x77: {  	[hbm4b:s3+s7] =	stream.linear.scatter [tilespmem:s22], [sflag:$0x2], $0x1400, $0x38;
	[tilespmem:$0x12000] =	vst v63  }
0x78: {  	_ =	swait.ge [sflag:s8], $0x1400  }
0x79: {  	[sflag:s8] =	ssyncset.done $0x0  }
0x7a: {  	[sflag:s8] =	ssyncadd.s32 $0xFFFFEC00  }
.LBB2_3:
0x7b: {  	s3 =	simm.s32 $0x40;
	s6 =	simm.s32 $0x0  }
.LBB2_4:
0x7c: {  	p2 =	sne.s32 s3, $0x32280;
	[tilespmem:s6+$0x2580] =	vst v0;
	s6 =	smov.u32 s3;
	s3 =	sadd.s32 $0x40, s3  }
.Ltmp6:
0x7d: {  	(pc) =	sbr.rel @p2 .LBB2_4-.Ltmp6, $2  }
0x7e: {  	_ =	sdelay $0x2  }
0x7f: {  	s6 =	sshra.s32 s6, $0x2  }
0x80: {  	[tilespmem:s6+$0x2580] =	vst v0  }
0x81: {  	v7 =	vld [tilespmem:$0x11E80];
	_ =	sdelay $0x4  }
0x82: {  	[tilespmem:s12+$0x2580] =	vst.add.f32.msk $0xffff, v7  }
0x83: {  	v7 =	vld [tilespmem:$0x11E90];
	_ =	sdelay $0x4  }
0x84: {  	[tilespmem:s12+$0x2590] =	vst.add.f32.msk $0xffff, v7  }
0x85: {  	v7 =	vld [tilespmem:$0x11EA0];
	_ =	sdelay $0x4  }
0x86: {  	[tilespmem:s12+$0x3990] =	vst.add.f32.msk $0xffff, v7  }
0x87: {  	v7 =	vld [tilespmem:$0x11EB0];
	_ =	sdelay $0x4  }
0x88: {  	[tilespmem:s12+$0x39A0] =	vst.add.f32.msk $0xffff, v7  }
0x89: {  	v7 =	vld [tilespmem:$0x11EC0];
	_ =	sdelay $0x4  }
0x8a: {  	[tilespmem:s12+$0x4DA0] =	vst.add.f32.msk $0xffff, v7  }
0x8b: {  	v7 =	vld [tilespmem:$0x11ED0];
	_ =	sdelay $0x4  }
0x8c: {  	[tilespmem:s12+$0x4DB0] =	vst.add.f32.msk $0xffff, v7  }
0x8d: {  	v7 =	vld [tilespmem:$0x11EE0];
	_ =	sdelay $0x4  }
0x8e: {  	[tilespmem:s12+$0x61B0] =	vst.add.f32.msk $0xffff, v7  }
0x8f: {  	v7 =	vld [tilespmem:$0x11EF0];
	_ =	sdelay $0x4  }
0x90: {  	[tilespmem:s12+$0x61C0] =	vst.add.f32.msk $0xffff, v7  }
0x91: {  	v7 =	vld [tilespmem:$0x11F00];
	_ =	sdelay $0x4  }
0x92: {  	[tilespmem:s12+$0x75C0] =	vst.add.f32.msk $0xffff, v7  }
0x93: {  	v7 =	vld [tilespmem:$0x11F10];
	_ =	sdelay $0x4  }
0x94: {  	[tilespmem:s12+$0x75D0] =	vst.add.f32.msk $0xffff, v7  }
0x95: {  	v7 =	vld [tilespmem:$0x11F20];
	_ =	sdelay $0x4  }
0x96: {  	[tilespmem:s12+$0x89D0] =	vst.add.f32.msk $0xffff, v7  }
0x97: {  	v7 =	vld [tilespmem:$0x11F30];
	_ =	sdelay $0x4  }
0x98: {  	[tilespmem:s12+$0x89E0] =	vst.add.f32.msk $0xffff, v7  }
0x99: {  	v7 =	vld [tilespmem:$0x11F40];
	_ =	sdelay $0x4  }
0x9a: {  	[tilespmem:s12+$0x9DE0] =	vst.add.f32.msk $0xffff, v7  }
0x9b: {  	v7 =	vld [tilespmem:$0x11F50];
	_ =	sdelay $0x4  }
0x9c: {  	[tilespmem:s12+$0x9DF0] =	vst.add.f32.msk $0xffff, v7  }
0x9d: {  	v7 =	vld [tilespmem:$0x11F60];
	_ =	sdelay $0x4  }
0x9e: {  	[tilespmem:s12+$0xB1F0] =	vst.add.f32.msk $0xffff, v7  }
0x9f: {  	v7 =	vld [tilespmem:$0x11F70];
	_ =	sdelay $0x3  }
0xa0: {  	s3 =	rddreg [dreg:$0x10]  }
0xa1: {  	[tilespmem:s3+$0xB200] =	vst.add.f32.msk $0xffff, v7  }
0xa2: {  	v7 =	vld [tilespmem:$0x11F80];
	_ =	sdelay $0x4  }
0xa3: {  	[tilespmem:s3+$0xC600] =	vst.add.f32.msk $0xffff, v7  }
0xa4: {  	v7 =	vld [tilespmem:$0x11F90];
	_ =	sdelay $0x4  }
0xa5: {  	[tilespmem:s12+$0xC610] =	vst.add.f32.msk $0xffff, v7  }
0xa6: {  	v7 =	vld [tilespmem:$0x11FA0];
	_ =	sdelay $0x4  }
0xa7: {  	[tilespmem:s12+$0xDA10] =	vst.add.f32.msk $0xffff, v7  }
0xa8: {  	v7 =	vld [tilespmem:$0x11FB0]  }
.Ltmp7:
0xa9: {  	_ = 	snop;
	(pc) =	sbr.rel @p0 .LBB2_12-.Ltmp7, $4  }
0xaa: {  	_ = 	snop  }
0xab: {  	s22 =	sshll.u32 s15, $0x6  }
0xac: {  	[dreg:$0x12] =	wrdreg s15;
	s3 =	sshrl.u32 s22, $0x2  }
0xad: {  	[dreg:$0x13] =	wrdreg s3;
	[tilespmem:s12+$0xDA20] =	vst.add.f32.msk $0xffff, v7  }
.Ltmp8:
0xae: {  	(pc) =	sbr.rel .LBB2_7-.Ltmp8, $3  }
0xaf: {  	_ =	sdelay $0x1  }
0xb0: {  	s8 =	simm.s32 $0x0;
	s3 =	rddreg [dreg:$0x13]  }
0xb1: {  	s17 =	rddreg [dreg:$0xe];
	s15 =	smov.u32 s5;
	s20 =	simm.s32 $0x0;
	v7 =	vmov s3  }
.LBB2_10:
0xb2: {  	[tilespmem:s19+$0xDA20] =	vst.add.f32.msk $0xffff, v8  }
.LBB2_11:
0xb3: {  	s20 =	sadd.s32 $0x1, s20  }
0xb4: {  	p2 =	sne.s32 s20, s4  }
.Ltmp9:
0xb5: {  	_ = 	snop;
	(pc) =	sbr.rel @!p2 .LBB2_12-.Ltmp9, $2  }
0xb6: {  	_ =	sdelay $0x2  }
0xb7: {  	s15 =	sadd.s32 $0xFFFFFFE0, s15;
	s17 =	sadd.s32 $0x20, s17  }
.LBB2_7:
0xb8: {  	_ =	sdelay $0x2  }
0xb9: {  	s3 =	sshll.u32 s20, $0x5  }
0xba: {  	v8 =	vld.idx.msk [tilespmem:v5+s3+$0x0 ss:$0x1], $0xffff;
	_ =	sdelay $0x4  }
0xbb: {  	v9 =	vand.u32 $0xFFF, v8  }
0xbc: {  	v10 =	vshrl.u32 v9, $0x3  }
0xbd: {  	v10 =	vmul.u32 $0x18, v10  }
0xbe: {  	v8 =	vand.u32 $0x7, v8  }
0xbf: {  	[tilespmem:$0x2500] =	vst v9;
	v8 =	vor.u32 v8, v10  }
0xc0: {  	v9 =	vld.idx.msk [tilespmem:v5+s3+$0x10 ss:$0x1], $0xffff;
	v10 =	vperm.xlane v8, v1;
	_ =	sdelay $0x1  }
0xc1: {  	v10 =	vadd.s32 v2, v10;
	_ =	sdelay $0x1  }
0xc2: {  	v8 =	vperm.xlane v8, v3  }
0xc3: {  	v9 =	vand.u32 $0xFFF, v9  }
0xc4: {  	v8 =	vadd.s32 v2, v8;
	[tilespmem:$0x2510] =	vst v9  }
0xc5: {  	[tilespmem:s24], [sflag:$0x1] =	stream.indirect_vreg.gather [hbm4b:s1+s8], $0x80, v10, vm0, $0xb8;
	[tilespmem:$0x12000] =	vst v63  }
0xc6: {  	_ = 	snop  }
0xc7: {  	[tilespmem:s25], [sflag:$0x1] =	stream.indirect_vreg.gather [hbm4b:s13+s8], $0x80, v10, vm1, $0xb8;
	[tilespmem:$0x12000] =	vst v63  }
0xc8: {  	_ = 	snop  }
0xc9: {  	[tilespmem:s26], [sflag:$0x1] =	stream.indirect_vreg.gather [hbm4b:s1+s8], $0x80, v8, vm0, $0xb8;
	[tilespmem:$0x12000] =	vst v63  }
0xca: {  	_ = 	snop  }
0xcb: {  	[tilespmem:s28], [sflag:$0x1] =	stream.indirect_vreg.gather [hbm4b:s13+s8], $0x80, v8, vm1, $0xb8;
	[tilespmem:$0x12000] =	vst v63  }
0xcc: {  	v8 =	vld [tilespmem:$0x2510];
	_ =	sdelay $0x4  }
0xcd: {  	v63 =	vshrl.u32 v8, $0x3  }
0xce: {  	v9 =	vmul.u32 $0x18, v63  }
0xcf: {  	v8 =	vand.u32 $0x7, v8  }
0xd0: {  	v8 =	vor.u32 v8, v9  }
0xd1: {  	v9 =	vperm.xlane v8, v1;
	_ =	sdelay $0x1  }
0xd2: {  	v9 =	vadd.s32 v2, v9;
	_ =	sdelay $0x1  }
0xd3: {  	v8 =	vperm.xlane v8, v3;
	_ =	sdelay $0x1  }
0xd4: {  	v8 =	vadd.s32 v2, v8  }
0xd5: {  	[tilespmem:s29], [sflag:$0x1] =	stream.indirect_vreg.gather [hbm4b:s1+s8], $0x80, v9, vm0, $0xb8;
	[tilespmem:$0x12000] =	vst v63  }
0xd6: {  	s3 =	ssub.s32 s5, s3  }
0xd7: {  	[tilespmem:s30], [sflag:$0x1] =	stream.indirect_vreg.gather [hbm4b:s13+s8], $0x80, v9, vm1, $0xb8;
	[tilespmem:$0x12000] =	vst v63  }
0xd8: {  	p2 =	slt.s32 s3, $0x1  }
0xd9: {  	[tilespmem:s31], [sflag:$0x1] =	stream.indirect_vreg.gather [hbm4b:s1+s8], $0x80, v8, vm0, $0xb8;
	[tilespmem:$0x12000] =	vst v63  }
.Ltmp10:
0xda: {  	_ = 	snop;
	(pc) =	sbr.rel @p2 .LBB2_11-.Ltmp10, $4  }
0xdb: {  	[tilespmem:s0], [sflag:$0x1] =	stream.indirect_vreg.gather [hbm4b:s13+s8], $0x80, v8, vm1, $0xb8;
	[tilespmem:$0x12000] =	vst v63  }
0xdc: {  	_ =	swait.ge [sflag:s23], $0x3000  }
0xdd: {  	[sflag:s23] =	ssyncset.done $0x0  }
0xde: {  	[sflag:s23] =	ssyncadd.s32 $0xFFFFD000  }
0xdf: {  	v8 =	vld [tilespmem:s17+$0x0];
	_ =	sdelay $0x4  }
0xe0: {  	(v2sf) =	vpush v8, $0x0;
	_ =	sdelay $0x5  }
0xe1: {  	s3 =	simm.s32 $0x0  }
0xe2: {  	s3 =	smul.u32 $0x3000, s3;
	_ =	sdelay $0x1  }
0xe3: {  	s6 =	sand.u32 $0x380, s8;
	s3 =	sshra.s32 s3, $0x2  }
0xe4: {  	s3 =	sor.u32 s6, s3  }
0xe5: {  	v8 =	vld.idx.msk [tilespmem:v7+s3+$0xF6C0 ss:$0x1], $0xffff  }
0xe6: {  	v9 =	vld [tilespmem:s3+$0xEE80];
	_ =	sdelay $0x2  }
0xe7: {  	s19 =	spop (v2sf)  }
0xe8: {  	s6 =	sshrl.u32 s19, $0xC  }
0xe9: {  	v9 =	vmul.f32 v9, v8;
	s19 =	smul.u32 $0x14, s6;
	_ =	sdelay $0x1  }
0xea: {  	[tilespmem:s19+$0x2580] =	vst.add.f32.msk $0xffff, v9  }
0xeb: {  	v9 =	vld [tilespmem:s3+$0xEE90];
	_ =	sdelay $0x4  }
0xec: {  	v9 =	vmul.f32 v9, v8;
	_ =	sdelay $0x1  }
0xed: {  	[tilespmem:s19+$0x2590] =	vst.add.f32.msk $0xffff, v9  }
0xee: {  	v9 =	vld [tilespmem:s3+$0xEEA0];
	_ =	sdelay $0x4  }
0xef: {  	v9 =	vmul.f32 v9, v8;
	_ =	sdelay $0x1  }
0xf0: {  	[tilespmem:s19+$0x3990] =	vst.add.f32.msk $0xffff, v9  }
0xf1: {  	v9 =	vld [tilespmem:s3+$0xEEB0];
	_ =	sdelay $0x4  }
0xf2: {  	v9 =	vmul.f32 v9, v8;
	_ =	sdelay $0x1  }
0xf3: {  	[tilespmem:s19+$0x39A0] =	vst.add.f32.msk $0xffff, v9  }
0xf4: {  	v9 =	vld [tilespmem:s3+$0xEEC0];
	_ =	sdelay $0x4  }
0xf5: {  	v9 =	vmul.f32 v9, v8;
	_ =	sdelay $0x1  }
0xf6: {  	[tilespmem:s19+$0x4DA0] =	vst.add.f32.msk $0xffff, v9  }
0xf7: {  	v9 =	vld [tilespmem:s3+$0xEED0];
	_ =	sdelay $0x4  }
0xf8: {  	v9 =	vmul.f32 v9, v8;
	_ =	sdelay $0x1  }
0xf9: {  	[tilespmem:s19+$0x4DB0] =	vst.add.f32.msk $0xffff, v9  }
0xfa: {  	v9 =	vld [tilespmem:s3+$0xEEE0];
	_ =	sdelay $0x4  }
0xfb: {  	v9 =	vmul.f32 v9, v8;
	_ =	sdelay $0x1  }
0xfc: {  	[tilespmem:s19+$0x61B0] =	vst.add.f32.msk $0xffff, v9  }
0xfd: {  	v9 =	vld [tilespmem:s3+$0xEEF0];
	_ =	sdelay $0x4  }
0xfe: {  	v9 =	vmul.f32 v9, v8;
	_ =	sdelay $0x1  }
0xff: {  	[tilespmem:s19+$0x61C0] =	vst.add.f32.msk $0xffff, v9  }
0x100: {  	v9 =	vld [tilespmem:s3+$0xF280];
	_ =	sdelay $0x4  }
0x101: {  	v9 =	vmul.f32 v9, v8;
	_ =	sdelay $0x1  }
0x102: {  	[tilespmem:s19+$0x75C0] =	vst.add.f32.msk $0xffff, v9  }
0x103: {  	v9 =	vld [tilespmem:s3+$0xF290];
	_ =	sdelay $0x4  }
0x104: {  	v9 =	vmul.f32 v9, v8;
	_ =	sdelay $0x1  }
0x105: {  	[tilespmem:s19+$0x75D0] =	vst.add.f32.msk $0xffff, v9  }
0x106: {  	v9 =	vld [tilespmem:s3+$0xF2A0];
	_ =	sdelay $0x4  }
0x107: {  	v9 =	vmul.f32 v9, v8;
	_ =	sdelay $0x1  }
0x108: {  	[tilespmem:s19+$0x89D0] =	vst.add.f32.msk $0xffff, v9  }
0x109: {  	v9 =	vld [tilespmem:s3+$0xF2B0];
	_ =	sdelay $0x4  }
0x10a: {  	v9 =	vmul.f32 v9, v8;
	_ =	sdelay $0x1  }
0x10b: {  	[tilespmem:s19+$0x89E0] =	vst.add.f32.msk $0xffff, v9  }
0x10c: {  	v9 =	vld [tilespmem:s3+$0xF2C0];
	_ =	sdelay $0x4  }
0x10d: {  	v9 =	vmul.f32 v9, v8;
	_ =	sdelay $0x1  }
0x10e: {  	[tilespmem:s19+$0x9DE0] =	vst.add.f32.msk $0xffff, v9  }
0x10f: {  	v9 =	vld [tilespmem:s3+$0xF2D0];
	_ =	sdelay $0x4  }
0x110: {  	v9 =	vmul.f32 v9, v8;
	_ =	sdelay $0x1  }
0x111: {  	[tilespmem:s19+$0x9DF0] =	vst.add.f32.msk $0xffff, v9  }
0x112: {  	v9 =	vld [tilespmem:s3+$0xF2E0];
	_ =	sdelay $0x4  }
0x113: {  	v9 =	vmul.f32 v9, v8;
	_ =	sdelay $0x1  }
0x114: {  	[tilespmem:s19+$0xB1F0] =	vst.add.f32.msk $0xffff, v9  }
0x115: {  	v9 =	vld [tilespmem:s3+$0xF2F0];
	_ =	sdelay $0x3  }
0x116: {  	s6 =	sadd.s32 $0x8C80, s19  }
0x117: {  	s7 =	sand.u32 $0x7C, s19;
	s6 =	sand.u32 $0x3FFFF80, s6;
	v9 =	vmul.f32 v9, v8  }
0x118: {  	s6 =	sor.u32 s7, s6  }
0x119: {  	[tilespmem:s6+$0x2580] =	vst.add.f32.msk $0xffff, v9  }
0x11a: {  	v9 =	vld [tilespmem:s3+$0xF680];
	_ =	sdelay $0x3  }
0x11b: {  	s21 =	sadd.s32 $0xA080, s19  }
0x11c: {  	s6 =	sand.u32 $0x3FFFF80, s21;
	v9 =	vmul.f32 v9, v8  }
0x11d: {  	s6 =	sor.u32 s7, s6  }
0x11e: {  	[tilespmem:s6+$0x2580] =	vst.add.f32.msk $0xffff, v9  }
0x11f: {  	v9 =	vld [tilespmem:s3+$0xF690];
	_ =	sdelay $0x4  }
0x120: {  	v9 =	vmul.f32 v9, v8;
	_ =	sdelay $0x1  }
0x121: {  	[tilespmem:s19+$0xC610] =	vst.add.f32.msk $0xffff, v9  }
0x122: {  	v9 =	vld [tilespmem:s3+$0xF6A0];
	_ =	sdelay $0x4  }
0x123: {  	p2 =	sgt.s32 s15, $0x1;
	s6 =	smov.u32 s15;
	v9 =	vmul.f32 v9, v8  }
0x124: {  	s6 =	simm.s32 @!p2 $0x1  }
0x125: {  	s22 =	smin.u32 s6, $0x20;
	[tilespmem:s19+$0xDA10] =	vst.add.f32.msk $0xffff, v9  }
0x126: {  	s22 =	sshll.u32 s22, $0x7;
	v9 =	vld [tilespmem:s3+$0xF6B0]  }
0x127: {  	p2 =	sne.s32 s22, $0x80  }
.Ltmp11:
0x128: {  	_ = 	snop;
	(pc) =	sbr.rel @!p2 .LBB2_10-.Ltmp11, $3  }
0x129: {  	_ =	sdelay $0x1  }
0x12a: {  	v8 =	vmul.f32 v9, v8  }
0x12b: {  	s11 =	simm.s32 $0x80;
	s9 =	smov.u32 s17;
	s21 =	simm.s32 $0x0  }
.LBB2_9:
0x12c: {  	s21 =	sadd.s32 $0x1, s21  }
0x12d: {  	[tilespmem:s19+$0xDA20] =	vst.add.f32.msk $0xffff, v8;
	s9 =	sadd.s32 $0x1, s9;
	s3 =	smov.u32 s11;
	s11 =	sadd.s32 $0x80, s11  }
0x12e: {  	v8 =	vld [tilespmem:s9+$0x0];
	p2 =	sne.s32 s22, s11;
	_ =	sdelay $0x4  }
0x12f: {  	(v2sf) =	vpush v8, $0x0;
	_ =	sdelay $0x5  }
0x130: {  	s6 =	sshrl.u32 s21, $0x3  }
0x131: {  	s6 =	smul.u32 $0x3000, s6;
	_ =	sdelay $0x1  }
0x132: {  	s3 =	sand.u32 $0x380, s3;
	s6 =	sshra.s32 s6, $0x2  }
0x133: {  	s3 =	sor.u32 s3, s6  }
0x134: {  	v8 =	vld.idx.msk [tilespmem:v7+s3+$0xF6C0 ss:$0x1], $0xffff  }
0x135: {  	v9 =	vld [tilespmem:s3+$0xEE80];
	_ =	sdelay $0x2  }
0x136: {  	s6 =	spop (v2sf)  }
0x137: {  	s6 =	sshrl.u32 s6, $0xC  }
0x138: {  	s19 =	smul.u32 $0x14, s6;
	v9 =	vmul.f32 v9, v8;
	_ =	sdelay $0x1  }
0x139: {  	[tilespmem:s19+$0x2580] =	vst.add.f32.msk $0xffff, v9;
	s6 =	sadd.s32 $0x8C80, s19;
	s7 =	sadd.s32 $0xA080, s19  }
0x13a: {  	v9 =	vld [tilespmem:s3+$0xEE90];
	s6 =	sand.u32 $0x3FFFF80, s6;
	_ =	sdelay $0x4  }
0x13b: {  	v9 =	vmul.f32 v9, v8;
	_ =	sdelay $0x1  }
0x13c: {  	[tilespmem:s19+$0x2590] =	vst.add.f32.msk $0xffff, v9  }
0x13d: {  	v9 =	vld [tilespmem:s3+$0xEEA0];
	_ =	sdelay $0x4  }
0x13e: {  	v9 =	vmul.f32 v9, v8;
	_ =	sdelay $0x1  }
0x13f: {  	[tilespmem:s19+$0x3990] =	vst.add.f32.msk $0xffff, v9  }
0x140: {  	v9 =	vld [tilespmem:s3+$0xEEB0];
	_ =	sdelay $0x4  }
0x141: {  	v9 =	vmul.f32 v9, v8;
	_ =	sdelay $0x1  }
0x142: {  	[tilespmem:s19+$0x39A0] =	vst.add.f32.msk $0xffff, v9  }
0x143: {  	v9 =	vld [tilespmem:s3+$0xEEC0];
	_ =	sdelay $0x4  }
0x144: {  	v9 =	vmul.f32 v9, v8;
	_ =	sdelay $0x1  }
0x145: {  	[tilespmem:s19+$0x4DA0] =	vst.add.f32.msk $0xffff, v9  }
0x146: {  	v9 =	vld [tilespmem:s3+$0xEED0];
	_ =	sdelay $0x4  }
0x147: {  	v9 =	vmul.f32 v9, v8;
	_ =	sdelay $0x1  }
0x148: {  	[tilespmem:s19+$0x4DB0] =	vst.add.f32.msk $0xffff, v9  }
0x149: {  	v9 =	vld [tilespmem:s3+$0xEEE0];
	_ =	sdelay $0x4  }
0x14a: {  	v9 =	vmul.f32 v9, v8;
	_ =	sdelay $0x1  }
0x14b: {  	[tilespmem:s19+$0x61B0] =	vst.add.f32.msk $0xffff, v9  }
0x14c: {  	v9 =	vld [tilespmem:s3+$0xEEF0];
	_ =	sdelay $0x4  }
0x14d: {  	v9 =	vmul.f32 v9, v8;
	_ =	sdelay $0x1  }
0x14e: {  	[tilespmem:s19+$0x61C0] =	vst.add.f32.msk $0xffff, v9  }
0x14f: {  	v9 =	vld [tilespmem:s3+$0xF280];
	_ =	sdelay $0x4  }
0x150: {  	v9 =	vmul.f32 v9, v8;
	_ =	sdelay $0x1  }
0x151: {  	[tilespmem:s19+$0x75C0] =	vst.add.f32.msk $0xffff, v9  }
0x152: {  	v9 =	vld [tilespmem:s3+$0xF290];
	_ =	sdelay $0x4  }
0x153: {  	v9 =	vmul.f32 v9, v8;
	_ =	sdelay $0x1  }
0x154: {  	[tilespmem:s19+$0x75D0] =	vst.add.f32.msk $0xffff, v9  }
0x155: {  	v9 =	vld [tilespmem:s3+$0xF2A0];
	_ =	sdelay $0x4  }
0x156: {  	v9 =	vmul.f32 v9, v8;
	_ =	sdelay $0x1  }
0x157: {  	[tilespmem:s19+$0x89D0] =	vst.add.f32.msk $0xffff, v9  }
0x158: {  	v9 =	vld [tilespmem:s3+$0xF2B0];
	_ =	sdelay $0x4  }
0x159: {  	v9 =	vmul.f32 v9, v8;
	_ =	sdelay $0x1  }
0x15a: {  	[tilespmem:s19+$0x89E0] =	vst.add.f32.msk $0xffff, v9  }
0x15b: {  	v9 =	vld [tilespmem:s3+$0xF2C0];
	_ =	sdelay $0x4  }
0x15c: {  	v9 =	vmul.f32 v9, v8;
	_ =	sdelay $0x1  }
0x15d: {  	[tilespmem:s19+$0x9DE0] =	vst.add.f32.msk $0xffff, v9  }
0x15e: {  	v9 =	vld [tilespmem:s3+$0xF2D0];
	_ =	sdelay $0x4  }
0x15f: {  	v9 =	vmul.f32 v9, v8;
	_ =	sdelay $0x1  }
0x160: {  	[tilespmem:s19+$0x9DF0] =	vst.add.f32.msk $0xffff, v9  }
0x161: {  	v9 =	vld [tilespmem:s3+$0xF2E0];
	_ =	sdelay $0x4  }
0x162: {  	v9 =	vmul.f32 v9, v8;
	_ =	sdelay $0x1  }
0x163: {  	[tilespmem:s19+$0xB1F0] =	vst.add.f32.msk $0xffff, v9  }
0x164: {  	v9 =	vld [tilespmem:s3+$0xF2F0];
	_ =	sdelay $0x4  }
0x165: {  	s16 =	sand.u32 $0x7C, s19;
	v9 =	vmul.f32 v9, v8  }
0x166: {  	s6 =	sor.u32 s16, s6  }
0x167: {  	[tilespmem:s6+$0x2580] =	vst.add.f32.msk $0xffff, v9  }
0x168: {  	v9 =	vld [tilespmem:s3+$0xF680];
	_ =	sdelay $0x4  }
0x169: {  	s6 =	sand.u32 $0x3FFFF80, s7;
	v9 =	vmul.f32 v9, v8  }
0x16a: {  	s6 =	sor.u32 s16, s6  }
0x16b: {  	[tilespmem:s6+$0x2580] =	vst.add.f32.msk $0xffff, v9  }
0x16c: {  	v9 =	vld [tilespmem:s3+$0xF690];
	_ =	sdelay $0x4  }
0x16d: {  	v9 =	vmul.f32 v9, v8;
	_ =	sdelay $0x1  }
0x16e: {  	[tilespmem:s19+$0xC610] =	vst.add.f32.msk $0xffff, v9  }
0x16f: {  	v9 =	vld [tilespmem:s3+$0xF6A0];
	_ =	sdelay $0x4  }
0x170: {  	v9 =	vmul.f32 v9, v8;
	_ =	sdelay $0x1  }
0x171: {  	[tilespmem:s19+$0xDA10] =	vst.add.f32.msk $0xffff, v9  }
0x172: {  	v9 =	vld [tilespmem:s3+$0xF6B0]  }
.Ltmp12:
0x173: {  	(pc) =	sbr.rel @p2 .LBB2_9-.Ltmp12, $2  }
0x174: {  	_ =	sdelay $0x2  }
0x175: {  	v8 =	vmul.f32 v9, v8  }
.Ltmp13:
0x176: {  	_ = 	snop;
	(pc) =	sbr.rel .LBB2_10-.Ltmp13, $1  }
0x177: {  	_ =	sdelay $0x3  }
.LBB2_12:
.Ltmp14:
0x178: {  	(pc) =	sbr.rel @p1 .LBB2_19-.Ltmp14, $1  }
0x179: {  	_ =	sdelay $0x3  }
.Ltmp15:
0x17a: {  	(pc) =	sbr.rel .LBB2_14-.Ltmp15, $3  }
0x17b: {  	_ =	sdelay $0x1  }
0x17c: {  	s8 =	simm.s32 $0x0;
	s3 =	rddreg [dreg:$0x13]  }
0x17d: {  	s7 =	rddreg [dreg:$0x11];
	s9 =	smov.u32 s10;
	s15 =	simm.s32 $0x0;
	v7 =	vmov s3  }
.LBB2_17:
0x17e: {  	[tilespmem:s19+$0xDA20] =	vst.add.f32.msk $0xffff, v8  }
.LBB2_18:
0x17f: {  	s15 =	sadd.s32 $0x1, s15  }
0x180: {  	p2 =	sne.s32 s15, s18  }
.Ltmp16:
0x181: {  	_ = 	snop;
	(pc) =	sbr.rel @!p2 .LBB2_19-.Ltmp16, $2  }
0x182: {  	_ =	sdelay $0x2  }
0x183: {  	s9 =	sadd.s32 $0xFFFFFFE0, s9;
	s7 =	sadd.s32 $0x20, s7  }
.LBB2_14:
0x184: {  	_ =	sdelay $0x2  }
0x185: {  	s3 =	sshll.u32 s15, $0x5  }
0x186: {  	v8 =	vld.idx.msk [tilespmem:v6+s3+$0x0 ss:$0x1], $0xffff;
	_ =	sdelay $0x4  }
0x187: {  	v9 =	vand.u32 $0xFFF, v8  }
0x188: {  	v10 =	vshrl.u32 v9, $0x3  }
0x189: {  	v10 =	vmul.u32 $0x18, v10  }
0x18a: {  	v8 =	vand.u32 $0x7, v8  }
0x18b: {  	[tilespmem:$0x2500] =	vst v9;
	v8 =	vor.u32 v8, v10  }
0x18c: {  	v9 =	vld.idx.msk [tilespmem:v6+s3+$0x10 ss:$0x1], $0xffff;
	v10 =	vperm.xlane v8, v1;
	_ =	sdelay $0x1  }
0x18d: {  	v10 =	vadd.s32 v2, v10;
	_ =	sdelay $0x1  }
0x18e: {  	v8 =	vperm.xlane v8, v3  }
0x18f: {  	v9 =	vand.u32 $0xFFF, v9  }
0x190: {  	v8 =	vadd.s32 v2, v8;
	[tilespmem:$0x2510] =	vst v9  }
0x191: {  	[tilespmem:s24], [sflag:$0x1] =	stream.indirect_vreg.gather [hbm4b:s2+s8], $0x80, v10, vm0, $0xb8;
	[tilespmem:$0x12000] =	vst v63  }
0x192: {  	_ = 	snop  }
0x193: {  	[tilespmem:s25], [sflag:$0x1] =	stream.indirect_vreg.gather [hbm4b:s14+s8], $0x80, v10, vm1, $0xb8;
	[tilespmem:$0x12000] =	vst v63  }
0x194: {  	_ = 	snop  }
0x195: {  	[tilespmem:s26], [sflag:$0x1] =	stream.indirect_vreg.gather [hbm4b:s2+s8], $0x80, v8, vm0, $0xb8;
	[tilespmem:$0x12000] =	vst v63  }
0x196: {  	_ = 	snop  }
0x197: {  	[tilespmem:s28], [sflag:$0x1] =	stream.indirect_vreg.gather [hbm4b:s14+s8], $0x80, v8, vm1, $0xb8;
	[tilespmem:$0x12000] =	vst v63  }
0x198: {  	v8 =	vld [tilespmem:$0x2510];
	_ =	sdelay $0x4  }
0x199: {  	v63 =	vshrl.u32 v8, $0x3  }
0x19a: {  	v9 =	vmul.u32 $0x18, v63  }
0x19b: {  	v8 =	vand.u32 $0x7, v8  }
0x19c: {  	v8 =	vor.u32 v8, v9  }
0x19d: {  	v9 =	vperm.xlane v8, v1;
	_ =	sdelay $0x1  }
0x19e: {  	v9 =	vadd.s32 v2, v9;
	_ =	sdelay $0x1  }
0x19f: {  	v8 =	vperm.xlane v8, v3;
	_ =	sdelay $0x1  }
0x1a0: {  	v8 =	vadd.s32 v2, v8  }
0x1a1: {  	[tilespmem:s29], [sflag:$0x1] =	stream.indirect_vreg.gather [hbm4b:s2+s8], $0x80, v9, vm0, $0xb8;
	[tilespmem:$0x12000] =	vst v63  }
0x1a2: {  	s3 =	ssub.s32 s10, s3  }
0x1a3: {  	[tilespmem:s30], [sflag:$0x1] =	stream.indirect_vreg.gather [hbm4b:s14+s8], $0x80, v9, vm1, $0xb8;
	[tilespmem:$0x12000] =	vst v63  }
0x1a4: {  	p2 =	slt.s32 s3, $0x1  }
0x1a5: {  	[tilespmem:s31], [sflag:$0x1] =	stream.indirect_vreg.gather [hbm4b:s2+s8], $0x80, v8, vm0, $0xb8;
	[tilespmem:$0x12000] =	vst v63  }
.Ltmp17:
0x1a6: {  	_ = 	snop;
	(pc) =	sbr.rel @p2 .LBB2_18-.Ltmp17, $4  }
0x1a7: {  	[tilespmem:s0], [sflag:$0x1] =	stream.indirect_vreg.gather [hbm4b:s14+s8], $0x80, v8, vm1, $0xb8;
	[tilespmem:$0x12000] =	vst v63  }
0x1a8: {  	_ =	swait.ge [sflag:s23], $0x3000  }
0x1a9: {  	[sflag:s23] =	ssyncset.done $0x0  }
0x1aa: {  	[sflag:s23] =	ssyncadd.s32 $0xFFFFD000  }
0x1ab: {  	v8 =	vld [tilespmem:s7+$0x0];
	_ =	sdelay $0x4  }
0x1ac: {  	(v2sf) =	vpush v8, $0x0;
	_ =	sdelay $0x4  }
0x1ad: {  	s3 =	simm.s32 $0x0  }
0x1ae: {  	s3 =	smul.u32 $0x3000, s3;
	_ =	sdelay $0x1  }
0x1af: {  	s6 =	sand.u32 $0x380, s8;
	s3 =	sshra.s32 s3, $0x2  }
0x1b0: {  	s3 =	sor.u32 s6, s3  }
0x1b1: {  	v8 =	vld.idx.msk [tilespmem:v7+s3+$0xF6C0 ss:$0x1], $0xffff;
	_ =	sdelay $0x1  }
0x1b2: {  	v9 =	vld [tilespmem:s3+$0xEE80];
	_ =	sdelay $0x2  }
0x1b3: {  	v8 =	vmul.f32 v4, v8;
	s20 =	spop (v2sf)  }
0x1b4: {  	s6 =	sshrl.u32 s20, $0xC  }
0x1b5: {  	v9 =	vmul.f32 v8, v9;
	s19 =	smul.u32 $0x14, s6;
	_ =	sdelay $0x1  }
0x1b6: {  	[tilespmem:s19+$0x2580] =	vst.add.f32.msk $0xffff, v9  }
0x1b7: {  	v9 =	vld [tilespmem:s3+$0xEE90];
	_ =	sdelay $0x4  }
0x1b8: {  	v9 =	vmul.f32 v9, v8;
	_ =	sdelay $0x1  }
0x1b9: {  	[tilespmem:s19+$0x2590] =	vst.add.f32.msk $0xffff, v9  }
0x1ba: {  	v9 =	vld [tilespmem:s3+$0xEEA0];
	_ =	sdelay $0x4  }
0x1bb: {  	v9 =	vmul.f32 v9, v8;
	_ =	sdelay $0x1  }
0x1bc: {  	[tilespmem:s19+$0x3990] =	vst.add.f32.msk $0xffff, v9  }
0x1bd: {  	v9 =	vld [tilespmem:s3+$0xEEB0];
	_ =	sdelay $0x4  }
0x1be: {  	v9 =	vmul.f32 v9, v8;
	_ =	sdelay $0x1  }
0x1bf: {  	[tilespmem:s19+$0x39A0] =	vst.add.f32.msk $0xffff, v9  }
0x1c0: {  	v9 =	vld [tilespmem:s3+$0xEEC0];
	_ =	sdelay $0x4  }
0x1c1: {  	v9 =	vmul.f32 v9, v8;
	_ =	sdelay $0x1  }
0x1c2: {  	[tilespmem:s19+$0x4DA0] =	vst.add.f32.msk $0xffff, v9  }
0x1c3: {  	v9 =	vld [tilespmem:s3+$0xEED0];
	_ =	sdelay $0x4  }
0x1c4: {  	v9 =	vmul.f32 v9, v8;
	_ =	sdelay $0x1  }
0x1c5: {  	[tilespmem:s19+$0x4DB0] =	vst.add.f32.msk $0xffff, v9  }
0x1c6: {  	v9 =	vld [tilespmem:s3+$0xEEE0];
	_ =	sdelay $0x4  }
0x1c7: {  	v9 =	vmul.f32 v9, v8;
	_ =	sdelay $0x1  }
0x1c8: {  	[tilespmem:s19+$0x61B0] =	vst.add.f32.msk $0xffff, v9  }
0x1c9: {  	v9 =	vld [tilespmem:s3+$0xEEF0];
	_ =	sdelay $0x4  }
0x1ca: {  	v9 =	vmul.f32 v9, v8;
	_ =	sdelay $0x1  }
0x1cb: {  	[tilespmem:s19+$0x61C0] =	vst.add.f32.msk $0xffff, v9  }
0x1cc: {  	v9 =	vld [tilespmem:s3+$0xF280];
	_ =	sdelay $0x4  }
0x1cd: {  	v9 =	vmul.f32 v9, v8;
	_ =	sdelay $0x1  }
0x1ce: {  	[tilespmem:s19+$0x75C0] =	vst.add.f32.msk $0xffff, v9  }
0x1cf: {  	v9 =	vld [tilespmem:s3+$0xF290];
	_ =	sdelay $0x4  }
0x1d0: {  	v9 =	vmul.f32 v9, v8;
	_ =	sdelay $0x1  }
0x1d1: {  	[tilespmem:s19+$0x75D0] =	vst.add.f32.msk $0xffff, v9  }
0x1d2: {  	v9 =	vld [tilespmem:s3+$0xF2A0];
	_ =	sdelay $0x4  }
0x1d3: {  	v9 =	vmul.f32 v9, v8;
	_ =	sdelay $0x1  }
0x1d4: {  	[tilespmem:s19+$0x89D0] =	vst.add.f32.msk $0xffff, v9  }
0x1d5: {  	v9 =	vld [tilespmem:s3+$0xF2B0];
	_ =	sdelay $0x4  }
0x1d6: {  	v9 =	vmul.f32 v9, v8;
	_ =	sdelay $0x1  }
0x1d7: {  	[tilespmem:s19+$0x89E0] =	vst.add.f32.msk $0xffff, v9  }
0x1d8: {  	v9 =	vld [tilespmem:s3+$0xF2C0];
	_ =	sdelay $0x4  }
0x1d9: {  	v9 =	vmul.f32 v9, v8;
	_ =	sdelay $0x1  }
0x1da: {  	[tilespmem:s19+$0x9DE0] =	vst.add.f32.msk $0xffff, v9  }
0x1db: {  	v9 =	vld [tilespmem:s3+$0xF2D0];
	_ =	sdelay $0x4  }
0x1dc: {  	v9 =	vmul.f32 v9, v8;
	_ =	sdelay $0x1  }
0x1dd: {  	[tilespmem:s19+$0x9DF0] =	vst.add.f32.msk $0xffff, v9  }
0x1de: {  	v9 =	vld [tilespmem:s3+$0xF2E0];
	_ =	sdelay $0x4  }
0x1df: {  	v9 =	vmul.f32 v9, v8;
	_ =	sdelay $0x1  }
0x1e0: {  	[tilespmem:s19+$0xB1F0] =	vst.add.f32.msk $0xffff, v9  }
0x1e1: {  	v9 =	vld [tilespmem:s3+$0xF2F0];
	_ =	sdelay $0x3  }
0x1e2: {  	s6 =	sadd.s32 $0x8C80, s19  }
0x1e3: {  	s11 =	sand.u32 $0x7C, s19;
	s6 =	sand.u32 $0x3FFFF80, s6;
	v9 =	vmul.f32 v9, v8  }
0x1e4: {  	s6 =	sor.u32 s11, s6  }
0x1e5: {  	[tilespmem:s6+$0x2580] =	vst.add.f32.msk $0xffff, v9  }
0x1e6: {  	v9 =	vld [tilespmem:s3+$0xF680];
	_ =	sdelay $0x3  }
0x1e7: {  	s21 =	sadd.s32 $0xA080, s19  }
0x1e8: {  	s6 =	sand.u32 $0x3FFFF80, s21;
	v9 =	vmul.f32 v9, v8  }
0x1e9: {  	s6 =	sor.u32 s11, s6  }
0x1ea: {  	[tilespmem:s6+$0x2580] =	vst.add.f32.msk $0xffff, v9  }
0x1eb: {  	v9 =	vld [tilespmem:s3+$0xF690];
	_ =	sdelay $0x4  }
0x1ec: {  	v9 =	vmul.f32 v9, v8;
	_ =	sdelay $0x1  }
0x1ed: {  	[tilespmem:s19+$0xC610] =	vst.add.f32.msk $0xffff, v9  }
0x1ee: {  	v9 =	vld [tilespmem:s3+$0xF6A0];
	_ =	sdelay $0x4  }
0x1ef: {  	p2 =	sgt.s32 s9, $0x1;
	s6 =	smov.u32 s9;
	v9 =	vmul.f32 v9, v8  }
0x1f0: {  	s6 =	simm.s32 @!p2 $0x1  }
0x1f1: {  	s22 =	smin.u32 s6, $0x20;
	[tilespmem:s19+$0xDA10] =	vst.add.f32.msk $0xffff, v9  }
0x1f2: {  	s20 =	sshll.u32 s22, $0x7;
	v9 =	vld [tilespmem:s3+$0xF6B0]  }
0x1f3: {  	p2 =	sne.s32 s20, $0x80  }
.Ltmp18:
0x1f4: {  	_ = 	snop;
	(pc) =	sbr.rel @!p2 .LBB2_17-.Ltmp18, $3  }
0x1f5: {  	_ =	sdelay $0x1  }
0x1f6: {  	v8 =	vmul.f32 v9, v8  }
0x1f7: {  	s21 =	smov.u32 s7;
	s11 =	simm.s32 $0x0;
	s22 =	simm.s32 $0x80  }
.LBB2_16:
0x1f8: {  	s11 =	sadd.s32 $0x1, s11  }
0x1f9: {  	[tilespmem:s19+$0xDA20] =	vst.add.f32.msk $0xffff, v8;
	s21 =	sadd.s32 $0x1, s21;
	s3 =	smov.u32 s22;
	s22 =	sadd.s32 $0x80, s22  }
0x1fa: {  	v8 =	vld [tilespmem:s21+$0x0];
	p2 =	sne.s32 s20, s22;
	_ =	sdelay $0x4  }
0x1fb: {  	(v2sf) =	vpush v8, $0x0;
	_ =	sdelay $0x3  }
0x1fc: {  	s6 =	sshrl.u32 s11, $0x3  }
0x1fd: {  	s6 =	smul.u32 $0x3000, s6;
	_ =	sdelay $0x1  }
0x1fe: {  	s3 =	sand.u32 $0x380, s3;
	s6 =	sshra.s32 s6, $0x2  }
0x1ff: {  	s17 =	sor.u32 s3, s6  }
0x200: {  	v8 =	vld.idx.msk [tilespmem:v7+s17+$0xF6C0 ss:$0x1], $0xffff;
	_ =	sdelay $0x2  }
0x201: {  	v9 =	vld [tilespmem:s17+$0xEE80];
	_ =	sdelay $0x2  }
0x202: {  	v8 =	vmul.f32 v4, v8;
	s3 =	spop (v2sf)  }
0x203: {  	s3 =	sshrl.u32 s3, $0xC  }
0x204: {  	s19 =	smul.u32 $0x14, s3;
	v9 =	vmul.f32 v8, v9;
	_ =	sdelay $0x1  }
0x205: {  	[tilespmem:s19+$0x2580] =	vst.add.f32.msk $0xffff, v9;
	s6 =	sadd.s32 $0x8C80, s19;
	s3 =	sadd.s32 $0xA080, s19  }
0x206: {  	v9 =	vld [tilespmem:s17+$0xEE90];
	s6 =	sand.u32 $0x3FFFF80, s6;
	_ =	sdelay $0x4  }
0x207: {  	v9 =	vmul.f32 v9, v8;
	_ =	sdelay $0x1  }
0x208: {  	[tilespmem:s19+$0x2590] =	vst.add.f32.msk $0xffff, v9  }
0x209: {  	v9 =	vld [tilespmem:s17+$0xEEA0];
	_ =	sdelay $0x4  }
0x20a: {  	v9 =	vmul.f32 v9, v8;
	_ =	sdelay $0x1  }
0x20b: {  	[tilespmem:s19+$0x3990] =	vst.add.f32.msk $0xffff, v9  }
0x20c: {  	v9 =	vld [tilespmem:s17+$0xEEB0];
	_ =	sdelay $0x4  }
0x20d: {  	v9 =	vmul.f32 v9, v8;
	_ =	sdelay $0x1  }
0x20e: {  	[tilespmem:s19+$0x39A0] =	vst.add.f32.msk $0xffff, v9  }
0x20f: {  	v9 =	vld [tilespmem:s17+$0xEEC0];
	_ =	sdelay $0x4  }
0x210: {  	v9 =	vmul.f32 v9, v8;
	_ =	sdelay $0x1  }
0x211: {  	[tilespmem:s19+$0x4DA0] =	vst.add.f32.msk $0xffff, v9  }
0x212: {  	v9 =	vld [tilespmem:s17+$0xEED0];
	_ =	sdelay $0x4  }
0x213: {  	v9 =	vmul.f32 v9, v8;
	_ =	sdelay $0x1  }
0x214: {  	[tilespmem:s19+$0x4DB0] =	vst.add.f32.msk $0xffff, v9  }
0x215: {  	v9 =	vld [tilespmem:s17+$0xEEE0];
	_ =	sdelay $0x4  }
0x216: {  	v9 =	vmul.f32 v9, v8;
	_ =	sdelay $0x1  }
0x217: {  	[tilespmem:s19+$0x61B0] =	vst.add.f32.msk $0xffff, v9  }
0x218: {  	v9 =	vld [tilespmem:s17+$0xEEF0];
	_ =	sdelay $0x4  }
0x219: {  	v9 =	vmul.f32 v9, v8;
	_ =	sdelay $0x1  }
0x21a: {  	[tilespmem:s19+$0x61C0] =	vst.add.f32.msk $0xffff, v9  }
0x21b: {  	v9 =	vld [tilespmem:s17+$0xF280];
	_ =	sdelay $0x4  }
0x21c: {  	v9 =	vmul.f32 v9, v8;
	_ =	sdelay $0x1  }
0x21d: {  	[tilespmem:s19+$0x75C0] =	vst.add.f32.msk $0xffff, v9  }
0x21e: {  	v9 =	vld [tilespmem:s17+$0xF290];
	_ =	sdelay $0x4  }
0x21f: {  	v9 =	vmul.f32 v9, v8;
	_ =	sdelay $0x1  }
0x220: {  	[tilespmem:s19+$0x75D0] =	vst.add.f32.msk $0xffff, v9  }
0x221: {  	v9 =	vld [tilespmem:s17+$0xF2A0];
	_ =	sdelay $0x4  }
0x222: {  	v9 =	vmul.f32 v9, v8;
	_ =	sdelay $0x1  }
0x223: {  	[tilespmem:s19+$0x89D0] =	vst.add.f32.msk $0xffff, v9  }
0x224: {  	v9 =	vld [tilespmem:s17+$0xF2B0];
	_ =	sdelay $0x4  }
0x225: {  	v9 =	vmul.f32 v9, v8;
	_ =	sdelay $0x1  }
0x226: {  	[tilespmem:s19+$0x89E0] =	vst.add.f32.msk $0xffff, v9  }
0x227: {  	v9 =	vld [tilespmem:s17+$0xF2C0];
	_ =	sdelay $0x4  }
0x228: {  	v9 =	vmul.f32 v9, v8;
	_ =	sdelay $0x1  }
0x229: {  	[tilespmem:s19+$0x9DE0] =	vst.add.f32.msk $0xffff, v9  }
0x22a: {  	v9 =	vld [tilespmem:s17+$0xF2D0];
	_ =	sdelay $0x4  }
0x22b: {  	v9 =	vmul.f32 v9, v8;
	_ =	sdelay $0x1  }
0x22c: {  	[tilespmem:s19+$0x9DF0] =	vst.add.f32.msk $0xffff, v9  }
0x22d: {  	v9 =	vld [tilespmem:s17+$0xF2E0];
	_ =	sdelay $0x4  }
0x22e: {  	v9 =	vmul.f32 v9, v8;
	_ =	sdelay $0x1  }
0x22f: {  	[tilespmem:s19+$0xB1F0] =	vst.add.f32.msk $0xffff, v9  }
0x230: {  	v9 =	vld [tilespmem:s17+$0xF2F0];
	_ =	sdelay $0x4  }
0x231: {  	s16 =	sand.u32 $0x7C, s19;
	v9 =	vmul.f32 v9, v8  }
0x232: {  	s6 =	sor.u32 s16, s6  }
0x233: {  	[tilespmem:s6+$0x2580] =	vst.add.f32.msk $0xffff, v9  }
0x234: {  	v9 =	vld [tilespmem:s17+$0xF680];
	_ =	sdelay $0x4  }
0x235: {  	s3 =	sand.u32 $0x3FFFF80, s3;
	v9 =	vmul.f32 v9, v8  }
0x236: {  	s3 =	sor.u32 s16, s3  }
0x237: {  	[tilespmem:s3+$0x2580] =	vst.add.f32.msk $0xffff, v9  }
0x238: {  	v9 =	vld [tilespmem:s17+$0xF690];
	_ =	sdelay $0x4  }
0x239: {  	v9 =	vmul.f32 v9, v8;
	_ =	sdelay $0x1  }
0x23a: {  	[tilespmem:s19+$0xC610] =	vst.add.f32.msk $0xffff, v9  }
0x23b: {  	v9 =	vld [tilespmem:s17+$0xF6A0];
	_ =	sdelay $0x4  }
0x23c: {  	v9 =	vmul.f32 v9, v8;
	_ =	sdelay $0x1  }
0x23d: {  	[tilespmem:s19+$0xDA10] =	vst.add.f32.msk $0xffff, v9  }
0x23e: {  	v9 =	vld [tilespmem:s17+$0xF6B0]  }
.Ltmp19:
0x23f: {  	(pc) =	sbr.rel @p2 .LBB2_16-.Ltmp19, $2  }
0x240: {  	_ =	sdelay $0x2  }
0x241: {  	v8 =	vmul.f32 v9, v8  }
.Ltmp20:
0x242: {  	_ = 	snop;
	(pc) =	sbr.rel .LBB2_17-.Ltmp20, $1  }
0x243: {  	_ =	sdelay $0x3  }
.LBB2_22:
0x244: {  	_ =	sfence.sel $0x180000  }
0x245: {  	[bflag:$0x0] =	sbarrier.arrive $0xFFFF  }
0x246: {  	_ =	strace $0x90000047  }
0x247: {  	s0 =	stileid.u32;
	[bflag:$0x2] =	sbarrier.arrive $0xFFFF  }
0x248: {  	p0 =	sne.s32 s0, $0x0;
	s0 =	rddreg [dreg:$0x2]  }
0x249: {  	s0 =	sadd.s32 @!p0 $0x100000, s0  }
0x24a: {  	[sflag:s0] =	ssyncadd.tile.s32 @!p0 $0x1;
	_ =	shalt  }
.Lfunc_end2:
_tile_overlayer_lowered:
.L_overlay_start_2:
0x24b: {  	(tag) =	ssettag $0x2  }
0x24c: {  	s0 =	rddreg [dreg:$0x0];
	s2 =	stileid.u32  }
0x24d: {  	s1 =	rddreg [dreg:$0x1];
	p0 =	sne.s32 s2, $0x0  }
0x24e: {  	s3 =	rddreg [dreg:$0x2];
	[bflag:$0x3] =	sbarrier.arrive $0xFFFF;
	s2 =	simm.s32 @!p0 $0x1C02  }
0x24f: {  	[timem:s3], [sflag:s2] =	dma.local @!p0 [hbm:s0], s1  }
0x250: {  	s0 =	simm.s32 @!p0 $0x2  }
0x251: {  	_ =	swait.ge @!p0 [sflag:s0], s1  }
0x252: {  	s1 =	ssub.s32 @!p0 $0x0, s1;
	[sflag:s0] =	ssyncset.done @!p0 $0x0  }
0x253: {  	[sflag:s0] =	ssyncadd.s32 @!p0 s1  }
0x254: {  	[bflag:$0x3] =	sbarrier.arrive $0xFFFF  }
0x255: {  	_ =	shalt  }

</sc_bundles>
